<compile_context>
chip_gen: v7x
topology: tpu7x:2x2x1
jax: 0.10.2.dev20260603
libtpu: 0.0.44.dev20260713+nightly
codegen_flags: <defaults>
</compile_context>

<pallas_src>
import functools

import jax
import jax.numpy as jnp
from jax import lax
from jax.experimental import pallas as pl
from jax.experimental.pallas import tpu as pltpu
from jax.experimental.pallas import tpu_sc as plsc

_S = 2048
_D = 32
_T = 65
_NC = 2
_NS = 16
_NW = _NC * _NS
_RPW = _S // _NW
_NP = 8
_NB = _NW // _NP
_BAND = _S // _NB
_WIN = _S + _RPW * _NP - _NP
_F8COLS = 4096
_DT = _D // 8
_JT = _S // 128


@functools.partial(
    pl.kernel,
    mesh=plsc.VectorSubcoreMesh(core_axis_name="c", subcore_axis_name="s"),
    out_type=jax.ShapeDtypeStruct((_S, _DT, _JT, 8, 128), jnp.float32),
    scratch_types=[
        pltpu.VMEM((_D, _WIN), jnp.float32),
        pltpu.SemaphoreType.DMA,
    ],
    compiler_params=pltpu.CompilerParams(use_tc_tiling_on_sc=False),
)
def _rel_pos_sc(f8_hbm, out_hbm, fv, sem):
    wid = lax.axis_index("s") * _NC + lax.axis_index("c")
    p = wid % _NP
    b = wid // _NP
    u0 = (_NB - 1 - b) * _BAND

    pltpu.sync_copy(f8_hbm.at[p, :, pl.ds(u0, _WIN)], fv)

    def _issue(k, c):
        r = _BAND * b + _NP * k + (_NP - 1 - p)
        off = (_RPW - 1 - k) * _NP
        for dt in range(_DT):
            for jt in range(_JT):
                pltpu.make_async_copy(
                    fv.at[pl.ds(8 * dt, 8), pl.ds(off + 128 * jt, 128)],
                    out_hbm.at[r, dt, jt],
                    sem,
                ).start()
        return c

    lax.fori_loop(0, _RPW, _issue, 0)

    def _drain(k, c):
        r = _BAND * b + _NP * k + (_NP - 1 - p)
        for dt in range(_DT):
            for jt in range(_JT):
                pltpu.make_async_copy(
                    fv.at[pl.ds(0, 8), pl.ds(0, 128)],
                    out_hbm.at[r, dt, jt],
                    sem,
                ).wait()
        return c

    lax.fori_loop(0, _RPW, _drain, 0)


def kernel(seq_len, embeddings):
    del seq_len
    pad = _S - 1 - 32
    fpad = jnp.pad(embeddings.T, ((0, 0), (pad, pad + _NP)), mode="edge")
    f8 = jnp.stack([fpad[:, q : q + _F8COLS] for q in range(_NP)])
    out5 = _rel_pos_sc(f8)
    return jnp.transpose(out5, (0, 2, 4, 1, 3)).reshape(_S, _S, _D)

# --- scband reference (transcript-rebuilt; emitter-appended) ---
"""Pipeline reference for scband-relative-positional-encoding-59459527246565 (READ-ONLY COPY).

The authoritative reference and input builder live on the scoring server;
editing this copy changes nothing except your own understanding.
"""

import jax, jax.numpy as jnp
import numpy as np
import math

MAX_REL = 32
REL_DIM = 32

STATIC_SEQ_LEN = 2048

def _sinusoidal_table():
    position = np.arange(-MAX_REL, MAX_REL + 1, dtype=np.float32)[:, None]
    div_term = np.exp(np.arange(0, REL_DIM, 2, dtype=np.float32) * (-math.log(10000.0) / REL_DIM))
    pe = np.zeros((2 * MAX_REL + 1, REL_DIM), dtype=np.float32)
    n_sin = pe[:, 0::2].shape[1]
    n_cos = pe[:, 1::2].shape[1]
    pe[:, 0::2] = np.sin(position * div_term[:n_sin])
    pe[:, 1::2] = np.cos(position * div_term[:n_cos])
    return jnp.asarray(pe)

def setup_inputs() -> dict:
    return {
        "seq_len": 2048,
        "embeddings": _sinusoidal_table(),
    }

def reference(seq_len, embeddings):
    positions = jnp.arange(STATIC_SEQ_LEN) + (seq_len - seq_len)
    relative_positions = positions[None, :] - positions[:, None]
    relative_positions = jnp.clip(relative_positions + MAX_REL, 0, 2 * MAX_REL)
    return jnp.take(embeddings, relative_positions, axis=0)

if __name__ == "__main__":
    import jax
    _d = setup_inputs()
    print(jax.jit(kernel)(*tuple(_d.values())))

</pallas_src>

<mosaic_0001>
#map = affine_map<(d0, d1) -> (0, 0, 0)>
#map1 = affine_map<(d0, d1) -> (0, 0, 0, 0, 0)>
module attributes {stable_mosaic.version = 14 : i64} {
  func.func @_rel_pos_sc(%arg0: i32, %arg1: i32, %arg2: memref<8x32x4096xf32, #tpu.memory_space<hbm>>, %arg3: memref<2048x4x16x8x128xf32, #tpu.memory_space<hbm>>, %arg4: memref<32x2552xf32, #tpu.memory_space<vmem>>, %arg5: memref<!tpu.dma_semaphore, #tpu.memory_space<semaphore_mem>>) attributes {dimension_semantics = [#tpu.dimension_semantics<core_parallel>, #tpu.dimension_semantics<subcore_parallel>], iteration_bounds = array<i64: 2, 16>, scalar_prefetch = 0 : i64, scratch_operands = 2 : i64, tpu.core_type = #tpu.core_type<sc_vector_subcore>, window_params = [{transform_indices = #map}, {transform_indices = #map1}]} {
    %mul3A = arith.constant 2 : i32
    %mul3A_0 = arith.muli %arg1, %mul3A : i32
    %add3A = arith.addi %mul3A_0, %arg0 : i32
    %jit3A = arith.constant 8 : i32
    %eq3A = arith.constant 0 : i32
    %eq3A_1 = arith.cmpi eq, %jit3A, %eq3A : i32
    %jit3A_2 = arith.constant 1 : i32
    %select_n3A = arith.select %eq3A_1, %jit3A_2, %jit3A : i32
    %rem3A = arith.remsi %add3A, %select_n3A : i32
    %ne3A = arith.constant 0 : i32
    %ne3A_3 = arith.cmpi ne, %rem3A, %ne3A : i32
    %lt3A = arith.constant 0 : i32
    %lt3A_4 = arith.cmpi slt, %rem3A, %lt3A : i32
    %lt3A_5 = arith.constant 0 : i32
    %lt3A_6 = arith.cmpi slt, %select_n3A, %lt3A_5 : i32
    %ne3A_7 = arith.xori %lt3A_4, %lt3A_6 : i1
    %and3A = arith.andi %ne3A_7, %ne3A_3 : i1
    %add3A_8 = arith.addi %rem3A, %select_n3A : i32
    %select_n3A_9 = arith.select %and3A, %add3A_8, %rem3A : i32
    %jit3A_10 = arith.constant 8 : i32
    %div3A = arith.divsi %add3A, %jit3A_10 : i32
    %sign3A = arith.constant 0 : i32
    %sign3A_11 = arith.cmpi sgt, %add3A, %sign3A : i32
    %sign3A_12 = arith.extui %sign3A_11 : i1 to i32
    %sign3A_13 = arith.constant 0 : i32
    %sign3A_14 = arith.cmpi slt, %add3A, %sign3A_13 : i32
    %sign3A_15 = arith.extui %sign3A_14 : i1 to i32
    %sign3A_16 = arith.subi %sign3A_12, %sign3A_15 : i32
    %sign3A_17 = arith.constant 0 : i32
    %sign3A_18 = arith.cmpi sgt, %jit3A_10, %sign3A_17 : i32
    %sign3A_19 = arith.extui %sign3A_18 : i1 to i32
    %sign3A_20 = arith.constant 0 : i32
    %sign3A_21 = arith.cmpi slt, %jit3A_10, %sign3A_20 : i32
    %sign3A_22 = arith.extui %sign3A_21 : i1 to i32
    %sign3A_23 = arith.subi %sign3A_19, %sign3A_22 : i32
    %ne3A_24 = arith.cmpi ne, %sign3A_16, %sign3A_23 : i32
    %rem3A_25 = arith.remsi %add3A, %jit3A_10 : i32
    %ne3A_26 = arith.constant 0 : i32
    %ne3A_27 = arith.cmpi ne, %rem3A_25, %ne3A_26 : i32
    %and3A_28 = arith.andi %ne3A_24, %ne3A_27 : i1
    %sub3A = arith.constant 1 : i32
    %sub3A_29 = arith.subi %div3A, %sub3A : i32
    %select_n3A_30 = arith.select %and3A_28, %sub3A_29, %div3A : i32
    %sub3A_31 = arith.constant 3 : i32
    %sub3A_32 = arith.subi %sub3A_31, %select_n3A_30 : i32
    %mul3A_33 = arith.constant 512 : i32
    %mul3A_34 = arith.muli %sub3A_32, %mul3A_33 : i32
    "tpu.region"() ({
      %run_scoped3A = tpu.sem_alloc : memref<!tpu.dma_semaphore, #tpu.memory_space<semaphore_mem>>
      %dma_start3A = arith.constant 0 : i32
      %dma_start3A_46 = tpu.memref_slice %arg2[%select_n3A_9, %dma_start3A, %mul3A_34] : memref<8x32x4096xf32, #tpu.memory_space<hbm>> -> memref<1x32x2552xf32, #tpu.memory_space<hbm>>
      %dma_start3A_47 = tpu.memref_squeeze %dma_start3A_46 : memref<1x32x2552xf32, #tpu.memory_space<hbm>> -> memref<32x2552xf32, #tpu.memory_space<hbm>>
      %dma_start3A_48 = arith.constant 0 : i32
      %dma_start3A_49 = tpu.memref_slice %arg2[%select_n3A_9, %dma_start3A_48, %mul3A_34] : memref<8x32x4096xf32, #tpu.memory_space<hbm>> -> memref<1x32x2552xf32, #tpu.memory_space<hbm>>
      %dma_start3A_50 = tpu.memref_squeeze %dma_start3A_49 : memref<1x32x2552xf32, #tpu.memory_space<hbm>> -> memref<32x2552xf32, #tpu.memory_space<hbm>>
      tpu.enqueue_dma source(%dma_start3A_50 : memref<32x2552xf32, #tpu.memory_space<hbm>>) target(%arg4 : memref<32x2552xf32, #tpu.memory_space<vmem>>) target_semaphore(%run_scoped3A : memref<!tpu.dma_semaphore, #tpu.memory_space<semaphore_mem>>)
      %dma_wait3A = arith.constant 0 : i32
      %dma_wait3A_51 = tpu.memref_slice %arg2[%select_n3A_9, %dma_wait3A, %mul3A_34] : memref<8x32x4096xf32, #tpu.memory_space<hbm>> -> memref<1x32x2552xf32, #tpu.memory_space<hbm>>
      %dma_wait3A_52 = tpu.memref_squeeze %dma_wait3A_51 : memref<1x32x2552xf32, #tpu.memory_space<hbm>> -> memref<32x2552xf32, #tpu.memory_space<hbm>>
      %dma_wait3A_53 = arith.constant 0 : i32
      %dma_wait3A_54 = tpu.memref_slice %arg2[%select_n3A_9, %dma_wait3A_53, %mul3A_34] : memref<8x32x4096xf32, #tpu.memory_space<hbm>> -> memref<1x32x2552xf32, #tpu.memory_space<hbm>>
      %dma_wait3A_55 = tpu.memref_squeeze %dma_wait3A_54 : memref<1x32x2552xf32, #tpu.memory_space<hbm>> -> memref<32x2552xf32, #tpu.memory_space<hbm>>
      tpu.wait_dma2 semaphore(%run_scoped3A : memref<!tpu.dma_semaphore, #tpu.memory_space<semaphore_mem>>) src(%dma_wait3A_55 : memref<32x2552xf32, #tpu.memory_space<hbm>>) dst(%arg4 : memref<32x2552xf32, #tpu.memory_space<vmem>>)
      tpu.yield
    }) : () -> ()
    %scan3A = arith.constant 0 : i32
    %scan3A_35 = arith.constant 0 : i32
    %scan3A_36 = arith.constant 64 : i32
    %scan3A_37 = arith.addi %scan3A_35, %scan3A_36 : i32
    %scan3A_38 = arith.constant 1 : i32
    scf.for %scan3A_46 = %scan3A_35 to %scan3A_37 step %scan3A_38  : i32 {
      %mul3A_47 = arith.constant 512 : i32
      %mul3A_48 = arith.muli %mul3A_47, %select_n3A_30 : i32
      %mul3A_49 = arith.constant 8 : i32
      %mul3A_50 = arith.muli %mul3A_49, %scan3A_46 : i32
      %add3A_51 = arith.addi %mul3A_48, %mul3A_50 : i32
      %sub3A_52 = arith.constant 7 : i32
      %sub3A_53 = arith.subi %sub3A_52, %select_n3A_9 : i32
      %add3A_54 = arith.addi %add3A_51, %sub3A_53 : i32
      %sub3A_55 = arith.constant 63 : i32
      %sub3A_56 = arith.subi %sub3A_55, %scan3A_46 : i32
      %mul3A_57 = arith.constant 8 : i32
      %mul3A_58 = arith.muli %sub3A_56, %mul3A_57 : i32
      %add3A_59 = arith.constant 0 : i32
      %add3A_60 = arith.addi %mul3A_58, %add3A_59 : i32
      %dma_start3A = arith.constant 0 : i32
      %dma_start3A_61 = arith.constant 0 : i32
      %dma_start3A_62 = arith.constant 0 : i32
      %dma_start3A_63 = tpu.memref_slice %arg4[%dma_start3A_62, %add3A_60] : memref<32x2552xf32, #tpu.memory_space<vmem>> -> memref<8x128xf32, #tpu.memory_space<vmem>>
      %dma_start3A_64 = arith.constant 0 : i32
      %dma_start3A_65 = arith.constant 0 : i32
      %dma_start3A_66 = tpu.memref_slice %arg3[%add3A_54, %dma_start3A, %dma_start3A_61, %dma_start3A_64, %dma_start3A_65] : memref<2048x4x16x8x128xf32, #tpu.memory_space<hbm>> -> memref<1x1x1x8x128xf32, #tpu.memory_space<hbm>>
      %dma_start3A_67 = tpu.memref_squeeze %dma_start3A_66 : memref<1x1x1x8x128xf32, #tpu.memory_space<hbm>> -> memref<8x128xf32, #tpu.memory_space<hbm>>
      %dma_start3A_68 = arith.constant 0 : i32
      %dma_start3A_69 = arith.constant 0 : i32
      %dma_start3A_70 = tpu.memref_slice %arg3[%add3A_54, %dma_start3A, %dma_start3A_61, %dma_start3A_68, %dma_start3A_69] : memref<2048x4x16x8x128xf32, #tpu.memory_space<hbm>> -> memref<1x1x1x8x128xf32, #tpu.memory_space<hbm>>
      %dma_start3A_71 = tpu.memref_squeeze %dma_start3A_70 : memref<1x1x1x8x128xf32, #tpu.memory_space<hbm>> -> memref<8x128xf32, #tpu.memory_space<hbm>>
      %dma_start3A_72 = arith.constant 0 : i32
      %dma_start3A_73 = tpu.memref_slice %arg4[%dma_start3A_72, %add3A_60] : memref<32x2552xf32, #tpu.memory_space<vmem>> -> memref<8x128xf32, #tpu.memory_space<vmem>>
      tpu.enqueue_dma source(%dma_start3A_73 : memref<8x128xf32, #tpu.memory_space<vmem>>) target(%dma_start3A_71 : memref<8x128xf32, #tpu.memory_space<hbm>>) target_semaphore(%arg5 : memref<!tpu.dma_semaphore, #tpu.memory_space<semaphore_mem>>)
      %add3A_74 = arith.constant 128 : i32
      %add3A_75 = arith.addi %mul3A_58, %add3A_74 : i32
      %dma_start3A_76 = arith.constant 0 : i32
      %dma_start3A_77 = arith.constant 1 : i32
      %dma_start3A_78 = arith.constant 0 : i32
      %dma_start3A_79 = tpu.memref_slice %arg4[%dma_start3A_78, %add3A_75] : memref<32x2552xf32, #tpu.memory_space<vmem>> -> memref<8x128xf32, #tpu.memory_space<vmem>>
      %dma_start3A_80 = arith.constant 0 : i32
      %dma_start3A_81 = arith.constant 0 : i32
      %dma_start3A_82 = tpu.memref_slice %arg3[%add3A_54, %dma_start3A_76, %dma_start3A_77, %dma_start3A_80, %dma_start3A_81] : memref<2048x4x16x8x128xf32, #tpu.memory_space<hbm>> -> memref<1x1x1x8x128xf32, #tpu.memory_space<hbm>>
      %dma_start3A_83 = tpu.memref_squeeze %dma_start3A_82 : memref<1x1x1x8x128xf32, #tpu.memory_space<hbm>> -> memref<8x128xf32, #tpu.memory_space<hbm>>
      %dma_start3A_84 = arith.constant 0 : i32
      %dma_start3A_85 = arith.constant 0 : i32
      %dma_start3A_86 = tpu.memref_slice %arg3[%add3A_54, %dma_start3A_76, %dma_start3A_77, %dma_start3A_84, %dma_start3A_85] : memref<2048x4x16x8x128xf32, #tpu.memory_space<hbm>> -> memref<1x1x1x8x128xf32, #tpu.memory_space<hbm>>
      %dma_start3A_87 = tpu.memref_squeeze %dma_start3A_86 : memref<1x1x1x8x128xf32, #tpu.memory_space<hbm>> -> memref<8x128xf32, #tpu.memory_space<hbm>>
      %dma_start3A_88 = arith.constant 0 : i32
      %dma_start3A_89 = tpu.memref_slice %arg4[%dma_start3A_88, %add3A_75] : memref<32x2552xf32, #tpu.memory_space<vmem>> -> memref<8x128xf32, #tpu.memory_space<vmem>>
      tpu.enqueue_dma source(%dma_start3A_89 : memref<8x128xf32, #tpu.memory_space<vmem>>) target(%dma_start3A_87 : memref<8x128xf32, #tpu.memory_space<hbm>>) target_semaphore(%arg5 : memref<!tpu.dma_semaphore, #tpu.memory_space<semaphore_mem>>)
      %add3A_90 = arith.constant 256 : i32
      %add3A_91 = arith.addi %mul3A_58, %add3A_90 : i32
      %dma_start3A_92 = arith.constant 0 : i32
      %dma_start3A_93 = arith.constant 2 : i32
      %dma_start3A_94 = arith.constant 0 : i32
      %dma_start3A_95 = tpu.memref_slice %arg4[%dma_start3A_94, %add3A_91] : memref<32x2552xf32, #tpu.memory_space<vmem>> -> memref<8x128xf32, #tpu.memory_space<vmem>>
      %dma_start3A_96 = arith.constant 0 : i32
      %dma_start3A_97 = arith.constant 0 : i32
      %dma_start3A_98 = tpu.memref_slice %arg3[%add3A_54, %dma_start3A_92, %dma_start3A_93, %dma_start3A_96, %dma_start3A_97] : memref<2048x4x16x8x128xf32, #tpu.memory_space<hbm>> -> memref<1x1x1x8x128xf32, #tpu.memory_space<hbm>>
      %dma_start3A_99 = tpu.memref_squeeze %dma_start3A_98 : memref<1x1x1x8x128xf32, #tpu.memory_space<hbm>> -> memref<8x128xf32, #tpu.memory_space<hbm>>
      %dma_start3A_100 = arith.constant 0 : i32
      %dma_start3A_101 = arith.constant 0 : i32
      %dma_start3A_102 = tpu.memref_slice %arg3[%add3A_54, %dma_start3A_92, %dma_start3A_93, %dma_start3A_100, %dma_start3A_101] : memref<2048x4x16x8x128xf32, #tpu.memory_space<hbm>> -> memref<1x1x1x8x128xf32, #tpu.memory_space<hbm>>
      %dma_start3A_103 = tpu.memref_squeeze %dma_start3A_102 : memref<1x1x1x8x128xf32, #tpu.memory_space<hbm>> -> memref<8x128xf32, #tpu.memory_space<hbm>>
      %dma_start3A_104 = arith.constant 0 : i32
      %dma_start3A_105 = tpu.memref_slice %arg4[%dma_start3A_104, %add3A_91] : memref<32x2552xf32, #tpu.memory_space<vmem>> -> memref<8x128xf32, #tpu.memory_space<vmem>>
      tpu.enqueue_dma source(%dma_start3A_105 : memref<8x128xf32, #tpu.memory_space<vmem>>) target(%dma_start3A_103 : memref<8x128xf32, #tpu.memory_space<hbm>>) target_semaphore(%arg5 : memref<!tpu.dma_semaphore, #tpu.memory_space<semaphore_mem>>)
      %add3A_106 = arith.constant 384 : i32
      %add3A_107 = arith.addi %mul3A_58, %add3A_106 : i32
      %dma_start3A_108 = arith.constant 0 : i32
      %dma_start3A_109 = arith.constant 3 : i32
      %dma_start3A_110 = arith.constant 0 : i32
      %dma_start3A_111 = tpu.memref_slice %arg4[%dma_start3A_110, %add3A_107] : memref<32x2552xf32, #tpu.memory_space<vmem>> -> memref<8x128xf32, #tpu.memory_space<vmem>>
      %dma_start3A_112 = arith.constant 0 : i32
      %dma_start3A_113 = arith.constant 0 : i32
      %dma_start3A_114 = tpu.memref_slice %arg3[%add3A_54, %dma_start3A_108, %dma_start3A_109, %dma_start3A_112, %dma_start3A_113] : memref<2048x4x16x8x128xf32, #tpu.memory_space<hbm>> -> memref<1x1x1x8x128xf32, #tpu.memory_space<hbm>>
      %dma_start3A_115 = tpu.memref_squeeze %dma_start3A_114 : memref<1x1x1x8x128xf32, #tpu.memory_space<hbm>> -> memref<8x128xf32, #tpu.memory_space<hbm>>
      %dma_start3A_116 = arith.constant 0 : i32
      %dma_start3A_117 = arith.constant 0 : i32
      %dma_start3A_118 = tpu.memref_slice %arg3[%add3A_54, %dma_start3A_108, %dma_start3A_109, %dma_start3A_116, %dma_start3A_117] : memref<2048x4x16x8x128xf32, #tpu.memory_space<hbm>> -> memref<1x1x1x8x128xf32, #tpu.memory_space<hbm>>
      %dma_start3A_119 = tpu.memref_squeeze %dma_start3A_118 : memref<1x1x1x8x128xf32, #tpu.memory_space<hbm>> -> memref<8x128xf32, #tpu.memory_space<hbm>>
      %dma_start3A_120 = arith.constant 0 : i32
      %dma_start3A_121 = tpu.memref_slice %arg4[%dma_start3A_120, %add3A_107] : memref<32x2552xf32, #tpu.memory_space<vmem>> -> memref<8x128xf32, #tpu.memory_space<vmem>>
      tpu.enqueue_dma source(%dma_start3A_121 : memref<8x128xf32, #tpu.memory_space<vmem>>) target(%dma_start3A_119 : memref<8x128xf32, #tpu.memory_space<hbm>>) target_semaphore(%arg5 : memref<!tpu.dma_semaphore, #tpu.memory_space<semaphore_mem>>)
      %add3A_122 = arith.constant 512 : i32
      %add3A_123 = arith.addi %mul3A_58, %add3A_122 : i32
      %dma_start3A_124 = arith.constant 0 : i32
      %dma_start3A_125 = arith.constant 4 : i32
      %dma_start3A_126 = arith.constant 0 : i32
      %dma_start3A_127 = tpu.memref_slice %arg4[%dma_start3A_126, %add3A_123] : memref<32x2552xf32, #tpu.memory_space<vmem>> -> memref<8x128xf32, #tpu.memory_space<vmem>>
      %dma_start3A_128 = arith.constant 0 : i32
      %dma_start3A_129 = arith.constant 0 : i32
      %dma_start3A_130 = tpu.memref_slice %arg3[%add3A_54, %dma_start3A_124, %dma_start3A_125, %dma_start3A_128, %dma_start3A_129] : memref<2048x4x16x8x128xf32, #tpu.memory_space<hbm>> -> memref<1x1x1x8x128xf32, #tpu.memory_space<hbm>>
      %dma_start3A_131 = tpu.memref_squeeze %dma_start3A_130 : memref<1x1x1x8x128xf32, #tpu.memory_space<hbm>> -> memref<8x128xf32, #tpu.memory_space<hbm>>
      %dma_start3A_132 = arith.constant 0 : i32
      %dma_start3A_133 = arith.constant 0 : i32
      %dma_start3A_134 = tpu.memref_slice %arg3[%add3A_54, %dma_start3A_124, %dma_start3A_125, %dma_start3A_132, %dma_start3A_133] : memref<2048x4x16x8x128xf32, #tpu.memory_space<hbm>> -> memref<1x1x1x8x128xf32, #tpu.memory_space<hbm>>
      %dma_start3A_135 = tpu.memref_squeeze %dma_start3A_134 : memref<1x1x1x8x128xf32, #tpu.memory_space<hbm>> -> memref<8x128xf32, #tpu.memory_space<hbm>>
      %dma_start3A_136 = arith.constant 0 : i32
      %dma_start3A_137 = tpu.memref_slice %arg4[%dma_start3A_136, %add3A_123] : memref<32x2552xf32, #tpu.memory_space<vmem>> -> memref<8x128xf32, #tpu.memory_space<vmem>>
      tpu.enqueue_dma source(%dma_start3A_137 : memref<8x128xf32, #tpu.memory_space<vmem>>) target(%dma_start3A_135 : memref<8x128xf32, #tpu.memory_space<hbm>>) target_semaphore(%arg5 : memref<!tpu.dma_semaphore, #tpu.memory_space<semaphore_mem>>)
      %add3A_138 = arith.constant 640 : i32
      %add3A_139 = arith.addi %mul3A_58, %add3A_138 : i32
      %dma_start3A_140 = arith.constant 0 : i32
      %dma_start3A_141 = arith.constant 5 : i32
      %dma_start3A_142 = arith.constant 0 : i32
      %dma_start3A_143 = tpu.memref_slice %arg4[%dma_start3A_142, %add3A_139] : memref<32x2552xf32, #tpu.memory_space<vmem>> -> memref<8x128xf32, #tpu.memory_space<vmem>>
      %dma_start3A_144 = arith.constant 0 : i32
      %dma_start3A_145 = arith.constant 0 : i32
      %dma_start3A_146 = tpu.memref_slice %arg3[%add3A_54, %dma_start3A_140, %dma_start3A_141, %dma_start3A_144, %dma_start3A_145] : memref<2048x4x16x8x128xf32, #tpu.memory_space<hbm>> -> memref<1x1x1x8x128xf32, #tpu.memory_space<hbm>>
      %dma_start3A_147 = tpu.memref_squeeze %dma_start3A_146 : memref<1x1x1x8x128xf32, #tpu.memory_space<hbm>> -> memref<8x128xf32, #tpu.memory_space<hbm>>
      %dma_start3A_148 = arith.constant 0 : i32
      %dma_start3A_149 = arith.constant 0 : i32
      %dma_start3A_150 = tpu.memref_slice %arg3[%add3A_54, %dma_start3A_140, %dma_start3A_141, %dma_start3A_148, %dma_start3A_149] : memref<2048x4x16x8x128xf32, #tpu.memory_space<hbm>> -> memref<1x1x1x8x128xf32, #tpu.memory_space<hbm>>
      %dma_start3A_151 = tpu.memref_squeeze %dma_start3A_150 : memref<1x1x1x8x128xf32, #tpu.memory_space<hbm>> -> memref<8x128xf32, #tpu.memory_space<hbm>>
      %dma_start3A_152 = arith.constant 0 : i32
      %dma_start3A_153 = tpu.memref_slice %arg4[%dma_start3A_152, %add3A_139] : memref<32x2552xf32, #tpu.memory_space<vmem>> -> memref<8x128xf32, #tpu.memory_space<vmem>>
      tpu.enqueue_dma source(%dma_start3A_153 : memref<8x128xf32, #tpu.memory_space<vmem>>) target(%dma_start3A_151 : memref<8x128xf32, #tpu.memory_space<hbm>>) target_semaphore(%arg5 : memref<!tpu.dma_semaphore, #tpu.memory_space<semaphore_mem>>)
      %add3A_154 = arith.constant 768 : i32
      %add3A_155 = arith.addi %mul3A_58, %add3A_154 : i32
      %dma_start3A_156 = arith.constant 0 : i32
      %dma_start3A_157 = arith.constant 6 : i32
      %dma_start3A_158 = arith.constant 0 : i32
      %dma_start3A_159 = tpu.memref_slice %arg4[%dma_start3A_158, %add3A_155] : memref<32x2552xf32, #tpu.memory_space<vmem>> -> memref<8x128xf32, #tpu.memory_space<vmem>>
      %dma_start3A_160 = arith.constant 0 : i32
      %dma_start3A_161 = arith.constant 0 : i32
      %dma_start3A_162 = tpu.memref_slice %arg3[%add3A_54, %dma_start3A_156, %dma_start3A_157, %dma_start3A_160, %dma_start3A_161] : memref<2048x4x16x8x128xf32, #tpu.memory_space<hbm>> -> memref<1x1x1x8x128xf32, #tpu.memory_space<hbm>>
      %dma_start3A_163 = tpu.memref_squeeze %dma_start3A_162 : memref<1x1x1x8x128xf32, #tpu.memory_space<hbm>> -> memref<8x128xf32, #tpu.memory_space<hbm>>
      %dma_start3A_164 = arith.constant 0 : i32
      %dma_start3A_165 = arith.constant 0 : i32
      %dma_start3A_166 = tpu.memref_slice %arg3[%add3A_54, %dma_start3A_156, %dma_start3A_157, %dma_start3A_164, %dma_start3A_165] : memref<2048x4x16x8x128xf32, #tpu.memory_space<hbm>> -> memref<1x1x1x8x128xf32, #tpu.memory_space<hbm>>
      %dma_start3A_167 = tpu.memref_squeeze %dma_start3A_166 : memref<1x1x1x8x128xf32, #tpu.memory_space<hbm>> -> memref<8x128xf32, #tpu.memory_space<hbm>>
      %dma_start3A_168 = arith.constant 0 : i32
      %dma_start3A_169 = tpu.memref_slice %arg4[%dma_start3A_168, %add3A_155] : memref<32x2552xf32, #tpu.memory_space<vmem>> -> memref<8x128xf32, #tpu.memory_space<vmem>>
      tpu.enqueue_dma source(%dma_start3A_169 : memref<8x128xf32, #tpu.memory_space<vmem>>) target(%dma_start3A_167 : memref<8x128xf32, #tpu.memory_space<hbm>>) target_semaphore(%arg5 : memref<!tpu.dma_semaphore, #tpu.memory_space<semaphore_mem>>)
      %add3A_170 = arith.constant 896 : i32
      %add3A_171 = arith.addi %mul3A_58, %add3A_170 : i32
      %dma_start3A_172 = arith.constant 0 : i32
      %dma_start3A_173 = arith.constant 7 : i32
      %dma_start3A_174 = arith.constant 0 : i32
      %dma_start3A_175 = tpu.memref_slice %arg4[%dma_start3A_174, %add3A_171] : memref<32x2552xf32, #tpu.memory_space<vmem>> -> memref<8x128xf32, #tpu.memory_space<vmem>>
      %dma_start3A_176 = arith.constant 0 : i32
      %dma_start3A_177 = arith.constant 0 : i32
      %dma_start3A_178 = tpu.memref_slice %arg3[%add3A_54, %dma_start3A_172, %dma_start3A_173, %dma_start3A_176, %dma_start3A_177] : memref<2048x4x16x8x128xf32, #tpu.memory_space<hbm>> -> memref<1x1x1x8x128xf32, #tpu.memory_space<hbm>>
      %dma_start3A_179 = tpu.memref_squeeze %dma_start3A_178 : memref<1x1x1x8x128xf32, #tpu.memory_space<hbm>> -> memref<8x128xf32, #tpu.memory_space<hbm>>
      %dma_start3A_180 = arith.constant 0 : i32
      %dma_start3A_181 = arith.constant 0 : i32
      %dma_start3A_182 = tpu.memref_slice %arg3[%add3A_54, %dma_start3A_172, %dma_start3A_173, %dma_start3A_180, %dma_start3A_181] : memref<2048x4x16x8x128xf32, #tpu.memory_space<hbm>> -> memref<1x1x1x8x128xf32, #tpu.memory_space<hbm>>
      %dma_start3A_183 = tpu.memref_squeeze %dma_start3A_182 : memref<1x1x1x8x128xf32, #tpu.memory_space<hbm>> -> memref<8x128xf32, #tpu.memory_space<hbm>>
      %dma_start3A_184 = arith.constant 0 : i32
      %dma_start3A_185 = tpu.memref_slice %arg4[%dma_start3A_184, %add3A_171] : memref<32x2552xf32, #tpu.memory_space<vmem>> -> memref<8x128xf32, #tpu.memory_space<vmem>>
      tpu.enqueue_dma source(%dma_start3A_185 : memref<8x128xf32, #tpu.memory_space<vmem>>) target(%dma_start3A_183 : memref<8x128xf32, #tpu.memory_space<hbm>>) target_semaphore(%arg5 : memref<!tpu.dma_semaphore, #tpu.memory_space<semaphore_mem>>)
      %add3A_186 = arith.constant 1024 : i32
      %add3A_187 = arith.addi %mul3A_58, %add3A_186 : i32
      %dma_start3A_188 = arith.constant 0 : i32
      %dma_start3A_189 = arith.constant 8 : i32
      %dma_start3A_190 = arith.constant 0 : i32
      %dma_start3A_191 = tpu.memref_slice %arg4[%dma_start3A_190, %add3A_187] : memref<32x2552xf32, #tpu.memory_space<vmem>> -> memref<8x128xf32, #tpu.memory_space<vmem>>
      %dma_start3A_192 = arith.constant 0 : i32
      %dma_start3A_193 = arith.constant 0 : i32
      %dma_start3A_194 = tpu.memref_slice %arg3[%add3A_54, %dma_start3A_188, %dma_start3A_189, %dma_start3A_192, %dma_start3A_193] : memref<2048x4x16x8x128xf32, #tpu.memory_space<hbm>> -> memref<1x1x1x8x128xf32, #tpu.memory_space<hbm>>
      %dma_start3A_195 = tpu.memref_squeeze %dma_start3A_194 : memref<1x1x1x8x128xf32, #tpu.memory_space<hbm>> -> memref<8x128xf32, #tpu.memory_space<hbm>>
      %dma_start3A_196 = arith.constant 0 : i32
      %dma_start3A_197 = arith.constant 0 : i32
      %dma_start3A_198 = tpu.memref_slice %arg3[%add3A_54, %dma_start3A_188, %dma_start3A_189, %dma_start3A_196, %dma_start3A_197] : memref<2048x4x16x8x128xf32, #tpu.memory_space<hbm>> -> memref<1x1x1x8x128xf32, #tpu.memory_space<hbm>>
      %dma_start3A_199 = tpu.memref_squeeze %dma_start3A_198 : memref<1x1x1x8x128xf32, #tpu.memory_space<hbm>> -> memref<8x128xf32, #tpu.memory_space<hbm>>
      %dma_start3A_200 = arith.constant 0 : i32
      %dma_start3A_201 = tpu.memref_slice %arg4[%dma_start3A_200, %add3A_187] : memref<32x2552xf32, #tpu.memory_space<vmem>> -> memref<8x128xf32, #tpu.memory_space<vmem>>
      tpu.enqueue_dma source(%dma_start3A_201 : memref<8x128xf32, #tpu.memory_space<vmem>>) target(%dma_start3A_199 : memref<8x128xf32, #tpu.memory_space<hbm>>) target_semaphore(%arg5 : memref<!tpu.dma_semaphore, #tpu.memory_space<semaphore_mem>>)
      %add3A_202 = arith.constant 1152 : i32
      %add3A_203 = arith.addi %mul3A_58, %add3A_202 : i32
      %dma_start3A_204 = arith.constant 0 : i32
      %dma_start3A_205 = arith.constant 9 : i32
      %dma_start3A_206 = arith.constant 0 : i32
      %dma_start3A_207 = tpu.memref_slice %arg4[%dma_start3A_206, %add3A_203] : memref<32x2552xf32, #tpu.memory_space<vmem>> -> memref<8x128xf32, #tpu.memory_space<vmem>>
      %dma_start3A_208 = arith.constant 0 : i32
      %dma_start3A_209 = arith.constant 0 : i32
      %dma_start3A_210 = tpu.memref_slice %arg3[%add3A_54, %dma_start3A_204, %dma_start3A_205, %dma_start3A_208, %dma_start3A_209] : memref<2048x4x16x8x128xf32, #tpu.memory_space<hbm>> -> memref<1x1x1x8x128xf32, #tpu.memory_space<hbm>>
      %dma_start3A_211 = tpu.memref_squeeze %dma_start3A_210 : memref<1x1x1x8x128xf32, #tpu.memory_space<hbm>> -> memref<8x128xf32, #tpu.memory_space<hbm>>
      %dma_start3A_212 = arith.constant 0 : i32
      %dma_start3A_213 = arith.constant 0 : i32
      %dma_start3A_214 = tpu.memref_slice %arg3[%add3A_54, %dma_start3A_204, %dma_start3A_205, %dma_start3A_212, %dma_start3A_213] : memref<2048x4x16x8x128xf32, #tpu.memory_space<hbm>> -> memref<1x1x1x8x128xf32, #tpu.memory_space<hbm>>
      %dma_start3A_215 = tpu.memref_squeeze %dma_start3A_214 : memref<1x1x1x8x128xf32, #tpu.memory_space<hbm>> -> memref<8x128xf32, #tpu.memory_space<hbm>>
      %dma_start3A_216 = arith.constant 0 : i32
      %dma_start3A_217 = tpu.memref_slice %arg4[%dma_start3A_216, %add3A_203] : memref<32x2552xf32, #tpu.memory_space<vmem>> -> memref<8x128xf32, #tpu.memory_space<vmem>>
      tpu.enqueue_dma source(%dma_start3A_217 : memref<8x128xf32, #tpu.memory_space<vmem>>) target(%dma_start3A_215 : memref<8x128xf32, #tpu.memory_space<hbm>>) target_semaphore(%arg5 : memref<!tpu.dma_semaphore, #tpu.memory_space<semaphore_mem>>)
      %add3A_218 = arith.constant 1280 : i32
      %add3A_219 = arith.addi %mul3A_58, %add3A_218 : i32
      %dma_start3A_220 = arith.constant 0 : i32
      %dma_start3A_221 = arith.constant 10 : i32
      %dma_start3A_222 = arith.constant 0 : i32
      %dma_start3A_223 = tpu.memref_slice %arg4[%dma_start3A_222, %add3A_219] : memref<32x2552xf32, #tpu.memory_space<vmem>> -> memref<8x128xf32, #tpu.memory_space<vmem>>
      %dma_start3A_224 = arith.constant 0 : i32
      %dma_start3A_225 = arith.constant 0 : i32
      %dma_start3A_226 = tpu.memref_slice %arg3[%add3A_54, %dma_start3A_220, %dma_start3A_221, %dma_start3A_224, %dma_start3A_225] : memref<2048x4x16x8x128xf32, #tpu.memory_space<hbm>> -> memref<1x1x1x8x128xf32, #tpu.memory_space<hbm>>
      %dma_start3A_227 = tpu.memref_squeeze %dma_start3A_226 : memref<1x1x1x8x128xf32, #tpu.memory_space<hbm>> -> memref<8x128xf32, #tpu.memory_space<hbm>>
      %dma_start3A_228 = arith.constant 0 : i32
      %dma_start3A_229 = arith.constant 0 : i32
      %dma_start3A_230 = tpu.memref_slice %arg3[%add3A_54, %dma_start3A_220, %dma_start3A_221, %dma_start3A_228, %dma_start3A_229] : memref<2048x4x16x8x128xf32, #tpu.memory_space<hbm>> -> memref<1x1x1x8x128xf32, #tpu.memory_space<hbm>>
      %dma_start3A_231 = tpu.memref_squeeze %dma_start3A_230 : memref<1x1x1x8x128xf32, #tpu.memory_space<hbm>> -> memref<8x128xf32, #tpu.memory_space<hbm>>
      %dma_start3A_232 = arith.constant 0 : i32
      %dma_start3A_233 = tpu.memref_slice %arg4[%dma_start3A_232, %add3A_219] : memref<32x2552xf32, #tpu.memory_space<vmem>> -> memref<8x128xf32, #tpu.memory_space<vmem>>
      tpu.enqueue_dma source(%dma_start3A_233 : memref<8x128xf32, #tpu.memory_space<vmem>>) target(%dma_start3A_231 : memref<8x128xf32, #tpu.memory_space<hbm>>) target_semaphore(%arg5 : memref<!tpu.dma_semaphore, #tpu.memory_space<semaphore_mem>>)
      %add3A_234 = arith.constant 1408 : i32
      %add3A_235 = arith.addi %mul3A_58, %add3A_234 : i32
      %dma_start3A_236 = arith.constant 0 : i32
      %dma_start3A_237 = arith.constant 11 : i32
      %dma_start3A_238 = arith.constant 0 : i32
      %dma_start3A_239 = tpu.memref_slice %arg4[%dma_start3A_238, %add3A_235] : memref<32x2552xf32, #tpu.memory_space<vmem>> -> memref<8x128xf32, #tpu.memory_space<vmem>>
      %dma_start3A_240 = arith.constant 0 : i32
      %dma_start3A_241 = arith.constant 0 : i32
      %dma_start3A_242 = tpu.memref_slice %arg3[%add3A_54, %dma_start3A_236, %dma_start3A_237, %dma_start3A_240, %dma_start3A_241] : memref<2048x4x16x8x128xf32, #tpu.memory_space<hbm>> -> memref<1x1x1x8x128xf32, #tpu.memory_space<hbm>>
      %dma_start3A_243 = tpu.memref_squeeze %dma_start3A_242 : memref<1x1x1x8x128xf32, #tpu.memory_space<hbm>> -> memref<8x128xf32, #tpu.memory_space<hbm>>
      %dma_start3A_244 = arith.constant 0 : i32
      %dma_start3A_245 = arith.constant 0 : i32
      %dma_start3A_246 = tpu.memref_slice %arg3[%add3A_54, %dma_start3A_236, %dma_start3A_237, %dma_start3A_244, %dma_start3A_245] : memref<2048x4x16x8x128xf32, #tpu.memory_space<hbm>> -> memref<1x1x1x8x128xf32, #tpu.memory_space<hbm>>
      %dma_start3A_247 = tpu.memref_squeeze %dma_start3A_246 : memref<1x1x1x8x128xf32, #tpu.memory_space<hbm>> -> memref<8x128xf32, #tpu.memory_space<hbm>>
      %dma_start3A_248 = arith.constant 0 : i32
      %dma_start3A_249 = tpu.memref_slice %arg4[%dma_start3A_248, %add3A_235] : memref<32x2552xf32, #tpu.memory_space<vmem>> -> memref<8x128xf32, #tpu.memory_space<vmem>>
      tpu.enqueue_dma source(%dma_start3A_249 : memref<8x128xf32, #tpu.memory_space<vmem>>) target(%dma_start3A_247 : memref<8x128xf32, #tpu.memory_space<hbm>>) target_semaphore(%arg5 : memref<!tpu.dma_semaphore, #tpu.memory_space<semaphore_mem>>)
      %add3A_250 = arith.constant 1536 : i32
      %add3A_251 = arith.addi %mul3A_58, %add3A_250 : i32
      %dma_start3A_252 = arith.constant 0 : i32
      %dma_start3A_253 = arith.constant 12 : i32
      %dma_start3A_254 = arith.constant 0 : i32
      %dma_start3A_255 = tpu.memref_slice %arg4[%dma_start3A_254, %add3A_251] : memref<32x2552xf32, #tpu.memory_space<vmem>> -> memref<8x128xf32, #tpu.memory_space<vmem>>
      %dma_start3A_256 = arith.constant 0 : i32
      %dma_start3A_257 = arith.constant 0 : i32
      %dma_start3A_258 = tpu.memref_slice %arg3[%add3A_54, %dma_start3A_252, %dma_start3A_253, %dma_start3A_256, %dma_start3A_257] : memref<2048x4x16x8x128xf32, #tpu.memory_space<hbm>> -> memref<1x1x1x8x128xf32, #tpu.memory_space<hbm>>
      %dma_start3A_259 = tpu.memref_squeeze %dma_start3A_258 : memref<1x1x1x8x128xf32, #tpu.memory_space<hbm>> -> memref<8x128xf32, #tpu.memory_space<hbm>>
      %dma_start3A_260 = arith.constant 0 : i32
      %dma_start3A_261 = arith.constant 0 : i32
      %dma_start3A_262 = tpu.memref_slice %arg3[%add3A_54, %dma_start3A_252, %dma_start3A_253, %dma_start3A_260, %dma_start3A_261] : memref<2048x4x16x8x128xf32, #tpu.memory_space<hbm>> -> memref<1x1x1x8x128xf32, #tpu.memory_space<hbm>>
      %dma_start3A_263 = tpu.memref_squeeze %dma_start3A_262 : memref<1x1x1x8x128xf32, #tpu.memory_space<hbm>> -> memref<8x128xf32, #tpu.memory_space<hbm>>
      %dma_start3A_264 = arith.constant 0 : i32
      %dma_start3A_265 = tpu.memref_slice %arg4[%dma_start3A_264, %add3A_251] : memref<32x2552xf32, #tpu.memory_space<vmem>> -> memref<8x128xf32, #tpu.memory_space<vmem>>
      tpu.enqueue_dma source(%dma_start3A_265 : memref<8x128xf32, #tpu.memory_space<vmem>>) target(%dma_start3A_263 : memref<8x128xf32, #tpu.memory_space<hbm>>) target_semaphore(%arg5 : memref<!tpu.dma_semaphore, #tpu.memory_space<semaphore_mem>>)
      %add3A_266 = arith.constant 1664 : i32
      %add3A_267 = arith.addi %mul3A_58, %add3A_266 : i32
      %dma_start3A_268 = arith.constant 0 : i32
      %dma_start3A_269 = arith.constant 13 : i32
      %dma_start3A_270 = arith.constant 0 : i32
      %dma_start3A_271 = tpu.memref_slice %arg4[%dma_start3A_270, %add3A_267] : memref<32x2552xf32, #tpu.memory_space<vmem>> -> memref<8x128xf32, #tpu.memory_space<vmem>>
      %dma_start3A_272 = arith.constant 0 : i32
      %dma_start3A_273 = arith.constant 0 : i32
      %dma_start3A_274 = tpu.memref_slice %arg3[%add3A_54, %dma_start3A_268, %dma_start3A_269, %dma_start3A_272, %dma_start3A_273] : memref<2048x4x16x8x128xf32, #tpu.memory_space<hbm>> -> memref<1x1x1x8x128xf32, #tpu.memory_space<hbm>>
      %dma_start3A_275 = tpu.memref_squeeze %dma_start3A_274 : memref<1x1x1x8x128xf32, #tpu.memory_space<hbm>> -> memref<8x128xf32, #tpu.memory_space<hbm>>
      %dma_start3A_276 = arith.constant 0 : i32
      %dma_start3A_277 = arith.constant 0 : i32
      %dma_start3A_278 = tpu.memref_slice %arg3[%add3A_54, %dma_start3A_268, %dma_start3A_269, %dma_start3A_276, %dma_start3A_277] : memref<2048x4x16x8x128xf32, #tpu.memory_space<hbm>> -> memref<1x1x1x8x128xf32, #tpu.memory_space<hbm>>
      %dma_start3A_279 = tpu.memref_squeeze %dma_start3A_278 : memref<1x1x1x8x128xf32, #tpu.memory_space<hbm>> -> memref<8x128xf32, #tpu.memory_space<hbm>>
      %dma_start3A_280 = arith.constant 0 : i32
      %dma_start3A_281 = tpu.memref_slice %arg4[%dma_start3A_280, %add3A_267] : memref<32x2552xf32, #tpu.memory_space<vmem>> -> memref<8x128xf32, #tpu.memory_space<vmem>>
      tpu.enqueue_dma source(%dma_start3A_281 : memref<8x128xf32, #tpu.memory_space<vmem>>) target(%dma_start3A_279 : memref<8x128xf32, #tpu.memory_space<hbm>>) target_semaphore(%arg5 : memref<!tpu.dma_semaphore, #tpu.memory_space<semaphore_mem>>)
      %add3A_282 = arith.constant 1792 : i32
      %add3A_283 = arith.addi %mul3A_58, %add3A_282 : i32
      %dma_start3A_284 = arith.constant 0 : i32
      %dma_start3A_285 = arith.constant 14 : i32
      %dma_start3A_286 = arith.constant 0 : i32
      %dma_start3A_287 = tpu.memref_slice %arg4[%dma_start3A_286, %add3A_283] : memref<32x2552xf32, #tpu.memory_space<vmem>> -> memref<8x128xf32, #tpu.memory_space<vmem>>
      %dma_start3A_288 = arith.constant 0 : i32
      %dma_start3A_289 = arith.constant 0 : i32
      %dma_start3A_290 = tpu.memref_slice %arg3[%add3A_54, %dma_start3A_284, %dma_start3A_285, %dma_start3A_288, %dma_start3A_289] : memref<2048x4x16x8x128xf32, #tpu.memory_space<hbm>> -> memref<1x1x1x8x128xf32, #tpu.memory_space<hbm>>
      %dma_start3A_291 = tpu.memref_squeeze %dma_start3A_290 : memref<1x1x1x8x128xf32, #tpu.memory_space<hbm>> -> memref<8x128xf32, #tpu.memory_space<hbm>>
      %dma_start3A_292 = arith.constant 0 : i32
      %dma_start3A_293 = arith.constant 0 : i32
      %dma_start3A_294 = tpu.memref_slice %arg3[%add3A_54, %dma_start3A_284, %dma_start3A_285, %dma_start3A_292, %dma_start3A_293] : memref<2048x4x16x8x128xf32, #tpu.memory_space<hbm>> -> memref<1x1x1x8x128xf32, #tpu.memory_space<hbm>>
      %dma_start3A_295 = tpu.memref_squeeze %dma_start3A_294 : memref<1x1x1x8x128xf32, #tpu.memory_space<hbm>> -> memref<8x128xf32, #tpu.memory_space<hbm>>
      %dma_start3A_296 = arith.constant 0 : i32
      %dma_start3A_297 = tpu.memref_slice %arg4[%dma_start3A_296, %add3A_283] : memref<32x2552xf32, #tpu.memory_space<vmem>> -> memref<8x128xf32, #tpu.memory_space<vmem>>
      tpu.enqueue_dma source(%dma_start3A_297 : memref<8x128xf32, #tpu.memory_space<vmem>>) target(%dma_start3A_295 : memref<8x128xf32, #tpu.memory_space<hbm>>) target_semaphore(%arg5 : memref<!tpu.dma_semaphore, #tpu.memory_space<semaphore_mem>>)
      %add3A_298 = arith.constant 1920 : i32
      %add3A_299 = arith.addi %mul3A_58, %add3A_298 : i32
      %dma_start3A_300 = arith.constant 0 : i32
      %dma_start3A_301 = arith.constant 15 : i32
      %dma_start3A_302 = arith.constant 0 : i32
      %dma_start3A_303 = tpu.memref_slice %arg4[%dma_start3A_302, %add3A_299] : memref<32x2552xf32, #tpu.memory_space<vmem>> -> memref<8x128xf32, #tpu.memory_space<vmem>>
      %dma_start3A_304 = arith.constant 0 : i32
      %dma_start3A_305 = arith.constant 0 : i32
      %dma_start3A_306 = tpu.memref_slice %arg3[%add3A_54, %dma_start3A_300, %dma_start3A_301, %dma_start3A_304, %dma_start3A_305] : memref<2048x4x16x8x128xf32, #tpu.memory_space<hbm>> -> memref<1x1x1x8x128xf32, #tpu.memory_space<hbm>>
      %dma_start3A_307 = tpu.memref_squeeze %dma_start3A_306 : memref<1x1x1x8x128xf32, #tpu.memory_space<hbm>> -> memref<8x128xf32, #tpu.memory_space<hbm>>
      %dma_start3A_308 = arith.constant 0 : i32
      %dma_start3A_309 = arith.constant 0 : i32
      %dma_start3A_310 = tpu.memref_slice %arg3[%add3A_54, %dma_start3A_300, %dma_start3A_301, %dma_start3A_308, %dma_start3A_309] : memref<2048x4x16x8x128xf32, #tpu.memory_space<hbm>> -> memref<1x1x1x8x128xf32, #tpu.memory_space<hbm>>
      %dma_start3A_311 = tpu.memref_squeeze %dma_start3A_310 : memref<1x1x1x8x128xf32, #tpu.memory_space<hbm>> -> memref<8x128xf32, #tpu.memory_space<hbm>>
      %dma_start3A_312 = arith.constant 0 : i32
      %dma_start3A_313 = tpu.memref_slice %arg4[%dma_start3A_312, %add3A_299] : memref<32x2552xf32, #tpu.memory_space<vmem>> -> memref<8x128xf32, #tpu.memory_space<vmem>>
      tpu.enqueue_dma source(%dma_start3A_313 : memref<8x128xf32, #tpu.memory_space<vmem>>) target(%dma_start3A_311 : memref<8x128xf32, #tpu.memory_space<hbm>>) target_semaphore(%arg5 : memref<!tpu.dma_semaphore, #tpu.memory_space<semaphore_mem>>)
      %add3A_314 = arith.constant 0 : i32
      %add3A_315 = arith.addi %mul3A_58, %add3A_314 : i32
      %dma_start3A_316 = arith.constant 1 : i32
      %dma_start3A_317 = arith.constant 0 : i32
      %dma_start3A_318 = arith.constant 8 : i32
      %dma_start3A_319 = tpu.memref_slice %arg4[%dma_start3A_318, %add3A_315] : memref<32x2552xf32, #tpu.memory_space<vmem>> -> memref<8x128xf32, #tpu.memory_space<vmem>>
      %dma_start3A_320 = arith.constant 0 : i32
      %dma_start3A_321 = arith.constant 0 : i32
      %dma_start3A_322 = tpu.memref_slice %arg3[%add3A_54, %dma_start3A_316, %dma_start3A_317, %dma_start3A_320, %dma_start3A_321] : memref<2048x4x16x8x128xf32, #tpu.memory_space<hbm>> -> memref<1x1x1x8x128xf32, #tpu.memory_space<hbm>>
      %dma_start3A_323 = tpu.memref_squeeze %dma_start3A_322 : memref<1x1x1x8x128xf32, #tpu.memory_space<hbm>> -> memref<8x128xf32, #tpu.memory_space<hbm>>
      %dma_start3A_324 = arith.constant 0 : i32
      %dma_start3A_325 = arith.constant 0 : i32
      %dma_start3A_326 = tpu.memref_slice %arg3[%add3A_54, %dma_start3A_316, %dma_start3A_317, %dma_start3A_324, %dma_start3A_325] : memref<2048x4x16x8x128xf32, #tpu.memory_space<hbm>> -> memref<1x1x1x8x128xf32, #tpu.memory_space<hbm>>
      %dma_start3A_327 = tpu.memref_squeeze %dma_start3A_326 : memref<1x1x1x8x128xf32, #tpu.memory_space<hbm>> -> memref<8x128xf32, #tpu.memory_space<hbm>>
      %dma_start3A_328 = arith.constant 8 : i32
      %dma_start3A_329 = tpu.memref_slice %arg4[%dma_start3A_328, %add3A_315] : memref<32x2552xf32, #tpu.memory_space<vmem>> -> memref<8x128xf32, #tpu.memory_space<vmem>>
      tpu.enqueue_dma source(%dma_start3A_329 : memref<8x128xf32, #tpu.memory_space<vmem>>) target(%dma_start3A_327 : memref<8x128xf32, #tpu.memory_space<hbm>>) target_semaphore(%arg5 : memref<!tpu.dma_semaphore, #tpu.memory_space<semaphore_mem>>)
      %add3A_330 = arith.constant 128 : i32
      %add3A_331 = arith.addi %mul3A_58, %add3A_330 : i32
      %dma_start3A_332 = arith.constant 1 : i32
      %dma_start3A_333 = arith.constant 1 : i32
      %dma_start3A_334 = arith.constant 8 : i32
      %dma_start3A_335 = tpu.memref_slice %arg4[%dma_start3A_334, %add3A_331] : memref<32x2552xf32, #tpu.memory_space<vmem>> -> memref<8x128xf32, #tpu.memory_space<vmem>>
      %dma_start3A_336 = arith.constant 0 : i32
      %dma_start3A_337 = arith.constant 0 : i32
      %dma_start3A_338 = tpu.memref_slice %arg3[%add3A_54, %dma_start3A_332, %dma_start3A_333, %dma_start3A_336, %dma_start3A_337] : memref<2048x4x16x8x128xf32, #tpu.memory_space<hbm>> -> memref<1x1x1x8x128xf32, #tpu.memory_space<hbm>>
      %dma_start3A_339 = tpu.memref_squeeze %dma_start3A_338 : memref<1x1x1x8x128xf32, #tpu.memory_space<hbm>> -> memref<8x128xf32, #tpu.memory_space<hbm>>
      %dma_start3A_340 = arith.constant 0 : i32
      %dma_start3A_341 = arith.constant 0 : i32
      %dma_start3A_342 = tpu.memref_slice %arg3[%add3A_54, %dma_start3A_332, %dma_start3A_333, %dma_start3A_340, %dma_start3A_341] : memref<2048x4x16x8x128xf32, #tpu.memory_space<hbm>> -> memref<1x1x1x8x128xf32, #tpu.memory_space<hbm>>
      %dma_start3A_343 = tpu.memref_squeeze %dma_start3A_342 : memref<1x1x1x8x128xf32, #tpu.memory_space<hbm>> -> memref<8x128xf32, #tpu.memory_space<hbm>>
      %dma_start3A_344 = arith.constant 8 : i32
      %dma_start3A_345 = tpu.memref_slice %arg4[%dma_start3A_344, %add3A_331] : memref<32x2552xf32, #tpu.memory_space<vmem>> -> memref<8x128xf32, #tpu.memory_space<vmem>>
      tpu.enqueue_dma source(%dma_start3A_345 : memref<8x128xf32, #tpu.memory_space<vmem>>) target(%dma_start3A_343 : memref<8x128xf32, #tpu.memory_space<hbm>>) target_semaphore(%arg5 : memref<!tpu.dma_semaphore, #tpu.memory_space<semaphore_mem>>)
      %add3A_346 = arith.constant 256 : i32
      %add3A_347 = arith.addi %mul3A_58, %add3A_346 : i32
      %dma_start3A_348 = arith.constant 1 : i32
      %dma_start3A_349 = arith.constant 2 : i32
      %dma_start3A_350 = arith.constant 8 : i32
      %dma_start3A_351 = tpu.memref_slice %arg4[%dma_start3A_350, %add3A_347] : memref<32x2552xf32, #tpu.memory_space<vmem>> -> memref<8x128xf32, #tpu.memory_space<vmem>>
      %dma_start3A_352 = arith.constant 0 : i32
      %dma_start3A_353 = arith.constant 0 : i32
      %dma_start3A_354 = tpu.memref_slice %arg3[%add3A_54, %dma_start3A_348, %dma_start3A_349, %dma_start3A_352, %dma_start3A_353] : memref<2048x4x16x8x128xf32, #tpu.memory_space<hbm>> -> memref<1x1x1x8x128xf32, #tpu.memory_space<hbm>>
      %dma_start3A_355 = tpu.memref_squeeze %dma_start3A_354 : memref<1x1x1x8x128xf32, #tpu.memory_space<hbm>> -> memref<8x128xf32, #tpu.memory_space<hbm>>
      %dma_start3A_356 = arith.constant 0 : i32
      %dma_start3A_357 = arith.constant 0 : i32
      %dma_start3A_358 = tpu.memref_slice %arg3[%add3A_54, %dma_start3A_348, %dma_start3A_349, %dma_start3A_356, %dma_start3A_357] : memref<2048x4x16x8x128xf32, #tpu.memory_space<hbm>> -> memref<1x1x1x8x128xf32, #tpu.memory_space<hbm>>
      %dma_start3A_359 = tpu.memref_squeeze %dma_start3A_358 : memref<1x1x1x8x128xf32, #tpu.memory_space<hbm>> -> memref<8x128xf32, #tpu.memory_space<hbm>>
      %dma_start3A_360 = arith.constant 8 : i32
      %dma_start3A_361 = tpu.memref_slice %arg4[%dma_start3A_360, %add3A_347] : memref<32x2552xf32, #tpu.memory_space<vmem>> -> memref<8x128xf32, #tpu.memory_space<vmem>>
      tpu.enqueue_dma source(%dma_start3A_361 : memref<8x128xf32, #tpu.memory_space<vmem>>) target(%dma_start3A_359 : memref<8x128xf32, #tpu.memory_space<hbm>>) target_semaphore(%arg5 : memref<!tpu.dma_semaphore, #tpu.memory_space<semaphore_mem>>)
      %add3A_362 = arith.constant 384 : i32
      %add3A_363 = arith.addi %mul3A_58, %add3A_362 : i32
      %dma_start3A_364 = arith.constant 1 : i32
      %dma_start3A_365 = arith.constant 3 : i32
      %dma_start3A_366 = arith.constant 8 : i32
      %dma_start3A_367 = tpu.memref_slice %arg4[%dma_start3A_366, %add3A_363] : memref<32x2552xf32, #tpu.memory_space<vmem>> -> memref<8x128xf32, #tpu.memory_space<vmem>>
      %dma_start3A_368 = arith.constant 0 : i32
      %dma_start3A_369 = arith.constant 0 : i32
      %dma_start3A_370 = tpu.memref_slice %arg3[%add3A_54, %dma_start3A_364, %dma_start3A_365, %dma_start3A_368, %dma_start3A_369] : memref<2048x4x16x8x128xf32, #tpu.memory_space<hbm>> -> memref<1x1x1x8x128xf32, #tpu.memory_space<hbm>>
      %dma_start3A_371 = tpu.memref_squeeze %dma_start3A_370 : memref<1x1x1x8x128xf32, #tpu.memory_space<hbm>> -> memref<8x128xf32, #tpu.memory_space<hbm>>
      %dma_start3A_372 = arith.constant 0 : i32
      %dma_start3A_373 = arith.constant 0 : i32
      %dma_start3A_374 = tpu.memref_slice %arg3[%add3A_54, %dma_start3A_364, %dma_start3A_365, %dma_start3A_372, %dma_start3A_373] : memref<2048x4x16x8x128xf32, #tpu.memory_space<hbm>> -> memref<1x1x1x8x128xf32, #tpu.memory_space<hbm>>
      %dma_start3A_375 = tpu.memref_squeeze %dma_start3A_374 : memref<1x1x1x8x128xf32, #tpu.memory_space<hbm>> -> memref<8x128xf32, #tpu.memory_space<hbm>>
      %dma_start3A_376 = arith.constant 8 : i32
      %dma_start3A_377 = tpu.memref_slice %arg4[%dma_start3A_376, %add3A_363] : memref<32x2552xf32, #tpu.memory_space<vmem>> -> memref<8x128xf32, #tpu.memory_space<vmem>>
      tpu.enqueue_dma source(%dma_start3A_377 : memref<8x128xf32, #tpu.memory_space<vmem>>) target(%dma_start3A_375 : memref<8x128xf32, #tpu.memory_space<hbm>>) target_semaphore(%arg5 : memref<!tpu.dma_semaphore, #tpu.memory_space<semaphore_mem>>)
      %add3A_378 = arith.constant 512 : i32
      %add3A_379 = arith.addi %mul3A_58, %add3A_378 : i32
      %dma_start3A_380 = arith.constant 1 : i32
      %dma_start3A_381 = arith.constant 4 : i32
      %dma_start3A_382 = arith.constant 8 : i32
      %dma_start3A_383 = tpu.memref_slice %arg4[%dma_start3A_382, %add3A_379] : memref<32x2552xf32, #tpu.memory_space<vmem>> -> memref<8x128xf32, #tpu.memory_space<vmem>>
      %dma_start3A_384 = arith.constant 0 : i32
      %dma_start3A_385 = arith.constant 0 : i32
      %dma_start3A_386 = tpu.memref_slice %arg3[%add3A_54, %dma_start3A_380, %dma_start3A_381, %dma_start3A_384, %dma_start3A_385] : memref<2048x4x16x8x128xf32, #tpu.memory_space<hbm>> -> memref<1x1x1x8x128xf32, #tpu.memory_space<hbm>>
      %dma_start3A_387 = tpu.memref_squeeze %dma_start3A_386 : memref<1x1x1x8x128xf32, #tpu.memory_space<hbm>> -> memref<8x128xf32, #tpu.memory_space<hbm>>
      %dma_start3A_388 = arith.constant 0 : i32
      %dma_start3A_389 = arith.constant 0 : i32
      %dma_start3A_390 = tpu.memref_slice %arg3[%add3A_54, %dma_start3A_380, %dma_start3A_381, %dma_start3A_388, %dma_start3A_389] : memref<2048x4x16x8x128xf32, #tpu.memory_space<hbm>> -> memref<1x1x1x8x128xf32, #tpu.memory_space<hbm>>
      %dma_start3A_391 = tpu.memref_squeeze %dma_start3A_390 : memref<1x1x1x8x128xf32, #tpu.memory_space<hbm>> -> memref<8x128xf32, #tpu.memory_space<hbm>>
      %dma_start3A_392 = arith.constant 8 : i32
      %dma_start3A_393 = tpu.memref_slice %arg4[%dma_start3A_392, %add3A_379] : memref<32x2552xf32, #tpu.memory_space<vmem>> -> memref<8x128xf32, #tpu.memory_space<vmem>>
      tpu.enqueue_dma source(%dma_start3A_393 : memref<8x128xf32, #tpu.memory_space<vmem>>) target(%dma_start3A_391 : memref<8x128xf32, #tpu.memory_space<hbm>>) target_semaphore(%arg5 : memref<!tpu.dma_semaphore, #tpu.memory_space<semaphore_mem>>)
      %add3A_394 = arith.constant 640 : i32
      %add3A_395 = arith.addi %mul3A_58, %add3A_394 : i32
      %dma_start3A_396 = arith.constant 1 : i32
      %dma_start3A_397 = arith.constant 5 : i32
      %dma_start3A_398 = arith.constant 8 : i32
      %dma_start3A_399 = tpu.memref_slice %arg4[%dma_start3A_398, %add3A_395] : memref<32x2552xf32, #tpu.memory_space<vmem>> -> memref<8x128xf32, #tpu.memory_space<vmem>>
      %dma_start3A_400 = arith.constant 0 : i32
      %dma_start3A_401 = arith.constant 0 : i32
      %dma_start3A_402 = tpu.memref_slice %arg3[%add3A_54, %dma_start3A_396, %dma_start3A_397, %dma_start3A_400, %dma_start3A_401] : memref<2048x4x16x8x128xf32, #tpu.memory_space<hbm>> -> memref<1x1x1x8x128xf32, #tpu.memory_space<hbm>>
      %dma_start3A_403 = tpu.memref_squeeze %dma_start3A_402 : memref<1x1x1x8x128xf32, #tpu.memory_space<hbm>> -> memref<8x128xf32, #tpu.memory_space<hbm>>
      %dma_start3A_404 = arith.constant 0 : i32
      %dma_start3A_405 = arith.constant 0 : i32
      %dma_start3A_406 = tpu.memref_slice %arg3[%add3A_54, %dma_start3A_396, %dma_start3A_397, %dma_start3A_404, %dma_start3A_405] : memref<2048x4x16x8x128xf32, #tpu.memory_space<hbm>> -> memref<1x1x1x8x128xf32, #tpu.memory_space<hbm>>
      %dma_start3A_407 = tpu.memref_squeeze %dma_start3A_406 : memref<1x1x1x8x128xf32, #tpu.memory_space<hbm>> -> memref<8x128xf32, #tpu.memory_space<hbm>>
      %dma_start3A_408 = arith.constant 8 : i32
      %dma_start3A_409 = tpu.memref_slice %arg4[%dma_start3A_408, %add3A_395] : memref<32x2552xf32, #tpu.memory_space<vmem>> -> memref<8x128xf32, #tpu.memory_space<vmem>>
      tpu.enqueue_dma source(%dma_start3A_409 : memref<8x128xf32, #tpu.memory_space<vmem>>) target(%dma_start3A_407 : memref<8x128xf32, #tpu.memory_space<hbm>>) target_semaphore(%arg5 : memref<!tpu.dma_semaphore, #tpu.memory_space<semaphore_mem>>)
      %add3A_410 = arith.constant 768 : i32
      %add3A_411 = arith.addi %mul3A_58, %add3A_410 : i32
      %dma_start3A_412 = arith.constant 1 : i32
      %dma_start3A_413 = arith.constant 6 : i32
      %dma_start3A_414 = arith.constant 8 : i32
      %dma_start3A_415 = tpu.memref_slice %arg4[%dma_start3A_414, %add3A_411] : memref<32x2552xf32, #tpu.memory_space<vmem>> -> memref<8x128xf32, #tpu.memory_space<vmem>>
      %dma_start3A_416 = arith.constant 0 : i32
      %dma_start3A_417 = arith.constant 0 : i32
      %dma_start3A_418 = tpu.memref_slice %arg3[%add3A_54, %dma_start3A_412, %dma_start3A_413, %dma_start3A_416, %dma_start3A_417] : memref<2048x4x16x8x128xf32, #tpu.memory_space<hbm>> -> memref<1x1x1x8x128xf32, #tpu.memory_space<hbm>>
      %dma_start3A_419 = tpu.memref_squeeze %dma_start3A_418 : memref<1x1x1x8x128xf32, #tpu.memory_space<hbm>> -> memref<8x128xf32, #tpu.memory_space<hbm>>
      %dma_start3A_420 = arith.constant 0 : i32
      %dma_start3A_421 = arith.constant 0 : i32
      %dma_start3A_422 = tpu.memref_slice %arg3[%add3A_54, %dma_start3A_412, %dma_start3A_413, %dma_start3A_420, %dma_start3A_421] : memref<2048x4x16x8x128xf32, #tpu.memory_space<hbm>> -> memref<1x1x1x8x128xf32, #tpu.memory_space<hbm>>
      %dma_start3A_423 = tpu.memref_squeeze %dma_start3A_422 : memref<1x1x1x8x128xf32, #tpu.memory_space<hbm>> -> memref<8x128xf32, #tpu.memory_space<hbm>>
      %dma_start3A_424 = arith.constant 8 : i32
      %dma_start3A_425 = tpu.memref_slice %arg4[%dma_start3A_424, %add3A_411] : memref<32x2552xf32, #tpu.memory_space<vmem>> -> memref<8x128xf32, #tpu.memory_space<vmem>>
      tpu.enqueue_dma source(%dma_start3A_425 : memref<8x128xf32, #tpu.memory_space<vmem>>) target(%dma_start3A_423 : memref<8x128xf32, #tpu.memory_space<hbm>>) target_semaphore(%arg5 : memref<!tpu.dma_semaphore, #tpu.memory_space<semaphore_mem>>)
      %add3A_426 = arith.constant 896 : i32
      %add3A_427 = arith.addi %mul3A_58, %add3A_426 : i32
      %dma_start3A_428 = arith.constant 1 : i32
      %dma_start3A_429 = arith.constant 7 : i32
      %dma_start3A_430 = arith.constant 8 : i32
      %dma_start3A_431 = tpu.memref_slice %arg4[%dma_start3A_430, %add3A_427] : memref<32x2552xf32, #tpu.memory_space<vmem>> -> memref<8x128xf32, #tpu.memory_space<vmem>>
      %dma_start3A_432 = arith.constant 0 : i32
      %dma_start3A_433 = arith.constant 0 : i32
      %dma_start3A_434 = tpu.memref_slice %arg3[%add3A_54, %dma_start3A_428, %dma_start3A_429, %dma_start3A_432, %dma_start3A_433] : memref<2048x4x16x8x128xf32, #tpu.memory_space<hbm>> -> memref<1x1x1x8x128xf32, #tpu.memory_space<hbm>>
      %dma_start3A_435 = tpu.memref_squeeze %dma_start3A_434 : memref<1x1x1x8x128xf32, #tpu.memory_space<hbm>> -> memref<8x128xf32, #tpu.memory_space<hbm>>
      %dma_start3A_436 = arith.constant 0 : i32
      %dma_start3A_437 = arith.constant 0 : i32
      %dma_start3A_438 = tpu.memref_slice %arg3[%add3A_54, %dma_start3A_428, %dma_start3A_429, %dma_start3A_436, %dma_start3A_437] : memref<2048x4x16x8x128xf32, #tpu.memory_space<hbm>> -> memref<1x1x1x8x128xf32, #tpu.memory_space<hbm>>
      %dma_start3A_439 = tpu.memref_squeeze %dma_start3A_438 : memref<1x1x1x8x128xf32, #tpu.memory_space<hbm>> -> memref<8x128xf32, #tpu.memory_space<hbm>>
      %dma_start3A_440 = arith.constant 8 : i32
      %dma_start3A_441 = tpu.memref_slice %arg4[%dma_start3A_440, %add3A_427] : memref<32x2552xf32, #tpu.memory_space<vmem>> -> memref<8x128xf32, #tpu.memory_space<vmem>>
      tpu.enqueue_dma source(%dma_start3A_441 : memref<8x128xf32, #tpu.memory_space<vmem>>) target(%dma_start3A_439 : memref<8x128xf32, #tpu.memory_space<hbm>>) target_semaphore(%arg5 : memref<!tpu.dma_semaphore, #tpu.memory_space<semaphore_mem>>)
      %add3A_442 = arith.constant 1024 : i32
      %add3A_443 = arith.addi %mul3A_58, %add3A_442 : i32
      %dma_start3A_444 = arith.constant 1 : i32
      %dma_start3A_445 = arith.constant 8 : i32
      %dma_start3A_446 = arith.constant 8 : i32
      %dma_start3A_447 = tpu.memref_slice %arg4[%dma_start3A_446, %add3A_443] : memref<32x2552xf32, #tpu.memory_space<vmem>> -> memref<8x128xf32, #tpu.memory_space<vmem>>
      %dma_start3A_448 = arith.constant 0 : i32
      %dma_start3A_449 = arith.constant 0 : i32
      %dma_start3A_450 = tpu.memref_slice %arg3[%add3A_54, %dma_start3A_444, %dma_start3A_445, %dma_start3A_448, %dma_start3A_449] : memref<2048x4x16x8x128xf32, #tpu.memory_space<hbm>> -> memref<1x1x1x8x128xf32, #tpu.memory_space<hbm>>
      %dma_start3A_451 = tpu.memref_squeeze %dma_start3A_450 : memref<1x1x1x8x128xf32, #tpu.memory_space<hbm>> -> memref<8x128xf32, #tpu.memory_space<hbm>>
      %dma_start3A_452 = arith.constant 0 : i32
      %dma_start3A_453 = arith.constant 0 : i32
      %dma_start3A_454 = tpu.memref_slice %arg3[%add3A_54, %dma_start3A_444, %dma_start3A_445, %dma_start3A_452, %dma_start3A_453] : memref<2048x4x16x8x128xf32, #tpu.memory_space<hbm>> -> memref<1x1x1x8x128xf32, #tpu.memory_space<hbm>>
      %dma_start3A_455 = tpu.memref_squeeze %dma_start3A_454 : memref<1x1x1x8x128xf32, #tpu.memory_space<hbm>> -> memref<8x128xf32, #tpu.memory_space<hbm>>
      %dma_start3A_456 = arith.constant 8 : i32
      %dma_start3A_457 = tpu.memref_slice %arg4[%dma_start3A_456, %add3A_443] : memref<32x2552xf32, #tpu.memory_space<vmem>> -> memref<8x128xf32, #tpu.memory_space<vmem>>
      tpu.enqueue_dma source(%dma_start3A_457 : memref<8x128xf32, #tpu.memory_space<vmem>>) target(%dma_start3A_455 : memref<8x128xf32, #tpu.memory_space<hbm>>) target_semaphore(%arg5 : memref<!tpu.dma_semaphore, #tpu.memory_space<semaphore_mem>>)
      %add3A_458 = arith.constant 1152 : i32
      %add3A_459 = arith.addi %mul3A_58, %add3A_458 : i32
      %dma_start3A_460 = arith.constant 1 : i32
      %dma_start3A_461 = arith.constant 9 : i32
      %dma_start3A_462 = arith.constant 8 : i32
      %dma_start3A_463 = tpu.memref_slice %arg4[%dma_start3A_462, %add3A_459] : memref<32x2552xf32, #tpu.memory_space<vmem>> -> memref<8x128xf32, #tpu.memory_space<vmem>>
      %dma_start3A_464 = arith.constant 0 : i32
      %dma_start3A_465 = arith.constant 0 : i32
      %dma_start3A_466 = tpu.memref_slice %arg3[%add3A_54, %dma_start3A_460, %dma_start3A_461, %dma_start3A_464, %dma_start3A_465] : memref<2048x4x16x8x128xf32, #tpu.memory_space<hbm>> -> memref<1x1x1x8x128xf32, #tpu.memory_space<hbm>>
      %dma_start3A_467 = tpu.memref_squeeze %dma_start3A_466 : memref<1x1x1x8x128xf32, #tpu.memory_space<hbm>> -> memref<8x128xf32, #tpu.memory_space<hbm>>
      %dma_start3A_468 = arith.constant 0 : i32
      %dma_start3A_469 = arith.constant 0 : i32
      %dma_start3A_470 = tpu.memref_slice %arg3[%add3A_54, %dma_start3A_460, %dma_start3A_461, %dma_start3A_468, %dma_start3A_469] : memref<2048x4x16x8x128xf32, #tpu.memory_space<hbm>> -> memref<1x1x1x8x128xf32, #tpu.memory_space<hbm>>
      %dma_start3A_471 = tpu.memref_squeeze %dma_start3A_470 : memref<1x1x1x8x128xf32, #tpu.memory_space<hbm>> -> memref<8x128xf32, #tpu.memory_space<hbm>>
      %dma_start3A_472 = arith.constant 8 : i32
      %dma_start3A_473 = tpu.memref_slice %arg4[%dma_start3A_472, %add3A_459] : memref<32x2552xf32, #tpu.memory_space<vmem>> -> memref<8x128xf32, #tpu.memory_space<vmem>>
      tpu.enqueue_dma source(%dma_start3A_473 : memref<8x128xf32, #tpu.memory_space<vmem>>) target(%dma_start3A_471 : memref<8x128xf32, #tpu.memory_space<hbm>>) target_semaphore(%arg5 : memref<!tpu.dma_semaphore, #tpu.memory_space<semaphore_mem>>)
      %add3A_474 = arith.constant 1280 : i32
      %add3A_475 = arith.addi %mul3A_58, %add3A_474 : i32
      %dma_start3A_476 = arith.constant 1 : i32
      %dma_start3A_477 = arith.constant 10 : i32
      %dma_start3A_478 = arith.constant 8 : i32
      %dma_start3A_479 = tpu.memref_slice %arg4[%dma_start3A_478, %add3A_475] : memref<32x2552xf32, #tpu.memory_space<vmem>> -> memref<8x128xf32, #tpu.memory_space<vmem>>
      %dma_start3A_480 = arith.constant 0 : i32
      %dma_start3A_481 = arith.constant 0 : i32
      %dma_start3A_482 = tpu.memref_slice %arg3[%add3A_54, %dma_start3A_476, %dma_start3A_477, %dma_start3A_480, %dma_start3A_481] : memref<2048x4x16x8x128xf32, #tpu.memory_space<hbm>> -> memref<1x1x1x8x128xf32, #tpu.memory_space<hbm>>
      %dma_start3A_483 = tpu.memref_squeeze %dma_start3A_482 : memref<1x1x1x8x128xf32, #tpu.memory_space<hbm>> -> memref<8x128xf32, #tpu.memory_space<hbm>>
      %dma_start3A_484 = arith.constant 0 : i32
      %dma_start3A_485 = arith.constant 0 : i32
      %dma_start3A_486 = tpu.memref_slice %arg3[%add3A_54, %dma_start3A_476, %dma_start3A_477, %dma_start3A_484, %dma_start3A_485] : memref<2048x4x16x8x128xf32, #tpu.memory_space<hbm>> -> memref<1x1x1x8x128xf32, #tpu.memory_space<hbm>>
      %dma_start3A_487 = tpu.memref_squeeze %dma_start3A_486 : memref<1x1x1x8x128xf32, #tpu.memory_space<hbm>> -> memref<8x128xf32, #tpu.memory_space<hbm>>
      %dma_start3A_488 = arith.constant 8 : i32
      %dma_start3A_489 = tpu.memref_slice %arg4[%dma_start3A_488, %add3A_475] : memref<32x2552xf32, #tpu.memory_space<vmem>> -> memref<8x128xf32, #tpu.memory_space<vmem>>
      tpu.enqueue_dma source(%dma_start3A_489 : memref<8x128xf32, #tpu.memory_space<vmem>>) target(%dma_start3A_487 : memref<8x128xf32, #tpu.memory_space<hbm>>) target_semaphore(%arg5 : memref<!tpu.dma_semaphore, #tpu.memory_space<semaphore_mem>>)
      %add3A_490 = arith.constant 1408 : i32
      %add3A_491 = arith.addi %mul3A_58, %add3A_490 : i32
      %dma_start3A_492 = arith.constant 1 : i32
      %dma_start3A_493 = arith.constant 11 : i32
      %dma_start3A_494 = arith.constant 8 : i32
      %dma_start3A_495 = tpu.memref_slice %arg4[%dma_start3A_494, %add3A_491] : memref<32x2552xf32, #tpu.memory_space<vmem>> -> memref<8x128xf32, #tpu.memory_space<vmem>>
      %dma_start3A_496 = arith.constant 0 : i32
      %dma_start3A_497 = arith.constant 0 : i32
      %dma_start3A_498 = tpu.memref_slice %arg3[%add3A_54, %dma_start3A_492, %dma_start3A_493, %dma_start3A_496, %dma_start3A_497] : memref<2048x4x16x8x128xf32, #tpu.memory_space<hbm>> -> memref<1x1x1x8x128xf32, #tpu.memory_space<hbm>>
      %dma_start3A_499 = tpu.memref_squeeze %dma_start3A_498 : memref<1x1x1x8x128xf32, #tpu.memory_space<hbm>> -> memref<8x128xf32, #tpu.memory_space<hbm>>
      %dma_start3A_500 = arith.constant 0 : i32
      %dma_start3A_501 = arith.constant 0 : i32
      %dma_start3A_502 = tpu.memref_slice %arg3[%add3A_54, %dma_start3A_492, %dma_start3A_493, %dma_start3A_500, %dma_start3A_501] : memref<2048x4x16x8x128xf32, #tpu.memory_space<hbm>> -> memref<1x1x1x8x128xf32, #tpu.memory_space<hbm>>
      %dma_start3A_503 = tpu.memref_squeeze %dma_start3A_502 : memref<1x1x1x8x128xf32, #tpu.memory_space<hbm>> -> memref<8x128xf32, #tpu.memory_space<hbm>>
      %dma_start3A_504 = arith.constant 8 : i32
      %dma_start3A_505 = tpu.memref_slice %arg4[%dma_start3A_504, %add3A_491] : memref<32x2552xf32, #tpu.memory_space<vmem>> -> memref<8x128xf32, #tpu.memory_space<vmem>>
      tpu.enqueue_dma source(%dma_start3A_505 : memref<8x128xf32, #tpu.memory_space<vmem>>) target(%dma_start3A_503 : memref<8x128xf32, #tpu.memory_space<hbm>>) target_semaphore(%arg5 : memref<!tpu.dma_semaphore, #tpu.memory_space<semaphore_mem>>)
      %add3A_506 = arith.constant 1536 : i32
      %add3A_507 = arith.addi %mul3A_58, %add3A_506 : i32
      %dma_start3A_508 = arith.constant 1 : i32
      %dma_start3A_509 = arith.constant 12 : i32
      %dma_start3A_510 = arith.constant 8 : i32
      %dma_start3A_511 = tpu.memref_slice %arg4[%dma_start3A_510, %add3A_507] : memref<32x2552xf32, #tpu.memory_space<vmem>> -> memref<8x128xf32, #tpu.memory_space<vmem>>
      %dma_start3A_512 = arith.constant 0 : i32
      %dma_start3A_513 = arith.constant 0 : i32
      %dma_start3A_514 = tpu.memref_slice %arg3[%add3A_54, %dma_start3A_508, %dma_start3A_509, %dma_start3A_512, %dma_start3A_513] : memref<2048x4x16x8x128xf32, #tpu.memory_space<hbm>> -> memref<1x1x1x8x128xf32, #tpu.memory_space<hbm>>
      %dma_start3A_515 = tpu.memref_squeeze %dma_start3A_514 : memref<1x1x1x8x128xf32, #tpu.memory_space<hbm>> -> memref<8x128xf32, #tpu.memory_space<hbm>>
      %dma_start3A_516 = arith.constant 0 : i32
      %dma_start3A_517 = arith.constant 0 : i32
      %dma_start3A_518 = tpu.memref_slice %arg3[%add3A_54, %dma_start3A_508, %dma_start3A_509, %dma_start3A_516, %dma_start3A_517] : memref<2048x4x16x8x128xf32, #tpu.memory_space<hbm>> -> memref<1x1x1x8x128xf32, #tpu.memory_space<hbm>>
      %dma_start3A_519 = tpu.memref_squeeze %dma_start3A_518 : memref<1x1x1x8x128xf32, #tpu.memory_space<hbm>> -> memref<8x128xf32, #tpu.memory_space<hbm>>
      %dma_start3A_520 = arith.constant 8 : i32
      %dma_start3A_521 = tpu.memref_slice %arg4[%dma_start3A_520, %add3A_507] : memref<32x2552xf32, #tpu.memory_space<vmem>> -> memref<8x128xf32, #tpu.memory_space<vmem>>
      tpu.enqueue_dma source(%dma_start3A_521 : memref<8x128xf32, #tpu.memory_space<vmem>>) target(%dma_start3A_519 : memref<8x128xf32, #tpu.memory_space<hbm>>) target_semaphore(%arg5 : memref<!tpu.dma_semaphore, #tpu.memory_space<semaphore_mem>>)
      %add3A_522 = arith.constant 1664 : i32
      %add3A_523 = arith.addi %mul3A_58, %add3A_522 : i32
      %dma_start3A_524 = arith.constant 1 : i32
      %dma_start3A_525 = arith.constant 13 : i32
      %dma_start3A_526 = arith.constant 8 : i32
      %dma_start3A_527 = tpu.memref_slice %arg4[%dma_start3A_526, %add3A_523] : memref<32x2552xf32, #tpu.memory_space<vmem>> -> memref<8x128xf32, #tpu.memory_space<vmem>>
      %dma_start3A_528 = arith.constant 0 : i32
      %dma_start3A_529 = arith.constant 0 : i32
      %dma_start3A_530 = tpu.memref_slice %arg3[%add3A_54, %dma_start3A_524, %dma_start3A_525, %dma_start3A_528, %dma_start3A_529] : memref<2048x4x16x8x128xf32, #tpu.memory_space<hbm>> -> memref<1x1x1x8x128xf32, #tpu.memory_space<hbm>>
      %dma_start3A_531 = tpu.memref_squeeze %dma_start3A_530 : memref<1x1x1x8x128xf32, #tpu.memory_space<hbm>> -> memref<8x128xf32, #tpu.memory_space<hbm>>
      %dma_start3A_532 = arith.constant 0 : i32
      %dma_start3A_533 = arith.constant 0 : i32
      %dma_start3A_534 = tpu.memref_slice %arg3[%add3A_54, %dma_start3A_524, %dma_start3A_525, %dma_start3A_532, %dma_start3A_533] : memref<2048x4x16x8x128xf32, #tpu.memory_space<hbm>> -> memref<1x1x1x8x128xf32, #tpu.memory_space<hbm>>
      %dma_start3A_535 = tpu.memref_squeeze %dma_start3A_534 : memref<1x1x1x8x128xf32, #tpu.memory_space<hbm>> -> memref<8x128xf32, #tpu.memory_space<hbm>>
      %dma_start3A_536 = arith.constant 8 : i32
      %dma_start3A_537 = tpu.memref_slice %arg4[%dma_start3A_536, %add3A_523] : memref<32x2552xf32, #tpu.memory_space<vmem>> -> memref<8x128xf32, #tpu.memory_space<vmem>>
      tpu.enqueue_dma source(%dma_start3A_537 : memref<8x128xf32, #tpu.memory_space<vmem>>) target(%dma_start3A_535 : memref<8x128xf32, #tpu.memory_space<hbm>>) target_semaphore(%arg5 : memref<!tpu.dma_semaphore, #tpu.memory_space<semaphore_mem>>)
      %add3A_538 = arith.constant 1792 : i32
      %add3A_539 = arith.addi %mul3A_58, %add3A_538 : i32
      %dma_start3A_540 = arith.constant 1 : i32
      %dma_start3A_541 = arith.constant 14 : i32
      %dma_start3A_542 = arith.constant 8 : i32
      %dma_start3A_543 = tpu.memref_slice %arg4[%dma_start3A_542, %add3A_539] : memref<32x2552xf32, #tpu.memory_space<vmem>> -> memref<8x128xf32, #tpu.memory_space<vmem>>
      %dma_start3A_544 = arith.constant 0 : i32
      %dma_start3A_545 = arith.constant 0 : i32
      %dma_start3A_546 = tpu.memref_slice %arg3[%add3A_54, %dma_start3A_540, %dma_start3A_541, %dma_start3A_544, %dma_start3A_545] : memref<2048x4x16x8x128xf32, #tpu.memory_space<hbm>> -> memref<1x1x1x8x128xf32, #tpu.memory_space<hbm>>
      %dma_start3A_547 = tpu.memref_squeeze %dma_start3A_546 : memref<1x1x1x8x128xf32, #tpu.memory_space<hbm>> -> memref<8x128xf32, #tpu.memory_space<hbm>>
      %dma_start3A_548 = arith.constant 0 : i32
      %dma_start3A_549 = arith.constant 0 : i32
      %dma_start3A_550 = tpu.memref_slice %arg3[%add3A_54, %dma_start3A_540, %dma_start3A_541, %dma_start3A_548, %dma_start3A_549] : memref<2048x4x16x8x128xf32, #tpu.memory_space<hbm>> -> memref<1x1x1x8x128xf32, #tpu.memory_space<hbm>>
      %dma_start3A_551 = tpu.memref_squeeze %dma_start3A_550 : memref<1x1x1x8x128xf32, #tpu.memory_space<hbm>> -> memref<8x128xf32, #tpu.memory_space<hbm>>
      %dma_start3A_552 = arith.constant 8 : i32
      %dma_start3A_553 = tpu.memref_slice %arg4[%dma_start3A_552, %add3A_539] : memref<32x2552xf32, #tpu.memory_space<vmem>> -> memref<8x128xf32, #tpu.memory_space<vmem>>
      tpu.enqueue_dma source(%dma_start3A_553 : memref<8x128xf32, #tpu.memory_space<vmem>>) target(%dma_start3A_551 : memref<8x128xf32, #tpu.memory_space<hbm>>) target_semaphore(%arg5 : memref<!tpu.dma_semaphore, #tpu.memory_space<semaphore_mem>>)
      %add3A_554 = arith.constant 1920 : i32
      %add3A_555 = arith.addi %mul3A_58, %add3A_554 : i32
      %dma_start3A_556 = arith.constant 1 : i32
      %dma_start3A_557 = arith.constant 15 : i32
      %dma_start3A_558 = arith.constant 8 : i32
      %dma_start3A_559 = tpu.memref_slice %arg4[%dma_start3A_558, %add3A_555] : memref<32x2552xf32, #tpu.memory_space<vmem>> -> memref<8x128xf32, #tpu.memory_space<vmem>>
      %dma_start3A_560 = arith.constant 0 : i32
      %dma_start3A_561 = arith.constant 0 : i32
      %dma_start3A_562 = tpu.memref_slice %arg3[%add3A_54, %dma_start3A_556, %dma_start3A_557, %dma_start3A_560, %dma_start3A_561] : memref<2048x4x16x8x128xf32, #tpu.memory_space<hbm>> -> memref<1x1x1x8x128xf32, #tpu.memory_space<hbm>>
      %dma_start3A_563 = tpu.memref_squeeze %dma_start3A_562 : memref<1x1x1x8x128xf32, #tpu.memory_space<hbm>> -> memref<8x128xf32, #tpu.memory_space<hbm>>
      %dma_start3A_564 = arith.constant 0 : i32
      %dma_start3A_565 = arith.constant 0 : i32
      %dma_start3A_566 = tpu.memref_slice %arg3[%add3A_54, %dma_start3A_556, %dma_start3A_557, %dma_start3A_564, %dma_start3A_565] : memref<2048x4x16x8x128xf32, #tpu.memory_space<hbm>> -> memref<1x1x1x8x128xf32, #tpu.memory_space<hbm>>
      %dma_start3A_567 = tpu.memref_squeeze %dma_start3A_566 : memref<1x1x1x8x128xf32, #tpu.memory_space<hbm>> -> memref<8x128xf32, #tpu.memory_space<hbm>>
      %dma_start3A_568 = arith.constant 8 : i32
      %dma_start3A_569 = tpu.memref_slice %arg4[%dma_start3A_568, %add3A_555] : memref<32x2552xf32, #tpu.memory_space<vmem>> -> memref<8x128xf32, #tpu.memory_space<vmem>>
      tpu.enqueue_dma source(%dma_start3A_569 : memref<8x128xf32, #tpu.memory_space<vmem>>) target(%dma_start3A_567 : memref<8x128xf32, #tpu.memory_space<hbm>>) target_semaphore(%arg5 : memref<!tpu.dma_semaphore, #tpu.memory_space<semaphore_mem>>)
      %add3A_570 = arith.constant 0 : i32
      %add3A_571 = arith.addi %mul3A_58, %add3A_570 : i32
      %dma_start3A_572 = arith.constant 2 : i32
      %dma_start3A_573 = arith.constant 0 : i32
      %dma_start3A_574 = arith.constant 16 : i32
      %dma_start3A_575 = tpu.memref_slice %arg4[%dma_start3A_574, %add3A_571] : memref<32x2552xf32, #tpu.memory_space<vmem>> -> memref<8x128xf32, #tpu.memory_space<vmem>>
      %dma_start3A_576 = arith.constant 0 : i32
      %dma_start3A_577 = arith.constant 0 : i32
      %dma_start3A_578 = tpu.memref_slice %arg3[%add3A_54, %dma_start3A_572, %dma_start3A_573, %dma_start3A_576, %dma_start3A_577] : memref<2048x4x16x8x128xf32, #tpu.memory_space<hbm>> -> memref<1x1x1x8x128xf32, #tpu.memory_space<hbm>>
      %dma_start3A_579 = tpu.memref_squeeze %dma_start3A_578 : memref<1x1x1x8x128xf32, #tpu.memory_space<hbm>> -> memref<8x128xf32, #tpu.memory_space<hbm>>
      %dma_start3A_580 = arith.constant 0 : i32
      %dma_start3A_581 = arith.constant 0 : i32
      %dma_start3A_582 = tpu.memref_slice %arg3[%add3A_54, %dma_start3A_572, %dma_start3A_573, %dma_start3A_580, %dma_start3A_581] : memref<2048x4x16x8x128xf32, #tpu.memory_space<hbm>> -> memref<1x1x1x8x128xf32, #tpu.memory_space<hbm>>
      %dma_start3A_583 = tpu.memref_squeeze %dma_start3A_582 : memref<1x1x1x8x128xf32, #tpu.memory_space<hbm>> -> memref<8x128xf32, #tpu.memory_space<hbm>>
      %dma_start3A_584 = arith.constant 16 : i32
      %dma_start3A_585 = tpu.memref_slice %arg4[%dma_start3A_584, %add3A_571] : memref<32x2552xf32, #tpu.memory_space<vmem>> -> memref<8x128xf32, #tpu.memory_space<vmem>>
      tpu.enqueue_dma source(%dma_start3A_585 : memref<8x128xf32, #tpu.memory_space<vmem>>) target(%dma_start3A_583 : memref<8x128xf32, #tpu.memory_space<hbm>>) target_semaphore(%arg5 : memref<!tpu.dma_semaphore, #tpu.memory_space<semaphore_mem>>)
      %add3A_586 = arith.constant 128 : i32
      %add3A_587 = arith.addi %mul3A_58, %add3A_586 : i32
      %dma_start3A_588 = arith.constant 2 : i32
      %dma_start3A_589 = arith.constant 1 : i32
      %dma_start3A_590 = arith.constant 16 : i32
      %dma_start3A_591 = tpu.memref_slice %arg4[%dma_start3A_590, %add3A_587] : memref<32x2552xf32, #tpu.memory_space<vmem>> -> memref<8x128xf32, #tpu.memory_space<vmem>>
      %dma_start3A_592 = arith.constant 0 : i32
      %dma_start3A_593 = arith.constant 0 : i32
      %dma_start3A_594 = tpu.memref_slice %arg3[%add3A_54, %dma_start3A_588, %dma_start3A_589, %dma_start3A_592, %dma_start3A_593] : memref<2048x4x16x8x128xf32, #tpu.memory_space<hbm>> -> memref<1x1x1x8x128xf32, #tpu.memory_space<hbm>>
      %dma_start3A_595 = tpu.memref_squeeze %dma_start3A_594 : memref<1x1x1x8x128xf32, #tpu.memory_space<hbm>> -> memref<8x128xf32, #tpu.memory_space<hbm>>
      %dma_start3A_596 = arith.constant 0 : i32
      %dma_start3A_597 = arith.constant 0 : i32
      %dma_start3A_598 = tpu.memref_slice %arg3[%add3A_54, %dma_start3A_588, %dma_start3A_589, %dma_start3A_596, %dma_start3A_597] : memref<2048x4x16x8x128xf32, #tpu.memory_space<hbm>> -> memref<1x1x1x8x128xf32, #tpu.memory_space<hbm>>
      %dma_start3A_599 = tpu.memref_squeeze %dma_start3A_598 : memref<1x1x1x8x128xf32, #tpu.memory_space<hbm>> -> memref<8x128xf32, #tpu.memory_space<hbm>>
      %dma_start3A_600 = arith.constant 16 : i32
      %dma_start3A_601 = tpu.memref_slice %arg4[%dma_start3A_600, %add3A_587] : memref<32x2552xf32, #tpu.memory_space<vmem>> -> memref<8x128xf32, #tpu.memory_space<vmem>>
      tpu.enqueue_dma source(%dma_start3A_601 : memref<8x128xf32, #tpu.memory_space<vmem>>) target(%dma_start3A_599 : memref<8x128xf32, #tpu.memory_space<hbm>>) target_semaphore(%arg5 : memref<!tpu.dma_semaphore, #tpu.memory_space<semaphore_mem>>)
      %add3A_602 = arith.constant 256 : i32
      %add3A_603 = arith.addi %mul3A_58, %add3A_602 : i32
      %dma_start3A_604 = arith.constant 2 : i32
      %dma_start3A_605 = arith.constant 2 : i32
      %dma_start3A_606 = arith.constant 16 : i32
      %dma_start3A_607 = tpu.memref_slice %arg4[%dma_start3A_606, %add3A_603] : memref<32x2552xf32, #tpu.memory_space<vmem>> -> memref<8x128xf32, #tpu.memory_space<vmem>>
      %dma_start3A_608 = arith.constant 0 : i32
      %dma_start3A_609 = arith.constant 0 : i32
      %dma_start3A_610 = tpu.memref_slice %arg3[%add3A_54, %dma_start3A_604, %dma_start3A_605, %dma_start3A_608, %dma_start3A_609] : memref<2048x4x16x8x128xf32, #tpu.memory_space<hbm>> -> memref<1x1x1x8x128xf32, #tpu.memory_space<hbm>>
      %dma_start3A_611 = tpu.memref_squeeze %dma_start3A_610 : memref<1x1x1x8x128xf32, #tpu.memory_space<hbm>> -> memref<8x128xf32, #tpu.memory_space<hbm>>
      %dma_start3A_612 = arith.constant 0 : i32
      %dma_start3A_613 = arith.constant 0 : i32
      %dma_start3A_614 = tpu.memref_slice %arg3[%add3A_54, %dma_start3A_604, %dma_start3A_605, %dma_start3A_612, %dma_start3A_613] : memref<2048x4x16x8x128xf32, #tpu.memory_space<hbm>> -> memref<1x1x1x8x128xf32, #tpu.memory_space<hbm>>
      %dma_start3A_615 = tpu.memref_squeeze %dma_start3A_614 : memref<1x1x1x8x128xf32, #tpu.memory_space<hbm>> -> memref<8x128xf32, #tpu.memory_space<hbm>>
      %dma_start3A_616 = arith.constant 16 : i32
      %dma_start3A_617 = tpu.memref_slice %arg4[%dma_start3A_616, %add3A_603] : memref<32x2552xf32, #tpu.memory_space<vmem>> -> memref<8x128xf32, #tpu.memory_space<vmem>>
      tpu.enqueue_dma source(%dma_start3A_617 : memref<8x128xf32, #tpu.memory_space<vmem>>) target(%dma_start3A_615 : memref<8x128xf32, #tpu.memory_space<hbm>>) target_semaphore(%arg5 : memref<!tpu.dma_semaphore, #tpu.memory_space<semaphore_mem>>)
      %add3A_618 = arith.constant 384 : i32
      %add3A_619 = arith.addi %mul3A_58, %add3A_618 : i32
      %dma_start3A_620 = arith.constant 2 : i32
      %dma_start3A_621 = arith.constant 3 : i32
      %dma_start3A_622 = arith.constant 16 : i32
      %dma_start3A_623 = tpu.memref_slice %arg4[%dma_start3A_622, %add3A_619] : memref<32x2552xf32, #tpu.memory_space<vmem>> -> memref<8x128xf32, #tpu.memory_space<vmem>>
      %dma_start3A_624 = arith.constant 0 : i32
      %dma_start3A_625 = arith.constant 0 : i32
      %dma_start3A_626 = tpu.memref_slice %arg3[%add3A_54, %dma_start3A_620, %dma_start3A_621, %dma_start3A_624, %dma_start3A_625] : memref<2048x4x16x8x128xf32, #tpu.memory_space<hbm>> -> memref<1x1x1x8x128xf32, #tpu.memory_space<hbm>>
      %dma_start3A_627 = tpu.memref_squeeze %dma_start3A_626 : memref<1x1x1x8x128xf32, #tpu.memory_space<hbm>> -> memref<8x128xf32, #tpu.memory_space<hbm>>
      %dma_start3A_628 = arith.constant 0 : i32
      %dma_start3A_629 = arith.constant 0 : i32
      %dma_start3A_630 = tpu.memref_slice %arg3[%add3A_54, %dma_start3A_620, %dma_start3A_621, %dma_start3A_628, %dma_start3A_629] : memref<2048x4x16x8x128xf32, #tpu.memory_space<hbm>> -> memref<1x1x1x8x128xf32, #tpu.memory_space<hbm>>
      %dma_start3A_631 = tpu.memref_squeeze %dma_start3A_630 : memref<1x1x1x8x128xf32, #tpu.memory_space<hbm>> -> memref<8x128xf32, #tpu.memory_space<hbm>>
      %dma_start3A_632 = arith.constant 16 : i32
      %dma_start3A_633 = tpu.memref_slice %arg4[%dma_start3A_632, %add3A_619] : memref<32x2552xf32, #tpu.memory_space<vmem>> -> memref<8x128xf32, #tpu.memory_space<vmem>>
      tpu.enqueue_dma source(%dma_start3A_633 : memref<8x128xf32, #tpu.memory_space<vmem>>) target(%dma_start3A_631 : memref<8x128xf32, #tpu.memory_space<hbm>>) target_semaphore(%arg5 : memref<!tpu.dma_semaphore, #tpu.memory_space<semaphore_mem>>)
      %add3A_634 = arith.constant 512 : i32
      %add3A_635 = arith.addi %mul3A_58, %add3A_634 : i32
      %dma_start3A_636 = arith.constant 2 : i32
      %dma_start3A_637 = arith.constant 4 : i32
      %dma_start3A_638 = arith.constant 16 : i32
      %dma_start3A_639 = tpu.memref_slice %arg4[%dma_start3A_638, %add3A_635] : memref<32x2552xf32, #tpu.memory_space<vmem>> -> memref<8x128xf32, #tpu.memory_space<vmem>>
      %dma_start3A_640 = arith.constant 0 : i32
      %dma_start3A_641 = arith.constant 0 : i32
      %dma_start3A_642 = tpu.memref_slice %arg3[%add3A_54, %dma_start3A_636, %dma_start3A_637, %dma_start3A_640, %dma_start3A_641] : memref<2048x4x16x8x128xf32, #tpu.memory_space<hbm>> -> memref<1x1x1x8x128xf32, #tpu.memory_space<hbm>>
      %dma_start3A_643 = tpu.memref_squeeze %dma_start3A_642 : memref<1x1x1x8x128xf32, #tpu.memory_space<hbm>> -> memref<8x128xf32, #tpu.memory_space<hbm>>
      %dma_start3A_644 = arith.constant 0 : i32
      %dma_start3A_645 = arith.constant 0 : i32
      %dma_start3A_646 = tpu.memref_slice %arg3[%add3A_54, %dma_start3A_636, %dma_start3A_637, %dma_start3A_644, %dma_start3A_645] : memref<2048x4x16x8x128xf32, #tpu.memory_space<hbm>> -> memref<1x1x1x8x128xf32, #tpu.memory_space<hbm>>
      %dma_start3A_647 = tpu.memref_squeeze %dma_start3A_646 : memref<1x1x1x8x128xf32, #tpu.memory_space<hbm>> -> memref<8x128xf32, #tpu.memory_space<hbm>>
      %dma_start3A_648 = arith.constant 16 : i32
      %dma_start3A_649 = tpu.memref_slice %arg4[%dma_start3A_648, %add3A_635] : memref<32x2552xf32, #tpu.memory_space<vmem>> -> memref<8x128xf32, #tpu.memory_space<vmem>>
      tpu.enqueue_dma source(%dma_start3A_649 : memref<8x128xf32, #tpu.memory_space<vmem>>) target(%dma_start3A_647 : memref<8x128xf32, #tpu.memory_space<hbm>>) target_semaphore(%arg5 : memref<!tpu.dma_semaphore, #tpu.memory_space<semaphore_mem>>)
      %add3A_650 = arith.constant 640 : i32
      %add3A_651 = arith.addi %mul3A_58, %add3A_650 : i32
      %dma_start3A_652 = arith.constant 2 : i32
      %dma_start3A_653 = arith.constant 5 : i32
      %dma_start3A_654 = arith.constant 16 : i32
      %dma_start3A_655 = tpu.memref_slice %arg4[%dma_start3A_654, %add3A_651] : memref<32x2552xf32, #tpu.memory_space<vmem>> -> memref<8x128xf32, #tpu.memory_space<vmem>>
      %dma_start3A_656 = arith.constant 0 : i32
      %dma_start3A_657 = arith.constant 0 : i32
      %dma_start3A_658 = tpu.memref_slice %arg3[%add3A_54, %dma_start3A_652, %dma_start3A_653, %dma_start3A_656, %dma_start3A_657] : memref<2048x4x16x8x128xf32, #tpu.memory_space<hbm>> -> memref<1x1x1x8x128xf32, #tpu.memory_space<hbm>>
      %dma_start3A_659 = tpu.memref_squeeze %dma_start3A_658 : memref<1x1x1x8x128xf32, #tpu.memory_space<hbm>> -> memref<8x128xf32, #tpu.memory_space<hbm>>
      %dma_start3A_660 = arith.constant 0 : i32
      %dma_start3A_661 = arith.constant 0 : i32
      %dma_start3A_662 = tpu.memref_slice %arg3[%add3A_54, %dma_start3A_652, %dma_start3A_653, %dma_start3A_660, %dma_start3A_661] : memref<2048x4x16x8x128xf32, #tpu.memory_space<hbm>> -> memref<1x1x1x8x128xf32, #tpu.memory_space<hbm>>
      %dma_start3A_663 = tpu.memref_squeeze %dma_start3A_662 : memref<1x1x1x8x128xf32, #tpu.memory_space<hbm>> -> memref<8x128xf32, #tpu.memory_space<hbm>>
      %dma_start3A_664 = arith.constant 16 : i32
      %dma_start3A_665 = tpu.memref_slice %arg4[%dma_start3A_664, %add3A_651] : memref<32x2552xf32, #tpu.memory_space<vmem>> -> memref<8x128xf32, #tpu.memory_space<vmem>>
      tpu.enqueue_dma source(%dma_start3A_665 : memref<8x128xf32, #tpu.memory_space<vmem>>) target(%dma_start3A_663 : memref<8x128xf32, #tpu.memory_space<hbm>>) target_semaphore(%arg5 : memref<!tpu.dma_semaphore, #tpu.memory_space<semaphore_mem>>)
      %add3A_666 = arith.constant 768 : i32
      %add3A_667 = arith.addi %mul3A_58, %add3A_666 : i32
      %dma_start3A_668 = arith.constant 2 : i32
      %dma_start3A_669 = arith.constant 6 : i32
      %dma_start3A_670 = arith.constant 16 : i32
      %dma_start3A_671 = tpu.memref_slice %arg4[%dma_start3A_670, %add3A_667] : memref<32x2552xf32, #tpu.memory_space<vmem>> -> memref<8x128xf32, #tpu.memory_space<vmem>>
      %dma_start3A_672 = arith.constant 0 : i32
      %dma_start3A_673 = arith.constant 0 : i32
      %dma_start3A_674 = tpu.memref_slice %arg3[%add3A_54, %dma_start3A_668, %dma_start3A_669, %dma_start3A_672, %dma_start3A_673] : memref<2048x4x16x8x128xf32, #tpu.memory_space<hbm>> -> memref<1x1x1x8x128xf32, #tpu.memory_space<hbm>>
      %dma_start3A_675 = tpu.memref_squeeze %dma_start3A_674 : memref<1x1x1x8x128xf32, #tpu.memory_space<hbm>> -> memref<8x128xf32, #tpu.memory_space<hbm>>
      %dma_start3A_676 = arith.constant 0 : i32
      %dma_start3A_677 = arith.constant 0 : i32
      %dma_start3A_678 = tpu.memref_slice %arg3[%add3A_54, %dma_start3A_668, %dma_start3A_669, %dma_start3A_676, %dma_start3A_677] : memref<2048x4x16x8x128xf32, #tpu.memory_space<hbm>> -> memref<1x1x1x8x128xf32, #tpu.memory_space<hbm>>
      %dma_start3A_679 = tpu.memref_squeeze %dma_start3A_678 : memref<1x1x1x8x128xf32, #tpu.memory_space<hbm>> -> memref<8x128xf32, #tpu.memory_space<hbm>>
      %dma_start3A_680 = arith.constant 16 : i32
      %dma_start3A_681 = tpu.memref_slice %arg4[%dma_start3A_680, %add3A_667] : memref<32x2552xf32, #tpu.memory_space<vmem>> -> memref<8x128xf32, #tpu.memory_space<vmem>>
      tpu.enqueue_dma source(%dma_start3A_681 : memref<8x128xf32, #tpu.memory_space<vmem>>) target(%dma_start3A_679 : memref<8x128xf32, #tpu.memory_space<hbm>>) target_semaphore(%arg5 : memref<!tpu.dma_semaphore, #tpu.memory_space<semaphore_mem>>)
      %add3A_682 = arith.constant 896 : i32
      %add3A_683 = arith.addi %mul3A_58, %add3A_682 : i32
      %dma_start3A_684 = arith.constant 2 : i32
      %dma_start3A_685 = arith.constant 7 : i32
      %dma_start3A_686 = arith.constant 16 : i32
      %dma_start3A_687 = tpu.memref_slice %arg4[%dma_start3A_686, %add3A_683] : memref<32x2552xf32, #tpu.memory_space<vmem>> -> memref<8x128xf32, #tpu.memory_space<vmem>>
      %dma_start3A_688 = arith.constant 0 : i32
      %dma_start3A_689 = arith.constant 0 : i32
      %dma_start3A_690 = tpu.memref_slice %arg3[%add3A_54, %dma_start3A_684, %dma_start3A_685, %dma_start3A_688, %dma_start3A_689] : memref<2048x4x16x8x128xf32, #tpu.memory_space<hbm>> -> memref<1x1x1x8x128xf32, #tpu.memory_space<hbm>>
      %dma_start3A_691 = tpu.memref_squeeze %dma_start3A_690 : memref<1x1x1x8x128xf32, #tpu.memory_space<hbm>> -> memref<8x128xf32, #tpu.memory_space<hbm>>
      %dma_start3A_692 = arith.constant 0 : i32
      %dma_start3A_693 = arith.constant 0 : i32
      %dma_start3A_694 = tpu.memref_slice %arg3[%add3A_54, %dma_start3A_684, %dma_start3A_685, %dma_start3A_692, %dma_start3A_693] : memref<2048x4x16x8x128xf32, #tpu.memory_space<hbm>> -> memref<1x1x1x8x128xf32, #tpu.memory_space<hbm>>
      %dma_start3A_695 = tpu.memref_squeeze %dma_start3A_694 : memref<1x1x1x8x128xf32, #tpu.memory_space<hbm>> -> memref<8x128xf32, #tpu.memory_space<hbm>>
      %dma_start3A_696 = arith.constant 16 : i32
      %dma_start3A_697 = tpu.memref_slice %arg4[%dma_start3A_696, %add3A_683] : memref<32x2552xf32, #tpu.memory_space<vmem>> -> memref<8x128xf32, #tpu.memory_space<vmem>>
      tpu.enqueue_dma source(%dma_start3A_697 : memref<8x128xf32, #tpu.memory_space<vmem>>) target(%dma_start3A_695 : memref<8x128xf32, #tpu.memory_space<hbm>>) target_semaphore(%arg5 : memref<!tpu.dma_semaphore, #tpu.memory_space<semaphore_mem>>)
      %add3A_698 = arith.constant 1024 : i32
      %add3A_699 = arith.addi %mul3A_58, %add3A_698 : i32
      %dma_start3A_700 = arith.constant 2 : i32
      %dma_start3A_701 = arith.constant 8 : i32
      %dma_start3A_702 = arith.constant 16 : i32
      %dma_start3A_703 = tpu.memref_slice %arg4[%dma_start3A_702, %add3A_699] : memref<32x2552xf32, #tpu.memory_space<vmem>> -> memref<8x128xf32, #tpu.memory_space<vmem>>
      %dma_start3A_704 = arith.constant 0 : i32
      %dma_start3A_705 = arith.constant 0 : i32
      %dma_start3A_706 = tpu.memref_slice %arg3[%add3A_54, %dma_start3A_700, %dma_start3A_701, %dma_start3A_704, %dma_start3A_705] : memref<2048x4x16x8x128xf32, #tpu.memory_space<hbm>> -> memref<1x1x1x8x128xf32, #tpu.memory_space<hbm>>
      %dma_start3A_707 = tpu.memref_squeeze %dma_start3A_706 : memref<1x1x1x8x128xf32, #tpu.memory_space<hbm>> -> memref<8x128xf32, #tpu.memory_space<hbm>>
      %dma_start3A_708 = arith.constant 0 : i32
      %dma_start3A_709 = arith.constant 0 : i32
      %dma_start3A_710 = tpu.memref_slice %arg3[%add3A_54, %dma_start3A_700, %dma_start3A_701, %dma_start3A_708, %dma_start3A_709] : memref<2048x4x16x8x128xf32, #tpu.memory_space<hbm>> -> memref<1x1x1x8x128xf32, #tpu.memory_space<hbm>>
      %dma_start3A_711 = tpu.memref_squeeze %dma_start3A_710 : memref<1x1x1x8x128xf32, #tpu.memory_space<hbm>> -> memref<8x128xf32, #tpu.memory_space<hbm>>
      %dma_start3A_712 = arith.constant 16 : i32
      %dma_start3A_713 = tpu.memref_slice %arg4[%dma_start3A_712, %add3A_699] : memref<32x2552xf32, #tpu.memory_space<vmem>> -> memref<8x128xf32, #tpu.memory_space<vmem>>
      tpu.enqueue_dma source(%dma_start3A_713 : memref<8x128xf32, #tpu.memory_space<vmem>>) target(%dma_start3A_711 : memref<8x128xf32, #tpu.memory_space<hbm>>) target_semaphore(%arg5 : memref<!tpu.dma_semaphore, #tpu.memory_space<semaphore_mem>>)
      %add3A_714 = arith.constant 1152 : i32
      %add3A_715 = arith.addi %mul3A_58, %add3A_714 : i32
      %dma_start3A_716 = arith.constant 2 : i32
      %dma_start3A_717 = arith.constant 9 : i32
      %dma_start3A_718 = arith.constant 16 : i32
      %dma_start3A_719 = tpu.memref_slice %arg4[%dma_start3A_718, %add3A_715] : memref<32x2552xf32, #tpu.memory_space<vmem>> -> memref<8x128xf32, #tpu.memory_space<vmem>>
      %dma_start3A_720 = arith.constant 0 : i32
      %dma_start3A_721 = arith.constant 0 : i32
      %dma_start3A_722 = tpu.memref_slice %arg3[%add3A_54, %dma_start3A_716, %dma_start3A_717, %dma_start3A_720, %dma_start3A_721] : memref<2048x4x16x8x128xf32, #tpu.memory_space<hbm>> -> memref<1x1x1x8x128xf32, #tpu.memory_space<hbm>>
      %dma_start3A_723 = tpu.memref_squeeze %dma_start3A_722 : memref<1x1x1x8x128xf32, #tpu.memory_space<hbm>> -> memref<8x128xf32, #tpu.memory_space<hbm>>
      %dma_start3A_724 = arith.constant 0 : i32
      %dma_start3A_725 = arith.constant 0 : i32
      %dma_start3A_726 = tpu.memref_slice %arg3[%add3A_54, %dma_start3A_716, %dma_start3A_717, %dma_start3A_724, %dma_start3A_725] : memref<2048x4x16x8x128xf32, #tpu.memory_space<hbm>> -> memref<1x1x1x8x128xf32, #tpu.memory_space<hbm>>
      %dma_start3A_727 = tpu.memref_squeeze %dma_start3A_726 : memref<1x1x1x8x128xf32, #tpu.memory_space<hbm>> -> memref<8x128xf32, #tpu.memory_space<hbm>>
      %dma_start3A_728 = arith.constant 16 : i32
      %dma_start3A_729 = tpu.memref_slice %arg4[%dma_start3A_728, %add3A_715] : memref<32x2552xf32, #tpu.memory_space<vmem>> -> memref<8x128xf32, #tpu.memory_space<vmem>>
      tpu.enqueue_dma source(%dma_start3A_729 : memref<8x128xf32, #tpu.memory_space<vmem>>) target(%dma_start3A_727 : memref<8x128xf32, #tpu.memory_space<hbm>>) target_semaphore(%arg5 : memref<!tpu.dma_semaphore, #tpu.memory_space<semaphore_mem>>)
      %add3A_730 = arith.constant 1280 : i32
      %add3A_731 = arith.addi %mul3A_58, %add3A_730 : i32
      %dma_start3A_732 = arith.constant 2 : i32
      %dma_start3A_733 = arith.constant 10 : i32
      %dma_start3A_734 = arith.constant 16 : i32
      %dma_start3A_735 = tpu.memref_slice %arg4[%dma_start3A_734, %add3A_731] : memref<32x2552xf32, #tpu.memory_space<vmem>> -> memref<8x128xf32, #tpu.memory_space<vmem>>
      %dma_start3A_736 = arith.constant 0 : i32
      %dma_start3A_737 = arith.constant 0 : i32
      %dma_start3A_738 = tpu.memref_slice %arg3[%add3A_54, %dma_start3A_732, %dma_start3A_733, %dma_start3A_736, %dma_start3A_737] : memref<2048x4x16x8x128xf32, #tpu.memory_space<hbm>> -> memref<1x1x1x8x128xf32, #tpu.memory_space<hbm>>
      %dma_start3A_739 = tpu.memref_squeeze %dma_start3A_738 : memref<1x1x1x8x128xf32, #tpu.memory_space<hbm>> -> memref<8x128xf32, #tpu.memory_space<hbm>>
      %dma_start3A_740 = arith.constant 0 : i32
      %dma_start3A_741 = arith.constant 0 : i32
      %dma_start3A_742 = tpu.memref_slice %arg3[%add3A_54, %dma_start3A_732, %dma_start3A_733, %dma_start3A_740, %dma_start3A_741] : memref<2048x4x16x8x128xf32, #tpu.memory_space<hbm>> -> memref<1x1x1x8x128xf32, #tpu.memory_space<hbm>>
      %dma_start3A_743 = tpu.memref_squeeze %dma_start3A_742 : memref<1x1x1x8x128xf32, #tpu.memory_space<hbm>> -> memref<8x128xf32, #tpu.memory_space<hbm>>
      %dma_start3A_744 = arith.constant 16 : i32
      %dma_start3A_745 = tpu.memref_slice %arg4[%dma_start3A_744, %add3A_731] : memref<32x2552xf32, #tpu.memory_space<vmem>> -> memref<8x128xf32, #tpu.memory_space<vmem>>
      tpu.enqueue_dma source(%dma_start3A_745 : memref<8x128xf32, #tpu.memory_space<vmem>>) target(%dma_start3A_743 : memref<8x128xf32, #tpu.memory_space<hbm>>) target_semaphore(%arg5 : memref<!tpu.dma_semaphore, #tpu.memory_space<semaphore_mem>>)
      %add3A_746 = arith.constant 1408 : i32
      %add3A_747 = arith.addi %mul3A_58, %add3A_746 : i32
      %dma_start3A_748 = arith.constant 2 : i32
      %dma_start3A_749 = arith.constant 11 : i32
      %dma_start3A_750 = arith.constant 16 : i32
      %dma_start3A_751 = tpu.memref_slice %arg4[%dma_start3A_750, %add3A_747] : memref<32x2552xf32, #tpu.memory_space<vmem>> -> memref<8x128xf32, #tpu.memory_space<vmem>>
      %dma_start3A_752 = arith.constant 0 : i32
      %dma_start3A_753 = arith.constant 0 : i32
      %dma_start3A_754 = tpu.memref_slice %arg3[%add3A_54, %dma_start3A_748, %dma_start3A_749, %dma_start3A_752, %dma_start3A_753] : memref<2048x4x16x8x128xf32, #tpu.memory_space<hbm>> -> memref<1x1x1x8x128xf32, #tpu.memory_space<hbm>>
      %dma_start3A_755 = tpu.memref_squeeze %dma_start3A_754 : memref<1x1x1x8x128xf32, #tpu.memory_space<hbm>> -> memref<8x128xf32, #tpu.memory_space<hbm>>
      %dma_start3A_756 = arith.constant 0 : i32
      %dma_start3A_757 = arith.constant 0 : i32
      %dma_start3A_758 = tpu.memref_slice %arg3[%add3A_54, %dma_start3A_748, %dma_start3A_749, %dma_start3A_756, %dma_start3A_757] : memref<2048x4x16x8x128xf32, #tpu.memory_space<hbm>> -> memref<1x1x1x8x128xf32, #tpu.memory_space<hbm>>
      %dma_start3A_759 = tpu.memref_squeeze %dma_start3A_758 : memref<1x1x1x8x128xf32, #tpu.memory_space<hbm>> -> memref<8x128xf32, #tpu.memory_space<hbm>>
      %dma_start3A_760 = arith.constant 16 : i32
      %dma_start3A_761 = tpu.memref_slice %arg4[%dma_start3A_760, %add3A_747] : memref<32x2552xf32, #tpu.memory_space<vmem>> -> memref<8x128xf32, #tpu.memory_space<vmem>>
      tpu.enqueue_dma source(%dma_start3A_761 : memref<8x128xf32, #tpu.memory_space<vmem>>) target(%dma_start3A_759 : memref<8x128xf32, #tpu.memory_space<hbm>>) target_semaphore(%arg5 : memref<!tpu.dma_semaphore, #tpu.memory_space<semaphore_mem>>)
      %add3A_762 = arith.constant 1536 : i32
      %add3A_763 = arith.addi %mul3A_58, %add3A_762 : i32
      %dma_start3A_764 = arith.constant 2 : i32
      %dma_start3A_765 = arith.constant 12 : i32
      %dma_start3A_766 = arith.constant 16 : i32
      %dma_start3A_767 = tpu.memref_slice %arg4[%dma_start3A_766, %add3A_763] : memref<32x2552xf32, #tpu.memory_space<vmem>> -> memref<8x128xf32, #tpu.memory_space<vmem>>
      %dma_start3A_768 = arith.constant 0 : i32
      %dma_start3A_769 = arith.constant 0 : i32
      %dma_start3A_770 = tpu.memref_slice %arg3[%add3A_54, %dma_start3A_764, %dma_start3A_765, %dma_start3A_768, %dma_start3A_769] : memref<2048x4x16x8x128xf32, #tpu.memory_space<hbm>> -> memref<1x1x1x8x128xf32, #tpu.memory_space<hbm>>
      %dma_start3A_771 = tpu.memref_squeeze %dma_start3A_770 : memref<1x1x1x8x128xf32, #tpu.memory_space<hbm>> -> memref<8x128xf32, #tpu.memory_space<hbm>>
      %dma_start3A_772 = arith.constant 0 : i32
      %dma_start3A_773 = arith.constant 0 : i32
      %dma_start3A_774 = tpu.memref_slice %arg3[%add3A_54, %dma_start3A_764, %dma_start3A_765, %dma_start3A_772, %dma_start3A_773] : memref<2048x4x16x8x128xf32, #tpu.memory_space<hbm>> -> memref<1x1x1x8x128xf32, #tpu.memory_space<hbm>>
      %dma_start3A_775 = tpu.memref_squeeze %dma_start3A_774 : memref<1x1x1x8x128xf32, #tpu.memory_space<hbm>> -> memref<8x128xf32, #tpu.memory_space<hbm>>
      %dma_start3A_776 = arith.constant 16 : i32
      %dma_start3A_777 = tpu.memref_slice %arg4[%dma_start3A_776, %add3A_763] : memref<32x2552xf32, #tpu.memory_space<vmem>> -> memref<8x128xf32, #tpu.memory_space<vmem>>
      tpu.enqueue_dma source(%dma_start3A_777 : memref<8x128xf32, #tpu.memory_space<vmem>>) target(%dma_start3A_775 : memref<8x128xf32, #tpu.memory_space<hbm>>) target_semaphore(%arg5 : memref<!tpu.dma_semaphore, #tpu.memory_space<semaphore_mem>>)
      %add3A_778 = arith.constant 1664 : i32
      %add3A_779 = arith.addi %mul3A_58, %add3A_778 : i32
      %dma_start3A_780 = arith.constant 2 : i32
      %dma_start3A_781 = arith.constant 13 : i32
      %dma_start3A_782 = arith.constant 16 : i32
      %dma_start3A_783 = tpu.memref_slice %arg4[%dma_start3A_782, %add3A_779] : memref<32x2552xf32, #tpu.memory_space<vmem>> -> memref<8x128xf32, #tpu.memory_space<vmem>>
      %dma_start3A_784 = arith.constant 0 : i32
      %dma_start3A_785 = arith.constant 0 : i32
      %dma_start3A_786 = tpu.memref_slice %arg3[%add3A_54, %dma_start3A_780, %dma_start3A_781, %dma_start3A_784, %dma_start3A_785] : memref<2048x4x16x8x128xf32, #tpu.memory_space<hbm>> -> memref<1x1x1x8x128xf32, #tpu.memory_space<hbm>>
      %dma_start3A_787 = tpu.memref_squeeze %dma_start3A_786 : memref<1x1x1x8x128xf32, #tpu.memory_space<hbm>> -> memref<8x128xf32, #tpu.memory_space<hbm>>
      %dma_start3A_788 = arith.constant 0 : i32
      %dma_start3A_789 = arith.constant 0 : i32
      %dma_start3A_790 = tpu.memref_slice %arg3[%add3A_54, %dma_start3A_780, %dma_start3A_781, %dma_start3A_788, %dma_start3A_789] : memref<2048x4x16x8x128xf32, #tpu.memory_space<hbm>> -> memref<1x1x1x8x128xf32, #tpu.memory_space<hbm>>
      %dma_start3A_791 = tpu.memref_squeeze %dma_start3A_790 : memref<1x1x1x8x128xf32, #tpu.memory_space<hbm>> -> memref<8x128xf32, #tpu.memory_space<hbm>>
      %dma_start3A_792 = arith.constant 16 : i32
      %dma_start3A_793 = tpu.memref_slice %arg4[%dma_start3A_792, %add3A_779] : memref<32x2552xf32, #tpu.memory_space<vmem>> -> memref<8x128xf32, #tpu.memory_space<vmem>>
      tpu.enqueue_dma source(%dma_start3A_793 : memref<8x128xf32, #tpu.memory_space<vmem>>) target(%dma_start3A_791 : memref<8x128xf32, #tpu.memory_space<hbm>>) target_semaphore(%arg5 : memref<!tpu.dma_semaphore, #tpu.memory_space<semaphore_mem>>)
      %add3A_794 = arith.constant 1792 : i32
      %add3A_795 = arith.addi %mul3A_58, %add3A_794 : i32
      %dma_start3A_796 = arith.constant 2 : i32
      %dma_start3A_797 = arith.constant 14 : i32
      %dma_start3A_798 = arith.constant 16 : i32
      %dma_start3A_799 = tpu.memref_slice %arg4[%dma_start3A_798, %add3A_795] : memref<32x2552xf32, #tpu.memory_space<vmem>> -> memref<8x128xf32, #tpu.memory_space<vmem>>
      %dma_start3A_800 = arith.constant 0 : i32
      %dma_start3A_801 = arith.constant 0 : i32
      %dma_start3A_802 = tpu.memref_slice %arg3[%add3A_54, %dma_start3A_796, %dma_start3A_797, %dma_start3A_800, %dma_start3A_801] : memref<2048x4x16x8x128xf32, #tpu.memory_space<hbm>> -> memref<1x1x1x8x128xf32, #tpu.memory_space<hbm>>
      %dma_start3A_803 = tpu.memref_squeeze %dma_start3A_802 : memref<1x1x1x8x128xf32, #tpu.memory_space<hbm>> -> memref<8x128xf32, #tpu.memory_space<hbm>>
      %dma_start3A_804 = arith.constant 0 : i32
      %dma_start3A_805 = arith.constant 0 : i32
      %dma_start3A_806 = tpu.memref_slice %arg3[%add3A_54, %dma_start3A_796, %dma_start3A_797, %dma_start3A_804, %dma_start3A_805] : memref<2048x4x16x8x128xf32, #tpu.memory_space<hbm>> -> memref<1x1x1x8x128xf32, #tpu.memory_space<hbm>>
      %dma_start3A_807 = tpu.memref_squeeze %dma_start3A_806 : memref<1x1x1x8x128xf32, #tpu.memory_space<hbm>> -> memref<8x128xf32, #tpu.memory_space<hbm>>
      %dma_start3A_808 = arith.constant 16 : i32
      %dma_start3A_809 = tpu.memref_slice %arg4[%dma_start3A_808, %add3A_795] : memref<32x2552xf32, #tpu.memory_space<vmem>> -> memref<8x128xf32, #tpu.memory_space<vmem>>
      tpu.enqueue_dma source(%dma_start3A_809 : memref<8x128xf32, #tpu.memory_space<vmem>>) target(%dma_start3A_807 : memref<8x128xf32, #tpu.memory_space<hbm>>) target_semaphore(%arg5 : memref<!tpu.dma_semaphore, #tpu.memory_space<semaphore_mem>>)
      %add3A_810 = arith.constant 1920 : i32
      %add3A_811 = arith.addi %mul3A_58, %add3A_810 : i32
      %dma_start3A_812 = arith.constant 2 : i32
      %dma_start3A_813 = arith.constant 15 : i32
      %dma_start3A_814 = arith.constant 16 : i32
      %dma_start3A_815 = tpu.memref_slice %arg4[%dma_start3A_814, %add3A_811] : memref<32x2552xf32, #tpu.memory_space<vmem>> -> memref<8x128xf32, #tpu.memory_space<vmem>>
      %dma_start3A_816 = arith.constant 0 : i32
      %dma_start3A_817 = arith.constant 0 : i32
      %dma_start3A_818 = tpu.memref_slice %arg3[%add3A_54, %dma_start3A_812, %dma_start3A_813, %dma_start3A_816, %dma_start3A_817] : memref<2048x4x16x8x128xf32, #tpu.memory_space<hbm>> -> memref<1x1x1x8x128xf32, #tpu.memory_space<hbm>>
      %dma_start3A_819 = tpu.memref_squeeze %dma_start3A_818 : memref<1x1x1x8x128xf32, #tpu.memory_space<hbm>> -> memref<8x128xf32, #tpu.memory_space<hbm>>
      %dma_start3A_820 = arith.constant 0 : i32
      %dma_start3A_821 = arith.constant 0 : i32
      %dma_start3A_822 = tpu.memref_slice %arg3[%add3A_54, %dma_start3A_812, %dma_start3A_813, %dma_start3A_820, %dma_start3A_821] : memref<2048x4x16x8x128xf32, #tpu.memory_space<hbm>> -> memref<1x1x1x8x128xf32, #tpu.memory_space<hbm>>
      %dma_start3A_823 = tpu.memref_squeeze %dma_start3A_822 : memref<1x1x1x8x128xf32, #tpu.memory_space<hbm>> -> memref<8x128xf32, #tpu.memory_space<hbm>>
      %dma_start3A_824 = arith.constant 16 : i32
      %dma_start3A_825 = tpu.memref_slice %arg4[%dma_start3A_824, %add3A_811] : memref<32x2552xf32, #tpu.memory_space<vmem>> -> memref<8x128xf32, #tpu.memory_space<vmem>>
      tpu.enqueue_dma source(%dma_start3A_825 : memref<8x128xf32, #tpu.memory_space<vmem>>) target(%dma_start3A_823 : memref<8x128xf32, #tpu.memory_space<hbm>>) target_semaphore(%arg5 : memref<!tpu.dma_semaphore, #tpu.memory_space<semaphore_mem>>)
      %add3A_826 = arith.constant 0 : i32
      %add3A_827 = arith.addi %mul3A_58, %add3A_826 : i32
      %dma_start3A_828 = arith.constant 3 : i32
      %dma_start3A_829 = arith.constant 0 : i32
      %dma_start3A_830 = arith.constant 24 : i32
      %dma_start3A_831 = tpu.memref_slice %arg4[%dma_start3A_830, %add3A_827] : memref<32x2552xf32, #tpu.memory_space<vmem>> -> memref<8x128xf32, #tpu.memory_space<vmem>>
      %dma_start3A_832 = arith.constant 0 : i32
      %dma_start3A_833 = arith.constant 0 : i32
      %dma_start3A_834 = tpu.memref_slice %arg3[%add3A_54, %dma_start3A_828, %dma_start3A_829, %dma_start3A_832, %dma_start3A_833] : memref<2048x4x16x8x128xf32, #tpu.memory_space<hbm>> -> memref<1x1x1x8x128xf32, #tpu.memory_space<hbm>>
      %dma_start3A_835 = tpu.memref_squeeze %dma_start3A_834 : memref<1x1x1x8x128xf32, #tpu.memory_space<hbm>> -> memref<8x128xf32, #tpu.memory_space<hbm>>
      %dma_start3A_836 = arith.constant 0 : i32
      %dma_start3A_837 = arith.constant 0 : i32
      %dma_start3A_838 = tpu.memref_slice %arg3[%add3A_54, %dma_start3A_828, %dma_start3A_829, %dma_start3A_836, %dma_start3A_837] : memref<2048x4x16x8x128xf32, #tpu.memory_space<hbm>> -> memref<1x1x1x8x128xf32, #tpu.memory_space<hbm>>
      %dma_start3A_839 = tpu.memref_squeeze %dma_start3A_838 : memref<1x1x1x8x128xf32, #tpu.memory_space<hbm>> -> memref<8x128xf32, #tpu.memory_space<hbm>>
      %dma_start3A_840 = arith.constant 24 : i32
      %dma_start3A_841 = tpu.memref_slice %arg4[%dma_start3A_840, %add3A_827] : memref<32x2552xf32, #tpu.memory_space<vmem>> -> memref<8x128xf32, #tpu.memory_space<vmem>>
      tpu.enqueue_dma source(%dma_start3A_841 : memref<8x128xf32, #tpu.memory_space<vmem>>) target(%dma_start3A_839 : memref<8x128xf32, #tpu.memory_space<hbm>>) target_semaphore(%arg5 : memref<!tpu.dma_semaphore, #tpu.memory_space<semaphore_mem>>)
      %add3A_842 = arith.constant 128 : i32
      %add3A_843 = arith.addi %mul3A_58, %add3A_842 : i32
      %dma_start3A_844 = arith.constant 3 : i32
      %dma_start3A_845 = arith.constant 1 : i32
      %dma_start3A_846 = arith.constant 24 : i32
      %dma_start3A_847 = tpu.memref_slice %arg4[%dma_start3A_846, %add3A_843] : memref<32x2552xf32, #tpu.memory_space<vmem>> -> memref<8x128xf32, #tpu.memory_space<vmem>>
      %dma_start3A_848 = arith.constant 0 : i32
      %dma_start3A_849 = arith.constant 0 : i32
      %dma_start3A_850 = tpu.memref_slice %arg3[%add3A_54, %dma_start3A_844, %dma_start3A_845, %dma_start3A_848, %dma_start3A_849] : memref<2048x4x16x8x128xf32, #tpu.memory_space<hbm>> -> memref<1x1x1x8x128xf32, #tpu.memory_space<hbm>>
      %dma_start3A_851 = tpu.memref_squeeze %dma_start3A_850 : memref<1x1x1x8x128xf32, #tpu.memory_space<hbm>> -> memref<8x128xf32, #tpu.memory_space<hbm>>
      %dma_start3A_852 = arith.constant 0 : i32
      %dma_start3A_853 = arith.constant 0 : i32
      %dma_start3A_854 = tpu.memref_slice %arg3[%add3A_54, %dma_start3A_844, %dma_start3A_845, %dma_start3A_852, %dma_start3A_853] : memref<2048x4x16x8x128xf32, #tpu.memory_space<hbm>> -> memref<1x1x1x8x128xf32, #tpu.memory_space<hbm>>
      %dma_start3A_855 = tpu.memref_squeeze %dma_start3A_854 : memref<1x1x1x8x128xf32, #tpu.memory_space<hbm>> -> memref<8x128xf32, #tpu.memory_space<hbm>>
      %dma_start3A_856 = arith.constant 24 : i32
      %dma_start3A_857 = tpu.memref_slice %arg4[%dma_start3A_856, %add3A_843] : memref<32x2552xf32, #tpu.memory_space<vmem>> -> memref<8x128xf32, #tpu.memory_space<vmem>>
      tpu.enqueue_dma source(%dma_start3A_857 : memref<8x128xf32, #tpu.memory_space<vmem>>) target(%dma_start3A_855 : memref<8x128xf32, #tpu.memory_space<hbm>>) target_semaphore(%arg5 : memref<!tpu.dma_semaphore, #tpu.memory_space<semaphore_mem>>)
      %add3A_858 = arith.constant 256 : i32
      %add3A_859 = arith.addi %mul3A_58, %add3A_858 : i32
      %dma_start3A_860 = arith.constant 3 : i32
      %dma_start3A_861 = arith.constant 2 : i32
      %dma_start3A_862 = arith.constant 24 : i32
      %dma_start3A_863 = tpu.memref_slice %arg4[%dma_start3A_862, %add3A_859] : memref<32x2552xf32, #tpu.memory_space<vmem>> -> memref<8x128xf32, #tpu.memory_space<vmem>>
      %dma_start3A_864 = arith.constant 0 : i32
      %dma_start3A_865 = arith.constant 0 : i32
      %dma_start3A_866 = tpu.memref_slice %arg3[%add3A_54, %dma_start3A_860, %dma_start3A_861, %dma_start3A_864, %dma_start3A_865] : memref<2048x4x16x8x128xf32, #tpu.memory_space<hbm>> -> memref<1x1x1x8x128xf32, #tpu.memory_space<hbm>>
      %dma_start3A_867 = tpu.memref_squeeze %dma_start3A_866 : memref<1x1x1x8x128xf32, #tpu.memory_space<hbm>> -> memref<8x128xf32, #tpu.memory_space<hbm>>
      %dma_start3A_868 = arith.constant 0 : i32
      %dma_start3A_869 = arith.constant 0 : i32
      %dma_start3A_870 = tpu.memref_slice %arg3[%add3A_54, %dma_start3A_860, %dma_start3A_861, %dma_start3A_868, %dma_start3A_869] : memref<2048x4x16x8x128xf32, #tpu.memory_space<hbm>> -> memref<1x1x1x8x128xf32, #tpu.memory_space<hbm>>
      %dma_start3A_871 = tpu.memref_squeeze %dma_start3A_870 : memref<1x1x1x8x128xf32, #tpu.memory_space<hbm>> -> memref<8x128xf32, #tpu.memory_space<hbm>>
      %dma_start3A_872 = arith.constant 24 : i32
      %dma_start3A_873 = tpu.memref_slice %arg4[%dma_start3A_872, %add3A_859] : memref<32x2552xf32, #tpu.memory_space<vmem>> -> memref<8x128xf32, #tpu.memory_space<vmem>>
      tpu.enqueue_dma source(%dma_start3A_873 : memref<8x128xf32, #tpu.memory_space<vmem>>) target(%dma_start3A_871 : memref<8x128xf32, #tpu.memory_space<hbm>>) target_semaphore(%arg5 : memref<!tpu.dma_semaphore, #tpu.memory_space<semaphore_mem>>)
      %add3A_874 = arith.constant 384 : i32
      %add3A_875 = arith.addi %mul3A_58, %add3A_874 : i32
      %dma_start3A_876 = arith.constant 3 : i32
      %dma_start3A_877 = arith.constant 3 : i32
      %dma_start3A_878 = arith.constant 24 : i32
      %dma_start3A_879 = tpu.memref_slice %arg4[%dma_start3A_878, %add3A_875] : memref<32x2552xf32, #tpu.memory_space<vmem>> -> memref<8x128xf32, #tpu.memory_space<vmem>>
      %dma_start3A_880 = arith.constant 0 : i32
      %dma_start3A_881 = arith.constant 0 : i32
      %dma_start3A_882 = tpu.memref_slice %arg3[%add3A_54, %dma_start3A_876, %dma_start3A_877, %dma_start3A_880, %dma_start3A_881] : memref<2048x4x16x8x128xf32, #tpu.memory_space<hbm>> -> memref<1x1x1x8x128xf32, #tpu.memory_space<hbm>>
      %dma_start3A_883 = tpu.memref_squeeze %dma_start3A_882 : memref<1x1x1x8x128xf32, #tpu.memory_space<hbm>> -> memref<8x128xf32, #tpu.memory_space<hbm>>
      %dma_start3A_884 = arith.constant 0 : i32
      %dma_start3A_885 = arith.constant 0 : i32
      %dma_start3A_886 = tpu.memref_slice %arg3[%add3A_54, %dma_start3A_876, %dma_start3A_877, %dma_start3A_884, %dma_start3A_885] : memref<2048x4x16x8x128xf32, #tpu.memory_space<hbm>> -> memref<1x1x1x8x128xf32, #tpu.memory_space<hbm>>
      %dma_start3A_887 = tpu.memref_squeeze %dma_start3A_886 : memref<1x1x1x8x128xf32, #tpu.memory_space<hbm>> -> memref<8x128xf32, #tpu.memory_space<hbm>>
      %dma_start3A_888 = arith.constant 24 : i32
      %dma_start3A_889 = tpu.memref_slice %arg4[%dma_start3A_888, %add3A_875] : memref<32x2552xf32, #tpu.memory_space<vmem>> -> memref<8x128xf32, #tpu.memory_space<vmem>>
      tpu.enqueue_dma source(%dma_start3A_889 : memref<8x128xf32, #tpu.memory_space<vmem>>) target(%dma_start3A_887 : memref<8x128xf32, #tpu.memory_space<hbm>>) target_semaphore(%arg5 : memref<!tpu.dma_semaphore, #tpu.memory_space<semaphore_mem>>)
      %add3A_890 = arith.constant 512 : i32
      %add3A_891 = arith.addi %mul3A_58, %add3A_890 : i32
      %dma_start3A_892 = arith.constant 3 : i32
      %dma_start3A_893 = arith.constant 4 : i32
      %dma_start3A_894 = arith.constant 24 : i32
      %dma_start3A_895 = tpu.memref_slice %arg4[%dma_start3A_894, %add3A_891] : memref<32x2552xf32, #tpu.memory_space<vmem>> -> memref<8x128xf32, #tpu.memory_space<vmem>>
      %dma_start3A_896 = arith.constant 0 : i32
      %dma_start3A_897 = arith.constant 0 : i32
      %dma_start3A_898 = tpu.memref_slice %arg3[%add3A_54, %dma_start3A_892, %dma_start3A_893, %dma_start3A_896, %dma_start3A_897] : memref<2048x4x16x8x128xf32, #tpu.memory_space<hbm>> -> memref<1x1x1x8x128xf32, #tpu.memory_space<hbm>>
      %dma_start3A_899 = tpu.memref_squeeze %dma_start3A_898 : memref<1x1x1x8x128xf32, #tpu.memory_space<hbm>> -> memref<8x128xf32, #tpu.memory_space<hbm>>
      %dma_start3A_900 = arith.constant 0 : i32
      %dma_start3A_901 = arith.constant 0 : i32
      %dma_start3A_902 = tpu.memref_slice %arg3[%add3A_54, %dma_start3A_892, %dma_start3A_893, %dma_start3A_900, %dma_start3A_901] : memref<2048x4x16x8x128xf32, #tpu.memory_space<hbm>> -> memref<1x1x1x8x128xf32, #tpu.memory_space<hbm>>
      %dma_start3A_903 = tpu.memref_squeeze %dma_start3A_902 : memref<1x1x1x8x128xf32, #tpu.memory_space<hbm>> -> memref<8x128xf32, #tpu.memory_space<hbm>>
      %dma_start3A_904 = arith.constant 24 : i32
      %dma_start3A_905 = tpu.memref_slice %arg4[%dma_start3A_904, %add3A_891] : memref<32x2552xf32, #tpu.memory_space<vmem>> -> memref<8x128xf32, #tpu.memory_space<vmem>>
      tpu.enqueue_dma source(%dma_start3A_905 : memref<8x128xf32, #tpu.memory_space<vmem>>) target(%dma_start3A_903 : memref<8x128xf32, #tpu.memory_space<hbm>>) target_semaphore(%arg5 : memref<!tpu.dma_semaphore, #tpu.memory_space<semaphore_mem>>)
      %add3A_906 = arith.constant 640 : i32
      %add3A_907 = arith.addi %mul3A_58, %add3A_906 : i32
      %dma_start3A_908 = arith.constant 3 : i32
      %dma_start3A_909 = arith.constant 5 : i32
      %dma_start3A_910 = arith.constant 24 : i32
      %dma_start3A_911 = tpu.memref_slice %arg4[%dma_start3A_910, %add3A_907] : memref<32x2552xf32, #tpu.memory_space<vmem>> -> memref<8x128xf32, #tpu.memory_space<vmem>>
      %dma_start3A_912 = arith.constant 0 : i32
      %dma_start3A_913 = arith.constant 0 : i32
      %dma_start3A_914 = tpu.memref_slice %arg3[%add3A_54, %dma_start3A_908, %dma_start3A_909, %dma_start3A_912, %dma_start3A_913] : memref<2048x4x16x8x128xf32, #tpu.memory_space<hbm>> -> memref<1x1x1x8x128xf32, #tpu.memory_space<hbm>>
      %dma_start3A_915 = tpu.memref_squeeze %dma_start3A_914 : memref<1x1x1x8x128xf32, #tpu.memory_space<hbm>> -> memref<8x128xf32, #tpu.memory_space<hbm>>
      %dma_start3A_916 = arith.constant 0 : i32
      %dma_start3A_917 = arith.constant 0 : i32
      %dma_start3A_918 = tpu.memref_slice %arg3[%add3A_54, %dma_start3A_908, %dma_start3A_909, %dma_start3A_916, %dma_start3A_917] : memref<2048x4x16x8x128xf32, #tpu.memory_space<hbm>> -> memref<1x1x1x8x128xf32, #tpu.memory_space<hbm>>
      %dma_start3A_919 = tpu.memref_squeeze %dma_start3A_918 : memref<1x1x1x8x128xf32, #tpu.memory_space<hbm>> -> memref<8x128xf32, #tpu.memory_space<hbm>>
      %dma_start3A_920 = arith.constant 24 : i32
      %dma_start3A_921 = tpu.memref_slice %arg4[%dma_start3A_920, %add3A_907] : memref<32x2552xf32, #tpu.memory_space<vmem>> -> memref<8x128xf32, #tpu.memory_space<vmem>>
      tpu.enqueue_dma source(%dma_start3A_921 : memref<8x128xf32, #tpu.memory_space<vmem>>) target(%dma_start3A_919 : memref<8x128xf32, #tpu.memory_space<hbm>>) target_semaphore(%arg5 : memref<!tpu.dma_semaphore, #tpu.memory_space<semaphore_mem>>)
      %add3A_922 = arith.constant 768 : i32
      %add3A_923 = arith.addi %mul3A_58, %add3A_922 : i32
      %dma_start3A_924 = arith.constant 3 : i32
      %dma_start3A_925 = arith.constant 6 : i32
      %dma_start3A_926 = arith.constant 24 : i32
      %dma_start3A_927 = tpu.memref_slice %arg4[%dma_start3A_926, %add3A_923] : memref<32x2552xf32, #tpu.memory_space<vmem>> -> memref<8x128xf32, #tpu.memory_space<vmem>>
      %dma_start3A_928 = arith.constant 0 : i32
      %dma_start3A_929 = arith.constant 0 : i32
      %dma_start3A_930 = tpu.memref_slice %arg3[%add3A_54, %dma_start3A_924, %dma_start3A_925, %dma_start3A_928, %dma_start3A_929] : memref<2048x4x16x8x128xf32, #tpu.memory_space<hbm>> -> memref<1x1x1x8x128xf32, #tpu.memory_space<hbm>>
      %dma_start3A_931 = tpu.memref_squeeze %dma_start3A_930 : memref<1x1x1x8x128xf32, #tpu.memory_space<hbm>> -> memref<8x128xf32, #tpu.memory_space<hbm>>
      %dma_start3A_932 = arith.constant 0 : i32
      %dma_start3A_933 = arith.constant 0 : i32
      %dma_start3A_934 = tpu.memref_slice %arg3[%add3A_54, %dma_start3A_924, %dma_start3A_925, %dma_start3A_932, %dma_start3A_933] : memref<2048x4x16x8x128xf32, #tpu.memory_space<hbm>> -> memref<1x1x1x8x128xf32, #tpu.memory_space<hbm>>
      %dma_start3A_935 = tpu.memref_squeeze %dma_start3A_934 : memref<1x1x1x8x128xf32, #tpu.memory_space<hbm>> -> memref<8x128xf32, #tpu.memory_space<hbm>>
      %dma_start3A_936 = arith.constant 24 : i32
      %dma_start3A_937 = tpu.memref_slice %arg4[%dma_start3A_936, %add3A_923] : memref<32x2552xf32, #tpu.memory_space<vmem>> -> memref<8x128xf32, #tpu.memory_space<vmem>>
      tpu.enqueue_dma source(%dma_start3A_937 : memref<8x128xf32, #tpu.memory_space<vmem>>) target(%dma_start3A_935 : memref<8x128xf32, #tpu.memory_space<hbm>>) target_semaphore(%arg5 : memref<!tpu.dma_semaphore, #tpu.memory_space<semaphore_mem>>)
      %add3A_938 = arith.constant 896 : i32
      %add3A_939 = arith.addi %mul3A_58, %add3A_938 : i32
      %dma_start3A_940 = arith.constant 3 : i32
      %dma_start3A_941 = arith.constant 7 : i32
      %dma_start3A_942 = arith.constant 24 : i32
      %dma_start3A_943 = tpu.memref_slice %arg4[%dma_start3A_942, %add3A_939] : memref<32x2552xf32, #tpu.memory_space<vmem>> -> memref<8x128xf32, #tpu.memory_space<vmem>>
      %dma_start3A_944 = arith.constant 0 : i32
      %dma_start3A_945 = arith.constant 0 : i32
      %dma_start3A_946 = tpu.memref_slice %arg3[%add3A_54, %dma_start3A_940, %dma_start3A_941, %dma_start3A_944, %dma_start3A_945] : memref<2048x4x16x8x128xf32, #tpu.memory_space<hbm>> -> memref<1x1x1x8x128xf32, #tpu.memory_space<hbm>>
      %dma_start3A_947 = tpu.memref_squeeze %dma_start3A_946 : memref<1x1x1x8x128xf32, #tpu.memory_space<hbm>> -> memref<8x128xf32, #tpu.memory_space<hbm>>
      %dma_start3A_948 = arith.constant 0 : i32
      %dma_start3A_949 = arith.constant 0 : i32
      %dma_start3A_950 = tpu.memref_slice %arg3[%add3A_54, %dma_start3A_940, %dma_start3A_941, %dma_start3A_948, %dma_start3A_949] : memref<2048x4x16x8x128xf32, #tpu.memory_space<hbm>> -> memref<1x1x1x8x128xf32, #tpu.memory_space<hbm>>
      %dma_start3A_951 = tpu.memref_squeeze %dma_start3A_950 : memref<1x1x1x8x128xf32, #tpu.memory_space<hbm>> -> memref<8x128xf32, #tpu.memory_space<hbm>>
      %dma_start3A_952 = arith.constant 24 : i32
      %dma_start3A_953 = tpu.memref_slice %arg4[%dma_start3A_952, %add3A_939] : memref<32x2552xf32, #tpu.memory_space<vmem>> -> memref<8x128xf32, #tpu.memory_space<vmem>>
      tpu.enqueue_dma source(%dma_start3A_953 : memref<8x128xf32, #tpu.memory_space<vmem>>) target(%dma_start3A_951 : memref<8x128xf32, #tpu.memory_space<hbm>>) target_semaphore(%arg5 : memref<!tpu.dma_semaphore, #tpu.memory_space<semaphore_mem>>)
      %add3A_954 = arith.constant 1024 : i32
      %add3A_955 = arith.addi %mul3A_58, %add3A_954 : i32
      %dma_start3A_956 = arith.constant 3 : i32
      %dma_start3A_957 = arith.constant 8 : i32
      %dma_start3A_958 = arith.constant 24 : i32
      %dma_start3A_959 = tpu.memref_slice %arg4[%dma_start3A_958, %add3A_955] : memref<32x2552xf32, #tpu.memory_space<vmem>> -> memref<8x128xf32, #tpu.memory_space<vmem>>
      %dma_start3A_960 = arith.constant 0 : i32
      %dma_start3A_961 = arith.constant 0 : i32
      %dma_start3A_962 = tpu.memref_slice %arg3[%add3A_54, %dma_start3A_956, %dma_start3A_957, %dma_start3A_960, %dma_start3A_961] : memref<2048x4x16x8x128xf32, #tpu.memory_space<hbm>> -> memref<1x1x1x8x128xf32, #tpu.memory_space<hbm>>
      %dma_start3A_963 = tpu.memref_squeeze %dma_start3A_962 : memref<1x1x1x8x128xf32, #tpu.memory_space<hbm>> -> memref<8x128xf32, #tpu.memory_space<hbm>>
      %dma_start3A_964 = arith.constant 0 : i32
      %dma_start3A_965 = arith.constant 0 : i32
      %dma_start3A_966 = tpu.memref_slice %arg3[%add3A_54, %dma_start3A_956, %dma_start3A_957, %dma_start3A_964, %dma_start3A_965] : memref<2048x4x16x8x128xf32, #tpu.memory_space<hbm>> -> memref<1x1x1x8x128xf32, #tpu.memory_space<hbm>>
      %dma_start3A_967 = tpu.memref_squeeze %dma_start3A_966 : memref<1x1x1x8x128xf32, #tpu.memory_space<hbm>> -> memref<8x128xf32, #tpu.memory_space<hbm>>
      %dma_start3A_968 = arith.constant 24 : i32
      %dma_start3A_969 = tpu.memref_slice %arg4[%dma_start3A_968, %add3A_955] : memref<32x2552xf32, #tpu.memory_space<vmem>> -> memref<8x128xf32, #tpu.memory_space<vmem>>
      tpu.enqueue_dma source(%dma_start3A_969 : memref<8x128xf32, #tpu.memory_space<vmem>>) target(%dma_start3A_967 : memref<8x128xf32, #tpu.memory_space<hbm>>) target_semaphore(%arg5 : memref<!tpu.dma_semaphore, #tpu.memory_space<semaphore_mem>>)
      %add3A_970 = arith.constant 1152 : i32
      %add3A_971 = arith.addi %mul3A_58, %add3A_970 : i32
      %dma_start3A_972 = arith.constant 3 : i32
      %dma_start3A_973 = arith.constant 9 : i32
      %dma_start3A_974 = arith.constant 24 : i32
      %dma_start3A_975 = tpu.memref_slice %arg4[%dma_start3A_974, %add3A_971] : memref<32x2552xf32, #tpu.memory_space<vmem>> -> memref<8x128xf32, #tpu.memory_space<vmem>>
      %dma_start3A_976 = arith.constant 0 : i32
      %dma_start3A_977 = arith.constant 0 : i32
      %dma_start3A_978 = tpu.memref_slice %arg3[%add3A_54, %dma_start3A_972, %dma_start3A_973, %dma_start3A_976, %dma_start3A_977] : memref<2048x4x16x8x128xf32, #tpu.memory_space<hbm>> -> memref<1x1x1x8x128xf32, #tpu.memory_space<hbm>>
      %dma_start3A_979 = tpu.memref_squeeze %dma_start3A_978 : memref<1x1x1x8x128xf32, #tpu.memory_space<hbm>> -> memref<8x128xf32, #tpu.memory_space<hbm>>
      %dma_start3A_980 = arith.constant 0 : i32
      %dma_start3A_981 = arith.constant 0 : i32
      %dma_start3A_982 = tpu.memref_slice %arg3[%add3A_54, %dma_start3A_972, %dma_start3A_973, %dma_start3A_980, %dma_start3A_981] : memref<2048x4x16x8x128xf32, #tpu.memory_space<hbm>> -> memref<1x1x1x8x128xf32, #tpu.memory_space<hbm>>
      %dma_start3A_983 = tpu.memref_squeeze %dma_start3A_982 : memref<1x1x1x8x128xf32, #tpu.memory_space<hbm>> -> memref<8x128xf32, #tpu.memory_space<hbm>>
      %dma_start3A_984 = arith.constant 24 : i32
      %dma_start3A_985 = tpu.memref_slice %arg4[%dma_start3A_984, %add3A_971] : memref<32x2552xf32, #tpu.memory_space<vmem>> -> memref<8x128xf32, #tpu.memory_space<vmem>>
      tpu.enqueue_dma source(%dma_start3A_985 : memref<8x128xf32, #tpu.memory_space<vmem>>) target(%dma_start3A_983 : memref<8x128xf32, #tpu.memory_space<hbm>>) target_semaphore(%arg5 : memref<!tpu.dma_semaphore, #tpu.memory_space<semaphore_mem>>)
      %add3A_986 = arith.constant 1280 : i32
      %add3A_987 = arith.addi %mul3A_58, %add3A_986 : i32
      %dma_start3A_988 = arith.constant 3 : i32
      %dma_start3A_989 = arith.constant 10 : i32
      %dma_start3A_990 = arith.constant 24 : i32
      %dma_start3A_991 = tpu.memref_slice %arg4[%dma_start3A_990, %add3A_987] : memref<32x2552xf32, #tpu.memory_space<vmem>> -> memref<8x128xf32, #tpu.memory_space<vmem>>
      %dma_start3A_992 = arith.constant 0 : i32
      %dma_start3A_993 = arith.constant 0 : i32
      %dma_start3A_994 = tpu.memref_slice %arg3[%add3A_54, %dma_start3A_988, %dma_start3A_989, %dma_start3A_992, %dma_start3A_993] : memref<2048x4x16x8x128xf32, #tpu.memory_space<hbm>> -> memref<1x1x1x8x128xf32, #tpu.memory_space<hbm>>
      %dma_start3A_995 = tpu.memref_squeeze %dma_start3A_994 : memref<1x1x1x8x128xf32, #tpu.memory_space<hbm>> -> memref<8x128xf32, #tpu.memory_space<hbm>>
      %dma_start3A_996 = arith.constant 0 : i32
      %dma_start3A_997 = arith.constant 0 : i32
      %dma_start3A_998 = tpu.memref_slice %arg3[%add3A_54, %dma_start3A_988, %dma_start3A_989, %dma_start3A_996, %dma_start3A_997] : memref<2048x4x16x8x128xf32, #tpu.memory_space<hbm>> -> memref<1x1x1x8x128xf32, #tpu.memory_space<hbm>>
      %dma_start3A_999 = tpu.memref_squeeze %dma_start3A_998 : memref<1x1x1x8x128xf32, #tpu.memory_space<hbm>> -> memref<8x128xf32, #tpu.memory_space<hbm>>
      %dma_start3A_1000 = arith.constant 24 : i32
      %dma_start3A_1001 = tpu.memref_slice %arg4[%dma_start3A_1000, %add3A_987] : memref<32x2552xf32, #tpu.memory_space<vmem>> -> memref<8x128xf32, #tpu.memory_space<vmem>>
      tpu.enqueue_dma source(%dma_start3A_1001 : memref<8x128xf32, #tpu.memory_space<vmem>>) target(%dma_start3A_999 : memref<8x128xf32, #tpu.memory_space<hbm>>) target_semaphore(%arg5 : memref<!tpu.dma_semaphore, #tpu.memory_space<semaphore_mem>>)
      %add3A_1002 = arith.constant 1408 : i32
      %add3A_1003 = arith.addi %mul3A_58, %add3A_1002 : i32
      %dma_start3A_1004 = arith.constant 3 : i32
      %dma_start3A_1005 = arith.constant 11 : i32
      %dma_start3A_1006 = arith.constant 24 : i32
      %dma_start3A_1007 = tpu.memref_slice %arg4[%dma_start3A_1006, %add3A_1003] : memref<32x2552xf32, #tpu.memory_space<vmem>> -> memref<8x128xf32, #tpu.memory_space<vmem>>
      %dma_start3A_1008 = arith.constant 0 : i32
      %dma_start3A_1009 = arith.constant 0 : i32
      %dma_start3A_1010 = tpu.memref_slice %arg3[%add3A_54, %dma_start3A_1004, %dma_start3A_1005, %dma_start3A_1008, %dma_start3A_1009] : memref<2048x4x16x8x128xf32, #tpu.memory_space<hbm>> -> memref<1x1x1x8x128xf32, #tpu.memory_space<hbm>>
      %dma_start3A_1011 = tpu.memref_squeeze %dma_start3A_1010 : memref<1x1x1x8x128xf32, #tpu.memory_space<hbm>> -> memref<8x128xf32, #tpu.memory_space<hbm>>
      %dma_start3A_1012 = arith.constant 0 : i32
      %dma_start3A_1013 = arith.constant 0 : i32
      %dma_start3A_1014 = tpu.memref_slice %arg3[%add3A_54, %dma_start3A_1004, %dma_start3A_1005, %dma_start3A_1012, %dma_start3A_1013] : memref<2048x4x16x8x128xf32, #tpu.memory_space<hbm>> -> memref<1x1x1x8x128xf32, #tpu.memory_space<hbm>>
      %dma_start3A_1015 = tpu.memref_squeeze %dma_start3A_1014 : memref<1x1x1x8x128xf32, #tpu.memory_space<hbm>> -> memref<8x128xf32, #tpu.memory_space<hbm>>
      %dma_start3A_1016 = arith.constant 24 : i32
      %dma_start3A_1017 = tpu.memref_slice %arg4[%dma_start3A_1016, %add3A_1003] : memref<32x2552xf32, #tpu.memory_space<vmem>> -> memref<8x128xf32, #tpu.memory_space<vmem>>
      tpu.enqueue_dma source(%dma_start3A_1017 : memref<8x128xf32, #tpu.memory_space<vmem>>) target(%dma_start3A_1015 : memref<8x128xf32, #tpu.memory_space<hbm>>) target_semaphore(%arg5 : memref<!tpu.dma_semaphore, #tpu.memory_space<semaphore_mem>>)
      %add3A_1018 = arith.constant 1536 : i32
      %add3A_1019 = arith.addi %mul3A_58, %add3A_1018 : i32
      %dma_start3A_1020 = arith.constant 3 : i32
      %dma_start3A_1021 = arith.constant 12 : i32
      %dma_start3A_1022 = arith.constant 24 : i32
      %dma_start3A_1023 = tpu.memref_slice %arg4[%dma_start3A_1022, %add3A_1019] : memref<32x2552xf32, #tpu.memory_space<vmem>> -> memref<8x128xf32, #tpu.memory_space<vmem>>
      %dma_start3A_1024 = arith.constant 0 : i32
      %dma_start3A_1025 = arith.constant 0 : i32
      %dma_start3A_1026 = tpu.memref_slice %arg3[%add3A_54, %dma_start3A_1020, %dma_start3A_1021, %dma_start3A_1024, %dma_start3A_1025] : memref<2048x4x16x8x128xf32, #tpu.memory_space<hbm>> -> memref<1x1x1x8x128xf32, #tpu.memory_space<hbm>>
      %dma_start3A_1027 = tpu.memref_squeeze %dma_start3A_1026 : memref<1x1x1x8x128xf32, #tpu.memory_space<hbm>> -> memref<8x128xf32, #tpu.memory_space<hbm>>
      %dma_start3A_1028 = arith.constant 0 : i32
      %dma_start3A_1029 = arith.constant 0 : i32
      %dma_start3A_1030 = tpu.memref_slice %arg3[%add3A_54, %dma_start3A_1020, %dma_start3A_1021, %dma_start3A_1028, %dma_start3A_1029] : memref<2048x4x16x8x128xf32, #tpu.memory_space<hbm>> -> memref<1x1x1x8x128xf32, #tpu.memory_space<hbm>>
      %dma_start3A_1031 = tpu.memref_squeeze %dma_start3A_1030 : memref<1x1x1x8x128xf32, #tpu.memory_space<hbm>> -> memref<8x128xf32, #tpu.memory_space<hbm>>
      %dma_start3A_1032 = arith.constant 24 : i32
      %dma_start3A_1033 = tpu.memref_slice %arg4[%dma_start3A_1032, %add3A_1019] : memref<32x2552xf32, #tpu.memory_space<vmem>> -> memref<8x128xf32, #tpu.memory_space<vmem>>
      tpu.enqueue_dma source(%dma_start3A_1033 : memref<8x128xf32, #tpu.memory_space<vmem>>) target(%dma_start3A_1031 : memref<8x128xf32, #tpu.memory_space<hbm>>) target_semaphore(%arg5 : memref<!tpu.dma_semaphore, #tpu.memory_space<semaphore_mem>>)
      %add3A_1034 = arith.constant 1664 : i32
      %add3A_1035 = arith.addi %mul3A_58, %add3A_1034 : i32
      %dma_start3A_1036 = arith.constant 3 : i32
      %dma_start3A_1037 = arith.constant 13 : i32
      %dma_start3A_1038 = arith.constant 24 : i32
      %dma_start3A_1039 = tpu.memref_slice %arg4[%dma_start3A_1038, %add3A_1035] : memref<32x2552xf32, #tpu.memory_space<vmem>> -> memref<8x128xf32, #tpu.memory_space<vmem>>
      %dma_start3A_1040 = arith.constant 0 : i32
      %dma_start3A_1041 = arith.constant 0 : i32
      %dma_start3A_1042 = tpu.memref_slice %arg3[%add3A_54, %dma_start3A_1036, %dma_start3A_1037, %dma_start3A_1040, %dma_start3A_1041] : memref<2048x4x16x8x128xf32, #tpu.memory_space<hbm>> -> memref<1x1x1x8x128xf32, #tpu.memory_space<hbm>>
      %dma_start3A_1043 = tpu.memref_squeeze %dma_start3A_1042 : memref<1x1x1x8x128xf32, #tpu.memory_space<hbm>> -> memref<8x128xf32, #tpu.memory_space<hbm>>
      %dma_start3A_1044 = arith.constant 0 : i32
      %dma_start3A_1045 = arith.constant 0 : i32
      %dma_start3A_1046 = tpu.memref_slice %arg3[%add3A_54, %dma_start3A_1036, %dma_start3A_1037, %dma_start3A_1044, %dma_start3A_1045] : memref<2048x4x16x8x128xf32, #tpu.memory_space<hbm>> -> memref<1x1x1x8x128xf32, #tpu.memory_space<hbm>>
      %dma_start3A_1047 = tpu.memref_squeeze %dma_start3A_1046 : memref<1x1x1x8x128xf32, #tpu.memory_space<hbm>> -> memref<8x128xf32, #tpu.memory_space<hbm>>
      %dma_start3A_1048 = arith.constant 24 : i32
      %dma_start3A_1049 = tpu.memref_slice %arg4[%dma_start3A_1048, %add3A_1035] : memref<32x2552xf32, #tpu.memory_space<vmem>> -> memref<8x128xf32, #tpu.memory_space<vmem>>
      tpu.enqueue_dma source(%dma_start3A_1049 : memref<8x128xf32, #tpu.memory_space<vmem>>) target(%dma_start3A_1047 : memref<8x128xf32, #tpu.memory_space<hbm>>) target_semaphore(%arg5 : memref<!tpu.dma_semaphore, #tpu.memory_space<semaphore_mem>>)
      %add3A_1050 = arith.constant 1792 : i32
      %add3A_1051 = arith.addi %mul3A_58, %add3A_1050 : i32
      %dma_start3A_1052 = arith.constant 3 : i32
      %dma_start3A_1053 = arith.constant 14 : i32
      %dma_start3A_1054 = arith.constant 24 : i32
      %dma_start3A_1055 = tpu.memref_slice %arg4[%dma_start3A_1054, %add3A_1051] : memref<32x2552xf32, #tpu.memory_space<vmem>> -> memref<8x128xf32, #tpu.memory_space<vmem>>
      %dma_start3A_1056 = arith.constant 0 : i32
      %dma_start3A_1057 = arith.constant 0 : i32
      %dma_start3A_1058 = tpu.memref_slice %arg3[%add3A_54, %dma_start3A_1052, %dma_start3A_1053, %dma_start3A_1056, %dma_start3A_1057] : memref<2048x4x16x8x128xf32, #tpu.memory_space<hbm>> -> memref<1x1x1x8x128xf32, #tpu.memory_space<hbm>>
      %dma_start3A_1059 = tpu.memref_squeeze %dma_start3A_1058 : memref<1x1x1x8x128xf32, #tpu.memory_space<hbm>> -> memref<8x128xf32, #tpu.memory_space<hbm>>
      %dma_start3A_1060 = arith.constant 0 : i32
      %dma_start3A_1061 = arith.constant 0 : i32
      %dma_start3A_1062 = tpu.memref_slice %arg3[%add3A_54, %dma_start3A_1052, %dma_start3A_1053, %dma_start3A_1060, %dma_start3A_1061] : memref<2048x4x16x8x128xf32, #tpu.memory_space<hbm>> -> memref<1x1x1x8x128xf32, #tpu.memory_space<hbm>>
      %dma_start3A_1063 = tpu.memref_squeeze %dma_start3A_1062 : memref<1x1x1x8x128xf32, #tpu.memory_space<hbm>> -> memref<8x128xf32, #tpu.memory_space<hbm>>
      %dma_start3A_1064 = arith.constant 24 : i32
      %dma_start3A_1065 = tpu.memref_slice %arg4[%dma_start3A_1064, %add3A_1051] : memref<32x2552xf32, #tpu.memory_space<vmem>> -> memref<8x128xf32, #tpu.memory_space<vmem>>
      tpu.enqueue_dma source(%dma_start3A_1065 : memref<8x128xf32, #tpu.memory_space<vmem>>) target(%dma_start3A_1063 : memref<8x128xf32, #tpu.memory_space<hbm>>) target_semaphore(%arg5 : memref<!tpu.dma_semaphore, #tpu.memory_space<semaphore_mem>>)
      %add3A_1066 = arith.constant 1920 : i32
      %add3A_1067 = arith.addi %mul3A_58, %add3A_1066 : i32
      %dma_start3A_1068 = arith.constant 3 : i32
      %dma_start3A_1069 = arith.constant 15 : i32
      %dma_start3A_1070 = arith.constant 24 : i32
      %dma_start3A_1071 = tpu.memref_slice %arg4[%dma_start3A_1070, %add3A_1067] : memref<32x2552xf32, #tpu.memory_space<vmem>> -> memref<8x128xf32, #tpu.memory_space<vmem>>
      %dma_start3A_1072 = arith.constant 0 : i32
      %dma_start3A_1073 = arith.constant 0 : i32
      %dma_start3A_1074 = tpu.memref_slice %arg3[%add3A_54, %dma_start3A_1068, %dma_start3A_1069, %dma_start3A_1072, %dma_start3A_1073] : memref<2048x4x16x8x128xf32, #tpu.memory_space<hbm>> -> memref<1x1x1x8x128xf32, #tpu.memory_space<hbm>>
      %dma_start3A_1075 = tpu.memref_squeeze %dma_start3A_1074 : memref<1x1x1x8x128xf32, #tpu.memory_space<hbm>> -> memref<8x128xf32, #tpu.memory_space<hbm>>
      %dma_start3A_1076 = arith.constant 0 : i32
      %dma_start3A_1077 = arith.constant 0 : i32
      %dma_start3A_1078 = tpu.memref_slice %arg3[%add3A_54, %dma_start3A_1068, %dma_start3A_1069, %dma_start3A_1076, %dma_start3A_1077] : memref<2048x4x16x8x128xf32, #tpu.memory_space<hbm>> -> memref<1x1x1x8x128xf32, #tpu.memory_space<hbm>>
      %dma_start3A_1079 = tpu.memref_squeeze %dma_start3A_1078 : memref<1x1x1x8x128xf32, #tpu.memory_space<hbm>> -> memref<8x128xf32, #tpu.memory_space<hbm>>
      %dma_start3A_1080 = arith.constant 24 : i32
      %dma_start3A_1081 = tpu.memref_slice %arg4[%dma_start3A_1080, %add3A_1067] : memref<32x2552xf32, #tpu.memory_space<vmem>> -> memref<8x128xf32, #tpu.memory_space<vmem>>
      tpu.enqueue_dma source(%dma_start3A_1081 : memref<8x128xf32, #tpu.memory_space<vmem>>) target(%dma_start3A_1079 : memref<8x128xf32, #tpu.memory_space<hbm>>) target_semaphore(%arg5 : memref<!tpu.dma_semaphore, #tpu.memory_space<semaphore_mem>>)
    }
    %scan3A_39 = arith.constant 64 : i32
    %scan3A_40 = arith.constant 0 : i32
    %scan3A_41 = arith.constant 0 : i32
    %scan3A_42 = arith.constant 64 : i32
    %scan3A_43 = arith.addi %scan3A_41, %scan3A_42 : i32
    %scan3A_44 = arith.constant 1 : i32
    scf.for %scan3A_46 = %scan3A_41 to %scan3A_43 step %scan3A_44  : i32 {
      %mul3A_47 = arith.constant 512 : i32
      %mul3A_48 = arith.muli %mul3A_47, %select_n3A_30 : i32
      %mul3A_49 = arith.constant 8 : i32
      %mul3A_50 = arith.muli %mul3A_49, %scan3A_46 : i32
      %add3A_51 = arith.addi %mul3A_48, %mul3A_50 : i32
      %sub3A_52 = arith.constant 7 : i32
      %sub3A_53 = arith.subi %sub3A_52, %select_n3A_9 : i32
      %add3A_54 = arith.addi %add3A_51, %sub3A_53 : i32
      %dma_wait3A = arith.constant 0 : i32
      %dma_wait3A_55 = arith.constant 0 : i32
      %dma_wait3A_56 = arith.constant 0 : i32
      %dma_wait3A_57 = arith.constant 0 : i32
      %dma_wait3A_58 = tpu.memref_slice %arg4[%dma_wait3A_56, %dma_wait3A_57] : memref<32x2552xf32, #tpu.memory_space<vmem>> -> memref<8x128xf32, #tpu.memory_space<vmem>>
      %dma_wait3A_59 = arith.constant 0 : i32
      %dma_wait3A_60 = arith.constant 0 : i32
      %dma_wait3A_61 = tpu.memref_slice %arg3[%add3A_54, %dma_wait3A, %dma_wait3A_55, %dma_wait3A_59, %dma_wait3A_60] : memref<2048x4x16x8x128xf32, #tpu.memory_space<hbm>> -> memref<1x1x1x8x128xf32, #tpu.memory_space<hbm>>
      %dma_wait3A_62 = tpu.memref_squeeze %dma_wait3A_61 : memref<1x1x1x8x128xf32, #tpu.memory_space<hbm>> -> memref<8x128xf32, #tpu.memory_space<hbm>>
      %dma_wait3A_63 = arith.constant 0 : i32
      %dma_wait3A_64 = arith.constant 0 : i32
      %dma_wait3A_65 = tpu.memref_slice %arg3[%add3A_54, %dma_wait3A, %dma_wait3A_55, %dma_wait3A_63, %dma_wait3A_64] : memref<2048x4x16x8x128xf32, #tpu.memory_space<hbm>> -> memref<1x1x1x8x128xf32, #tpu.memory_space<hbm>>
      %dma_wait3A_66 = tpu.memref_squeeze %dma_wait3A_65 : memref<1x1x1x8x128xf32, #tpu.memory_space<hbm>> -> memref<8x128xf32, #tpu.memory_space<hbm>>
      %dma_wait3A_67 = arith.constant 0 : i32
      %dma_wait3A_68 = arith.constant 0 : i32
      %dma_wait3A_69 = tpu.memref_slice %arg4[%dma_wait3A_67, %dma_wait3A_68] : memref<32x2552xf32, #tpu.memory_space<vmem>> -> memref<8x128xf32, #tpu.memory_space<vmem>>
      tpu.wait_dma2 semaphore(%arg5 : memref<!tpu.dma_semaphore, #tpu.memory_space<semaphore_mem>>) src(%dma_wait3A_69 : memref<8x128xf32, #tpu.memory_space<vmem>>) dst(%dma_wait3A_66 : memref<8x128xf32, #tpu.memory_space<hbm>>)
      %dma_wait3A_70 = arith.constant 0 : i32
      %dma_wait3A_71 = arith.constant 1 : i32
      %dma_wait3A_72 = arith.constant 0 : i32
      %dma_wait3A_73 = arith.constant 0 : i32
      %dma_wait3A_74 = tpu.memref_slice %arg4[%dma_wait3A_72, %dma_wait3A_73] : memref<32x2552xf32, #tpu.memory_space<vmem>> -> memref<8x128xf32, #tpu.memory_space<vmem>>
      %dma_wait3A_75 = arith.constant 0 : i32
      %dma_wait3A_76 = arith.constant 0 : i32
      %dma_wait3A_77 = tpu.memref_slice %arg3[%add3A_54, %dma_wait3A_70, %dma_wait3A_71, %dma_wait3A_75, %dma_wait3A_76] : memref<2048x4x16x8x128xf32, #tpu.memory_space<hbm>> -> memref<1x1x1x8x128xf32, #tpu.memory_space<hbm>>
      %dma_wait3A_78 = tpu.memref_squeeze %dma_wait3A_77 : memref<1x1x1x8x128xf32, #tpu.memory_space<hbm>> -> memref<8x128xf32, #tpu.memory_space<hbm>>
      %dma_wait3A_79 = arith.constant 0 : i32
      %dma_wait3A_80 = arith.constant 0 : i32
      %dma_wait3A_81 = tpu.memref_slice %arg3[%add3A_54, %dma_wait3A_70, %dma_wait3A_71, %dma_wait3A_79, %dma_wait3A_80] : memref<2048x4x16x8x128xf32, #tpu.memory_space<hbm>> -> memref<1x1x1x8x128xf32, #tpu.memory_space<hbm>>
      %dma_wait3A_82 = tpu.memref_squeeze %dma_wait3A_81 : memref<1x1x1x8x128xf32, #tpu.memory_space<hbm>> -> memref<8x128xf32, #tpu.memory_space<hbm>>
      %dma_wait3A_83 = arith.constant 0 : i32
      %dma_wait3A_84 = arith.constant 0 : i32
      %dma_wait3A_85 = tpu.memref_slice %arg4[%dma_wait3A_83, %dma_wait3A_84] : memref<32x2552xf32, #tpu.memory_space<vmem>> -> memref<8x128xf32, #tpu.memory_space<vmem>>
      tpu.wait_dma2 semaphore(%arg5 : memref<!tpu.dma_semaphore, #tpu.memory_space<semaphore_mem>>) src(%dma_wait3A_85 : memref<8x128xf32, #tpu.memory_space<vmem>>) dst(%dma_wait3A_82 : memref<8x128xf32, #tpu.memory_space<hbm>>)
      %dma_wait3A_86 = arith.constant 0 : i32
      %dma_wait3A_87 = arith.constant 2 : i32
      %dma_wait3A_88 = arith.constant 0 : i32
      %dma_wait3A_89 = arith.constant 0 : i32
      %dma_wait3A_90 = tpu.memref_slice %arg4[%dma_wait3A_88, %dma_wait3A_89] : memref<32x2552xf32, #tpu.memory_space<vmem>> -> memref<8x128xf32, #tpu.memory_space<vmem>>
      %dma_wait3A_91 = arith.constant 0 : i32
      %dma_wait3A_92 = arith.constant 0 : i32
      %dma_wait3A_93 = tpu.memref_slice %arg3[%add3A_54, %dma_wait3A_86, %dma_wait3A_87, %dma_wait3A_91, %dma_wait3A_92] : memref<2048x4x16x8x128xf32, #tpu.memory_space<hbm>> -> memref<1x1x1x8x128xf32, #tpu.memory_space<hbm>>
      %dma_wait3A_94 = tpu.memref_squeeze %dma_wait3A_93 : memref<1x1x1x8x128xf32, #tpu.memory_space<hbm>> -> memref<8x128xf32, #tpu.memory_space<hbm>>
      %dma_wait3A_95 = arith.constant 0 : i32
      %dma_wait3A_96 = arith.constant 0 : i32
      %dma_wait3A_97 = tpu.memref_slice %arg3[%add3A_54, %dma_wait3A_86, %dma_wait3A_87, %dma_wait3A_95, %dma_wait3A_96] : memref<2048x4x16x8x128xf32, #tpu.memory_space<hbm>> -> memref<1x1x1x8x128xf32, #tpu.memory_space<hbm>>
      %dma_wait3A_98 = tpu.memref_squeeze %dma_wait3A_97 : memref<1x1x1x8x128xf32, #tpu.memory_space<hbm>> -> memref<8x128xf32, #tpu.memory_space<hbm>>
      %dma_wait3A_99 = arith.constant 0 : i32
      %dma_wait3A_100 = arith.constant 0 : i32
      %dma_wait3A_101 = tpu.memref_slice %arg4[%dma_wait3A_99, %dma_wait3A_100] : memref<32x2552xf32, #tpu.memory_space<vmem>> -> memref<8x128xf32, #tpu.memory_space<vmem>>
      tpu.wait_dma2 semaphore(%arg5 : memref<!tpu.dma_semaphore, #tpu.memory_space<semaphore_mem>>) src(%dma_wait3A_101 : memref<8x128xf32, #tpu.memory_space<vmem>>) dst(%dma_wait3A_98 : memref<8x128xf32, #tpu.memory_space<hbm>>)
      %dma_wait3A_102 = arith.constant 0 : i32
      %dma_wait3A_103 = arith.constant 3 : i32
      %dma_wait3A_104 = arith.constant 0 : i32
      %dma_wait3A_105 = arith.constant 0 : i32
      %dma_wait3A_106 = tpu.memref_slice %arg4[%dma_wait3A_104, %dma_wait3A_105] : memref<32x2552xf32, #tpu.memory_space<vmem>> -> memref<8x128xf32, #tpu.memory_space<vmem>>
      %dma_wait3A_107 = arith.constant 0 : i32
      %dma_wait3A_108 = arith.constant 0 : i32
      %dma_wait3A_109 = tpu.memref_slice %arg3[%add3A_54, %dma_wait3A_102, %dma_wait3A_103, %dma_wait3A_107, %dma_wait3A_108] : memref<2048x4x16x8x128xf32, #tpu.memory_space<hbm>> -> memref<1x1x1x8x128xf32, #tpu.memory_space<hbm>>
      %dma_wait3A_110 = tpu.memref_squeeze %dma_wait3A_109 : memref<1x1x1x8x128xf32, #tpu.memory_space<hbm>> -> memref<8x128xf32, #tpu.memory_space<hbm>>
      %dma_wait3A_111 = arith.constant 0 : i32
      %dma_wait3A_112 = arith.constant 0 : i32
      %dma_wait3A_113 = tpu.memref_slice %arg3[%add3A_54, %dma_wait3A_102, %dma_wait3A_103, %dma_wait3A_111, %dma_wait3A_112] : memref<2048x4x16x8x128xf32, #tpu.memory_space<hbm>> -> memref<1x1x1x8x128xf32, #tpu.memory_space<hbm>>
      %dma_wait3A_114 = tpu.memref_squeeze %dma_wait3A_113 : memref<1x1x1x8x128xf32, #tpu.memory_space<hbm>> -> memref<8x128xf32, #tpu.memory_space<hbm>>
      %dma_wait3A_115 = arith.constant 0 : i32
      %dma_wait3A_116 = arith.constant 0 : i32
      %dma_wait3A_117 = tpu.memref_slice %arg4[%dma_wait3A_115, %dma_wait3A_116] : memref<32x2552xf32, #tpu.memory_space<vmem>> -> memref<8x128xf32, #tpu.memory_space<vmem>>
      tpu.wait_dma2 semaphore(%arg5 : memref<!tpu.dma_semaphore, #tpu.memory_space<semaphore_mem>>) src(%dma_wait3A_117 : memref<8x128xf32, #tpu.memory_space<vmem>>) dst(%dma_wait3A_114 : memref<8x128xf32, #tpu.memory_space<hbm>>)
      %dma_wait3A_118 = arith.constant 0 : i32
      %dma_wait3A_119 = arith.constant 4 : i32
      %dma_wait3A_120 = arith.constant 0 : i32
      %dma_wait3A_121 = arith.constant 0 : i32
      %dma_wait3A_122 = tpu.memref_slice %arg4[%dma_wait3A_120, %dma_wait3A_121] : memref<32x2552xf32, #tpu.memory_space<vmem>> -> memref<8x128xf32, #tpu.memory_space<vmem>>
      %dma_wait3A_123 = arith.constant 0 : i32
      %dma_wait3A_124 = arith.constant 0 : i32
      %dma_wait3A_125 = tpu.memref_slice %arg3[%add3A_54, %dma_wait3A_118, %dma_wait3A_119, %dma_wait3A_123, %dma_wait3A_124] : memref<2048x4x16x8x128xf32, #tpu.memory_space<hbm>> -> memref<1x1x1x8x128xf32, #tpu.memory_space<hbm>>
      %dma_wait3A_126 = tpu.memref_squeeze %dma_wait3A_125 : memref<1x1x1x8x128xf32, #tpu.memory_space<hbm>> -> memref<8x128xf32, #tpu.memory_space<hbm>>
      %dma_wait3A_127 = arith.constant 0 : i32
      %dma_wait3A_128 = arith.constant 0 : i32
      %dma_wait3A_129 = tpu.memref_slice %arg3[%add3A_54, %dma_wait3A_118, %dma_wait3A_119, %dma_wait3A_127, %dma_wait3A_128] : memref<2048x4x16x8x128xf32, #tpu.memory_space<hbm>> -> memref<1x1x1x8x128xf32, #tpu.memory_space<hbm>>
      %dma_wait3A_130 = tpu.memref_squeeze %dma_wait3A_129 : memref<1x1x1x8x128xf32, #tpu.memory_space<hbm>> -> memref<8x128xf32, #tpu.memory_space<hbm>>
      %dma_wait3A_131 = arith.constant 0 : i32
      %dma_wait3A_132 = arith.constant 0 : i32
      %dma_wait3A_133 = tpu.memref_slice %arg4[%dma_wait3A_131, %dma_wait3A_132] : memref<32x2552xf32, #tpu.memory_space<vmem>> -> memref<8x128xf32, #tpu.memory_space<vmem>>
      tpu.wait_dma2 semaphore(%arg5 : memref<!tpu.dma_semaphore, #tpu.memory_space<semaphore_mem>>) src(%dma_wait3A_133 : memref<8x128xf32, #tpu.memory_space<vmem>>) dst(%dma_wait3A_130 : memref<8x128xf32, #tpu.memory_space<hbm>>)
      %dma_wait3A_134 = arith.constant 0 : i32
      %dma_wait3A_135 = arith.constant 5 : i32
      %dma_wait3A_136 = arith.constant 0 : i32
      %dma_wait3A_137 = arith.constant 0 : i32
      %dma_wait3A_138 = tpu.memref_slice %arg4[%dma_wait3A_136, %dma_wait3A_137] : memref<32x2552xf32, #tpu.memory_space<vmem>> -> memref<8x128xf32, #tpu.memory_space<vmem>>
      %dma_wait3A_139 = arith.constant 0 : i32
      %dma_wait3A_140 = arith.constant 0 : i32
      %dma_wait3A_141 = tpu.memref_slice %arg3[%add3A_54, %dma_wait3A_134, %dma_wait3A_135, %dma_wait3A_139, %dma_wait3A_140] : memref<2048x4x16x8x128xf32, #tpu.memory_space<hbm>> -> memref<1x1x1x8x128xf32, #tpu.memory_space<hbm>>
      %dma_wait3A_142 = tpu.memref_squeeze %dma_wait3A_141 : memref<1x1x1x8x128xf32, #tpu.memory_space<hbm>> -> memref<8x128xf32, #tpu.memory_space<hbm>>
      %dma_wait3A_143 = arith.constant 0 : i32
      %dma_wait3A_144 = arith.constant 0 : i32
      %dma_wait3A_145 = tpu.memref_slice %arg3[%add3A_54, %dma_wait3A_134, %dma_wait3A_135, %dma_wait3A_143, %dma_wait3A_144] : memref<2048x4x16x8x128xf32, #tpu.memory_space<hbm>> -> memref<1x1x1x8x128xf32, #tpu.memory_space<hbm>>
      %dma_wait3A_146 = tpu.memref_squeeze %dma_wait3A_145 : memref<1x1x1x8x128xf32, #tpu.memory_space<hbm>> -> memref<8x128xf32, #tpu.memory_space<hbm>>
      %dma_wait3A_147 = arith.constant 0 : i32
      %dma_wait3A_148 = arith.constant 0 : i32
      %dma_wait3A_149 = tpu.memref_slice %arg4[%dma_wait3A_147, %dma_wait3A_148] : memref<32x2552xf32, #tpu.memory_space<vmem>> -> memref<8x128xf32, #tpu.memory_space<vmem>>
      tpu.wait_dma2 semaphore(%arg5 : memref<!tpu.dma_semaphore, #tpu.memory_space<semaphore_mem>>) src(%dma_wait3A_149 : memref<8x128xf32, #tpu.memory_space<vmem>>) dst(%dma_wait3A_146 : memref<8x128xf32, #tpu.memory_space<hbm>>)
      %dma_wait3A_150 = arith.constant 0 : i32
      %dma_wait3A_151 = arith.constant 6 : i32
      %dma_wait3A_152 = arith.constant 0 : i32
      %dma_wait3A_153 = arith.constant 0 : i32
      %dma_wait3A_154 = tpu.memref_slice %arg4[%dma_wait3A_152, %dma_wait3A_153] : memref<32x2552xf32, #tpu.memory_space<vmem>> -> memref<8x128xf32, #tpu.memory_space<vmem>>
      %dma_wait3A_155 = arith.constant 0 : i32
      %dma_wait3A_156 = arith.constant 0 : i32
      %dma_wait3A_157 = tpu.memref_slice %arg3[%add3A_54, %dma_wait3A_150, %dma_wait3A_151, %dma_wait3A_155, %dma_wait3A_156] : memref<2048x4x16x8x128xf32, #tpu.memory_space<hbm>> -> memref<1x1x1x8x128xf32, #tpu.memory_space<hbm>>
      %dma_wait3A_158 = tpu.memref_squeeze %dma_wait3A_157 : memref<1x1x1x8x128xf32, #tpu.memory_space<hbm>> -> memref<8x128xf32, #tpu.memory_space<hbm>>
      %dma_wait3A_159 = arith.constant 0 : i32
      %dma_wait3A_160 = arith.constant 0 : i32
      %dma_wait3A_161 = tpu.memref_slice %arg3[%add3A_54, %dma_wait3A_150, %dma_wait3A_151, %dma_wait3A_159, %dma_wait3A_160] : memref<2048x4x16x8x128xf32, #tpu.memory_space<hbm>> -> memref<1x1x1x8x128xf32, #tpu.memory_space<hbm>>
      %dma_wait3A_162 = tpu.memref_squeeze %dma_wait3A_161 : memref<1x1x1x8x128xf32, #tpu.memory_space<hbm>> -> memref<8x128xf32, #tpu.memory_space<hbm>>
      %dma_wait3A_163 = arith.constant 0 : i32
      %dma_wait3A_164 = arith.constant 0 : i32
      %dma_wait3A_165 = tpu.memref_slice %arg4[%dma_wait3A_163, %dma_wait3A_164] : memref<32x2552xf32, #tpu.memory_space<vmem>> -> memref<8x128xf32, #tpu.memory_space<vmem>>
      tpu.wait_dma2 semaphore(%arg5 : memref<!tpu.dma_semaphore, #tpu.memory_space<semaphore_mem>>) src(%dma_wait3A_165 : memref<8x128xf32, #tpu.memory_space<vmem>>) dst(%dma_wait3A_162 : memref<8x128xf32, #tpu.memory_space<hbm>>)
      %dma_wait3A_166 = arith.constant 0 : i32
      %dma_wait3A_167 = arith.constant 7 : i32
      %dma_wait3A_168 = arith.constant 0 : i32
      %dma_wait3A_169 = arith.constant 0 : i32
      %dma_wait3A_170 = tpu.memref_slice %arg4[%dma_wait3A_168, %dma_wait3A_169] : memref<32x2552xf32, #tpu.memory_space<vmem>> -> memref<8x128xf32, #tpu.memory_space<vmem>>
      %dma_wait3A_171 = arith.constant 0 : i32
      %dma_wait3A_172 = arith.constant 0 : i32
      %dma_wait3A_173 = tpu.memref_slice %arg3[%add3A_54, %dma_wait3A_166, %dma_wait3A_167, %dma_wait3A_171, %dma_wait3A_172] : memref<2048x4x16x8x128xf32, #tpu.memory_space<hbm>> -> memref<1x1x1x8x128xf32, #tpu.memory_space<hbm>>
      %dma_wait3A_174 = tpu.memref_squeeze %dma_wait3A_173 : memref<1x1x1x8x128xf32, #tpu.memory_space<hbm>> -> memref<8x128xf32, #tpu.memory_space<hbm>>
      %dma_wait3A_175 = arith.constant 0 : i32
      %dma_wait3A_176 = arith.constant 0 : i32
      %dma_wait3A_177 = tpu.memref_slice %arg3[%add3A_54, %dma_wait3A_166, %dma_wait3A_167, %dma_wait3A_175, %dma_wait3A_176] : memref<2048x4x16x8x128xf32, #tpu.memory_space<hbm>> -> memref<1x1x1x8x128xf32, #tpu.memory_space<hbm>>
      %dma_wait3A_178 = tpu.memref_squeeze %dma_wait3A_177 : memref<1x1x1x8x128xf32, #tpu.memory_space<hbm>> -> memref<8x128xf32, #tpu.memory_space<hbm>>
      %dma_wait3A_179 = arith.constant 0 : i32
      %dma_wait3A_180 = arith.constant 0 : i32
      %dma_wait3A_181 = tpu.memref_slice %arg4[%dma_wait3A_179, %dma_wait3A_180] : memref<32x2552xf32, #tpu.memory_space<vmem>> -> memref<8x128xf32, #tpu.memory_space<vmem>>
      tpu.wait_dma2 semaphore(%arg5 : memref<!tpu.dma_semaphore, #tpu.memory_space<semaphore_mem>>) src(%dma_wait3A_181 : memref<8x128xf32, #tpu.memory_space<vmem>>) dst(%dma_wait3A_178 : memref<8x128xf32, #tpu.memory_space<hbm>>)
      %dma_wait3A_182 = arith.constant 0 : i32
      %dma_wait3A_183 = arith.constant 8 : i32
      %dma_wait3A_184 = arith.constant 0 : i32
      %dma_wait3A_185 = arith.constant 0 : i32
      %dma_wait3A_186 = tpu.memref_slice %arg4[%dma_wait3A_184, %dma_wait3A_185] : memref<32x2552xf32, #tpu.memory_space<vmem>> -> memref<8x128xf32, #tpu.memory_space<vmem>>
      %dma_wait3A_187 = arith.constant 0 : i32
      %dma_wait3A_188 = arith.constant 0 : i32
      %dma_wait3A_189 = tpu.memref_slice %arg3[%add3A_54, %dma_wait3A_182, %dma_wait3A_183, %dma_wait3A_187, %dma_wait3A_188] : memref<2048x4x16x8x128xf32, #tpu.memory_space<hbm>> -> memref<1x1x1x8x128xf32, #tpu.memory_space<hbm>>
      %dma_wait3A_190 = tpu.memref_squeeze %dma_wait3A_189 : memref<1x1x1x8x128xf32, #tpu.memory_space<hbm>> -> memref<8x128xf32, #tpu.memory_space<hbm>>
      %dma_wait3A_191 = arith.constant 0 : i32
      %dma_wait3A_192 = arith.constant 0 : i32
      %dma_wait3A_193 = tpu.memref_slice %arg3[%add3A_54, %dma_wait3A_182, %dma_wait3A_183, %dma_wait3A_191, %dma_wait3A_192] : memref<2048x4x16x8x128xf32, #tpu.memory_space<hbm>> -> memref<1x1x1x8x128xf32, #tpu.memory_space<hbm>>
      %dma_wait3A_194 = tpu.memref_squeeze %dma_wait3A_193 : memref<1x1x1x8x128xf32, #tpu.memory_space<hbm>> -> memref<8x128xf32, #tpu.memory_space<hbm>>
      %dma_wait3A_195 = arith.constant 0 : i32
      %dma_wait3A_196 = arith.constant 0 : i32
      %dma_wait3A_197 = tpu.memref_slice %arg4[%dma_wait3A_195, %dma_wait3A_196] : memref<32x2552xf32, #tpu.memory_space<vmem>> -> memref<8x128xf32, #tpu.memory_space<vmem>>
      tpu.wait_dma2 semaphore(%arg5 : memref<!tpu.dma_semaphore, #tpu.memory_space<semaphore_mem>>) src(%dma_wait3A_197 : memref<8x128xf32, #tpu.memory_space<vmem>>) dst(%dma_wait3A_194 : memref<8x128xf32, #tpu.memory_space<hbm>>)
      %dma_wait3A_198 = arith.constant 0 : i32
      %dma_wait3A_199 = arith.constant 9 : i32
      %dma_wait3A_200 = arith.constant 0 : i32
      %dma_wait3A_201 = arith.constant 0 : i32
      %dma_wait3A_202 = tpu.memref_slice %arg4[%dma_wait3A_200, %dma_wait3A_201] : memref<32x2552xf32, #tpu.memory_space<vmem>> -> memref<8x128xf32, #tpu.memory_space<vmem>>
      %dma_wait3A_203 = arith.constant 0 : i32
      %dma_wait3A_204 = arith.constant 0 : i32
      %dma_wait3A_205 = tpu.memref_slice %arg3[%add3A_54, %dma_wait3A_198, %dma_wait3A_199, %dma_wait3A_203, %dma_wait3A_204] : memref<2048x4x16x8x128xf32, #tpu.memory_space<hbm>> -> memref<1x1x1x8x128xf32, #tpu.memory_space<hbm>>
      %dma_wait3A_206 = tpu.memref_squeeze %dma_wait3A_205 : memref<1x1x1x8x128xf32, #tpu.memory_space<hbm>> -> memref<8x128xf32, #tpu.memory_space<hbm>>
      %dma_wait3A_207 = arith.constant 0 : i32
      %dma_wait3A_208 = arith.constant 0 : i32
      %dma_wait3A_209 = tpu.memref_slice %arg3[%add3A_54, %dma_wait3A_198, %dma_wait3A_199, %dma_wait3A_207, %dma_wait3A_208] : memref<2048x4x16x8x128xf32, #tpu.memory_space<hbm>> -> memref<1x1x1x8x128xf32, #tpu.memory_space<hbm>>
      %dma_wait3A_210 = tpu.memref_squeeze %dma_wait3A_209 : memref<1x1x1x8x128xf32, #tpu.memory_space<hbm>> -> memref<8x128xf32, #tpu.memory_space<hbm>>
      %dma_wait3A_211 = arith.constant 0 : i32
      %dma_wait3A_212 = arith.constant 0 : i32
      %dma_wait3A_213 = tpu.memref_slice %arg4[%dma_wait3A_211, %dma_wait3A_212] : memref<32x2552xf32, #tpu.memory_space<vmem>> -> memref<8x128xf32, #tpu.memory_space<vmem>>
      tpu.wait_dma2 semaphore(%arg5 : memref<!tpu.dma_semaphore, #tpu.memory_space<semaphore_mem>>) src(%dma_wait3A_213 : memref<8x128xf32, #tpu.memory_space<vmem>>) dst(%dma_wait3A_210 : memref<8x128xf32, #tpu.memory_space<hbm>>)
      %dma_wait3A_214 = arith.constant 0 : i32
      %dma_wait3A_215 = arith.constant 10 : i32
      %dma_wait3A_216 = arith.constant 0 : i32
      %dma_wait3A_217 = arith.constant 0 : i32
      %dma_wait3A_218 = tpu.memref_slice %arg4[%dma_wait3A_216, %dma_wait3A_217] : memref<32x2552xf32, #tpu.memory_space<vmem>> -> memref<8x128xf32, #tpu.memory_space<vmem>>
      %dma_wait3A_219 = arith.constant 0 : i32
      %dma_wait3A_220 = arith.constant 0 : i32
      %dma_wait3A_221 = tpu.memref_slice %arg3[%add3A_54, %dma_wait3A_214, %dma_wait3A_215, %dma_wait3A_219, %dma_wait3A_220] : memref<2048x4x16x8x128xf32, #tpu.memory_space<hbm>> -> memref<1x1x1x8x128xf32, #tpu.memory_space<hbm>>
      %dma_wait3A_222 = tpu.memref_squeeze %dma_wait3A_221 : memref<1x1x1x8x128xf32, #tpu.memory_space<hbm>> -> memref<8x128xf32, #tpu.memory_space<hbm>>
      %dma_wait3A_223 = arith.constant 0 : i32
      %dma_wait3A_224 = arith.constant 0 : i32
      %dma_wait3A_225 = tpu.memref_slice %arg3[%add3A_54, %dma_wait3A_214, %dma_wait3A_215, %dma_wait3A_223, %dma_wait3A_224] : memref<2048x4x16x8x128xf32, #tpu.memory_space<hbm>> -> memref<1x1x1x8x128xf32, #tpu.memory_space<hbm>>
      %dma_wait3A_226 = tpu.memref_squeeze %dma_wait3A_225 : memref<1x1x1x8x128xf32, #tpu.memory_space<hbm>> -> memref<8x128xf32, #tpu.memory_space<hbm>>
      %dma_wait3A_227 = arith.constant 0 : i32
      %dma_wait3A_228 = arith.constant 0 : i32
      %dma_wait3A_229 = tpu.memref_slice %arg4[%dma_wait3A_227, %dma_wait3A_228] : memref<32x2552xf32, #tpu.memory_space<vmem>> -> memref<8x128xf32, #tpu.memory_space<vmem>>
      tpu.wait_dma2 semaphore(%arg5 : memref<!tpu.dma_semaphore, #tpu.memory_space<semaphore_mem>>) src(%dma_wait3A_229 : memref<8x128xf32, #tpu.memory_space<vmem>>) dst(%dma_wait3A_226 : memref<8x128xf32, #tpu.memory_space<hbm>>)
      %dma_wait3A_230 = arith.constant 0 : i32
      %dma_wait3A_231 = arith.constant 11 : i32
      %dma_wait3A_232 = arith.constant 0 : i32
      %dma_wait3A_233 = arith.constant 0 : i32
      %dma_wait3A_234 = tpu.memref_slice %arg4[%dma_wait3A_232, %dma_wait3A_233] : memref<32x2552xf32, #tpu.memory_space<vmem>> -> memref<8x128xf32, #tpu.memory_space<vmem>>
      %dma_wait3A_235 = arith.constant 0 : i32
      %dma_wait3A_236 = arith.constant 0 : i32
      %dma_wait3A_237 = tpu.memref_slice %arg3[%add3A_54, %dma_wait3A_230, %dma_wait3A_231, %dma_wait3A_235, %dma_wait3A_236] : memref<2048x4x16x8x128xf32, #tpu.memory_space<hbm>> -> memref<1x1x1x8x128xf32, #tpu.memory_space<hbm>>
      %dma_wait3A_238 = tpu.memref_squeeze %dma_wait3A_237 : memref<1x1x1x8x128xf32, #tpu.memory_space<hbm>> -> memref<8x128xf32, #tpu.memory_space<hbm>>
      %dma_wait3A_239 = arith.constant 0 : i32
      %dma_wait3A_240 = arith.constant 0 : i32
      %dma_wait3A_241 = tpu.memref_slice %arg3[%add3A_54, %dma_wait3A_230, %dma_wait3A_231, %dma_wait3A_239, %dma_wait3A_240] : memref<2048x4x16x8x128xf32, #tpu.memory_space<hbm>> -> memref<1x1x1x8x128xf32, #tpu.memory_space<hbm>>
      %dma_wait3A_242 = tpu.memref_squeeze %dma_wait3A_241 : memref<1x1x1x8x128xf32, #tpu.memory_space<hbm>> -> memref<8x128xf32, #tpu.memory_space<hbm>>
      %dma_wait3A_243 = arith.constant 0 : i32
      %dma_wait3A_244 = arith.constant 0 : i32
      %dma_wait3A_245 = tpu.memref_slice %arg4[%dma_wait3A_243, %dma_wait3A_244] : memref<32x2552xf32, #tpu.memory_space<vmem>> -> memref<8x128xf32, #tpu.memory_space<vmem>>
      tpu.wait_dma2 semaphore(%arg5 : memref<!tpu.dma_semaphore, #tpu.memory_space<semaphore_mem>>) src(%dma_wait3A_245 : memref<8x128xf32, #tpu.memory_space<vmem>>) dst(%dma_wait3A_242 : memref<8x128xf32, #tpu.memory_space<hbm>>)
      %dma_wait3A_246 = arith.constant 0 : i32
      %dma_wait3A_247 = arith.constant 12 : i32
      %dma_wait3A_248 = arith.constant 0 : i32
      %dma_wait3A_249 = arith.constant 0 : i32
      %dma_wait3A_250 = tpu.memref_slice %arg4[%dma_wait3A_248, %dma_wait3A_249] : memref<32x2552xf32, #tpu.memory_space<vmem>> -> memref<8x128xf32, #tpu.memory_space<vmem>>
      %dma_wait3A_251 = arith.constant 0 : i32
      %dma_wait3A_252 = arith.constant 0 : i32
      %dma_wait3A_253 = tpu.memref_slice %arg3[%add3A_54, %dma_wait3A_246, %dma_wait3A_247, %dma_wait3A_251, %dma_wait3A_252] : memref<2048x4x16x8x128xf32, #tpu.memory_space<hbm>> -> memref<1x1x1x8x128xf32, #tpu.memory_space<hbm>>
      %dma_wait3A_254 = tpu.memref_squeeze %dma_wait3A_253 : memref<1x1x1x8x128xf32, #tpu.memory_space<hbm>> -> memref<8x128xf32, #tpu.memory_space<hbm>>
      %dma_wait3A_255 = arith.constant 0 : i32
      %dma_wait3A_256 = arith.constant 0 : i32
      %dma_wait3A_257 = tpu.memref_slice %arg3[%add3A_54, %dma_wait3A_246, %dma_wait3A_247, %dma_wait3A_255, %dma_wait3A_256] : memref<2048x4x16x8x128xf32, #tpu.memory_space<hbm>> -> memref<1x1x1x8x128xf32, #tpu.memory_space<hbm>>
      %dma_wait3A_258 = tpu.memref_squeeze %dma_wait3A_257 : memref<1x1x1x8x128xf32, #tpu.memory_space<hbm>> -> memref<8x128xf32, #tpu.memory_space<hbm>>
      %dma_wait3A_259 = arith.constant 0 : i32
      %dma_wait3A_260 = arith.constant 0 : i32
      %dma_wait3A_261 = tpu.memref_slice %arg4[%dma_wait3A_259, %dma_wait3A_260] : memref<32x2552xf32, #tpu.memory_space<vmem>> -> memref<8x128xf32, #tpu.memory_space<vmem>>
      tpu.wait_dma2 semaphore(%arg5 : memref<!tpu.dma_semaphore, #tpu.memory_space<semaphore_mem>>) src(%dma_wait3A_261 : memref<8x128xf32, #tpu.memory_space<vmem>>) dst(%dma_wait3A_258 : memref<8x128xf32, #tpu.memory_space<hbm>>)
      %dma_wait3A_262 = arith.constant 0 : i32
      %dma_wait3A_263 = arith.constant 13 : i32
      %dma_wait3A_264 = arith.constant 0 : i32
      %dma_wait3A_265 = arith.constant 0 : i32
      %dma_wait3A_266 = tpu.memref_slice %arg4[%dma_wait3A_264, %dma_wait3A_265] : memref<32x2552xf32, #tpu.memory_space<vmem>> -> memref<8x128xf32, #tpu.memory_space<vmem>>
      %dma_wait3A_267 = arith.constant 0 : i32
      %dma_wait3A_268 = arith.constant 0 : i32
      %dma_wait3A_269 = tpu.memref_slice %arg3[%add3A_54, %dma_wait3A_262, %dma_wait3A_263, %dma_wait3A_267, %dma_wait3A_268] : memref<2048x4x16x8x128xf32, #tpu.memory_space<hbm>> -> memref<1x1x1x8x128xf32, #tpu.memory_space<hbm>>
      %dma_wait3A_270 = tpu.memref_squeeze %dma_wait3A_269 : memref<1x1x1x8x128xf32, #tpu.memory_space<hbm>> -> memref<8x128xf32, #tpu.memory_space<hbm>>
      %dma_wait3A_271 = arith.constant 0 : i32
      %dma_wait3A_272 = arith.constant 0 : i32
      %dma_wait3A_273 = tpu.memref_slice %arg3[%add3A_54, %dma_wait3A_262, %dma_wait3A_263, %dma_wait3A_271, %dma_wait3A_272] : memref<2048x4x16x8x128xf32, #tpu.memory_space<hbm>> -> memref<1x1x1x8x128xf32, #tpu.memory_space<hbm>>
      %dma_wait3A_274 = tpu.memref_squeeze %dma_wait3A_273 : memref<1x1x1x8x128xf32, #tpu.memory_space<hbm>> -> memref<8x128xf32, #tpu.memory_space<hbm>>
      %dma_wait3A_275 = arith.constant 0 : i32
      %dma_wait3A_276 = arith.constant 0 : i32
      %dma_wait3A_277 = tpu.memref_slice %arg4[%dma_wait3A_275, %dma_wait3A_276] : memref<32x2552xf32, #tpu.memory_space<vmem>> -> memref<8x128xf32, #tpu.memory_space<vmem>>
      tpu.wait_dma2 semaphore(%arg5 : memref<!tpu.dma_semaphore, #tpu.memory_space<semaphore_mem>>) src(%dma_wait3A_277 : memref<8x128xf32, #tpu.memory_space<vmem>>) dst(%dma_wait3A_274 : memref<8x128xf32, #tpu.memory_space<hbm>>)
      %dma_wait3A_278 = arith.constant 0 : i32
      %dma_wait3A_279 = arith.constant 14 : i32
      %dma_wait3A_280 = arith.constant 0 : i32
      %dma_wait3A_281 = arith.constant 0 : i32
      %dma_wait3A_282 = tpu.memref_slice %arg4[%dma_wait3A_280, %dma_wait3A_281] : memref<32x2552xf32, #tpu.memory_space<vmem>> -> memref<8x128xf32, #tpu.memory_space<vmem>>
      %dma_wait3A_283 = arith.constant 0 : i32
      %dma_wait3A_284 = arith.constant 0 : i32
      %dma_wait3A_285 = tpu.memref_slice %arg3[%add3A_54, %dma_wait3A_278, %dma_wait3A_279, %dma_wait3A_283, %dma_wait3A_284] : memref<2048x4x16x8x128xf32, #tpu.memory_space<hbm>> -> memref<1x1x1x8x128xf32, #tpu.memory_space<hbm>>
      %dma_wait3A_286 = tpu.memref_squeeze %dma_wait3A_285 : memref<1x1x1x8x128xf32, #tpu.memory_space<hbm>> -> memref<8x128xf32, #tpu.memory_space<hbm>>
      %dma_wait3A_287 = arith.constant 0 : i32
      %dma_wait3A_288 = arith.constant 0 : i32
      %dma_wait3A_289 = tpu.memref_slice %arg3[%add3A_54, %dma_wait3A_278, %dma_wait3A_279, %dma_wait3A_287, %dma_wait3A_288] : memref<2048x4x16x8x128xf32, #tpu.memory_space<hbm>> -> memref<1x1x1x8x128xf32, #tpu.memory_space<hbm>>
      %dma_wait3A_290 = tpu.memref_squeeze %dma_wait3A_289 : memref<1x1x1x8x128xf32, #tpu.memory_space<hbm>> -> memref<8x128xf32, #tpu.memory_space<hbm>>
      %dma_wait3A_291 = arith.constant 0 : i32
      %dma_wait3A_292 = arith.constant 0 : i32
      %dma_wait3A_293 = tpu.memref_slice %arg4[%dma_wait3A_291, %dma_wait3A_292] : memref<32x2552xf32, #tpu.memory_space<vmem>> -> memref<8x128xf32, #tpu.memory_space<vmem>>
      tpu.wait_dma2 semaphore(%arg5 : memref<!tpu.dma_semaphore, #tpu.memory_space<semaphore_mem>>) src(%dma_wait3A_293 : memref<8x128xf32, #tpu.memory_space<vmem>>) dst(%dma_wait3A_290 : memref<8x128xf32, #tpu.memory_space<hbm>>)
      %dma_wait3A_294 = arith.constant 0 : i32
      %dma_wait3A_295 = arith.constant 15 : i32
      %dma_wait3A_296 = arith.constant 0 : i32
      %dma_wait3A_297 = arith.constant 0 : i32
      %dma_wait3A_298 = tpu.memref_slice %arg4[%dma_wait3A_296, %dma_wait3A_297] : memref<32x2552xf32, #tpu.memory_space<vmem>> -> memref<8x128xf32, #tpu.memory_space<vmem>>
      %dma_wait3A_299 = arith.constant 0 : i32
      %dma_wait3A_300 = arith.constant 0 : i32
      %dma_wait3A_301 = tpu.memref_slice %arg3[%add3A_54, %dma_wait3A_294, %dma_wait3A_295, %dma_wait3A_299, %dma_wait3A_300] : memref<2048x4x16x8x128xf32, #tpu.memory_space<hbm>> -> memref<1x1x1x8x128xf32, #tpu.memory_space<hbm>>
      %dma_wait3A_302 = tpu.memref_squeeze %dma_wait3A_301 : memref<1x1x1x8x128xf32, #tpu.memory_space<hbm>> -> memref<8x128xf32, #tpu.memory_space<hbm>>
      %dma_wait3A_303 = arith.constant 0 : i32
      %dma_wait3A_304 = arith.constant 0 : i32
      %dma_wait3A_305 = tpu.memref_slice %arg3[%add3A_54, %dma_wait3A_294, %dma_wait3A_295, %dma_wait3A_303, %dma_wait3A_304] : memref<2048x4x16x8x128xf32, #tpu.memory_space<hbm>> -> memref<1x1x1x8x128xf32, #tpu.memory_space<hbm>>
      %dma_wait3A_306 = tpu.memref_squeeze %dma_wait3A_305 : memref<1x1x1x8x128xf32, #tpu.memory_space<hbm>> -> memref<8x128xf32, #tpu.memory_space<hbm>>
      %dma_wait3A_307 = arith.constant 0 : i32
      %dma_wait3A_308 = arith.constant 0 : i32
      %dma_wait3A_309 = tpu.memref_slice %arg4[%dma_wait3A_307, %dma_wait3A_308] : memref<32x2552xf32, #tpu.memory_space<vmem>> -> memref<8x128xf32, #tpu.memory_space<vmem>>
      tpu.wait_dma2 semaphore(%arg5 : memref<!tpu.dma_semaphore, #tpu.memory_space<semaphore_mem>>) src(%dma_wait3A_309 : memref<8x128xf32, #tpu.memory_space<vmem>>) dst(%dma_wait3A_306 : memref<8x128xf32, #tpu.memory_space<hbm>>)
      %dma_wait3A_310 = arith.constant 1 : i32
      %dma_wait3A_311 = arith.constant 0 : i32
      %dma_wait3A_312 = arith.constant 0 : i32
      %dma_wait3A_313 = arith.constant 0 : i32
      %dma_wait3A_314 = tpu.memref_slice %arg4[%dma_wait3A_312, %dma_wait3A_313] : memref<32x2552xf32, #tpu.memory_space<vmem>> -> memref<8x128xf32, #tpu.memory_space<vmem>>
      %dma_wait3A_315 = arith.constant 0 : i32
      %dma_wait3A_316 = arith.constant 0 : i32
      %dma_wait3A_317 = tpu.memref_slice %arg3[%add3A_54, %dma_wait3A_310, %dma_wait3A_311, %dma_wait3A_315, %dma_wait3A_316] : memref<2048x4x16x8x128xf32, #tpu.memory_space<hbm>> -> memref<1x1x1x8x128xf32, #tpu.memory_space<hbm>>
      %dma_wait3A_318 = tpu.memref_squeeze %dma_wait3A_317 : memref<1x1x1x8x128xf32, #tpu.memory_space<hbm>> -> memref<8x128xf32, #tpu.memory_space<hbm>>
      %dma_wait3A_319 = arith.constant 0 : i32
      %dma_wait3A_320 = arith.constant 0 : i32
      %dma_wait3A_321 = tpu.memref_slice %arg3[%add3A_54, %dma_wait3A_310, %dma_wait3A_311, %dma_wait3A_319, %dma_wait3A_320] : memref<2048x4x16x8x128xf32, #tpu.memory_space<hbm>> -> memref<1x1x1x8x128xf32, #tpu.memory_space<hbm>>
      %dma_wait3A_322 = tpu.memref_squeeze %dma_wait3A_321 : memref<1x1x1x8x128xf32, #tpu.memory_space<hbm>> -> memref<8x128xf32, #tpu.memory_space<hbm>>
      %dma_wait3A_323 = arith.constant 0 : i32
      %dma_wait3A_324 = arith.constant 0 : i32
      %dma_wait3A_325 = tpu.memref_slice %arg4[%dma_wait3A_323, %dma_wait3A_324] : memref<32x2552xf32, #tpu.memory_space<vmem>> -> memref<8x128xf32, #tpu.memory_space<vmem>>
      tpu.wait_dma2 semaphore(%arg5 : memref<!tpu.dma_semaphore, #tpu.memory_space<semaphore_mem>>) src(%dma_wait3A_325 : memref<8x128xf32, #tpu.memory_space<vmem>>) dst(%dma_wait3A_322 : memref<8x128xf32, #tpu.memory_space<hbm>>)
      %dma_wait3A_326 = arith.constant 1 : i32
      %dma_wait3A_327 = arith.constant 1 : i32
      %dma_wait3A_328 = arith.constant 0 : i32
      %dma_wait3A_329 = arith.constant 0 : i32
      %dma_wait3A_330 = tpu.memref_slice %arg4[%dma_wait3A_328, %dma_wait3A_329] : memref<32x2552xf32, #tpu.memory_space<vmem>> -> memref<8x128xf32, #tpu.memory_space<vmem>>
      %dma_wait3A_331 = arith.constant 0 : i32
      %dma_wait3A_332 = arith.constant 0 : i32
      %dma_wait3A_333 = tpu.memref_slice %arg3[%add3A_54, %dma_wait3A_326, %dma_wait3A_327, %dma_wait3A_331, %dma_wait3A_332] : memref<2048x4x16x8x128xf32, #tpu.memory_space<hbm>> -> memref<1x1x1x8x128xf32, #tpu.memory_space<hbm>>
      %dma_wait3A_334 = tpu.memref_squeeze %dma_wait3A_333 : memref<1x1x1x8x128xf32, #tpu.memory_space<hbm>> -> memref<8x128xf32, #tpu.memory_space<hbm>>
      %dma_wait3A_335 = arith.constant 0 : i32
      %dma_wait3A_336 = arith.constant 0 : i32
      %dma_wait3A_337 = tpu.memref_slice %arg3[%add3A_54, %dma_wait3A_326, %dma_wait3A_327, %dma_wait3A_335, %dma_wait3A_336] : memref<2048x4x16x8x128xf32, #tpu.memory_space<hbm>> -> memref<1x1x1x8x128xf32, #tpu.memory_space<hbm>>
      %dma_wait3A_338 = tpu.memref_squeeze %dma_wait3A_337 : memref<1x1x1x8x128xf32, #tpu.memory_space<hbm>> -> memref<8x128xf32, #tpu.memory_space<hbm>>
      %dma_wait3A_339 = arith.constant 0 : i32
      %dma_wait3A_340 = arith.constant 0 : i32
      %dma_wait3A_341 = tpu.memref_slice %arg4[%dma_wait3A_339, %dma_wait3A_340] : memref<32x2552xf32, #tpu.memory_space<vmem>> -> memref<8x128xf32, #tpu.memory_space<vmem>>
      tpu.wait_dma2 semaphore(%arg5 : memref<!tpu.dma_semaphore, #tpu.memory_space<semaphore_mem>>) src(%dma_wait3A_341 : memref<8x128xf32, #tpu.memory_space<vmem>>) dst(%dma_wait3A_338 : memref<8x128xf32, #tpu.memory_space<hbm>>)
      %dma_wait3A_342 = arith.constant 1 : i32
      %dma_wait3A_343 = arith.constant 2 : i32
      %dma_wait3A_344 = arith.constant 0 : i32
      %dma_wait3A_345 = arith.constant 0 : i32
      %dma_wait3A_346 = tpu.memref_slice %arg4[%dma_wait3A_344, %dma_wait3A_345] : memref<32x2552xf32, #tpu.memory_space<vmem>> -> memref<8x128xf32, #tpu.memory_space<vmem>>
      %dma_wait3A_347 = arith.constant 0 : i32
      %dma_wait3A_348 = arith.constant 0 : i32
      %dma_wait3A_349 = tpu.memref_slice %arg3[%add3A_54, %dma_wait3A_342, %dma_wait3A_343, %dma_wait3A_347, %dma_wait3A_348] : memref<2048x4x16x8x128xf32, #tpu.memory_space<hbm>> -> memref<1x1x1x8x128xf32, #tpu.memory_space<hbm>>
      %dma_wait3A_350 = tpu.memref_squeeze %dma_wait3A_349 : memref<1x1x1x8x128xf32, #tpu.memory_space<hbm>> -> memref<8x128xf32, #tpu.memory_space<hbm>>
      %dma_wait3A_351 = arith.constant 0 : i32
      %dma_wait3A_352 = arith.constant 0 : i32
      %dma_wait3A_353 = tpu.memref_slice %arg3[%add3A_54, %dma_wait3A_342, %dma_wait3A_343, %dma_wait3A_351, %dma_wait3A_352] : memref<2048x4x16x8x128xf32, #tpu.memory_space<hbm>> -> memref<1x1x1x8x128xf32, #tpu.memory_space<hbm>>
      %dma_wait3A_354 = tpu.memref_squeeze %dma_wait3A_353 : memref<1x1x1x8x128xf32, #tpu.memory_space<hbm>> -> memref<8x128xf32, #tpu.memory_space<hbm>>
      %dma_wait3A_355 = arith.constant 0 : i32
      %dma_wait3A_356 = arith.constant 0 : i32
      %dma_wait3A_357 = tpu.memref_slice %arg4[%dma_wait3A_355, %dma_wait3A_356] : memref<32x2552xf32, #tpu.memory_space<vmem>> -> memref<8x128xf32, #tpu.memory_space<vmem>>
      tpu.wait_dma2 semaphore(%arg5 : memref<!tpu.dma_semaphore, #tpu.memory_space<semaphore_mem>>) src(%dma_wait3A_357 : memref<8x128xf32, #tpu.memory_space<vmem>>) dst(%dma_wait3A_354 : memref<8x128xf32, #tpu.memory_space<hbm>>)
      %dma_wait3A_358 = arith.constant 1 : i32
      %dma_wait3A_359 = arith.constant 3 : i32
      %dma_wait3A_360 = arith.constant 0 : i32
      %dma_wait3A_361 = arith.constant 0 : i32
      %dma_wait3A_362 = tpu.memref_slice %arg4[%dma_wait3A_360, %dma_wait3A_361] : memref<32x2552xf32, #tpu.memory_space<vmem>> -> memref<8x128xf32, #tpu.memory_space<vmem>>
      %dma_wait3A_363 = arith.constant 0 : i32
      %dma_wait3A_364 = arith.constant 0 : i32
      %dma_wait3A_365 = tpu.memref_slice %arg3[%add3A_54, %dma_wait3A_358, %dma_wait3A_359, %dma_wait3A_363, %dma_wait3A_364] : memref<2048x4x16x8x128xf32, #tpu.memory_space<hbm>> -> memref<1x1x1x8x128xf32, #tpu.memory_space<hbm>>
      %dma_wait3A_366 = tpu.memref_squeeze %dma_wait3A_365 : memref<1x1x1x8x128xf32, #tpu.memory_space<hbm>> -> memref<8x128xf32, #tpu.memory_space<hbm>>
      %dma_wait3A_367 = arith.constant 0 : i32
      %dma_wait3A_368 = arith.constant 0 : i32
      %dma_wait3A_369 = tpu.memref_slice %arg3[%add3A_54, %dma_wait3A_358, %dma_wait3A_359, %dma_wait3A_367, %dma_wait3A_368] : memref<2048x4x16x8x128xf32, #tpu.memory_space<hbm>> -> memref<1x1x1x8x128xf32, #tpu.memory_space<hbm>>
      %dma_wait3A_370 = tpu.memref_squeeze %dma_wait3A_369 : memref<1x1x1x8x128xf32, #tpu.memory_space<hbm>> -> memref<8x128xf32, #tpu.memory_space<hbm>>
      %dma_wait3A_371 = arith.constant 0 : i32
      %dma_wait3A_372 = arith.constant 0 : i32
      %dma_wait3A_373 = tpu.memref_slice %arg4[%dma_wait3A_371, %dma_wait3A_372] : memref<32x2552xf32, #tpu.memory_space<vmem>> -> memref<8x128xf32, #tpu.memory_space<vmem>>
      tpu.wait_dma2 semaphore(%arg5 : memref<!tpu.dma_semaphore, #tpu.memory_space<semaphore_mem>>) src(%dma_wait3A_373 : memref<8x128xf32, #tpu.memory_space<vmem>>) dst(%dma_wait3A_370 : memref<8x128xf32, #tpu.memory_space<hbm>>)
      %dma_wait3A_374 = arith.constant 1 : i32
      %dma_wait3A_375 = arith.constant 4 : i32
      %dma_wait3A_376 = arith.constant 0 : i32
      %dma_wait3A_377 = arith.constant 0 : i32
      %dma_wait3A_378 = tpu.memref_slice %arg4[%dma_wait3A_376, %dma_wait3A_377] : memref<32x2552xf32, #tpu.memory_space<vmem>> -> memref<8x128xf32, #tpu.memory_space<vmem>>
      %dma_wait3A_379 = arith.constant 0 : i32
      %dma_wait3A_380 = arith.constant 0 : i32
      %dma_wait3A_381 = tpu.memref_slice %arg3[%add3A_54, %dma_wait3A_374, %dma_wait3A_375, %dma_wait3A_379, %dma_wait3A_380] : memref<2048x4x16x8x128xf32, #tpu.memory_space<hbm>> -> memref<1x1x1x8x128xf32, #tpu.memory_space<hbm>>
      %dma_wait3A_382 = tpu.memref_squeeze %dma_wait3A_381 : memref<1x1x1x8x128xf32, #tpu.memory_space<hbm>> -> memref<8x128xf32, #tpu.memory_space<hbm>>
      %dma_wait3A_383 = arith.constant 0 : i32
      %dma_wait3A_384 = arith.constant 0 : i32
      %dma_wait3A_385 = tpu.memref_slice %arg3[%add3A_54, %dma_wait3A_374, %dma_wait3A_375, %dma_wait3A_383, %dma_wait3A_384] : memref<2048x4x16x8x128xf32, #tpu.memory_space<hbm>> -> memref<1x1x1x8x128xf32, #tpu.memory_space<hbm>>
      %dma_wait3A_386 = tpu.memref_squeeze %dma_wait3A_385 : memref<1x1x1x8x128xf32, #tpu.memory_space<hbm>> -> memref<8x128xf32, #tpu.memory_space<hbm>>
      %dma_wait3A_387 = arith.constant 0 : i32
      %dma_wait3A_388 = arith.constant 0 : i32
      %dma_wait3A_389 = tpu.memref_slice %arg4[%dma_wait3A_387, %dma_wait3A_388] : memref<32x2552xf32, #tpu.memory_space<vmem>> -> memref<8x128xf32, #tpu.memory_space<vmem>>
      tpu.wait_dma2 semaphore(%arg5 : memref<!tpu.dma_semaphore, #tpu.memory_space<semaphore_mem>>) src(%dma_wait3A_389 : memref<8x128xf32, #tpu.memory_space<vmem>>) dst(%dma_wait3A_386 : memref<8x128xf32, #tpu.memory_space<hbm>>)
      %dma_wait3A_390 = arith.constant 1 : i32
      %dma_wait3A_391 = arith.constant 5 : i32
      %dma_wait3A_392 = arith.constant 0 : i32
      %dma_wait3A_393 = arith.constant 0 : i32
      %dma_wait3A_394 = tpu.memref_slice %arg4[%dma_wait3A_392, %dma_wait3A_393] : memref<32x2552xf32, #tpu.memory_space<vmem>> -> memref<8x128xf32, #tpu.memory_space<vmem>>
      %dma_wait3A_395 = arith.constant 0 : i32
      %dma_wait3A_396 = arith.constant 0 : i32
      %dma_wait3A_397 = tpu.memref_slice %arg3[%add3A_54, %dma_wait3A_390, %dma_wait3A_391, %dma_wait3A_395, %dma_wait3A_396] : memref<2048x4x16x8x128xf32, #tpu.memory_space<hbm>> -> memref<1x1x1x8x128xf32, #tpu.memory_space<hbm>>
      %dma_wait3A_398 = tpu.memref_squeeze %dma_wait3A_397 : memref<1x1x1x8x128xf32, #tpu.memory_space<hbm>> -> memref<8x128xf32, #tpu.memory_space<hbm>>
      %dma_wait3A_399 = arith.constant 0 : i32
      %dma_wait3A_400 = arith.constant 0 : i32
      %dma_wait3A_401 = tpu.memref_slice %arg3[%add3A_54, %dma_wait3A_390, %dma_wait3A_391, %dma_wait3A_399, %dma_wait3A_400] : memref<2048x4x16x8x128xf32, #tpu.memory_space<hbm>> -> memref<1x1x1x8x128xf32, #tpu.memory_space<hbm>>
      %dma_wait3A_402 = tpu.memref_squeeze %dma_wait3A_401 : memref<1x1x1x8x128xf32, #tpu.memory_space<hbm>> -> memref<8x128xf32, #tpu.memory_space<hbm>>
      %dma_wait3A_403 = arith.constant 0 : i32
      %dma_wait3A_404 = arith.constant 0 : i32
      %dma_wait3A_405 = tpu.memref_slice %arg4[%dma_wait3A_403, %dma_wait3A_404] : memref<32x2552xf32, #tpu.memory_space<vmem>> -> memref<8x128xf32, #tpu.memory_space<vmem>>
      tpu.wait_dma2 semaphore(%arg5 : memref<!tpu.dma_semaphore, #tpu.memory_space<semaphore_mem>>) src(%dma_wait3A_405 : memref<8x128xf32, #tpu.memory_space<vmem>>) dst(%dma_wait3A_402 : memref<8x128xf32, #tpu.memory_space<hbm>>)
      %dma_wait3A_406 = arith.constant 1 : i32
      %dma_wait3A_407 = arith.constant 6 : i32
      %dma_wait3A_408 = arith.constant 0 : i32
      %dma_wait3A_409 = arith.constant 0 : i32
      %dma_wait3A_410 = tpu.memref_slice %arg4[%dma_wait3A_408, %dma_wait3A_409] : memref<32x2552xf32, #tpu.memory_space<vmem>> -> memref<8x128xf32, #tpu.memory_space<vmem>>
      %dma_wait3A_411 = arith.constant 0 : i32
      %dma_wait3A_412 = arith.constant 0 : i32
      %dma_wait3A_413 = tpu.memref_slice %arg3[%add3A_54, %dma_wait3A_406, %dma_wait3A_407, %dma_wait3A_411, %dma_wait3A_412] : memref<2048x4x16x8x128xf32, #tpu.memory_space<hbm>> -> memref<1x1x1x8x128xf32, #tpu.memory_space<hbm>>
      %dma_wait3A_414 = tpu.memref_squeeze %dma_wait3A_413 : memref<1x1x1x8x128xf32, #tpu.memory_space<hbm>> -> memref<8x128xf32, #tpu.memory_space<hbm>>
      %dma_wait3A_415 = arith.constant 0 : i32
      %dma_wait3A_416 = arith.constant 0 : i32
      %dma_wait3A_417 = tpu.memref_slice %arg3[%add3A_54, %dma_wait3A_406, %dma_wait3A_407, %dma_wait3A_415, %dma_wait3A_416] : memref<2048x4x16x8x128xf32, #tpu.memory_space<hbm>> -> memref<1x1x1x8x128xf32, #tpu.memory_space<hbm>>
      %dma_wait3A_418 = tpu.memref_squeeze %dma_wait3A_417 : memref<1x1x1x8x128xf32, #tpu.memory_space<hbm>> -> memref<8x128xf32, #tpu.memory_space<hbm>>
      %dma_wait3A_419 = arith.constant 0 : i32
      %dma_wait3A_420 = arith.constant 0 : i32
      %dma_wait3A_421 = tpu.memref_slice %arg4[%dma_wait3A_419, %dma_wait3A_420] : memref<32x2552xf32, #tpu.memory_space<vmem>> -> memref<8x128xf32, #tpu.memory_space<vmem>>
      tpu.wait_dma2 semaphore(%arg5 : memref<!tpu.dma_semaphore, #tpu.memory_space<semaphore_mem>>) src(%dma_wait3A_421 : memref<8x128xf32, #tpu.memory_space<vmem>>) dst(%dma_wait3A_418 : memref<8x128xf32, #tpu.memory_space<hbm>>)
      %dma_wait3A_422 = arith.constant 1 : i32
      %dma_wait3A_423 = arith.constant 7 : i32
      %dma_wait3A_424 = arith.constant 0 : i32
      %dma_wait3A_425 = arith.constant 0 : i32
      %dma_wait3A_426 = tpu.memref_slice %arg4[%dma_wait3A_424, %dma_wait3A_425] : memref<32x2552xf32, #tpu.memory_space<vmem>> -> memref<8x128xf32, #tpu.memory_space<vmem>>
      %dma_wait3A_427 = arith.constant 0 : i32
      %dma_wait3A_428 = arith.constant 0 : i32
      %dma_wait3A_429 = tpu.memref_slice %arg3[%add3A_54, %dma_wait3A_422, %dma_wait3A_423, %dma_wait3A_427, %dma_wait3A_428] : memref<2048x4x16x8x128xf32, #tpu.memory_space<hbm>> -> memref<1x1x1x8x128xf32, #tpu.memory_space<hbm>>
      %dma_wait3A_430 = tpu.memref_squeeze %dma_wait3A_429 : memref<1x1x1x8x128xf32, #tpu.memory_space<hbm>> -> memref<8x128xf32, #tpu.memory_space<hbm>>
      %dma_wait3A_431 = arith.constant 0 : i32
      %dma_wait3A_432 = arith.constant 0 : i32
      %dma_wait3A_433 = tpu.memref_slice %arg3[%add3A_54, %dma_wait3A_422, %dma_wait3A_423, %dma_wait3A_431, %dma_wait3A_432] : memref<2048x4x16x8x128xf32, #tpu.memory_space<hbm>> -> memref<1x1x1x8x128xf32, #tpu.memory_space<hbm>>
      %dma_wait3A_434 = tpu.memref_squeeze %dma_wait3A_433 : memref<1x1x1x8x128xf32, #tpu.memory_space<hbm>> -> memref<8x128xf32, #tpu.memory_space<hbm>>
      %dma_wait3A_435 = arith.constant 0 : i32
      %dma_wait3A_436 = arith.constant 0 : i32
      %dma_wait3A_437 = tpu.memref_slice %arg4[%dma_wait3A_435, %dma_wait3A_436] : memref<32x2552xf32, #tpu.memory_space<vmem>> -> memref<8x128xf32, #tpu.memory_space<vmem>>
      tpu.wait_dma2 semaphore(%arg5 : memref<!tpu.dma_semaphore, #tpu.memory_space<semaphore_mem>>) src(%dma_wait3A_437 : memref<8x128xf32, #tpu.memory_space<vmem>>) dst(%dma_wait3A_434 : memref<8x128xf32, #tpu.memory_space<hbm>>)
      %dma_wait3A_438 = arith.constant 1 : i32
      %dma_wait3A_439 = arith.constant 8 : i32
      %dma_wait3A_440 = arith.constant 0 : i32
      %dma_wait3A_441 = arith.constant 0 : i32
      %dma_wait3A_442 = tpu.memref_slice %arg4[%dma_wait3A_440, %dma_wait3A_441] : memref<32x2552xf32, #tpu.memory_space<vmem>> -> memref<8x128xf32, #tpu.memory_space<vmem>>
      %dma_wait3A_443 = arith.constant 0 : i32
      %dma_wait3A_444 = arith.constant 0 : i32
      %dma_wait3A_445 = tpu.memref_slice %arg3[%add3A_54, %dma_wait3A_438, %dma_wait3A_439, %dma_wait3A_443, %dma_wait3A_444] : memref<2048x4x16x8x128xf32, #tpu.memory_space<hbm>> -> memref<1x1x1x8x128xf32, #tpu.memory_space<hbm>>
      %dma_wait3A_446 = tpu.memref_squeeze %dma_wait3A_445 : memref<1x1x1x8x128xf32, #tpu.memory_space<hbm>> -> memref<8x128xf32, #tpu.memory_space<hbm>>
      %dma_wait3A_447 = arith.constant 0 : i32
      %dma_wait3A_448 = arith.constant 0 : i32
      %dma_wait3A_449 = tpu.memref_slice %arg3[%add3A_54, %dma_wait3A_438, %dma_wait3A_439, %dma_wait3A_447, %dma_wait3A_448] : memref<2048x4x16x8x128xf32, #tpu.memory_space<hbm>> -> memref<1x1x1x8x128xf32, #tpu.memory_space<hbm>>
      %dma_wait3A_450 = tpu.memref_squeeze %dma_wait3A_449 : memref<1x1x1x8x128xf32, #tpu.memory_space<hbm>> -> memref<8x128xf32, #tpu.memory_space<hbm>>
      %dma_wait3A_451 = arith.constant 0 : i32
      %dma_wait3A_452 = arith.constant 0 : i32
      %dma_wait3A_453 = tpu.memref_slice %arg4[%dma_wait3A_451, %dma_wait3A_452] : memref<32x2552xf32, #tpu.memory_space<vmem>> -> memref<8x128xf32, #tpu.memory_space<vmem>>
      tpu.wait_dma2 semaphore(%arg5 : memref<!tpu.dma_semaphore, #tpu.memory_space<semaphore_mem>>) src(%dma_wait3A_453 : memref<8x128xf32, #tpu.memory_space<vmem>>) dst(%dma_wait3A_450 : memref<8x128xf32, #tpu.memory_space<hbm>>)
      %dma_wait3A_454 = arith.constant 1 : i32
      %dma_wait3A_455 = arith.constant 9 : i32
      %dma_wait3A_456 = arith.constant 0 : i32
      %dma_wait3A_457 = arith.constant 0 : i32
      %dma_wait3A_458 = tpu.memref_slice %arg4[%dma_wait3A_456, %dma_wait3A_457] : memref<32x2552xf32, #tpu.memory_space<vmem>> -> memref<8x128xf32, #tpu.memory_space<vmem>>
      %dma_wait3A_459 = arith.constant 0 : i32
      %dma_wait3A_460 = arith.constant 0 : i32
      %dma_wait3A_461 = tpu.memref_slice %arg3[%add3A_54, %dma_wait3A_454, %dma_wait3A_455, %dma_wait3A_459, %dma_wait3A_460] : memref<2048x4x16x8x128xf32, #tpu.memory_space<hbm>> -> memref<1x1x1x8x128xf32, #tpu.memory_space<hbm>>
      %dma_wait3A_462 = tpu.memref_squeeze %dma_wait3A_461 : memref<1x1x1x8x128xf32, #tpu.memory_space<hbm>> -> memref<8x128xf32, #tpu.memory_space<hbm>>
      %dma_wait3A_463 = arith.constant 0 : i32
      %dma_wait3A_464 = arith.constant 0 : i32
      %dma_wait3A_465 = tpu.memref_slice %arg3[%add3A_54, %dma_wait3A_454, %dma_wait3A_455, %dma_wait3A_463, %dma_wait3A_464] : memref<2048x4x16x8x128xf32, #tpu.memory_space<hbm>> -> memref<1x1x1x8x128xf32, #tpu.memory_space<hbm>>
      %dma_wait3A_466 = tpu.memref_squeeze %dma_wait3A_465 : memref<1x1x1x8x128xf32, #tpu.memory_space<hbm>> -> memref<8x128xf32, #tpu.memory_space<hbm>>
      %dma_wait3A_467 = arith.constant 0 : i32
      %dma_wait3A_468 = arith.constant 0 : i32
      %dma_wait3A_469 = tpu.memref_slice %arg4[%dma_wait3A_467, %dma_wait3A_468] : memref<32x2552xf32, #tpu.memory_space<vmem>> -> memref<8x128xf32, #tpu.memory_space<vmem>>
      tpu.wait_dma2 semaphore(%arg5 : memref<!tpu.dma_semaphore, #tpu.memory_space<semaphore_mem>>) src(%dma_wait3A_469 : memref<8x128xf32, #tpu.memory_space<vmem>>) dst(%dma_wait3A_466 : memref<8x128xf32, #tpu.memory_space<hbm>>)
      %dma_wait3A_470 = arith.constant 1 : i32
      %dma_wait3A_471 = arith.constant 10 : i32
      %dma_wait3A_472 = arith.constant 0 : i32
      %dma_wait3A_473 = arith.constant 0 : i32
      %dma_wait3A_474 = tpu.memref_slice %arg4[%dma_wait3A_472, %dma_wait3A_473] : memref<32x2552xf32, #tpu.memory_space<vmem>> -> memref<8x128xf32, #tpu.memory_space<vmem>>
      %dma_wait3A_475 = arith.constant 0 : i32
      %dma_wait3A_476 = arith.constant 0 : i32
      %dma_wait3A_477 = tpu.memref_slice %arg3[%add3A_54, %dma_wait3A_470, %dma_wait3A_471, %dma_wait3A_475, %dma_wait3A_476] : memref<2048x4x16x8x128xf32, #tpu.memory_space<hbm>> -> memref<1x1x1x8x128xf32, #tpu.memory_space<hbm>>
      %dma_wait3A_478 = tpu.memref_squeeze %dma_wait3A_477 : memref<1x1x1x8x128xf32, #tpu.memory_space<hbm>> -> memref<8x128xf32, #tpu.memory_space<hbm>>
      %dma_wait3A_479 = arith.constant 0 : i32
      %dma_wait3A_480 = arith.constant 0 : i32
      %dma_wait3A_481 = tpu.memref_slice %arg3[%add3A_54, %dma_wait3A_470, %dma_wait3A_471, %dma_wait3A_479, %dma_wait3A_480] : memref<2048x4x16x8x128xf32, #tpu.memory_space<hbm>> -> memref<1x1x1x8x128xf32, #tpu.memory_space<hbm>>
      %dma_wait3A_482 = tpu.memref_squeeze %dma_wait3A_481 : memref<1x1x1x8x128xf32, #tpu.memory_space<hbm>> -> memref<8x128xf32, #tpu.memory_space<hbm>>
      %dma_wait3A_483 = arith.constant 0 : i32
      %dma_wait3A_484 = arith.constant 0 : i32
      %dma_wait3A_485 = tpu.memref_slice %arg4[%dma_wait3A_483, %dma_wait3A_484] : memref<32x2552xf32, #tpu.memory_space<vmem>> -> memref<8x128xf32, #tpu.memory_space<vmem>>
      tpu.wait_dma2 semaphore(%arg5 : memref<!tpu.dma_semaphore, #tpu.memory_space<semaphore_mem>>) src(%dma_wait3A_485 : memref<8x128xf32, #tpu.memory_space<vmem>>) dst(%dma_wait3A_482 : memref<8x128xf32, #tpu.memory_space<hbm>>)
      %dma_wait3A_486 = arith.constant 1 : i32
      %dma_wait3A_487 = arith.constant 11 : i32
      %dma_wait3A_488 = arith.constant 0 : i32
      %dma_wait3A_489 = arith.constant 0 : i32
      %dma_wait3A_490 = tpu.memref_slice %arg4[%dma_wait3A_488, %dma_wait3A_489] : memref<32x2552xf32, #tpu.memory_space<vmem>> -> memref<8x128xf32, #tpu.memory_space<vmem>>
      %dma_wait3A_491 = arith.constant 0 : i32
      %dma_wait3A_492 = arith.constant 0 : i32
      %dma_wait3A_493 = tpu.memref_slice %arg3[%add3A_54, %dma_wait3A_486, %dma_wait3A_487, %dma_wait3A_491, %dma_wait3A_492] : memref<2048x4x16x8x128xf32, #tpu.memory_space<hbm>> -> memref<1x1x1x8x128xf32, #tpu.memory_space<hbm>>
      %dma_wait3A_494 = tpu.memref_squeeze %dma_wait3A_493 : memref<1x1x1x8x128xf32, #tpu.memory_space<hbm>> -> memref<8x128xf32, #tpu.memory_space<hbm>>
      %dma_wait3A_495 = arith.constant 0 : i32
      %dma_wait3A_496 = arith.constant 0 : i32
      %dma_wait3A_497 = tpu.memref_slice %arg3[%add3A_54, %dma_wait3A_486, %dma_wait3A_487, %dma_wait3A_495, %dma_wait3A_496] : memref<2048x4x16x8x128xf32, #tpu.memory_space<hbm>> -> memref<1x1x1x8x128xf32, #tpu.memory_space<hbm>>
      %dma_wait3A_498 = tpu.memref_squeeze %dma_wait3A_497 : memref<1x1x1x8x128xf32, #tpu.memory_space<hbm>> -> memref<8x128xf32, #tpu.memory_space<hbm>>
      %dma_wait3A_499 = arith.constant 0 : i32
      %dma_wait3A_500 = arith.constant 0 : i32
      %dma_wait3A_501 = tpu.memref_slice %arg4[%dma_wait3A_499, %dma_wait3A_500] : memref<32x2552xf32, #tpu.memory_space<vmem>> -> memref<8x128xf32, #tpu.memory_space<vmem>>
      tpu.wait_dma2 semaphore(%arg5 : memref<!tpu.dma_semaphore, #tpu.memory_space<semaphore_mem>>) src(%dma_wait3A_501 : memref<8x128xf32, #tpu.memory_space<vmem>>) dst(%dma_wait3A_498 : memref<8x128xf32, #tpu.memory_space<hbm>>)
      %dma_wait3A_502 = arith.constant 1 : i32
      %dma_wait3A_503 = arith.constant 12 : i32
      %dma_wait3A_504 = arith.constant 0 : i32
      %dma_wait3A_505 = arith.constant 0 : i32
      %dma_wait3A_506 = tpu.memref_slice %arg4[%dma_wait3A_504, %dma_wait3A_505] : memref<32x2552xf32, #tpu.memory_space<vmem>> -> memref<8x128xf32, #tpu.memory_space<vmem>>
      %dma_wait3A_507 = arith.constant 0 : i32
      %dma_wait3A_508 = arith.constant 0 : i32
      %dma_wait3A_509 = tpu.memref_slice %arg3[%add3A_54, %dma_wait3A_502, %dma_wait3A_503, %dma_wait3A_507, %dma_wait3A_508] : memref<2048x4x16x8x128xf32, #tpu.memory_space<hbm>> -> memref<1x1x1x8x128xf32, #tpu.memory_space<hbm>>
      %dma_wait3A_510 = tpu.memref_squeeze %dma_wait3A_509 : memref<1x1x1x8x128xf32, #tpu.memory_space<hbm>> -> memref<8x128xf32, #tpu.memory_space<hbm>>
      %dma_wait3A_511 = arith.constant 0 : i32
      %dma_wait3A_512 = arith.constant 0 : i32
      %dma_wait3A_513 = tpu.memref_slice %arg3[%add3A_54, %dma_wait3A_502, %dma_wait3A_503, %dma_wait3A_511, %dma_wait3A_512] : memref<2048x4x16x8x128xf32, #tpu.memory_space<hbm>> -> memref<1x1x1x8x128xf32, #tpu.memory_space<hbm>>
      %dma_wait3A_514 = tpu.memref_squeeze %dma_wait3A_513 : memref<1x1x1x8x128xf32, #tpu.memory_space<hbm>> -> memref<8x128xf32, #tpu.memory_space<hbm>>
      %dma_wait3A_515 = arith.constant 0 : i32
      %dma_wait3A_516 = arith.constant 0 : i32
      %dma_wait3A_517 = tpu.memref_slice %arg4[%dma_wait3A_515, %dma_wait3A_516] : memref<32x2552xf32, #tpu.memory_space<vmem>> -> memref<8x128xf32, #tpu.memory_space<vmem>>
      tpu.wait_dma2 semaphore(%arg5 : memref<!tpu.dma_semaphore, #tpu.memory_space<semaphore_mem>>) src(%dma_wait3A_517 : memref<8x128xf32, #tpu.memory_space<vmem>>) dst(%dma_wait3A_514 : memref<8x128xf32, #tpu.memory_space<hbm>>)
      %dma_wait3A_518 = arith.constant 1 : i32
      %dma_wait3A_519 = arith.constant 13 : i32
      %dma_wait3A_520 = arith.constant 0 : i32
      %dma_wait3A_521 = arith.constant 0 : i32
      %dma_wait3A_522 = tpu.memref_slice %arg4[%dma_wait3A_520, %dma_wait3A_521] : memref<32x2552xf32, #tpu.memory_space<vmem>> -> memref<8x128xf32, #tpu.memory_space<vmem>>
      %dma_wait3A_523 = arith.constant 0 : i32
      %dma_wait3A_524 = arith.constant 0 : i32
      %dma_wait3A_525 = tpu.memref_slice %arg3[%add3A_54, %dma_wait3A_518, %dma_wait3A_519, %dma_wait3A_523, %dma_wait3A_524] : memref<2048x4x16x8x128xf32, #tpu.memory_space<hbm>> -> memref<1x1x1x8x128xf32, #tpu.memory_space<hbm>>
      %dma_wait3A_526 = tpu.memref_squeeze %dma_wait3A_525 : memref<1x1x1x8x128xf32, #tpu.memory_space<hbm>> -> memref<8x128xf32, #tpu.memory_space<hbm>>
      %dma_wait3A_527 = arith.constant 0 : i32
      %dma_wait3A_528 = arith.constant 0 : i32
      %dma_wait3A_529 = tpu.memref_slice %arg3[%add3A_54, %dma_wait3A_518, %dma_wait3A_519, %dma_wait3A_527, %dma_wait3A_528] : memref<2048x4x16x8x128xf32, #tpu.memory_space<hbm>> -> memref<1x1x1x8x128xf32, #tpu.memory_space<hbm>>
      %dma_wait3A_530 = tpu.memref_squeeze %dma_wait3A_529 : memref<1x1x1x8x128xf32, #tpu.memory_space<hbm>> -> memref<8x128xf32, #tpu.memory_space<hbm>>
      %dma_wait3A_531 = arith.constant 0 : i32
      %dma_wait3A_532 = arith.constant 0 : i32
      %dma_wait3A_533 = tpu.memref_slice %arg4[%dma_wait3A_531, %dma_wait3A_532] : memref<32x2552xf32, #tpu.memory_space<vmem>> -> memref<8x128xf32, #tpu.memory_space<vmem>>
      tpu.wait_dma2 semaphore(%arg5 : memref<!tpu.dma_semaphore, #tpu.memory_space<semaphore_mem>>) src(%dma_wait3A_533 : memref<8x128xf32, #tpu.memory_space<vmem>>) dst(%dma_wait3A_530 : memref<8x128xf32, #tpu.memory_space<hbm>>)
      %dma_wait3A_534 = arith.constant 1 : i32
      %dma_wait3A_535 = arith.constant 14 : i32
      %dma_wait3A_536 = arith.constant 0 : i32
      %dma_wait3A_537 = arith.constant 0 : i32
      %dma_wait3A_538 = tpu.memref_slice %arg4[%dma_wait3A_536, %dma_wait3A_537] : memref<32x2552xf32, #tpu.memory_space<vmem>> -> memref<8x128xf32, #tpu.memory_space<vmem>>
      %dma_wait3A_539 = arith.constant 0 : i32
      %dma_wait3A_540 = arith.constant 0 : i32
      %dma_wait3A_541 = tpu.memref_slice %arg3[%add3A_54, %dma_wait3A_534, %dma_wait3A_535, %dma_wait3A_539, %dma_wait3A_540] : memref<2048x4x16x8x128xf32, #tpu.memory_space<hbm>> -> memref<1x1x1x8x128xf32, #tpu.memory_space<hbm>>
      %dma_wait3A_542 = tpu.memref_squeeze %dma_wait3A_541 : memref<1x1x1x8x128xf32, #tpu.memory_space<hbm>> -> memref<8x128xf32, #tpu.memory_space<hbm>>
      %dma_wait3A_543 = arith.constant 0 : i32
      %dma_wait3A_544 = arith.constant 0 : i32
      %dma_wait3A_545 = tpu.memref_slice %arg3[%add3A_54, %dma_wait3A_534, %dma_wait3A_535, %dma_wait3A_543, %dma_wait3A_544] : memref<2048x4x16x8x128xf32, #tpu.memory_space<hbm>> -> memref<1x1x1x8x128xf32, #tpu.memory_space<hbm>>
      %dma_wait3A_546 = tpu.memref_squeeze %dma_wait3A_545 : memref<1x1x1x8x128xf32, #tpu.memory_space<hbm>> -> memref<8x128xf32, #tpu.memory_space<hbm>>
      %dma_wait3A_547 = arith.constant 0 : i32
      %dma_wait3A_548 = arith.constant 0 : i32
      %dma_wait3A_549 = tpu.memref_slice %arg4[%dma_wait3A_547, %dma_wait3A_548] : memref<32x2552xf32, #tpu.memory_space<vmem>> -> memref<8x128xf32, #tpu.memory_space<vmem>>
      tpu.wait_dma2 semaphore(%arg5 : memref<!tpu.dma_semaphore, #tpu.memory_space<semaphore_mem>>) src(%dma_wait3A_549 : memref<8x128xf32, #tpu.memory_space<vmem>>) dst(%dma_wait3A_546 : memref<8x128xf32, #tpu.memory_space<hbm>>)
      %dma_wait3A_550 = arith.constant 1 : i32
      %dma_wait3A_551 = arith.constant 15 : i32
      %dma_wait3A_552 = arith.constant 0 : i32
      %dma_wait3A_553 = arith.constant 0 : i32
      %dma_wait3A_554 = tpu.memref_slice %arg4[%dma_wait3A_552, %dma_wait3A_553] : memref<32x2552xf32, #tpu.memory_space<vmem>> -> memref<8x128xf32, #tpu.memory_space<vmem>>
      %dma_wait3A_555 = arith.constant 0 : i32
      %dma_wait3A_556 = arith.constant 0 : i32
      %dma_wait3A_557 = tpu.memref_slice %arg3[%add3A_54, %dma_wait3A_550, %dma_wait3A_551, %dma_wait3A_555, %dma_wait3A_556] : memref<2048x4x16x8x128xf32, #tpu.memory_space<hbm>> -> memref<1x1x1x8x128xf32, #tpu.memory_space<hbm>>
      %dma_wait3A_558 = tpu.memref_squeeze %dma_wait3A_557 : memref<1x1x1x8x128xf32, #tpu.memory_space<hbm>> -> memref<8x128xf32, #tpu.memory_space<hbm>>
      %dma_wait3A_559 = arith.constant 0 : i32
      %dma_wait3A_560 = arith.constant 0 : i32
      %dma_wait3A_561 = tpu.memref_slice %arg3[%add3A_54, %dma_wait3A_550, %dma_wait3A_551, %dma_wait3A_559, %dma_wait3A_560] : memref<2048x4x16x8x128xf32, #tpu.memory_space<hbm>> -> memref<1x1x1x8x128xf32, #tpu.memory_space<hbm>>
      %dma_wait3A_562 = tpu.memref_squeeze %dma_wait3A_561 : memref<1x1x1x8x128xf32, #tpu.memory_space<hbm>> -> memref<8x128xf32, #tpu.memory_space<hbm>>
      %dma_wait3A_563 = arith.constant 0 : i32
      %dma_wait3A_564 = arith.constant 0 : i32
      %dma_wait3A_565 = tpu.memref_slice %arg4[%dma_wait3A_563, %dma_wait3A_564] : memref<32x2552xf32, #tpu.memory_space<vmem>> -> memref<8x128xf32, #tpu.memory_space<vmem>>
      tpu.wait_dma2 semaphore(%arg5 : memref<!tpu.dma_semaphore, #tpu.memory_space<semaphore_mem>>) src(%dma_wait3A_565 : memref<8x128xf32, #tpu.memory_space<vmem>>) dst(%dma_wait3A_562 : memref<8x128xf32, #tpu.memory_space<hbm>>)
      %dma_wait3A_566 = arith.constant 2 : i32
      %dma_wait3A_567 = arith.constant 0 : i32
      %dma_wait3A_568 = arith.constant 0 : i32
      %dma_wait3A_569 = arith.constant 0 : i32
      %dma_wait3A_570 = tpu.memref_slice %arg4[%dma_wait3A_568, %dma_wait3A_569] : memref<32x2552xf32, #tpu.memory_space<vmem>> -> memref<8x128xf32, #tpu.memory_space<vmem>>
      %dma_wait3A_571 = arith.constant 0 : i32
      %dma_wait3A_572 = arith.constant 0 : i32
      %dma_wait3A_573 = tpu.memref_slice %arg3[%add3A_54, %dma_wait3A_566, %dma_wait3A_567, %dma_wait3A_571, %dma_wait3A_572] : memref<2048x4x16x8x128xf32, #tpu.memory_space<hbm>> -> memref<1x1x1x8x128xf32, #tpu.memory_space<hbm>>
      %dma_wait3A_574 = tpu.memref_squeeze %dma_wait3A_573 : memref<1x1x1x8x128xf32, #tpu.memory_space<hbm>> -> memref<8x128xf32, #tpu.memory_space<hbm>>
      %dma_wait3A_575 = arith.constant 0 : i32
      %dma_wait3A_576 = arith.constant 0 : i32
      %dma_wait3A_577 = tpu.memref_slice %arg3[%add3A_54, %dma_wait3A_566, %dma_wait3A_567, %dma_wait3A_575, %dma_wait3A_576] : memref<2048x4x16x8x128xf32, #tpu.memory_space<hbm>> -> memref<1x1x1x8x128xf32, #tpu.memory_space<hbm>>
      %dma_wait3A_578 = tpu.memref_squeeze %dma_wait3A_577 : memref<1x1x1x8x128xf32, #tpu.memory_space<hbm>> -> memref<8x128xf32, #tpu.memory_space<hbm>>
      %dma_wait3A_579 = arith.constant 0 : i32
      %dma_wait3A_580 = arith.constant 0 : i32
      %dma_wait3A_581 = tpu.memref_slice %arg4[%dma_wait3A_579, %dma_wait3A_580] : memref<32x2552xf32, #tpu.memory_space<vmem>> -> memref<8x128xf32, #tpu.memory_space<vmem>>
      tpu.wait_dma2 semaphore(%arg5 : memref<!tpu.dma_semaphore, #tpu.memory_space<semaphore_mem>>) src(%dma_wait3A_581 : memref<8x128xf32, #tpu.memory_space<vmem>>) dst(%dma_wait3A_578 : memref<8x128xf32, #tpu.memory_space<hbm>>)
      %dma_wait3A_582 = arith.constant 2 : i32
      %dma_wait3A_583 = arith.constant 1 : i32
      %dma_wait3A_584 = arith.constant 0 : i32
      %dma_wait3A_585 = arith.constant 0 : i32
      %dma_wait3A_586 = tpu.memref_slice %arg4[%dma_wait3A_584, %dma_wait3A_585] : memref<32x2552xf32, #tpu.memory_space<vmem>> -> memref<8x128xf32, #tpu.memory_space<vmem>>
      %dma_wait3A_587 = arith.constant 0 : i32
      %dma_wait3A_588 = arith.constant 0 : i32
      %dma_wait3A_589 = tpu.memref_slice %arg3[%add3A_54, %dma_wait3A_582, %dma_wait3A_583, %dma_wait3A_587, %dma_wait3A_588] : memref<2048x4x16x8x128xf32, #tpu.memory_space<hbm>> -> memref<1x1x1x8x128xf32, #tpu.memory_space<hbm>>
      %dma_wait3A_590 = tpu.memref_squeeze %dma_wait3A_589 : memref<1x1x1x8x128xf32, #tpu.memory_space<hbm>> -> memref<8x128xf32, #tpu.memory_space<hbm>>
      %dma_wait3A_591 = arith.constant 0 : i32
      %dma_wait3A_592 = arith.constant 0 : i32
      %dma_wait3A_593 = tpu.memref_slice %arg3[%add3A_54, %dma_wait3A_582, %dma_wait3A_583, %dma_wait3A_591, %dma_wait3A_592] : memref<2048x4x16x8x128xf32, #tpu.memory_space<hbm>> -> memref<1x1x1x8x128xf32, #tpu.memory_space<hbm>>
      %dma_wait3A_594 = tpu.memref_squeeze %dma_wait3A_593 : memref<1x1x1x8x128xf32, #tpu.memory_space<hbm>> -> memref<8x128xf32, #tpu.memory_space<hbm>>
      %dma_wait3A_595 = arith.constant 0 : i32
      %dma_wait3A_596 = arith.constant 0 : i32
      %dma_wait3A_597 = tpu.memref_slice %arg4[%dma_wait3A_595, %dma_wait3A_596] : memref<32x2552xf32, #tpu.memory_space<vmem>> -> memref<8x128xf32, #tpu.memory_space<vmem>>
      tpu.wait_dma2 semaphore(%arg5 : memref<!tpu.dma_semaphore, #tpu.memory_space<semaphore_mem>>) src(%dma_wait3A_597 : memref<8x128xf32, #tpu.memory_space<vmem>>) dst(%dma_wait3A_594 : memref<8x128xf32, #tpu.memory_space<hbm>>)
      %dma_wait3A_598 = arith.constant 2 : i32
      %dma_wait3A_599 = arith.constant 2 : i32
      %dma_wait3A_600 = arith.constant 0 : i32
      %dma_wait3A_601 = arith.constant 0 : i32
      %dma_wait3A_602 = tpu.memref_slice %arg4[%dma_wait3A_600, %dma_wait3A_601] : memref<32x2552xf32, #tpu.memory_space<vmem>> -> memref<8x128xf32, #tpu.memory_space<vmem>>
      %dma_wait3A_603 = arith.constant 0 : i32
      %dma_wait3A_604 = arith.constant 0 : i32
      %dma_wait3A_605 = tpu.memref_slice %arg3[%add3A_54, %dma_wait3A_598, %dma_wait3A_599, %dma_wait3A_603, %dma_wait3A_604] : memref<2048x4x16x8x128xf32, #tpu.memory_space<hbm>> -> memref<1x1x1x8x128xf32, #tpu.memory_space<hbm>>
      %dma_wait3A_606 = tpu.memref_squeeze %dma_wait3A_605 : memref<1x1x1x8x128xf32, #tpu.memory_space<hbm>> -> memref<8x128xf32, #tpu.memory_space<hbm>>
      %dma_wait3A_607 = arith.constant 0 : i32
      %dma_wait3A_608 = arith.constant 0 : i32
      %dma_wait3A_609 = tpu.memref_slice %arg3[%add3A_54, %dma_wait3A_598, %dma_wait3A_599, %dma_wait3A_607, %dma_wait3A_608] : memref<2048x4x16x8x128xf32, #tpu.memory_space<hbm>> -> memref<1x1x1x8x128xf32, #tpu.memory_space<hbm>>
      %dma_wait3A_610 = tpu.memref_squeeze %dma_wait3A_609 : memref<1x1x1x8x128xf32, #tpu.memory_space<hbm>> -> memref<8x128xf32, #tpu.memory_space<hbm>>
      %dma_wait3A_611 = arith.constant 0 : i32
      %dma_wait3A_612 = arith.constant 0 : i32
      %dma_wait3A_613 = tpu.memref_slice %arg4[%dma_wait3A_611, %dma_wait3A_612] : memref<32x2552xf32, #tpu.memory_space<vmem>> -> memref<8x128xf32, #tpu.memory_space<vmem>>
      tpu.wait_dma2 semaphore(%arg5 : memref<!tpu.dma_semaphore, #tpu.memory_space<semaphore_mem>>) src(%dma_wait3A_613 : memref<8x128xf32, #tpu.memory_space<vmem>>) dst(%dma_wait3A_610 : memref<8x128xf32, #tpu.memory_space<hbm>>)
      %dma_wait3A_614 = arith.constant 2 : i32
      %dma_wait3A_615 = arith.constant 3 : i32
      %dma_wait3A_616 = arith.constant 0 : i32
      %dma_wait3A_617 = arith.constant 0 : i32
      %dma_wait3A_618 = tpu.memref_slice %arg4[%dma_wait3A_616, %dma_wait3A_617] : memref<32x2552xf32, #tpu.memory_space<vmem>> -> memref<8x128xf32, #tpu.memory_space<vmem>>
      %dma_wait3A_619 = arith.constant 0 : i32
      %dma_wait3A_620 = arith.constant 0 : i32
      %dma_wait3A_621 = tpu.memref_slice %arg3[%add3A_54, %dma_wait3A_614, %dma_wait3A_615, %dma_wait3A_619, %dma_wait3A_620] : memref<2048x4x16x8x128xf32, #tpu.memory_space<hbm>> -> memref<1x1x1x8x128xf32, #tpu.memory_space<hbm>>
      %dma_wait3A_622 = tpu.memref_squeeze %dma_wait3A_621 : memref<1x1x1x8x128xf32, #tpu.memory_space<hbm>> -> memref<8x128xf32, #tpu.memory_space<hbm>>
      %dma_wait3A_623 = arith.constant 0 : i32
      %dma_wait3A_624 = arith.constant 0 : i32
      %dma_wait3A_625 = tpu.memref_slice %arg3[%add3A_54, %dma_wait3A_614, %dma_wait3A_615, %dma_wait3A_623, %dma_wait3A_624] : memref<2048x4x16x8x128xf32, #tpu.memory_space<hbm>> -> memref<1x1x1x8x128xf32, #tpu.memory_space<hbm>>
      %dma_wait3A_626 = tpu.memref_squeeze %dma_wait3A_625 : memref<1x1x1x8x128xf32, #tpu.memory_space<hbm>> -> memref<8x128xf32, #tpu.memory_space<hbm>>
      %dma_wait3A_627 = arith.constant 0 : i32
      %dma_wait3A_628 = arith.constant 0 : i32
      %dma_wait3A_629 = tpu.memref_slice %arg4[%dma_wait3A_627, %dma_wait3A_628] : memref<32x2552xf32, #tpu.memory_space<vmem>> -> memref<8x128xf32, #tpu.memory_space<vmem>>
      tpu.wait_dma2 semaphore(%arg5 : memref<!tpu.dma_semaphore, #tpu.memory_space<semaphore_mem>>) src(%dma_wait3A_629 : memref<8x128xf32, #tpu.memory_space<vmem>>) dst(%dma_wait3A_626 : memref<8x128xf32, #tpu.memory_space<hbm>>)
      %dma_wait3A_630 = arith.constant 2 : i32
      %dma_wait3A_631 = arith.constant 4 : i32
      %dma_wait3A_632 = arith.constant 0 : i32
      %dma_wait3A_633 = arith.constant 0 : i32
      %dma_wait3A_634 = tpu.memref_slice %arg4[%dma_wait3A_632, %dma_wait3A_633] : memref<32x2552xf32, #tpu.memory_space<vmem>> -> memref<8x128xf32, #tpu.memory_space<vmem>>
      %dma_wait3A_635 = arith.constant 0 : i32
      %dma_wait3A_636 = arith.constant 0 : i32
      %dma_wait3A_637 = tpu.memref_slice %arg3[%add3A_54, %dma_wait3A_630, %dma_wait3A_631, %dma_wait3A_635, %dma_wait3A_636] : memref<2048x4x16x8x128xf32, #tpu.memory_space<hbm>> -> memref<1x1x1x8x128xf32, #tpu.memory_space<hbm>>
      %dma_wait3A_638 = tpu.memref_squeeze %dma_wait3A_637 : memref<1x1x1x8x128xf32, #tpu.memory_space<hbm>> -> memref<8x128xf32, #tpu.memory_space<hbm>>
      %dma_wait3A_639 = arith.constant 0 : i32
      %dma_wait3A_640 = arith.constant 0 : i32
      %dma_wait3A_641 = tpu.memref_slice %arg3[%add3A_54, %dma_wait3A_630, %dma_wait3A_631, %dma_wait3A_639, %dma_wait3A_640] : memref<2048x4x16x8x128xf32, #tpu.memory_space<hbm>> -> memref<1x1x1x8x128xf32, #tpu.memory_space<hbm>>
      %dma_wait3A_642 = tpu.memref_squeeze %dma_wait3A_641 : memref<1x1x1x8x128xf32, #tpu.memory_space<hbm>> -> memref<8x128xf32, #tpu.memory_space<hbm>>
      %dma_wait3A_643 = arith.constant 0 : i32
      %dma_wait3A_644 = arith.constant 0 : i32
      %dma_wait3A_645 = tpu.memref_slice %arg4[%dma_wait3A_643, %dma_wait3A_644] : memref<32x2552xf32, #tpu.memory_space<vmem>> -> memref<8x128xf32, #tpu.memory_space<vmem>>
      tpu.wait_dma2 semaphore(%arg5 : memref<!tpu.dma_semaphore, #tpu.memory_space<semaphore_mem>>) src(%dma_wait3A_645 : memref<8x128xf32, #tpu.memory_space<vmem>>) dst(%dma_wait3A_642 : memref<8x128xf32, #tpu.memory_space<hbm>>)
      %dma_wait3A_646 = arith.constant 2 : i32
      %dma_wait3A_647 = arith.constant 5 : i32
      %dma_wait3A_648 = arith.constant 0 : i32
      %dma_wait3A_649 = arith.constant 0 : i32
      %dma_wait3A_650 = tpu.memref_slice %arg4[%dma_wait3A_648, %dma_wait3A_649] : memref<32x2552xf32, #tpu.memory_space<vmem>> -> memref<8x128xf32, #tpu.memory_space<vmem>>
      %dma_wait3A_651 = arith.constant 0 : i32
      %dma_wait3A_652 = arith.constant 0 : i32
      %dma_wait3A_653 = tpu.memref_slice %arg3[%add3A_54, %dma_wait3A_646, %dma_wait3A_647, %dma_wait3A_651, %dma_wait3A_652] : memref<2048x4x16x8x128xf32, #tpu.memory_space<hbm>> -> memref<1x1x1x8x128xf32, #tpu.memory_space<hbm>>
      %dma_wait3A_654 = tpu.memref_squeeze %dma_wait3A_653 : memref<1x1x1x8x128xf32, #tpu.memory_space<hbm>> -> memref<8x128xf32, #tpu.memory_space<hbm>>
      %dma_wait3A_655 = arith.constant 0 : i32
      %dma_wait3A_656 = arith.constant 0 : i32
      %dma_wait3A_657 = tpu.memref_slice %arg3[%add3A_54, %dma_wait3A_646, %dma_wait3A_647, %dma_wait3A_655, %dma_wait3A_656] : memref<2048x4x16x8x128xf32, #tpu.memory_space<hbm>> -> memref<1x1x1x8x128xf32, #tpu.memory_space<hbm>>
      %dma_wait3A_658 = tpu.memref_squeeze %dma_wait3A_657 : memref<1x1x1x8x128xf32, #tpu.memory_space<hbm>> -> memref<8x128xf32, #tpu.memory_space<hbm>>
      %dma_wait3A_659 = arith.constant 0 : i32
      %dma_wait3A_660 = arith.constant 0 : i32
      %dma_wait3A_661 = tpu.memref_slice %arg4[%dma_wait3A_659, %dma_wait3A_660] : memref<32x2552xf32, #tpu.memory_space<vmem>> -> memref<8x128xf32, #tpu.memory_space<vmem>>
      tpu.wait_dma2 semaphore(%arg5 : memref<!tpu.dma_semaphore, #tpu.memory_space<semaphore_mem>>) src(%dma_wait3A_661 : memref<8x128xf32, #tpu.memory_space<vmem>>) dst(%dma_wait3A_658 : memref<8x128xf32, #tpu.memory_space<hbm>>)
      %dma_wait3A_662 = arith.constant 2 : i32
      %dma_wait3A_663 = arith.constant 6 : i32
      %dma_wait3A_664 = arith.constant 0 : i32
      %dma_wait3A_665 = arith.constant 0 : i32
      %dma_wait3A_666 = tpu.memref_slice %arg4[%dma_wait3A_664, %dma_wait3A_665] : memref<32x2552xf32, #tpu.memory_space<vmem>> -> memref<8x128xf32, #tpu.memory_space<vmem>>
      %dma_wait3A_667 = arith.constant 0 : i32
      %dma_wait3A_668 = arith.constant 0 : i32
      %dma_wait3A_669 = tpu.memref_slice %arg3[%add3A_54, %dma_wait3A_662, %dma_wait3A_663, %dma_wait3A_667, %dma_wait3A_668] : memref<2048x4x16x8x128xf32, #tpu.memory_space<hbm>> -> memref<1x1x1x8x128xf32, #tpu.memory_space<hbm>>
      %dma_wait3A_670 = tpu.memref_squeeze %dma_wait3A_669 : memref<1x1x1x8x128xf32, #tpu.memory_space<hbm>> -> memref<8x128xf32, #tpu.memory_space<hbm>>
      %dma_wait3A_671 = arith.constant 0 : i32
      %dma_wait3A_672 = arith.constant 0 : i32
      %dma_wait3A_673 = tpu.memref_slice %arg3[%add3A_54, %dma_wait3A_662, %dma_wait3A_663, %dma_wait3A_671, %dma_wait3A_672] : memref<2048x4x16x8x128xf32, #tpu.memory_space<hbm>> -> memref<1x1x1x8x128xf32, #tpu.memory_space<hbm>>
      %dma_wait3A_674 = tpu.memref_squeeze %dma_wait3A_673 : memref<1x1x1x8x128xf32, #tpu.memory_space<hbm>> -> memref<8x128xf32, #tpu.memory_space<hbm>>
      %dma_wait3A_675 = arith.constant 0 : i32
      %dma_wait3A_676 = arith.constant 0 : i32
      %dma_wait3A_677 = tpu.memref_slice %arg4[%dma_wait3A_675, %dma_wait3A_676] : memref<32x2552xf32, #tpu.memory_space<vmem>> -> memref<8x128xf32, #tpu.memory_space<vmem>>
      tpu.wait_dma2 semaphore(%arg5 : memref<!tpu.dma_semaphore, #tpu.memory_space<semaphore_mem>>) src(%dma_wait3A_677 : memref<8x128xf32, #tpu.memory_space<vmem>>) dst(%dma_wait3A_674 : memref<8x128xf32, #tpu.memory_space<hbm>>)
      %dma_wait3A_678 = arith.constant 2 : i32
      %dma_wait3A_679 = arith.constant 7 : i32
      %dma_wait3A_680 = arith.constant 0 : i32
      %dma_wait3A_681 = arith.constant 0 : i32
      %dma_wait3A_682 = tpu.memref_slice %arg4[%dma_wait3A_680, %dma_wait3A_681] : memref<32x2552xf32, #tpu.memory_space<vmem>> -> memref<8x128xf32, #tpu.memory_space<vmem>>
      %dma_wait3A_683 = arith.constant 0 : i32
      %dma_wait3A_684 = arith.constant 0 : i32
      %dma_wait3A_685 = tpu.memref_slice %arg3[%add3A_54, %dma_wait3A_678, %dma_wait3A_679, %dma_wait3A_683, %dma_wait3A_684] : memref<2048x4x16x8x128xf32, #tpu.memory_space<hbm>> -> memref<1x1x1x8x128xf32, #tpu.memory_space<hbm>>
      %dma_wait3A_686 = tpu.memref_squeeze %dma_wait3A_685 : memref<1x1x1x8x128xf32, #tpu.memory_space<hbm>> -> memref<8x128xf32, #tpu.memory_space<hbm>>
      %dma_wait3A_687 = arith.constant 0 : i32
      %dma_wait3A_688 = arith.constant 0 : i32
      %dma_wait3A_689 = tpu.memref_slice %arg3[%add3A_54, %dma_wait3A_678, %dma_wait3A_679, %dma_wait3A_687, %dma_wait3A_688] : memref<2048x4x16x8x128xf32, #tpu.memory_space<hbm>> -> memref<1x1x1x8x128xf32, #tpu.memory_space<hbm>>
      %dma_wait3A_690 = tpu.memref_squeeze %dma_wait3A_689 : memref<1x1x1x8x128xf32, #tpu.memory_space<hbm>> -> memref<8x128xf32, #tpu.memory_space<hbm>>
      %dma_wait3A_691 = arith.constant 0 : i32
      %dma_wait3A_692 = arith.constant 0 : i32
      %dma_wait3A_693 = tpu.memref_slice %arg4[%dma_wait3A_691, %dma_wait3A_692] : memref<32x2552xf32, #tpu.memory_space<vmem>> -> memref<8x128xf32, #tpu.memory_space<vmem>>
      tpu.wait_dma2 semaphore(%arg5 : memref<!tpu.dma_semaphore, #tpu.memory_space<semaphore_mem>>) src(%dma_wait3A_693 : memref<8x128xf32, #tpu.memory_space<vmem>>) dst(%dma_wait3A_690 : memref<8x128xf32, #tpu.memory_space<hbm>>)
      %dma_wait3A_694 = arith.constant 2 : i32
      %dma_wait3A_695 = arith.constant 8 : i32
      %dma_wait3A_696 = arith.constant 0 : i32
      %dma_wait3A_697 = arith.constant 0 : i32
      %dma_wait3A_698 = tpu.memref_slice %arg4[%dma_wait3A_696, %dma_wait3A_697] : memref<32x2552xf32, #tpu.memory_space<vmem>> -> memref<8x128xf32, #tpu.memory_space<vmem>>
      %dma_wait3A_699 = arith.constant 0 : i32
      %dma_wait3A_700 = arith.constant 0 : i32
      %dma_wait3A_701 = tpu.memref_slice %arg3[%add3A_54, %dma_wait3A_694, %dma_wait3A_695, %dma_wait3A_699, %dma_wait3A_700] : memref<2048x4x16x8x128xf32, #tpu.memory_space<hbm>> -> memref<1x1x1x8x128xf32, #tpu.memory_space<hbm>>
      %dma_wait3A_702 = tpu.memref_squeeze %dma_wait3A_701 : memref<1x1x1x8x128xf32, #tpu.memory_space<hbm>> -> memref<8x128xf32, #tpu.memory_space<hbm>>
      %dma_wait3A_703 = arith.constant 0 : i32
      %dma_wait3A_704 = arith.constant 0 : i32
      %dma_wait3A_705 = tpu.memref_slice %arg3[%add3A_54, %dma_wait3A_694, %dma_wait3A_695, %dma_wait3A_703, %dma_wait3A_704] : memref<2048x4x16x8x128xf32, #tpu.memory_space<hbm>> -> memref<1x1x1x8x128xf32, #tpu.memory_space<hbm>>
      %dma_wait3A_706 = tpu.memref_squeeze %dma_wait3A_705 : memref<1x1x1x8x128xf32, #tpu.memory_space<hbm>> -> memref<8x128xf32, #tpu.memory_space<hbm>>
      %dma_wait3A_707 = arith.constant 0 : i32
      %dma_wait3A_708 = arith.constant 0 : i32
      %dma_wait3A_709 = tpu.memref_slice %arg4[%dma_wait3A_707, %dma_wait3A_708] : memref<32x2552xf32, #tpu.memory_space<vmem>> -> memref<8x128xf32, #tpu.memory_space<vmem>>
      tpu.wait_dma2 semaphore(%arg5 : memref<!tpu.dma_semaphore, #tpu.memory_space<semaphore_mem>>) src(%dma_wait3A_709 : memref<8x128xf32, #tpu.memory_space<vmem>>) dst(%dma_wait3A_706 : memref<8x128xf32, #tpu.memory_space<hbm>>)
      %dma_wait3A_710 = arith.constant 2 : i32
      %dma_wait3A_711 = arith.constant 9 : i32
      %dma_wait3A_712 = arith.constant 0 : i32
      %dma_wait3A_713 = arith.constant 0 : i32
      %dma_wait3A_714 = tpu.memref_slice %arg4[%dma_wait3A_712, %dma_wait3A_713] : memref<32x2552xf32, #tpu.memory_space<vmem>> -> memref<8x128xf32, #tpu.memory_space<vmem>>
      %dma_wait3A_715 = arith.constant 0 : i32
      %dma_wait3A_716 = arith.constant 0 : i32
      %dma_wait3A_717 = tpu.memref_slice %arg3[%add3A_54, %dma_wait3A_710, %dma_wait3A_711, %dma_wait3A_715, %dma_wait3A_716] : memref<2048x4x16x8x128xf32, #tpu.memory_space<hbm>> -> memref<1x1x1x8x128xf32, #tpu.memory_space<hbm>>
      %dma_wait3A_718 = tpu.memref_squeeze %dma_wait3A_717 : memref<1x1x1x8x128xf32, #tpu.memory_space<hbm>> -> memref<8x128xf32, #tpu.memory_space<hbm>>
      %dma_wait3A_719 = arith.constant 0 : i32
      %dma_wait3A_720 = arith.constant 0 : i32
      %dma_wait3A_721 = tpu.memref_slice %arg3[%add3A_54, %dma_wait3A_710, %dma_wait3A_711, %dma_wait3A_719, %dma_wait3A_720] : memref<2048x4x16x8x128xf32, #tpu.memory_space<hbm>> -> memref<1x1x1x8x128xf32, #tpu.memory_space<hbm>>
      %dma_wait3A_722 = tpu.memref_squeeze %dma_wait3A_721 : memref<1x1x1x8x128xf32, #tpu.memory_space<hbm>> -> memref<8x128xf32, #tpu.memory_space<hbm>>
      %dma_wait3A_723 = arith.constant 0 : i32
      %dma_wait3A_724 = arith.constant 0 : i32
      %dma_wait3A_725 = tpu.memref_slice %arg4[%dma_wait3A_723, %dma_wait3A_724] : memref<32x2552xf32, #tpu.memory_space<vmem>> -> memref<8x128xf32, #tpu.memory_space<vmem>>
      tpu.wait_dma2 semaphore(%arg5 : memref<!tpu.dma_semaphore, #tpu.memory_space<semaphore_mem>>) src(%dma_wait3A_725 : memref<8x128xf32, #tpu.memory_space<vmem>>) dst(%dma_wait3A_722 : memref<8x128xf32, #tpu.memory_space<hbm>>)
      %dma_wait3A_726 = arith.constant 2 : i32
      %dma_wait3A_727 = arith.constant 10 : i32
      %dma_wait3A_728 = arith.constant 0 : i32
      %dma_wait3A_729 = arith.constant 0 : i32
      %dma_wait3A_730 = tpu.memref_slice %arg4[%dma_wait3A_728, %dma_wait3A_729] : memref<32x2552xf32, #tpu.memory_space<vmem>> -> memref<8x128xf32, #tpu.memory_space<vmem>>
      %dma_wait3A_731 = arith.constant 0 : i32
      %dma_wait3A_732 = arith.constant 0 : i32
      %dma_wait3A_733 = tpu.memref_slice %arg3[%add3A_54, %dma_wait3A_726, %dma_wait3A_727, %dma_wait3A_731, %dma_wait3A_732] : memref<2048x4x16x8x128xf32, #tpu.memory_space<hbm>> -> memref<1x1x1x8x128xf32, #tpu.memory_space<hbm>>
      %dma_wait3A_734 = tpu.memref_squeeze %dma_wait3A_733 : memref<1x1x1x8x128xf32, #tpu.memory_space<hbm>> -> memref<8x128xf32, #tpu.memory_space<hbm>>
      %dma_wait3A_735 = arith.constant 0 : i32
      %dma_wait3A_736 = arith.constant 0 : i32
      %dma_wait3A_737 = tpu.memref_slice %arg3[%add3A_54, %dma_wait3A_726, %dma_wait3A_727, %dma_wait3A_735, %dma_wait3A_736] : memref<2048x4x16x8x128xf32, #tpu.memory_space<hbm>> -> memref<1x1x1x8x128xf32, #tpu.memory_space<hbm>>
      %dma_wait3A_738 = tpu.memref_squeeze %dma_wait3A_737 : memref<1x1x1x8x128xf32, #tpu.memory_space<hbm>> -> memref<8x128xf32, #tpu.memory_space<hbm>>
      %dma_wait3A_739 = arith.constant 0 : i32
      %dma_wait3A_740 = arith.constant 0 : i32
      %dma_wait3A_741 = tpu.memref_slice %arg4[%dma_wait3A_739, %dma_wait3A_740] : memref<32x2552xf32, #tpu.memory_space<vmem>> -> memref<8x128xf32, #tpu.memory_space<vmem>>
      tpu.wait_dma2 semaphore(%arg5 : memref<!tpu.dma_semaphore, #tpu.memory_space<semaphore_mem>>) src(%dma_wait3A_741 : memref<8x128xf32, #tpu.memory_space<vmem>>) dst(%dma_wait3A_738 : memref<8x128xf32, #tpu.memory_space<hbm>>)
      %dma_wait3A_742 = arith.constant 2 : i32
      %dma_wait3A_743 = arith.constant 11 : i32
      %dma_wait3A_744 = arith.constant 0 : i32
      %dma_wait3A_745 = arith.constant 0 : i32
      %dma_wait3A_746 = tpu.memref_slice %arg4[%dma_wait3A_744, %dma_wait3A_745] : memref<32x2552xf32, #tpu.memory_space<vmem>> -> memref<8x128xf32, #tpu.memory_space<vmem>>
      %dma_wait3A_747 = arith.constant 0 : i32
      %dma_wait3A_748 = arith.constant 0 : i32
      %dma_wait3A_749 = tpu.memref_slice %arg3[%add3A_54, %dma_wait3A_742, %dma_wait3A_743, %dma_wait3A_747, %dma_wait3A_748] : memref<2048x4x16x8x128xf32, #tpu.memory_space<hbm>> -> memref<1x1x1x8x128xf32, #tpu.memory_space<hbm>>
      %dma_wait3A_750 = tpu.memref_squeeze %dma_wait3A_749 : memref<1x1x1x8x128xf32, #tpu.memory_space<hbm>> -> memref<8x128xf32, #tpu.memory_space<hbm>>
      %dma_wait3A_751 = arith.constant 0 : i32
      %dma_wait3A_752 = arith.constant 0 : i32
      %dma_wait3A_753 = tpu.memref_slice %arg3[%add3A_54, %dma_wait3A_742, %dma_wait3A_743, %dma_wait3A_751, %dma_wait3A_752] : memref<2048x4x16x8x128xf32, #tpu.memory_space<hbm>> -> memref<1x1x1x8x128xf32, #tpu.memory_space<hbm>>
      %dma_wait3A_754 = tpu.memref_squeeze %dma_wait3A_753 : memref<1x1x1x8x128xf32, #tpu.memory_space<hbm>> -> memref<8x128xf32, #tpu.memory_space<hbm>>
      %dma_wait3A_755 = arith.constant 0 : i32
      %dma_wait3A_756 = arith.constant 0 : i32
      %dma_wait3A_757 = tpu.memref_slice %arg4[%dma_wait3A_755, %dma_wait3A_756] : memref<32x2552xf32, #tpu.memory_space<vmem>> -> memref<8x128xf32, #tpu.memory_space<vmem>>
      tpu.wait_dma2 semaphore(%arg5 : memref<!tpu.dma_semaphore, #tpu.memory_space<semaphore_mem>>) src(%dma_wait3A_757 : memref<8x128xf32, #tpu.memory_space<vmem>>) dst(%dma_wait3A_754 : memref<8x128xf32, #tpu.memory_space<hbm>>)
      %dma_wait3A_758 = arith.constant 2 : i32
      %dma_wait3A_759 = arith.constant 12 : i32
      %dma_wait3A_760 = arith.constant 0 : i32
      %dma_wait3A_761 = arith.constant 0 : i32
      %dma_wait3A_762 = tpu.memref_slice %arg4[%dma_wait3A_760, %dma_wait3A_761] : memref<32x2552xf32, #tpu.memory_space<vmem>> -> memref<8x128xf32, #tpu.memory_space<vmem>>
      %dma_wait3A_763 = arith.constant 0 : i32
      %dma_wait3A_764 = arith.constant 0 : i32
      %dma_wait3A_765 = tpu.memref_slice %arg3[%add3A_54, %dma_wait3A_758, %dma_wait3A_759, %dma_wait3A_763, %dma_wait3A_764] : memref<2048x4x16x8x128xf32, #tpu.memory_space<hbm>> -> memref<1x1x1x8x128xf32, #tpu.memory_space<hbm>>
      %dma_wait3A_766 = tpu.memref_squeeze %dma_wait3A_765 : memref<1x1x1x8x128xf32, #tpu.memory_space<hbm>> -> memref<8x128xf32, #tpu.memory_space<hbm>>
      %dma_wait3A_767 = arith.constant 0 : i32
      %dma_wait3A_768 = arith.constant 0 : i32
      %dma_wait3A_769 = tpu.memref_slice %arg3[%add3A_54, %dma_wait3A_758, %dma_wait3A_759, %dma_wait3A_767, %dma_wait3A_768] : memref<2048x4x16x8x128xf32, #tpu.memory_space<hbm>> -> memref<1x1x1x8x128xf32, #tpu.memory_space<hbm>>
      %dma_wait3A_770 = tpu.memref_squeeze %dma_wait3A_769 : memref<1x1x1x8x128xf32, #tpu.memory_space<hbm>> -> memref<8x128xf32, #tpu.memory_space<hbm>>
      %dma_wait3A_771 = arith.constant 0 : i32
      %dma_wait3A_772 = arith.constant 0 : i32
      %dma_wait3A_773 = tpu.memref_slice %arg4[%dma_wait3A_771, %dma_wait3A_772] : memref<32x2552xf32, #tpu.memory_space<vmem>> -> memref<8x128xf32, #tpu.memory_space<vmem>>
      tpu.wait_dma2 semaphore(%arg5 : memref<!tpu.dma_semaphore, #tpu.memory_space<semaphore_mem>>) src(%dma_wait3A_773 : memref<8x128xf32, #tpu.memory_space<vmem>>) dst(%dma_wait3A_770 : memref<8x128xf32, #tpu.memory_space<hbm>>)
      %dma_wait3A_774 = arith.constant 2 : i32
      %dma_wait3A_775 = arith.constant 13 : i32
      %dma_wait3A_776 = arith.constant 0 : i32
      %dma_wait3A_777 = arith.constant 0 : i32
      %dma_wait3A_778 = tpu.memref_slice %arg4[%dma_wait3A_776, %dma_wait3A_777] : memref<32x2552xf32, #tpu.memory_space<vmem>> -> memref<8x128xf32, #tpu.memory_space<vmem>>
      %dma_wait3A_779 = arith.constant 0 : i32
      %dma_wait3A_780 = arith.constant 0 : i32
      %dma_wait3A_781 = tpu.memref_slice %arg3[%add3A_54, %dma_wait3A_774, %dma_wait3A_775, %dma_wait3A_779, %dma_wait3A_780] : memref<2048x4x16x8x128xf32, #tpu.memory_space<hbm>> -> memref<1x1x1x8x128xf32, #tpu.memory_space<hbm>>
      %dma_wait3A_782 = tpu.memref_squeeze %dma_wait3A_781 : memref<1x1x1x8x128xf32, #tpu.memory_space<hbm>> -> memref<8x128xf32, #tpu.memory_space<hbm>>
      %dma_wait3A_783 = arith.constant 0 : i32
      %dma_wait3A_784 = arith.constant 0 : i32
      %dma_wait3A_785 = tpu.memref_slice %arg3[%add3A_54, %dma_wait3A_774, %dma_wait3A_775, %dma_wait3A_783, %dma_wait3A_784] : memref<2048x4x16x8x128xf32, #tpu.memory_space<hbm>> -> memref<1x1x1x8x128xf32, #tpu.memory_space<hbm>>
      %dma_wait3A_786 = tpu.memref_squeeze %dma_wait3A_785 : memref<1x1x1x8x128xf32, #tpu.memory_space<hbm>> -> memref<8x128xf32, #tpu.memory_space<hbm>>
      %dma_wait3A_787 = arith.constant 0 : i32
      %dma_wait3A_788 = arith.constant 0 : i32
      %dma_wait3A_789 = tpu.memref_slice %arg4[%dma_wait3A_787, %dma_wait3A_788] : memref<32x2552xf32, #tpu.memory_space<vmem>> -> memref<8x128xf32, #tpu.memory_space<vmem>>
      tpu.wait_dma2 semaphore(%arg5 : memref<!tpu.dma_semaphore, #tpu.memory_space<semaphore_mem>>) src(%dma_wait3A_789 : memref<8x128xf32, #tpu.memory_space<vmem>>) dst(%dma_wait3A_786 : memref<8x128xf32, #tpu.memory_space<hbm>>)
      %dma_wait3A_790 = arith.constant 2 : i32
      %dma_wait3A_791 = arith.constant 14 : i32
      %dma_wait3A_792 = arith.constant 0 : i32
      %dma_wait3A_793 = arith.constant 0 : i32
      %dma_wait3A_794 = tpu.memref_slice %arg4[%dma_wait3A_792, %dma_wait3A_793] : memref<32x2552xf32, #tpu.memory_space<vmem>> -> memref<8x128xf32, #tpu.memory_space<vmem>>
      %dma_wait3A_795 = arith.constant 0 : i32
      %dma_wait3A_796 = arith.constant 0 : i32
      %dma_wait3A_797 = tpu.memref_slice %arg3[%add3A_54, %dma_wait3A_790, %dma_wait3A_791, %dma_wait3A_795, %dma_wait3A_796] : memref<2048x4x16x8x128xf32, #tpu.memory_space<hbm>> -> memref<1x1x1x8x128xf32, #tpu.memory_space<hbm>>
      %dma_wait3A_798 = tpu.memref_squeeze %dma_wait3A_797 : memref<1x1x1x8x128xf32, #tpu.memory_space<hbm>> -> memref<8x128xf32, #tpu.memory_space<hbm>>
      %dma_wait3A_799 = arith.constant 0 : i32
      %dma_wait3A_800 = arith.constant 0 : i32
      %dma_wait3A_801 = tpu.memref_slice %arg3[%add3A_54, %dma_wait3A_790, %dma_wait3A_791, %dma_wait3A_799, %dma_wait3A_800] : memref<2048x4x16x8x128xf32, #tpu.memory_space<hbm>> -> memref<1x1x1x8x128xf32, #tpu.memory_space<hbm>>
      %dma_wait3A_802 = tpu.memref_squeeze %dma_wait3A_801 : memref<1x1x1x8x128xf32, #tpu.memory_space<hbm>> -> memref<8x128xf32, #tpu.memory_space<hbm>>
      %dma_wait3A_803 = arith.constant 0 : i32
      %dma_wait3A_804 = arith.constant 0 : i32
      %dma_wait3A_805 = tpu.memref_slice %arg4[%dma_wait3A_803, %dma_wait3A_804] : memref<32x2552xf32, #tpu.memory_space<vmem>> -> memref<8x128xf32, #tpu.memory_space<vmem>>
      tpu.wait_dma2 semaphore(%arg5 : memref<!tpu.dma_semaphore, #tpu.memory_space<semaphore_mem>>) src(%dma_wait3A_805 : memref<8x128xf32, #tpu.memory_space<vmem>>) dst(%dma_wait3A_802 : memref<8x128xf32, #tpu.memory_space<hbm>>)
      %dma_wait3A_806 = arith.constant 2 : i32
      %dma_wait3A_807 = arith.constant 15 : i32
      %dma_wait3A_808 = arith.constant 0 : i32
      %dma_wait3A_809 = arith.constant 0 : i32
      %dma_wait3A_810 = tpu.memref_slice %arg4[%dma_wait3A_808, %dma_wait3A_809] : memref<32x2552xf32, #tpu.memory_space<vmem>> -> memref<8x128xf32, #tpu.memory_space<vmem>>
      %dma_wait3A_811 = arith.constant 0 : i32
      %dma_wait3A_812 = arith.constant 0 : i32
      %dma_wait3A_813 = tpu.memref_slice %arg3[%add3A_54, %dma_wait3A_806, %dma_wait3A_807, %dma_wait3A_811, %dma_wait3A_812] : memref<2048x4x16x8x128xf32, #tpu.memory_space<hbm>> -> memref<1x1x1x8x128xf32, #tpu.memory_space<hbm>>
      %dma_wait3A_814 = tpu.memref_squeeze %dma_wait3A_813 : memref<1x1x1x8x128xf32, #tpu.memory_space<hbm>> -> memref<8x128xf32, #tpu.memory_space<hbm>>
      %dma_wait3A_815 = arith.constant 0 : i32
      %dma_wait3A_816 = arith.constant 0 : i32
      %dma_wait3A_817 = tpu.memref_slice %arg3[%add3A_54, %dma_wait3A_806, %dma_wait3A_807, %dma_wait3A_815, %dma_wait3A_816] : memref<2048x4x16x8x128xf32, #tpu.memory_space<hbm>> -> memref<1x1x1x8x128xf32, #tpu.memory_space<hbm>>
      %dma_wait3A_818 = tpu.memref_squeeze %dma_wait3A_817 : memref<1x1x1x8x128xf32, #tpu.memory_space<hbm>> -> memref<8x128xf32, #tpu.memory_space<hbm>>
      %dma_wait3A_819 = arith.constant 0 : i32
      %dma_wait3A_820 = arith.constant 0 : i32
      %dma_wait3A_821 = tpu.memref_slice %arg4[%dma_wait3A_819, %dma_wait3A_820] : memref<32x2552xf32, #tpu.memory_space<vmem>> -> memref<8x128xf32, #tpu.memory_space<vmem>>
      tpu.wait_dma2 semaphore(%arg5 : memref<!tpu.dma_semaphore, #tpu.memory_space<semaphore_mem>>) src(%dma_wait3A_821 : memref<8x128xf32, #tpu.memory_space<vmem>>) dst(%dma_wait3A_818 : memref<8x128xf32, #tpu.memory_space<hbm>>)
      %dma_wait3A_822 = arith.constant 3 : i32
      %dma_wait3A_823 = arith.constant 0 : i32
      %dma_wait3A_824 = arith.constant 0 : i32
      %dma_wait3A_825 = arith.constant 0 : i32
      %dma_wait3A_826 = tpu.memref_slice %arg4[%dma_wait3A_824, %dma_wait3A_825] : memref<32x2552xf32, #tpu.memory_space<vmem>> -> memref<8x128xf32, #tpu.memory_space<vmem>>
      %dma_wait3A_827 = arith.constant 0 : i32
      %dma_wait3A_828 = arith.constant 0 : i32
      %dma_wait3A_829 = tpu.memref_slice %arg3[%add3A_54, %dma_wait3A_822, %dma_wait3A_823, %dma_wait3A_827, %dma_wait3A_828] : memref<2048x4x16x8x128xf32, #tpu.memory_space<hbm>> -> memref<1x1x1x8x128xf32, #tpu.memory_space<hbm>>
      %dma_wait3A_830 = tpu.memref_squeeze %dma_wait3A_829 : memref<1x1x1x8x128xf32, #tpu.memory_space<hbm>> -> memref<8x128xf32, #tpu.memory_space<hbm>>
      %dma_wait3A_831 = arith.constant 0 : i32
      %dma_wait3A_832 = arith.constant 0 : i32
      %dma_wait3A_833 = tpu.memref_slice %arg3[%add3A_54, %dma_wait3A_822, %dma_wait3A_823, %dma_wait3A_831, %dma_wait3A_832] : memref<2048x4x16x8x128xf32, #tpu.memory_space<hbm>> -> memref<1x1x1x8x128xf32, #tpu.memory_space<hbm>>
      %dma_wait3A_834 = tpu.memref_squeeze %dma_wait3A_833 : memref<1x1x1x8x128xf32, #tpu.memory_space<hbm>> -> memref<8x128xf32, #tpu.memory_space<hbm>>
      %dma_wait3A_835 = arith.constant 0 : i32
      %dma_wait3A_836 = arith.constant 0 : i32
      %dma_wait3A_837 = tpu.memref_slice %arg4[%dma_wait3A_835, %dma_wait3A_836] : memref<32x2552xf32, #tpu.memory_space<vmem>> -> memref<8x128xf32, #tpu.memory_space<vmem>>
      tpu.wait_dma2 semaphore(%arg5 : memref<!tpu.dma_semaphore, #tpu.memory_space<semaphore_mem>>) src(%dma_wait3A_837 : memref<8x128xf32, #tpu.memory_space<vmem>>) dst(%dma_wait3A_834 : memref<8x128xf32, #tpu.memory_space<hbm>>)
      %dma_wait3A_838 = arith.constant 3 : i32
      %dma_wait3A_839 = arith.constant 1 : i32
      %dma_wait3A_840 = arith.constant 0 : i32
      %dma_wait3A_841 = arith.constant 0 : i32
      %dma_wait3A_842 = tpu.memref_slice %arg4[%dma_wait3A_840, %dma_wait3A_841] : memref<32x2552xf32, #tpu.memory_space<vmem>> -> memref<8x128xf32, #tpu.memory_space<vmem>>
      %dma_wait3A_843 = arith.constant 0 : i32
      %dma_wait3A_844 = arith.constant 0 : i32
      %dma_wait3A_845 = tpu.memref_slice %arg3[%add3A_54, %dma_wait3A_838, %dma_wait3A_839, %dma_wait3A_843, %dma_wait3A_844] : memref<2048x4x16x8x128xf32, #tpu.memory_space<hbm>> -> memref<1x1x1x8x128xf32, #tpu.memory_space<hbm>>
      %dma_wait3A_846 = tpu.memref_squeeze %dma_wait3A_845 : memref<1x1x1x8x128xf32, #tpu.memory_space<hbm>> -> memref<8x128xf32, #tpu.memory_space<hbm>>
      %dma_wait3A_847 = arith.constant 0 : i32
      %dma_wait3A_848 = arith.constant 0 : i32
      %dma_wait3A_849 = tpu.memref_slice %arg3[%add3A_54, %dma_wait3A_838, %dma_wait3A_839, %dma_wait3A_847, %dma_wait3A_848] : memref<2048x4x16x8x128xf32, #tpu.memory_space<hbm>> -> memref<1x1x1x8x128xf32, #tpu.memory_space<hbm>>
      %dma_wait3A_850 = tpu.memref_squeeze %dma_wait3A_849 : memref<1x1x1x8x128xf32, #tpu.memory_space<hbm>> -> memref<8x128xf32, #tpu.memory_space<hbm>>
      %dma_wait3A_851 = arith.constant 0 : i32
      %dma_wait3A_852 = arith.constant 0 : i32
      %dma_wait3A_853 = tpu.memref_slice %arg4[%dma_wait3A_851, %dma_wait3A_852] : memref<32x2552xf32, #tpu.memory_space<vmem>> -> memref<8x128xf32, #tpu.memory_space<vmem>>
      tpu.wait_dma2 semaphore(%arg5 : memref<!tpu.dma_semaphore, #tpu.memory_space<semaphore_mem>>) src(%dma_wait3A_853 : memref<8x128xf32, #tpu.memory_space<vmem>>) dst(%dma_wait3A_850 : memref<8x128xf32, #tpu.memory_space<hbm>>)
      %dma_wait3A_854 = arith.constant 3 : i32
      %dma_wait3A_855 = arith.constant 2 : i32
      %dma_wait3A_856 = arith.constant 0 : i32
      %dma_wait3A_857 = arith.constant 0 : i32
      %dma_wait3A_858 = tpu.memref_slice %arg4[%dma_wait3A_856, %dma_wait3A_857] : memref<32x2552xf32, #tpu.memory_space<vmem>> -> memref<8x128xf32, #tpu.memory_space<vmem>>
      %dma_wait3A_859 = arith.constant 0 : i32
      %dma_wait3A_860 = arith.constant 0 : i32
      %dma_wait3A_861 = tpu.memref_slice %arg3[%add3A_54, %dma_wait3A_854, %dma_wait3A_855, %dma_wait3A_859, %dma_wait3A_860] : memref<2048x4x16x8x128xf32, #tpu.memory_space<hbm>> -> memref<1x1x1x8x128xf32, #tpu.memory_space<hbm>>
      %dma_wait3A_862 = tpu.memref_squeeze %dma_wait3A_861 : memref<1x1x1x8x128xf32, #tpu.memory_space<hbm>> -> memref<8x128xf32, #tpu.memory_space<hbm>>
      %dma_wait3A_863 = arith.constant 0 : i32
      %dma_wait3A_864 = arith.constant 0 : i32
      %dma_wait3A_865 = tpu.memref_slice %arg3[%add3A_54, %dma_wait3A_854, %dma_wait3A_855, %dma_wait3A_863, %dma_wait3A_864] : memref<2048x4x16x8x128xf32, #tpu.memory_space<hbm>> -> memref<1x1x1x8x128xf32, #tpu.memory_space<hbm>>
      %dma_wait3A_866 = tpu.memref_squeeze %dma_wait3A_865 : memref<1x1x1x8x128xf32, #tpu.memory_space<hbm>> -> memref<8x128xf32, #tpu.memory_space<hbm>>
      %dma_wait3A_867 = arith.constant 0 : i32
      %dma_wait3A_868 = arith.constant 0 : i32
      %dma_wait3A_869 = tpu.memref_slice %arg4[%dma_wait3A_867, %dma_wait3A_868] : memref<32x2552xf32, #tpu.memory_space<vmem>> -> memref<8x128xf32, #tpu.memory_space<vmem>>
      tpu.wait_dma2 semaphore(%arg5 : memref<!tpu.dma_semaphore, #tpu.memory_space<semaphore_mem>>) src(%dma_wait3A_869 : memref<8x128xf32, #tpu.memory_space<vmem>>) dst(%dma_wait3A_866 : memref<8x128xf32, #tpu.memory_space<hbm>>)
      %dma_wait3A_870 = arith.constant 3 : i32
      %dma_wait3A_871 = arith.constant 3 : i32
      %dma_wait3A_872 = arith.constant 0 : i32
      %dma_wait3A_873 = arith.constant 0 : i32
      %dma_wait3A_874 = tpu.memref_slice %arg4[%dma_wait3A_872, %dma_wait3A_873] : memref<32x2552xf32, #tpu.memory_space<vmem>> -> memref<8x128xf32, #tpu.memory_space<vmem>>
      %dma_wait3A_875 = arith.constant 0 : i32
      %dma_wait3A_876 = arith.constant 0 : i32
      %dma_wait3A_877 = tpu.memref_slice %arg3[%add3A_54, %dma_wait3A_870, %dma_wait3A_871, %dma_wait3A_875, %dma_wait3A_876] : memref<2048x4x16x8x128xf32, #tpu.memory_space<hbm>> -> memref<1x1x1x8x128xf32, #tpu.memory_space<hbm>>
      %dma_wait3A_878 = tpu.memref_squeeze %dma_wait3A_877 : memref<1x1x1x8x128xf32, #tpu.memory_space<hbm>> -> memref<8x128xf32, #tpu.memory_space<hbm>>
      %dma_wait3A_879 = arith.constant 0 : i32
      %dma_wait3A_880 = arith.constant 0 : i32
      %dma_wait3A_881 = tpu.memref_slice %arg3[%add3A_54, %dma_wait3A_870, %dma_wait3A_871, %dma_wait3A_879, %dma_wait3A_880] : memref<2048x4x16x8x128xf32, #tpu.memory_space<hbm>> -> memref<1x1x1x8x128xf32, #tpu.memory_space<hbm>>
      %dma_wait3A_882 = tpu.memref_squeeze %dma_wait3A_881 : memref<1x1x1x8x128xf32, #tpu.memory_space<hbm>> -> memref<8x128xf32, #tpu.memory_space<hbm>>
      %dma_wait3A_883 = arith.constant 0 : i32
      %dma_wait3A_884 = arith.constant 0 : i32
      %dma_wait3A_885 = tpu.memref_slice %arg4[%dma_wait3A_883, %dma_wait3A_884] : memref<32x2552xf32, #tpu.memory_space<vmem>> -> memref<8x128xf32, #tpu.memory_space<vmem>>
      tpu.wait_dma2 semaphore(%arg5 : memref<!tpu.dma_semaphore, #tpu.memory_space<semaphore_mem>>) src(%dma_wait3A_885 : memref<8x128xf32, #tpu.memory_space<vmem>>) dst(%dma_wait3A_882 : memref<8x128xf32, #tpu.memory_space<hbm>>)
      %dma_wait3A_886 = arith.constant 3 : i32
      %dma_wait3A_887 = arith.constant 4 : i32
      %dma_wait3A_888 = arith.constant 0 : i32
      %dma_wait3A_889 = arith.constant 0 : i32
      %dma_wait3A_890 = tpu.memref_slice %arg4[%dma_wait3A_888, %dma_wait3A_889] : memref<32x2552xf32, #tpu.memory_space<vmem>> -> memref<8x128xf32, #tpu.memory_space<vmem>>
      %dma_wait3A_891 = arith.constant 0 : i32
      %dma_wait3A_892 = arith.constant 0 : i32
      %dma_wait3A_893 = tpu.memref_slice %arg3[%add3A_54, %dma_wait3A_886, %dma_wait3A_887, %dma_wait3A_891, %dma_wait3A_892] : memref<2048x4x16x8x128xf32, #tpu.memory_space<hbm>> -> memref<1x1x1x8x128xf32, #tpu.memory_space<hbm>>
      %dma_wait3A_894 = tpu.memref_squeeze %dma_wait3A_893 : memref<1x1x1x8x128xf32, #tpu.memory_space<hbm>> -> memref<8x128xf32, #tpu.memory_space<hbm>>
      %dma_wait3A_895 = arith.constant 0 : i32
      %dma_wait3A_896 = arith.constant 0 : i32
      %dma_wait3A_897 = tpu.memref_slice %arg3[%add3A_54, %dma_wait3A_886, %dma_wait3A_887, %dma_wait3A_895, %dma_wait3A_896] : memref<2048x4x16x8x128xf32, #tpu.memory_space<hbm>> -> memref<1x1x1x8x128xf32, #tpu.memory_space<hbm>>
      %dma_wait3A_898 = tpu.memref_squeeze %dma_wait3A_897 : memref<1x1x1x8x128xf32, #tpu.memory_space<hbm>> -> memref<8x128xf32, #tpu.memory_space<hbm>>
      %dma_wait3A_899 = arith.constant 0 : i32
      %dma_wait3A_900 = arith.constant 0 : i32
      %dma_wait3A_901 = tpu.memref_slice %arg4[%dma_wait3A_899, %dma_wait3A_900] : memref<32x2552xf32, #tpu.memory_space<vmem>> -> memref<8x128xf32, #tpu.memory_space<vmem>>
      tpu.wait_dma2 semaphore(%arg5 : memref<!tpu.dma_semaphore, #tpu.memory_space<semaphore_mem>>) src(%dma_wait3A_901 : memref<8x128xf32, #tpu.memory_space<vmem>>) dst(%dma_wait3A_898 : memref<8x128xf32, #tpu.memory_space<hbm>>)
      %dma_wait3A_902 = arith.constant 3 : i32
      %dma_wait3A_903 = arith.constant 5 : i32
      %dma_wait3A_904 = arith.constant 0 : i32
      %dma_wait3A_905 = arith.constant 0 : i32
      %dma_wait3A_906 = tpu.memref_slice %arg4[%dma_wait3A_904, %dma_wait3A_905] : memref<32x2552xf32, #tpu.memory_space<vmem>> -> memref<8x128xf32, #tpu.memory_space<vmem>>
      %dma_wait3A_907 = arith.constant 0 : i32
      %dma_wait3A_908 = arith.constant 0 : i32
      %dma_wait3A_909 = tpu.memref_slice %arg3[%add3A_54, %dma_wait3A_902, %dma_wait3A_903, %dma_wait3A_907, %dma_wait3A_908] : memref<2048x4x16x8x128xf32, #tpu.memory_space<hbm>> -> memref<1x1x1x8x128xf32, #tpu.memory_space<hbm>>
      %dma_wait3A_910 = tpu.memref_squeeze %dma_wait3A_909 : memref<1x1x1x8x128xf32, #tpu.memory_space<hbm>> -> memref<8x128xf32, #tpu.memory_space<hbm>>
      %dma_wait3A_911 = arith.constant 0 : i32
      %dma_wait3A_912 = arith.constant 0 : i32
      %dma_wait3A_913 = tpu.memref_slice %arg3[%add3A_54, %dma_wait3A_902, %dma_wait3A_903, %dma_wait3A_911, %dma_wait3A_912] : memref<2048x4x16x8x128xf32, #tpu.memory_space<hbm>> -> memref<1x1x1x8x128xf32, #tpu.memory_space<hbm>>
      %dma_wait3A_914 = tpu.memref_squeeze %dma_wait3A_913 : memref<1x1x1x8x128xf32, #tpu.memory_space<hbm>> -> memref<8x128xf32, #tpu.memory_space<hbm>>
      %dma_wait3A_915 = arith.constant 0 : i32
      %dma_wait3A_916 = arith.constant 0 : i32
      %dma_wait3A_917 = tpu.memref_slice %arg4[%dma_wait3A_915, %dma_wait3A_916] : memref<32x2552xf32, #tpu.memory_space<vmem>> -> memref<8x128xf32, #tpu.memory_space<vmem>>
      tpu.wait_dma2 semaphore(%arg5 : memref<!tpu.dma_semaphore, #tpu.memory_space<semaphore_mem>>) src(%dma_wait3A_917 : memref<8x128xf32, #tpu.memory_space<vmem>>) dst(%dma_wait3A_914 : memref<8x128xf32, #tpu.memory_space<hbm>>)
      %dma_wait3A_918 = arith.constant 3 : i32
      %dma_wait3A_919 = arith.constant 6 : i32
      %dma_wait3A_920 = arith.constant 0 : i32
      %dma_wait3A_921 = arith.constant 0 : i32
      %dma_wait3A_922 = tpu.memref_slice %arg4[%dma_wait3A_920, %dma_wait3A_921] : memref<32x2552xf32, #tpu.memory_space<vmem>> -> memref<8x128xf32, #tpu.memory_space<vmem>>
      %dma_wait3A_923 = arith.constant 0 : i32
      %dma_wait3A_924 = arith.constant 0 : i32
      %dma_wait3A_925 = tpu.memref_slice %arg3[%add3A_54, %dma_wait3A_918, %dma_wait3A_919, %dma_wait3A_923, %dma_wait3A_924] : memref<2048x4x16x8x128xf32, #tpu.memory_space<hbm>> -> memref<1x1x1x8x128xf32, #tpu.memory_space<hbm>>
      %dma_wait3A_926 = tpu.memref_squeeze %dma_wait3A_925 : memref<1x1x1x8x128xf32, #tpu.memory_space<hbm>> -> memref<8x128xf32, #tpu.memory_space<hbm>>
      %dma_wait3A_927 = arith.constant 0 : i32
      %dma_wait3A_928 = arith.constant 0 : i32
      %dma_wait3A_929 = tpu.memref_slice %arg3[%add3A_54, %dma_wait3A_918, %dma_wait3A_919, %dma_wait3A_927, %dma_wait3A_928] : memref<2048x4x16x8x128xf32, #tpu.memory_space<hbm>> -> memref<1x1x1x8x128xf32, #tpu.memory_space<hbm>>
      %dma_wait3A_930 = tpu.memref_squeeze %dma_wait3A_929 : memref<1x1x1x8x128xf32, #tpu.memory_space<hbm>> -> memref<8x128xf32, #tpu.memory_space<hbm>>
      %dma_wait3A_931 = arith.constant 0 : i32
      %dma_wait3A_932 = arith.constant 0 : i32
      %dma_wait3A_933 = tpu.memref_slice %arg4[%dma_wait3A_931, %dma_wait3A_932] : memref<32x2552xf32, #tpu.memory_space<vmem>> -> memref<8x128xf32, #tpu.memory_space<vmem>>
      tpu.wait_dma2 semaphore(%arg5 : memref<!tpu.dma_semaphore, #tpu.memory_space<semaphore_mem>>) src(%dma_wait3A_933 : memref<8x128xf32, #tpu.memory_space<vmem>>) dst(%dma_wait3A_930 : memref<8x128xf32, #tpu.memory_space<hbm>>)
      %dma_wait3A_934 = arith.constant 3 : i32
      %dma_wait3A_935 = arith.constant 7 : i32
      %dma_wait3A_936 = arith.constant 0 : i32
      %dma_wait3A_937 = arith.constant 0 : i32
      %dma_wait3A_938 = tpu.memref_slice %arg4[%dma_wait3A_936, %dma_wait3A_937] : memref<32x2552xf32, #tpu.memory_space<vmem>> -> memref<8x128xf32, #tpu.memory_space<vmem>>
      %dma_wait3A_939 = arith.constant 0 : i32
      %dma_wait3A_940 = arith.constant 0 : i32
      %dma_wait3A_941 = tpu.memref_slice %arg3[%add3A_54, %dma_wait3A_934, %dma_wait3A_935, %dma_wait3A_939, %dma_wait3A_940] : memref<2048x4x16x8x128xf32, #tpu.memory_space<hbm>> -> memref<1x1x1x8x128xf32, #tpu.memory_space<hbm>>
      %dma_wait3A_942 = tpu.memref_squeeze %dma_wait3A_941 : memref<1x1x1x8x128xf32, #tpu.memory_space<hbm>> -> memref<8x128xf32, #tpu.memory_space<hbm>>
      %dma_wait3A_943 = arith.constant 0 : i32
      %dma_wait3A_944 = arith.constant 0 : i32
      %dma_wait3A_945 = tpu.memref_slice %arg3[%add3A_54, %dma_wait3A_934, %dma_wait3A_935, %dma_wait3A_943, %dma_wait3A_944] : memref<2048x4x16x8x128xf32, #tpu.memory_space<hbm>> -> memref<1x1x1x8x128xf32, #tpu.memory_space<hbm>>
      %dma_wait3A_946 = tpu.memref_squeeze %dma_wait3A_945 : memref<1x1x1x8x128xf32, #tpu.memory_space<hbm>> -> memref<8x128xf32, #tpu.memory_space<hbm>>
      %dma_wait3A_947 = arith.constant 0 : i32
      %dma_wait3A_948 = arith.constant 0 : i32
      %dma_wait3A_949 = tpu.memref_slice %arg4[%dma_wait3A_947, %dma_wait3A_948] : memref<32x2552xf32, #tpu.memory_space<vmem>> -> memref<8x128xf32, #tpu.memory_space<vmem>>
      tpu.wait_dma2 semaphore(%arg5 : memref<!tpu.dma_semaphore, #tpu.memory_space<semaphore_mem>>) src(%dma_wait3A_949 : memref<8x128xf32, #tpu.memory_space<vmem>>) dst(%dma_wait3A_946 : memref<8x128xf32, #tpu.memory_space<hbm>>)
      %dma_wait3A_950 = arith.constant 3 : i32
      %dma_wait3A_951 = arith.constant 8 : i32
      %dma_wait3A_952 = arith.constant 0 : i32
      %dma_wait3A_953 = arith.constant 0 : i32
      %dma_wait3A_954 = tpu.memref_slice %arg4[%dma_wait3A_952, %dma_wait3A_953] : memref<32x2552xf32, #tpu.memory_space<vmem>> -> memref<8x128xf32, #tpu.memory_space<vmem>>
      %dma_wait3A_955 = arith.constant 0 : i32
      %dma_wait3A_956 = arith.constant 0 : i32
      %dma_wait3A_957 = tpu.memref_slice %arg3[%add3A_54, %dma_wait3A_950, %dma_wait3A_951, %dma_wait3A_955, %dma_wait3A_956] : memref<2048x4x16x8x128xf32, #tpu.memory_space<hbm>> -> memref<1x1x1x8x128xf32, #tpu.memory_space<hbm>>
      %dma_wait3A_958 = tpu.memref_squeeze %dma_wait3A_957 : memref<1x1x1x8x128xf32, #tpu.memory_space<hbm>> -> memref<8x128xf32, #tpu.memory_space<hbm>>
      %dma_wait3A_959 = arith.constant 0 : i32
      %dma_wait3A_960 = arith.constant 0 : i32
      %dma_wait3A_961 = tpu.memref_slice %arg3[%add3A_54, %dma_wait3A_950, %dma_wait3A_951, %dma_wait3A_959, %dma_wait3A_960] : memref<2048x4x16x8x128xf32, #tpu.memory_space<hbm>> -> memref<1x1x1x8x128xf32, #tpu.memory_space<hbm>>
      %dma_wait3A_962 = tpu.memref_squeeze %dma_wait3A_961 : memref<1x1x1x8x128xf32, #tpu.memory_space<hbm>> -> memref<8x128xf32, #tpu.memory_space<hbm>>
      %dma_wait3A_963 = arith.constant 0 : i32
      %dma_wait3A_964 = arith.constant 0 : i32
      %dma_wait3A_965 = tpu.memref_slice %arg4[%dma_wait3A_963, %dma_wait3A_964] : memref<32x2552xf32, #tpu.memory_space<vmem>> -> memref<8x128xf32, #tpu.memory_space<vmem>>
      tpu.wait_dma2 semaphore(%arg5 : memref<!tpu.dma_semaphore, #tpu.memory_space<semaphore_mem>>) src(%dma_wait3A_965 : memref<8x128xf32, #tpu.memory_space<vmem>>) dst(%dma_wait3A_962 : memref<8x128xf32, #tpu.memory_space<hbm>>)
      %dma_wait3A_966 = arith.constant 3 : i32
      %dma_wait3A_967 = arith.constant 9 : i32
      %dma_wait3A_968 = arith.constant 0 : i32
      %dma_wait3A_969 = arith.constant 0 : i32
      %dma_wait3A_970 = tpu.memref_slice %arg4[%dma_wait3A_968, %dma_wait3A_969] : memref<32x2552xf32, #tpu.memory_space<vmem>> -> memref<8x128xf32, #tpu.memory_space<vmem>>
      %dma_wait3A_971 = arith.constant 0 : i32
      %dma_wait3A_972 = arith.constant 0 : i32
      %dma_wait3A_973 = tpu.memref_slice %arg3[%add3A_54, %dma_wait3A_966, %dma_wait3A_967, %dma_wait3A_971, %dma_wait3A_972] : memref<2048x4x16x8x128xf32, #tpu.memory_space<hbm>> -> memref<1x1x1x8x128xf32, #tpu.memory_space<hbm>>
      %dma_wait3A_974 = tpu.memref_squeeze %dma_wait3A_973 : memref<1x1x1x8x128xf32, #tpu.memory_space<hbm>> -> memref<8x128xf32, #tpu.memory_space<hbm>>
      %dma_wait3A_975 = arith.constant 0 : i32
      %dma_wait3A_976 = arith.constant 0 : i32
      %dma_wait3A_977 = tpu.memref_slice %arg3[%add3A_54, %dma_wait3A_966, %dma_wait3A_967, %dma_wait3A_975, %dma_wait3A_976] : memref<2048x4x16x8x128xf32, #tpu.memory_space<hbm>> -> memref<1x1x1x8x128xf32, #tpu.memory_space<hbm>>
      %dma_wait3A_978 = tpu.memref_squeeze %dma_wait3A_977 : memref<1x1x1x8x128xf32, #tpu.memory_space<hbm>> -> memref<8x128xf32, #tpu.memory_space<hbm>>
      %dma_wait3A_979 = arith.constant 0 : i32
      %dma_wait3A_980 = arith.constant 0 : i32
      %dma_wait3A_981 = tpu.memref_slice %arg4[%dma_wait3A_979, %dma_wait3A_980] : memref<32x2552xf32, #tpu.memory_space<vmem>> -> memref<8x128xf32, #tpu.memory_space<vmem>>
      tpu.wait_dma2 semaphore(%arg5 : memref<!tpu.dma_semaphore, #tpu.memory_space<semaphore_mem>>) src(%dma_wait3A_981 : memref<8x128xf32, #tpu.memory_space<vmem>>) dst(%dma_wait3A_978 : memref<8x128xf32, #tpu.memory_space<hbm>>)
      %dma_wait3A_982 = arith.constant 3 : i32
      %dma_wait3A_983 = arith.constant 10 : i32
      %dma_wait3A_984 = arith.constant 0 : i32
      %dma_wait3A_985 = arith.constant 0 : i32
      %dma_wait3A_986 = tpu.memref_slice %arg4[%dma_wait3A_984, %dma_wait3A_985] : memref<32x2552xf32, #tpu.memory_space<vmem>> -> memref<8x128xf32, #tpu.memory_space<vmem>>
      %dma_wait3A_987 = arith.constant 0 : i32
      %dma_wait3A_988 = arith.constant 0 : i32
      %dma_wait3A_989 = tpu.memref_slice %arg3[%add3A_54, %dma_wait3A_982, %dma_wait3A_983, %dma_wait3A_987, %dma_wait3A_988] : memref<2048x4x16x8x128xf32, #tpu.memory_space<hbm>> -> memref<1x1x1x8x128xf32, #tpu.memory_space<hbm>>
      %dma_wait3A_990 = tpu.memref_squeeze %dma_wait3A_989 : memref<1x1x1x8x128xf32, #tpu.memory_space<hbm>> -> memref<8x128xf32, #tpu.memory_space<hbm>>
      %dma_wait3A_991 = arith.constant 0 : i32
      %dma_wait3A_992 = arith.constant 0 : i32
      %dma_wait3A_993 = tpu.memref_slice %arg3[%add3A_54, %dma_wait3A_982, %dma_wait3A_983, %dma_wait3A_991, %dma_wait3A_992] : memref<2048x4x16x8x128xf32, #tpu.memory_space<hbm>> -> memref<1x1x1x8x128xf32, #tpu.memory_space<hbm>>
      %dma_wait3A_994 = tpu.memref_squeeze %dma_wait3A_993 : memref<1x1x1x8x128xf32, #tpu.memory_space<hbm>> -> memref<8x128xf32, #tpu.memory_space<hbm>>
      %dma_wait3A_995 = arith.constant 0 : i32
      %dma_wait3A_996 = arith.constant 0 : i32
      %dma_wait3A_997 = tpu.memref_slice %arg4[%dma_wait3A_995, %dma_wait3A_996] : memref<32x2552xf32, #tpu.memory_space<vmem>> -> memref<8x128xf32, #tpu.memory_space<vmem>>
      tpu.wait_dma2 semaphore(%arg5 : memref<!tpu.dma_semaphore, #tpu.memory_space<semaphore_mem>>) src(%dma_wait3A_997 : memref<8x128xf32, #tpu.memory_space<vmem>>) dst(%dma_wait3A_994 : memref<8x128xf32, #tpu.memory_space<hbm>>)
      %dma_wait3A_998 = arith.constant 3 : i32
      %dma_wait3A_999 = arith.constant 11 : i32
      %dma_wait3A_1000 = arith.constant 0 : i32
      %dma_wait3A_1001 = arith.constant 0 : i32
      %dma_wait3A_1002 = tpu.memref_slice %arg4[%dma_wait3A_1000, %dma_wait3A_1001] : memref<32x2552xf32, #tpu.memory_space<vmem>> -> memref<8x128xf32, #tpu.memory_space<vmem>>
      %dma_wait3A_1003 = arith.constant 0 : i32
      %dma_wait3A_1004 = arith.constant 0 : i32
      %dma_wait3A_1005 = tpu.memref_slice %arg3[%add3A_54, %dma_wait3A_998, %dma_wait3A_999, %dma_wait3A_1003, %dma_wait3A_1004] : memref<2048x4x16x8x128xf32, #tpu.memory_space<hbm>> -> memref<1x1x1x8x128xf32, #tpu.memory_space<hbm>>
      %dma_wait3A_1006 = tpu.memref_squeeze %dma_wait3A_1005 : memref<1x1x1x8x128xf32, #tpu.memory_space<hbm>> -> memref<8x128xf32, #tpu.memory_space<hbm>>
      %dma_wait3A_1007 = arith.constant 0 : i32
      %dma_wait3A_1008 = arith.constant 0 : i32
      %dma_wait3A_1009 = tpu.memref_slice %arg3[%add3A_54, %dma_wait3A_998, %dma_wait3A_999, %dma_wait3A_1007, %dma_wait3A_1008] : memref<2048x4x16x8x128xf32, #tpu.memory_space<hbm>> -> memref<1x1x1x8x128xf32, #tpu.memory_space<hbm>>
      %dma_wait3A_1010 = tpu.memref_squeeze %dma_wait3A_1009 : memref<1x1x1x8x128xf32, #tpu.memory_space<hbm>> -> memref<8x128xf32, #tpu.memory_space<hbm>>
      %dma_wait3A_1011 = arith.constant 0 : i32
      %dma_wait3A_1012 = arith.constant 0 : i32
      %dma_wait3A_1013 = tpu.memref_slice %arg4[%dma_wait3A_1011, %dma_wait3A_1012] : memref<32x2552xf32, #tpu.memory_space<vmem>> -> memref<8x128xf32, #tpu.memory_space<vmem>>
      tpu.wait_dma2 semaphore(%arg5 : memref<!tpu.dma_semaphore, #tpu.memory_space<semaphore_mem>>) src(%dma_wait3A_1013 : memref<8x128xf32, #tpu.memory_space<vmem>>) dst(%dma_wait3A_1010 : memref<8x128xf32, #tpu.memory_space<hbm>>)
      %dma_wait3A_1014 = arith.constant 3 : i32
      %dma_wait3A_1015 = arith.constant 12 : i32
      %dma_wait3A_1016 = arith.constant 0 : i32
      %dma_wait3A_1017 = arith.constant 0 : i32
      %dma_wait3A_1018 = tpu.memref_slice %arg4[%dma_wait3A_1016, %dma_wait3A_1017] : memref<32x2552xf32, #tpu.memory_space<vmem>> -> memref<8x128xf32, #tpu.memory_space<vmem>>
      %dma_wait3A_1019 = arith.constant 0 : i32
      %dma_wait3A_1020 = arith.constant 0 : i32
      %dma_wait3A_1021 = tpu.memref_slice %arg3[%add3A_54, %dma_wait3A_1014, %dma_wait3A_1015, %dma_wait3A_1019, %dma_wait3A_1020] : memref<2048x4x16x8x128xf32, #tpu.memory_space<hbm>> -> memref<1x1x1x8x128xf32, #tpu.memory_space<hbm>>
      %dma_wait3A_1022 = tpu.memref_squeeze %dma_wait3A_1021 : memref<1x1x1x8x128xf32, #tpu.memory_space<hbm>> -> memref<8x128xf32, #tpu.memory_space<hbm>>
      %dma_wait3A_1023 = arith.constant 0 : i32
      %dma_wait3A_1024 = arith.constant 0 : i32
      %dma_wait3A_1025 = tpu.memref_slice %arg3[%add3A_54, %dma_wait3A_1014, %dma_wait3A_1015, %dma_wait3A_1023, %dma_wait3A_1024] : memref<2048x4x16x8x128xf32, #tpu.memory_space<hbm>> -> memref<1x1x1x8x128xf32, #tpu.memory_space<hbm>>
      %dma_wait3A_1026 = tpu.memref_squeeze %dma_wait3A_1025 : memref<1x1x1x8x128xf32, #tpu.memory_space<hbm>> -> memref<8x128xf32, #tpu.memory_space<hbm>>
      %dma_wait3A_1027 = arith.constant 0 : i32
      %dma_wait3A_1028 = arith.constant 0 : i32
      %dma_wait3A_1029 = tpu.memref_slice %arg4[%dma_wait3A_1027, %dma_wait3A_1028] : memref<32x2552xf32, #tpu.memory_space<vmem>> -> memref<8x128xf32, #tpu.memory_space<vmem>>
      tpu.wait_dma2 semaphore(%arg5 : memref<!tpu.dma_semaphore, #tpu.memory_space<semaphore_mem>>) src(%dma_wait3A_1029 : memref<8x128xf32, #tpu.memory_space<vmem>>) dst(%dma_wait3A_1026 : memref<8x128xf32, #tpu.memory_space<hbm>>)
      %dma_wait3A_1030 = arith.constant 3 : i32
      %dma_wait3A_1031 = arith.constant 13 : i32
      %dma_wait3A_1032 = arith.constant 0 : i32
      %dma_wait3A_1033 = arith.constant 0 : i32
      %dma_wait3A_1034 = tpu.memref_slice %arg4[%dma_wait3A_1032, %dma_wait3A_1033] : memref<32x2552xf32, #tpu.memory_space<vmem>> -> memref<8x128xf32, #tpu.memory_space<vmem>>
      %dma_wait3A_1035 = arith.constant 0 : i32
      %dma_wait3A_1036 = arith.constant 0 : i32
      %dma_wait3A_1037 = tpu.memref_slice %arg3[%add3A_54, %dma_wait3A_1030, %dma_wait3A_1031, %dma_wait3A_1035, %dma_wait3A_1036] : memref<2048x4x16x8x128xf32, #tpu.memory_space<hbm>> -> memref<1x1x1x8x128xf32, #tpu.memory_space<hbm>>
      %dma_wait3A_1038 = tpu.memref_squeeze %dma_wait3A_1037 : memref<1x1x1x8x128xf32, #tpu.memory_space<hbm>> -> memref<8x128xf32, #tpu.memory_space<hbm>>
      %dma_wait3A_1039 = arith.constant 0 : i32
      %dma_wait3A_1040 = arith.constant 0 : i32
      %dma_wait3A_1041 = tpu.memref_slice %arg3[%add3A_54, %dma_wait3A_1030, %dma_wait3A_1031, %dma_wait3A_1039, %dma_wait3A_1040] : memref<2048x4x16x8x128xf32, #tpu.memory_space<hbm>> -> memref<1x1x1x8x128xf32, #tpu.memory_space<hbm>>
      %dma_wait3A_1042 = tpu.memref_squeeze %dma_wait3A_1041 : memref<1x1x1x8x128xf32, #tpu.memory_space<hbm>> -> memref<8x128xf32, #tpu.memory_space<hbm>>
      %dma_wait3A_1043 = arith.constant 0 : i32
      %dma_wait3A_1044 = arith.constant 0 : i32
      %dma_wait3A_1045 = tpu.memref_slice %arg4[%dma_wait3A_1043, %dma_wait3A_1044] : memref<32x2552xf32, #tpu.memory_space<vmem>> -> memref<8x128xf32, #tpu.memory_space<vmem>>
      tpu.wait_dma2 semaphore(%arg5 : memref<!tpu.dma_semaphore, #tpu.memory_space<semaphore_mem>>) src(%dma_wait3A_1045 : memref<8x128xf32, #tpu.memory_space<vmem>>) dst(%dma_wait3A_1042 : memref<8x128xf32, #tpu.memory_space<hbm>>)
      %dma_wait3A_1046 = arith.constant 3 : i32
      %dma_wait3A_1047 = arith.constant 14 : i32
      %dma_wait3A_1048 = arith.constant 0 : i32
      %dma_wait3A_1049 = arith.constant 0 : i32
      %dma_wait3A_1050 = tpu.memref_slice %arg4[%dma_wait3A_1048, %dma_wait3A_1049] : memref<32x2552xf32, #tpu.memory_space<vmem>> -> memref<8x128xf32, #tpu.memory_space<vmem>>
      %dma_wait3A_1051 = arith.constant 0 : i32
      %dma_wait3A_1052 = arith.constant 0 : i32
      %dma_wait3A_1053 = tpu.memref_slice %arg3[%add3A_54, %dma_wait3A_1046, %dma_wait3A_1047, %dma_wait3A_1051, %dma_wait3A_1052] : memref<2048x4x16x8x128xf32, #tpu.memory_space<hbm>> -> memref<1x1x1x8x128xf32, #tpu.memory_space<hbm>>
      %dma_wait3A_1054 = tpu.memref_squeeze %dma_wait3A_1053 : memref<1x1x1x8x128xf32, #tpu.memory_space<hbm>> -> memref<8x128xf32, #tpu.memory_space<hbm>>
      %dma_wait3A_1055 = arith.constant 0 : i32
      %dma_wait3A_1056 = arith.constant 0 : i32
      %dma_wait3A_1057 = tpu.memref_slice %arg3[%add3A_54, %dma_wait3A_1046, %dma_wait3A_1047, %dma_wait3A_1055, %dma_wait3A_1056] : memref<2048x4x16x8x128xf32, #tpu.memory_space<hbm>> -> memref<1x1x1x8x128xf32, #tpu.memory_space<hbm>>
      %dma_wait3A_1058 = tpu.memref_squeeze %dma_wait3A_1057 : memref<1x1x1x8x128xf32, #tpu.memory_space<hbm>> -> memref<8x128xf32, #tpu.memory_space<hbm>>
      %dma_wait3A_1059 = arith.constant 0 : i32
      %dma_wait3A_1060 = arith.constant 0 : i32
      %dma_wait3A_1061 = tpu.memref_slice %arg4[%dma_wait3A_1059, %dma_wait3A_1060] : memref<32x2552xf32, #tpu.memory_space<vmem>> -> memref<8x128xf32, #tpu.memory_space<vmem>>
      tpu.wait_dma2 semaphore(%arg5 : memref<!tpu.dma_semaphore, #tpu.memory_space<semaphore_mem>>) src(%dma_wait3A_1061 : memref<8x128xf32, #tpu.memory_space<vmem>>) dst(%dma_wait3A_1058 : memref<8x128xf32, #tpu.memory_space<hbm>>)
      %dma_wait3A_1062 = arith.constant 3 : i32
      %dma_wait3A_1063 = arith.constant 15 : i32
      %dma_wait3A_1064 = arith.constant 0 : i32
      %dma_wait3A_1065 = arith.constant 0 : i32
      %dma_wait3A_1066 = tpu.memref_slice %arg4[%dma_wait3A_1064, %dma_wait3A_1065] : memref<32x2552xf32, #tpu.memory_space<vmem>> -> memref<8x128xf32, #tpu.memory_space<vmem>>
      %dma_wait3A_1067 = arith.constant 0 : i32
      %dma_wait3A_1068 = arith.constant 0 : i32
      %dma_wait3A_1069 = tpu.memref_slice %arg3[%add3A_54, %dma_wait3A_1062, %dma_wait3A_1063, %dma_wait3A_1067, %dma_wait3A_1068] : memref<2048x4x16x8x128xf32, #tpu.memory_space<hbm>> -> memref<1x1x1x8x128xf32, #tpu.memory_space<hbm>>
      %dma_wait3A_1070 = tpu.memref_squeeze %dma_wait3A_1069 : memref<1x1x1x8x128xf32, #tpu.memory_space<hbm>> -> memref<8x128xf32, #tpu.memory_space<hbm>>
      %dma_wait3A_1071 = arith.constant 0 : i32
      %dma_wait3A_1072 = arith.constant 0 : i32
      %dma_wait3A_1073 = tpu.memref_slice %arg3[%add3A_54, %dma_wait3A_1062, %dma_wait3A_1063, %dma_wait3A_1071, %dma_wait3A_1072] : memref<2048x4x16x8x128xf32, #tpu.memory_space<hbm>> -> memref<1x1x1x8x128xf32, #tpu.memory_space<hbm>>
      %dma_wait3A_1074 = tpu.memref_squeeze %dma_wait3A_1073 : memref<1x1x1x8x128xf32, #tpu.memory_space<hbm>> -> memref<8x128xf32, #tpu.memory_space<hbm>>
      %dma_wait3A_1075 = arith.constant 0 : i32
      %dma_wait3A_1076 = arith.constant 0 : i32
      %dma_wait3A_1077 = tpu.memref_slice %arg4[%dma_wait3A_1075, %dma_wait3A_1076] : memref<32x2552xf32, #tpu.memory_space<vmem>> -> memref<8x128xf32, #tpu.memory_space<vmem>>
      tpu.wait_dma2 semaphore(%arg5 : memref<!tpu.dma_semaphore, #tpu.memory_space<semaphore_mem>>) src(%dma_wait3A_1077 : memref<8x128xf32, #tpu.memory_space<vmem>>) dst(%dma_wait3A_1074 : memref<8x128xf32, #tpu.memory_space<hbm>>)
    }
    %scan3A_45 = arith.constant 64 : i32
    return
  }
}

</mosaic_0001>

<sc_bundles>
// kernel: kernel.3.cloned.1.call-start
scs
__scs_entry_jumppad:
0x0: {  	(pc) =	sbr.rel $0x88, $3  }
0x1: {  	(tag) =	ssettag $0x0;
	lr =	simm.s32 $0x1  }
0x2: {  	[smem:$0x3FA0] =	sst lr;
	_ =	strace $0xD0000000  }
0x3: {  	_ = 	snop  }
0x4: {  	_ = 	snop  }
0x5: {  	_ = 	snop  }
0x6: {  	_ = 	snop  }
0x7: {  	_ = 	snop  }
__scs_overlays_trampoline_lowered:
0x8: {  	[smem:$0x3FAF] =	sst s0  }
0x9: {  	[smem:$0x3FB0] =	sst s1  }
0xa: {  	[smem:$0x3FB1] =	sst s2  }
0xb: {  	[smem:$0x3FB2] =	sst s3  }
0xc: {  	[smem:$0x3FB3] =	sst s4  }
0xd: {  	[smem:$0x3FB4] =	sst s5  }
0xe: {  	[smem:$0x3FB5] =	sst s6  }
0xf: {  	[smem:$0x3FB6] =	sst s7  }
0x10: {  	[smem:$0x3FB7] =	sst s8  }
0x11: {  	[smem:$0x3FB8] =	sst s9;
	s0 =	simm.s32 @!p0 $0x0  }
0x12: {  	s1 =	sld [smem:$0x3F9E];
	s0 =	simm.s32 @p0 $0x1  }
0x13: {  	[smem:$0x3FB9] =	sst s0;
	s0 =	simm.s32 @!p1 $0x0  }
0x14: {  	s2 =	sld [smem:$0x3F9D];
	s0 =	simm.s32 @p1 $0x1  }
0x15: {  	[smem:$0x3FBA] =	sst s0;
	s0 =	simm.s32 @!p2 $0x0  }
0x16: {  	s3 =	sld [smem:$0x3FDB];
	s0 =	simm.s32 @p2 $0x1  }
0x17: {  	s4 =	simm.s32 $0x1BF5;
	[smem:$0x3FBC] =	sst s0  }
0x18: {  	s0 =	sld [smem:$0x3F9F];
	_ =	swait.ge [sflag:s4], $0x0  }
0x19: {  	s7 =	sld [smem:$0x3FA0]  }
0x1a: {  	s8 =	sadd.s32 $0xFFFFE003, lr  }
0x1b: {  	s9 =	sadd.s32 $0xFFFFFEF7, lr;
	s5 =	simm.s32 $0xFFFFFFFF;
	p2 =	slt.u32 s8, $0xFFFFF086  }
0x1c: {  	p1 =	slt.u32 s9, $0xF7A;
	s5 =	simm.s32 @!p2 $0x0  }
0x1d: {  	s5 =	simm.s32 @p1 $0x1;
	p0 =	seq.s32 s7, s2  }
0x1e: {  	s7 =	smul.u32 @!p0 $0xF7A, s2;
	p2 =	seq.s32 @!p0 s5, $0x0  }
0x1f: {  	s9 =	smul.u32 $0xF7A, s1;
	s8 =	simm.s32 @!p0 $0x1BF5;
	p2 =	por !p2, p0  }
0x20: {  	[sflag:s8] =	ssyncset.s32 @!p0 $0xFFFFF086;
	s6 =	sadd.s32 @!p0 s3, s7;
	s7 =	simm.s32 @!p0 $0x108  }
0x21: {  	s3 =	sadd.s32 s3, s9;
	s6 =	sadd.s32 @!p0 $0x88, s6;
	s7 =	simm.s32 @p2 $0x1082  }
0x22: {  	[simem:s7], [sflag:s8] =	dma.local @!p0 [hbm:s6], $0xF7A  }
0x23: {  	s9 =	sor.u32 $0xD0000000, s2;
	s6 =	simm.s32 $0x108;
	_ =	swait.ge @!p0 [sflag:s8], $0x0  }
0x24: {  	s3 =	sadd.s32 $0x88, s3;
	s6 =	simm.s32 @!p1 $0x1082;
	[sflag:s4] =	ssyncset.s32 $0xFFFFF086  }
0x25: {  	[simem:s6], [sflag:s4] =	dma.local [hbm:s3], $0xF7A  }
0x26: {  	[smem:$0x3FA0] =	sst s1;
	(tag) =	ssettag s2;
	_ =	strace s9  }
0x27: {  	s1 =	sld [smem:$0x3FB0]  }
0x28: {  	s2 =	sld [smem:$0x3FB1]  }
0x29: {  	s4 =	sld [smem:$0x3FB3]  }
0x2a: {  	p0 =	seq.s32 s5, $0x0;
	s5 =	sld [smem:$0x3FB4]  }
0x2b: {  	s6 =	sld [smem:$0x3FB5]  }
0x2c: {  	s7 =	sld [smem:$0x3FB6]  }
0x2d: {  	s3 =	simm.s32 $0x108;
	s8 =	sld [smem:$0x3FB7]  }
0x2e: {  	s3 =	simm.s32 @!p0 $0x1082;
	s9 =	sld [smem:$0x3FB8]  }
0x2f: {  	lr =	sadd.s32 s0, s3;
	s0 =	sld [smem:$0x3FAF]  }
0x30: {  	s3 =	sld [smem:$0x3FB2]  }
0x31: {  	[smem:$0x3FBB] =	sst s10  }
0x32: {  	s10 =	sld [smem:$0x3FB9];
	_ =	sdelay $0x3  }
0x33: {  	p0 =	seq.s32 s10, $0x1;
	s10 =	sld [smem:$0x3FBB];
	_ =	sdelay $0x3  }
0x34: {  	[smem:$0x3FBB] =	sst s10  }
0x35: {  	s10 =	sld [smem:$0x3FBA];
	_ =	sdelay $0x3  }
0x36: {  	p1 =	seq.s32 s10, $0x1;
	s10 =	sld [smem:$0x3FBB];
	_ =	sdelay $0x3  }
0x37: {  	[smem:$0x3FBB] =	sst s10  }
0x38: {  	s10 =	sld [smem:$0x3FBC]  }
0x39: {  	_ = 	snop;
	(pc) =	sbr.ind lr, $3  }
0x3a: {  	_ = 	snop  }
0x3b: {  	_ = 	snop  }
0x3c: {  	p2 =	seq.s32 s10, $0x1;
	s10 =	sld [smem:$0x3FBB]  }
0x3d: {  	_ =	shalt  }
0x3e: {  	_ =	shalt  }
0x3f: {  	_ =	shalt  }
0x40: {  	_ =	shalt  }
0x41: {  	_ =	shalt  }
0x42: {  	_ =	shalt  }
0x43: {  	_ =	shalt  }
0x44: {  	_ =	shalt  }
0x45: {  	_ =	shalt  }
0x46: {  	_ =	shalt  }
0x47: {  	_ =	shalt  }
0x48: {  	_ =	shalt  }
0x49: {  	_ =	shalt  }
0x4a: {  	_ =	shalt  }
0x4b: {  	_ =	shalt  }
0x4c: {  	_ =	shalt  }
0x4d: {  	_ =	shalt  }
0x4e: {  	_ =	shalt  }
0x4f: {  	_ =	shalt  }
0x50: {  	_ =	shalt  }
0x51: {  	_ =	shalt  }
0x52: {  	_ =	shalt  }
0x53: {  	_ =	shalt  }
0x54: {  	_ =	shalt  }
0x55: {  	_ =	shalt  }
0x56: {  	_ =	shalt  }
0x57: {  	_ =	shalt  }
0x58: {  	_ =	shalt  }
0x59: {  	_ =	shalt  }
0x5a: {  	_ =	shalt  }
0x5b: {  	_ =	shalt  }
0x5c: {  	_ =	shalt  }
0x5d: {  	_ =	shalt  }
0x5e: {  	_ =	shalt  }
0x5f: {  	_ =	shalt  }
0x60: {  	_ =	shalt  }
0x61: {  	_ =	shalt  }
0x62: {  	_ =	shalt  }
0x63: {  	_ =	shalt  }
0x64: {  	_ =	shalt  }
0x65: {  	_ =	shalt  }
0x66: {  	_ =	shalt  }
0x67: {  	_ =	shalt  }
0x68: {  	_ =	shalt  }
0x69: {  	_ =	shalt  }
0x6a: {  	_ =	shalt  }
0x6b: {  	_ =	shalt  }
0x6c: {  	_ =	shalt  }
0x6d: {  	_ =	shalt  }
0x6e: {  	_ =	shalt  }
0x6f: {  	_ =	shalt  }
0x70: {  	_ =	shalt  }
0x71: {  	_ =	shalt  }
0x72: {  	_ =	shalt  }
0x73: {  	_ =	shalt  }
0x74: {  	_ =	shalt  }
0x75: {  	_ =	shalt  }
0x76: {  	_ =	shalt  }
0x77: {  	_ =	shalt  }
0x78: {  	_ =	shalt  }
0x79: {  	_ =	shalt  }
0x7a: {  	_ =	shalt  }
0x7b: {  	_ =	shalt  }
0x7c: {  	_ =	shalt  }
0x7d: {  	_ =	shalt  }
0x7e: {  	_ =	shalt  }
0x7f: {  	_ =	shalt  }
0x80: {  	_ =	shalt  }
0x81: {  	_ =	shalt  }
0x82: {  	_ =	shalt  }
0x83: {  	_ =	shalt  }
0x84: {  	_ =	shalt  }
0x85: {  	_ =	shalt  }
0x86: {  	_ =	shalt  }
0x87: {  	_ =	shalt  }
.Lfunc_end0:
.L_simem_size_0:
called_computation_lowered:
.L_overlay_start_0:
0x88: {  	s2 =	sld [smem:$0x3FD9]  }
0x89: {  	s3 =	sld [smem:$0x3FFE];
	_ =	sdelay $0x1  }
0x8a: {  	s1 =	srdreg.scid  }
0x8b: {  	s0 =	sand.u32 $0x1, s1  }
0x8c: {  	s17 =	sshll.u32 s0, $0xA;
	s2 =	sadd.s32 s3, s2  }
0x8d: {  	s2 =	sadd.s32 s2, s17  }
0x8e: {  	[smem:$0x3FC7] =	sst s2  }
0x8f: {  	_ = 	snop  }
0x90: {  	s2 =	sld [smem:$0x3FD0];
	(tm) =	ssettm $0x1  }
0x91: {  	s18 =	sld [smem:$0x3FFB];
	_ =	sdelay $0x3  }
0x92: {  	_ =	strace s18  }
0x93: {  	s3 =	sld [smem:$0x3FFC];
	_ =	sdelay $0x3  }
0x94: {  	_ =	strace s3  }
0x95: {  	s3 =	sld [smem:$0x3FFD];
	_ =	sdelay $0x3  }
0x96: {  	_ =	strace s3  }
0x97: {  	_ =	strace $0x8FFFFFFF  }
0x98: {  	s19 =	sld [smem:$0x3FDB];
	_ =	sdelay $0x1  }
0x99: {  	s4 =	simm.s32 $_scs_section_size  }
0x9a: {  	s5 =	simm.s32 $_size__tile_overlayer_lowered;
	s6 =	simm.s32 $_tile_overlayer_lowered  }
0x9b: {  	s22 =	simm.s32 $0x1BFF;
	s21 =	sshll.u32 s6, $0x1;
	s3 =	sadd.s32 s4, s19  }
0x9c: {  	s7 =	simm.s32 $0x0;
	s20 =	sshll.u32 s5, $0x1;
	s5 =	sadd.s32 s21, s3  }
0x9d: {  	[timem:s7], [sflag:s22] =	dma.local [hbm:s5], s20  }
0x9e: {  	_ =	swait.ge [sflag:s22], s20  }
0x9f: {  	s4 =	ssub.s32 $0x0, s20;
	[sflag:s22] =	ssyncset.done $0x0  }
0xa0: {  	[sflag:s22] =	ssyncadd.s32 s4;
	_ =	sdelay $0x1  }
0xa1: {  	s23 =	simm.s32 $0x1B8B  }
0xa2: {  	_ =	swait.ge [sflag:s23], $0x1  }
0xa3: {  	[sflag:s23] =	ssyncset.done $0x0  }
0xa4: {  	s25 =	simm.s32 $0x1B8E;
	s24 =	sld [smem:$0x3FFE];
	[sflag:s23] =	ssyncadd.s32 $0xFFFFFFFF  }
0xa5: {  	s26 =	simm.s32 $execute0_lowered;
	[smem:$0x3FD2] =	sst s25  }
0xa6: {  	s5 =	sshll.u32 s26, $0x1;
	_ =	strace $0x80000046;
	[dreg:$0x1] =	wrdreg $0xFFFFFFFF  }
0xa7: {  	s28 =	simm.s32 $_size_execute0_lowered;
	s3 =	sadd.s32 s3, s5;
	[dreg:$0x0] =	wrdreg $0x0  }
0xa8: {  	s5 =	sshll.u32 s28, $0x1;
	[dreg:$0x2] =	wrdreg s3  }
0xa9: {  	[dreg:$0x3] =	wrdreg s5  }
0xaa: {  	[dreg:$0x4] =	wrdreg $0xC0  }
0xab: {  	_ =	task [dreg:s7], $0x5FFFF  }
0xac: {  	[dreg:$0x1] =	wrdreg $0xFFFFFFFF  }
0xad: {  	[dreg:$0x0] =	wrdreg $0x60  }
0xae: {  	[dreg:$0x2] =	wrdreg s24  }
0xaf: {  	[dreg:$0x3] =	wrdreg s2  }
0xb0: {  	[dreg:$0x4] =	wrdreg $0x9  }
0xb1: {  	_ =	task.clear_ibuf [dreg:s7], $0x5FFFF;
	_ =	strace $0x90000046  }
0xb2: {  	s29 =	simm.s32 $0x9;
	_ =	strace $0x80000048  }
0xb3: {  	_ =	swait.ge [sflag:s29], $0x1  }
0xb4: {  	[sflag:s29] =	ssyncadd.s32 $0xFFFFFFFF  }
0xb5: {  	_ =	strace $0x90000048  }
0xb6: {  	_ =	sfence  }
0xb7: {  	s30 =	sld [smem:$0x0];
	_ =	sdelay $0x2  }
0xb8: {  	s31 =	sshll.u32 s1, $0xD;
	s1 =	sshrl.u32 s1, $0x2  }
0xb9: {  	s3 =	sand.u32 $0x4000, s31;
	s1 =	sadd.s32 s1, s30  }
0xba: {  	s0 =	sor.u32 s3, s0;
	s1 =	sshll.u32 s1, $0x11  }
0xbb: {  	s0 =	sor.u32 s1, s0  }
0xbc: {  	s0 =	sadd.s32 $0x8F2B, s0  }
0xbd: {  	[sflag:s0] =	ssyncadd.remote.s32 $0x1  }
0xbe: {  	_ =	sfence.sel $0xFFFF  }
0xbf: {  	[dreg:$0x0] =	wrdreg $0xFFFFFFFF;
	(pc) =	sbr.abs _section_cstart, $3  }
0xc0: {  	[dreg:$0x1] =	wrdreg $0xFFFFFFFF  }
0xc1: {  	_ =	task.clear_ibuf [dreg:s7], $0x2FFFF;
	_ =	strace $0x9FFFFFFF  }
0xc2: {  	(tm) =	ssettm $0x7FFFFFFF  }
0xc3: {  	_ =	shalt  }
tec
execute0_lowered:
.L_overlay_start_1:
0x0: {  	(tag) =	ssettag $0x1  }
0x1: {  	s4 =	rddreg [dreg:$0x0]  }
0x2: {  	s1 =	rddreg [dreg:$0x1]  }
0x3: {  	s0 =	rddreg [dreg:$0x2];
	s2 =	simm.s32 $0x0  }
0x4: {  	[smem:$0x7FF] =	sst s2;
	s3 =	sadd.s32 $0x80, s1  }
0x5: {  	s19 =	sadd.s32 $0x100, s1;
	_ =	strace $0x80000047;
	[dreg:$0x3] =	wrdreg s3  }
0x6: {  	s20 =	sadd.s32 $0x180, s1;
	[dreg:$0x4] =	wrdreg s19  }
0x7: {  	s21 =	sadd.s32 $0x200, s1;
	[dreg:$0x5] =	wrdreg s20  }
0x8: {  	s22 =	sadd.s32 $0x280, s1;
	[dreg:$0x6] =	wrdreg s21  }
0x9: {  	s23 =	sadd.s32 $0x300, s1;
	[dreg:$0x7] =	wrdreg s22  }
0xa: {  	s24 =	sadd.s32 $0x380, s1;
	[dreg:$0x8] =	wrdreg s23  }
0xb: {  	s25 =	sadd.s32 $0x400, s1;
	[dreg:$0x9] =	wrdreg s24  }
0xc: {  	s26 =	sadd.s32 $0x480, s1;
	[dreg:$0xa] =	wrdreg s25  }
0xd: {  	s28 =	sadd.s32 $0x500, s1;
	[dreg:$0xb] =	wrdreg s26  }
0xe: {  	s29 =	sadd.s32 $0x580, s1;
	[dreg:$0xc] =	wrdreg s28  }
0xf: {  	s30 =	sadd.s32 $0x600, s1;
	[dreg:$0xd] =	wrdreg s29  }
0x10: {  	s31 =	sadd.s32 $0x680, s1;
	[dreg:$0xe] =	wrdreg s30  }
0x11: {  	s5 =	sadd.s32 $0x700, s1;
	[dreg:$0xf] =	wrdreg s31  }
0x12: {  	s6 =	sadd.s32 $0x780, s1;
	[dreg:$0x10] =	wrdreg s5  }
0x13: {  	s7 =	sadd.s32 $0x800, s1;
	[dreg:$0x11] =	wrdreg s6  }
0x14: {  	s8 =	sadd.s32 $0x880, s1;
	[dreg:$0x12] =	wrdreg s7  }
0x15: {  	s9 =	sadd.s32 $0x900, s1;
	[dreg:$0x13] =	wrdreg s8  }
0x16: {  	s10 =	sadd.s32 $0x980, s1;
	[dreg:$0x14] =	wrdreg s9  }
0x17: {  	s11 =	sadd.s32 $0xA00, s1;
	[dreg:$0x15] =	wrdreg s10  }
0x18: {  	s12 =	sadd.s32 $0xA80, s1;
	[dreg:$0x16] =	wrdreg s11  }
0x19: {  	s13 =	sadd.s32 $0xB00, s1;
	[dreg:$0x17] =	wrdreg s12  }
0x1a: {  	s14 =	sadd.s32 $0xB80, s1;
	[dreg:$0x18] =	wrdreg s13  }
0x1b: {  	s15 =	sadd.s32 $0xC00, s1;
	[dreg:$0x19] =	wrdreg s14  }
0x1c: {  	s16 =	sadd.s32 $0xC80, s1;
	[dreg:$0x1a] =	wrdreg s15  }
0x1d: {  	s17 =	sadd.s32 $0xD00, s1;
	[dreg:$0x1b] =	wrdreg s16  }
0x1e: {  	s18 =	sadd.s32 $0xD80, s1;
	[dreg:$0x1c] =	wrdreg s17  }
0x1f: {  	[dreg:$0x1d] =	wrdreg s18;
	s19 =	sadd.s32 $0xE00, s1  }
0x20: {  	s20 =	sadd.s32 $0xE80, s1;
	[dreg:$0x1e] =	wrdreg s19  }
0x21: {  	s21 =	sadd.s32 $0xF00, s1;
	[dreg:$0x1f] =	wrdreg s20  }
0x22: {  	s22 =	sadd.s32 $0xF80, s1;
	[smem:$0x7DB] =	sst s21  }
0x23: {  	s23 =	sadd.s32 $0x1000, s1;
	[smem:$0x7DC] =	sst s22  }
0x24: {  	s24 =	sadd.s32 $0x1080, s1;
	[smem:$0x7DD] =	sst s23  }
0x25: {  	s25 =	sadd.s32 $0x1100, s1;
	[smem:$0x7DE] =	sst s24  }
0x26: {  	s26 =	sadd.s32 $0x1180, s1;
	[smem:$0x7DF] =	sst s25  }
0x27: {  	s28 =	sadd.s32 $0x1200, s1;
	[smem:$0x7E0] =	sst s26  }
0x28: {  	s29 =	sadd.s32 $0x1280, s1;
	[smem:$0x7E1] =	sst s28  }
0x29: {  	s30 =	sadd.s32 $0x1300, s1;
	[smem:$0x7E2] =	sst s29  }
0x2a: {  	s31 =	sadd.s32 $0x1380, s1;
	[smem:$0x7E3] =	sst s30  }
0x2b: {  	s5 =	sadd.s32 $0x1400, s1;
	[smem:$0x7E4] =	sst s31  }
0x2c: {  	s6 =	sadd.s32 $0x1480, s1;
	[smem:$0x7E5] =	sst s5  }
0x2d: {  	s7 =	sadd.s32 $0x1500, s1;
	[smem:$0x7E6] =	sst s6  }
0x2e: {  	s8 =	sadd.s32 $0x1580, s1;
	[smem:$0x7E7] =	sst s7  }
0x2f: {  	s9 =	sadd.s32 $0x1600, s1;
	[smem:$0x7E8] =	sst s8  }
0x30: {  	s10 =	sadd.s32 $0x1680, s1;
	[smem:$0x7E9] =	sst s9  }
0x31: {  	s11 =	sadd.s32 $0x1700, s1;
	[smem:$0x7EA] =	sst s10  }
0x32: {  	s12 =	sadd.s32 $0x1780, s1;
	[smem:$0x7EB] =	sst s11  }
0x33: {  	s13 =	sadd.s32 $0x1880, s1;
	[smem:$0x7EC] =	sst s12  }
0x34: {  	s14 =	sadd.s32 $0x1900, s1;
	[smem:$0x7EE] =	sst s13  }
0x35: {  	s15 =	sadd.s32 $0x1980, s1;
	[smem:$0x7EF] =	sst s14  }
0x36: {  	s3 =	stileid.u32;
	s16 =	sadd.s32 $0x1A00, s1;
	[smem:$0x7F0] =	sst s15  }
0x37: {  	s17 =	sadd.s32 $0x1A80, s1;
	s5 =	srdreg.scid;
	[smem:$0x7F1] =	sst s16  }
0x38: {  	s6 =	sadd.s32 $0x1800, s1;
	s18 =	sshll.u32 s3, $0x1;
	[smem:$0x7F2] =	sst s17  }
0x39: {  	s19 =	sadd.s32 $0x1B00, s1;
	s20 =	sadd.s32 $0x1B80, s1;
	[smem:$0x7ED] =	sst s6  }
0x3a: {  	s21 =	sadd.s32 $0x1C00, s1;
	s23 =	sadd.s32 $0x1C80, s1;
	[smem:$0x7F3] =	sst s19  }
0x3b: {  	s9 =	sshll.u32 s3, $0x7;
	s24 =	sadd.s32 $0x1D00, s1;
	[smem:$0x7F4] =	sst s20  }
0x3c: {  	s25 =	sadd.s32 $0x1D80, s1;
	s26 =	sadd.s32 $0x1E00, s1;
	[smem:$0x7F5] =	sst s21  }
0x3d: {  	s28 =	sadd.s32 $0x1E80, s1;
	s5 =	sand.u32 $0x1, s5;
	[smem:$0x7F6] =	sst s23  }
0x3e: {  	s29 =	sadd.s32 $0x1F00, s1;
	[smem:$0x7F7] =	sst s24;
	s7 =	ssub.s32 $0x2, s5  }
0x3f: {  	s30 =	sadd.s32 $0x1F80, s1;
	[smem:$0x7F8] =	sst s25;
	s8 =	sshrl.u32 s7, $0x1  }
0x40: {  	[smem:$0x7F9] =	sst s26;
	s7 =	ssub.s32 s7, s8;
	s8 =	sand.u32 $0x6, s18  }
0x41: {  	s10 =	simm.s32 $0x0;
	[smem:$0x7FA] =	sst s28;
	s8 =	sor.u32 s5, s8  }
0x42: {  	s9 =	sand.u32 $0x600, s9;
	[smem:$0x7FB] =	sst s29;
	s22 =	sshll.u32 s8, $0x11  }
0x43: {  	[smem:$0x7FC] =	sst s30;
	s5 =	smax.u32 s7, $0x1;
	s6 =	ssub.s32 s22, s9  }
0x44: {  	s7 =	simm.s32 $0x1000;
	s31 =	sor.u32 s8, s9;
	s6 =	sadd.s32 $0x600, s6  }
0x45: {  	s8 =	simm.s32 $0x2;
	[smem:$0x7FD] =	sst s31;
	s6 =	sshrl.u32 s6, $0x3  }
0x46: {  	s9 =	simm.s32 $0x1;
	s4 =	sadd.s32 s4, s6;
	s6 =	simm.s32 $0x9F8  }
.LBB2_1:
0x47: {  	[tilespmem:s2], [sflag:$0x2] =	stream.strided.gather [hbm4b:s4+s6], $0x13F00, s7, s6, $0x38;
	[tilespmem:$0x13F00] =	vst v63  }
0x48: {  	_ =	swait.ge [sflag:s8], $0x13F00  }
0x49: {  	[sflag:s8] =	ssyncset.done $0x0  }
0x4a: {  	s11 =	simm.s32 $0x0;
	[sflag:s8] =	ssyncadd.s32 $0xFFFEC100  }
.LBB2_2:
0x4b: {  	s13 =	sld [smem:$0x7FD];
	_ =	sdelay $0x1  }
0x4c: {  	s12 =	sshll.u32 s11, $0x3  }
0x4d: {  	s13 =	sor.u32 s13, s12  }
0x4e: {  	s13 =	sshll.u32 s13, $0xD  }
0x4f: {  	s13 =	sxor.u32 $0xE000, s13  }
0x50: {  	s14 =	ssub.s32 $0x1F8, s12;
	s15 =	sadd.s32 s1, s13  }
0x51: {  	[hbm4b:s15+s2] =	stream.linear.scatter [tilespmem:s14], [sflag:$0x1], $0x80, $0x38;
	[tilespmem:$0x13F00] =	vst v63  }
0x52: {  	s18 =	ssub.s32 $0xBF0, s12;
	s16 =	sadd.s32 $0x10, s15  }
0x53: {  	[hbm4b:s16+s2] =	stream.linear.scatter [tilespmem:s18], [sflag:$0x1], $0x80, $0x38;
	[tilespmem:$0x13F00] =	vst v63  }
0x54: {  	s19 =	ssub.s32 $0x15E8, s12;
	s20 =	sadd.s32 $0x20, s15  }
0x55: {  	[hbm4b:s20+s2] =	stream.linear.scatter [tilespmem:s19], [sflag:$0x1], $0x80, $0x38;
	[tilespmem:$0x13F00] =	vst v63  }
0x56: {  	s21 =	ssub.s32 $0x1FE0, s12;
	s22 =	sadd.s32 $0x30, s15  }
0x57: {  	[hbm4b:s22+s2] =	stream.linear.scatter [tilespmem:s21], [sflag:$0x1], $0x80, $0x38;
	[tilespmem:$0x13F00] =	vst v63  }
0x58: {  	s23 =	ssub.s32 $0x29D8, s12;
	s24 =	sadd.s32 $0x40, s15  }
0x59: {  	[hbm4b:s24+s2] =	stream.linear.scatter [tilespmem:s23], [sflag:$0x1], $0x80, $0x38;
	[tilespmem:$0x13F00] =	vst v63  }
0x5a: {  	s25 =	ssub.s32 $0x33D0, s12;
	s26 =	sadd.s32 $0x50, s15  }
0x5b: {  	[hbm4b:s26+s2] =	stream.linear.scatter [tilespmem:s25], [sflag:$0x1], $0x80, $0x38;
	[tilespmem:$0x13F00] =	vst v63  }
0x5c: {  	s28 =	ssub.s32 $0x3DC8, s12;
	s29 =	sadd.s32 $0x60, s15  }
0x5d: {  	[hbm4b:s29+s2] =	stream.linear.scatter [tilespmem:s28], [sflag:$0x1], $0x80, $0x38;
	[tilespmem:$0x13F00] =	vst v63  }
0x5e: {  	s30 =	rddreg [dreg:$0x3];
	s31 =	ssub.s32 $0x47C0, s12;
	s15 =	sadd.s32 $0x70, s15  }
0x5f: {  	[hbm4b:s15+s2] =	stream.linear.scatter [tilespmem:s31], [sflag:$0x1], $0x80, $0x38;
	[tilespmem:$0x13F00] =	vst v63  }
0x60: {  	s14 =	sadd.s32 s13, s30;
	s16 =	ssub.s32 $0x278, s12  }
0x61: {  	[hbm4b:s14+s2] =	stream.linear.scatter [tilespmem:s16], [sflag:$0x1], $0x80, $0x38;
	[tilespmem:$0x13F00] =	vst v63  }
0x62: {  	s17 =	ssub.s32 $0xC70, s12;
	s18 =	sadd.s32 $0x10, s14  }
0x63: {  	[hbm4b:s18+s2] =	stream.linear.scatter [tilespmem:s17], [sflag:$0x1], $0x80, $0x38;
	[tilespmem:$0x13F00] =	vst v63  }
0x64: {  	s19 =	ssub.s32 $0x1668, s12;
	s20 =	sadd.s32 $0x20, s14  }
0x65: {  	[hbm4b:s20+s2] =	stream.linear.scatter [tilespmem:s19], [sflag:$0x1], $0x80, $0x38;
	[tilespmem:$0x13F00] =	vst v63  }
0x66: {  	s21 =	ssub.s32 $0x2060, s12;
	s22 =	sadd.s32 $0x30, s14  }
0x67: {  	[hbm4b:s22+s2] =	stream.linear.scatter [tilespmem:s21], [sflag:$0x1], $0x80, $0x38;
	[tilespmem:$0x13F00] =	vst v63  }
0x68: {  	s23 =	ssub.s32 $0x2A58, s12;
	s24 =	sadd.s32 $0x40, s14  }
0x69: {  	[hbm4b:s24+s2] =	stream.linear.scatter [tilespmem:s23], [sflag:$0x1], $0x80, $0x38;
	[tilespmem:$0x13F00] =	vst v63  }
0x6a: {  	s25 =	ssub.s32 $0x3450, s12;
	s26 =	sadd.s32 $0x50, s14  }
0x6b: {  	[hbm4b:s26+s2] =	stream.linear.scatter [tilespmem:s25], [sflag:$0x1], $0x80, $0x38;
	[tilespmem:$0x13F00] =	vst v63  }
0x6c: {  	s28 =	ssub.s32 $0x3E48, s12;
	s29 =	sadd.s32 $0x60, s14  }
0x6d: {  	[hbm4b:s29+s2] =	stream.linear.scatter [tilespmem:s28], [sflag:$0x1], $0x80, $0x38;
	[tilespmem:$0x13F00] =	vst v63  }
0x6e: {  	s30 =	rddreg [dreg:$0x4];
	s31 =	ssub.s32 $0x4840, s12;
	s14 =	sadd.s32 $0x70, s14  }
0x6f: {  	[hbm4b:s14+s2] =	stream.linear.scatter [tilespmem:s31], [sflag:$0x1], $0x80, $0x38;
	[tilespmem:$0x13F00] =	vst v63  }
0x70: {  	s15 =	sadd.s32 s13, s30;
	s16 =	ssub.s32 $0x2F8, s12  }
0x71: {  	[hbm4b:s15+s2] =	stream.linear.scatter [tilespmem:s16], [sflag:$0x1], $0x80, $0x38;
	[tilespmem:$0x13F00] =	vst v63  }
0x72: {  	s17 =	ssub.s32 $0xCF0, s12;
	s18 =	sadd.s32 $0x10, s15  }
0x73: {  	[hbm4b:s18+s2] =	stream.linear.scatter [tilespmem:s17], [sflag:$0x1], $0x80, $0x38;
	[tilespmem:$0x13F00] =	vst v63  }
0x74: {  	s19 =	ssub.s32 $0x16E8, s12;
	s20 =	sadd.s32 $0x20, s15  }
0x75: {  	[hbm4b:s20+s2] =	stream.linear.scatter [tilespmem:s19], [sflag:$0x1], $0x80, $0x38;
	[tilespmem:$0x13F00] =	vst v63  }
0x76: {  	s21 =	ssub.s32 $0x20E0, s12;
	s22 =	sadd.s32 $0x30, s15  }
0x77: {  	[hbm4b:s22+s2] =	stream.linear.scatter [tilespmem:s21], [sflag:$0x1], $0x80, $0x38;
	[tilespmem:$0x13F00] =	vst v63  }
0x78: {  	s23 =	ssub.s32 $0x2AD8, s12;
	s24 =	sadd.s32 $0x40, s15  }
0x79: {  	[hbm4b:s24+s2] =	stream.linear.scatter [tilespmem:s23], [sflag:$0x1], $0x80, $0x38;
	[tilespmem:$0x13F00] =	vst v63  }
0x7a: {  	s25 =	ssub.s32 $0x34D0, s12;
	s26 =	sadd.s32 $0x50, s15  }
0x7b: {  	[hbm4b:s26+s2] =	stream.linear.scatter [tilespmem:s25], [sflag:$0x1], $0x80, $0x38;
	[tilespmem:$0x13F00] =	vst v63  }
0x7c: {  	s28 =	ssub.s32 $0x3EC8, s12;
	s29 =	sadd.s32 $0x60, s15  }
0x7d: {  	[hbm4b:s29+s2] =	stream.linear.scatter [tilespmem:s28], [sflag:$0x1], $0x80, $0x38;
	[tilespmem:$0x13F00] =	vst v63  }
0x7e: {  	s30 =	rddreg [dreg:$0x5];
	s31 =	ssub.s32 $0x48C0, s12;
	s15 =	sadd.s32 $0x70, s15  }
0x7f: {  	[hbm4b:s15+s2] =	stream.linear.scatter [tilespmem:s31], [sflag:$0x1], $0x80, $0x38;
	[tilespmem:$0x13F00] =	vst v63  }
0x80: {  	s14 =	sadd.s32 s13, s30;
	s16 =	ssub.s32 $0x378, s12  }
0x81: {  	[hbm4b:s14+s2] =	stream.linear.scatter [tilespmem:s16], [sflag:$0x1], $0x80, $0x38;
	[tilespmem:$0x13F00] =	vst v63  }
0x82: {  	s17 =	ssub.s32 $0xD70, s12;
	s18 =	sadd.s32 $0x10, s14  }
0x83: {  	[hbm4b:s18+s2] =	stream.linear.scatter [tilespmem:s17], [sflag:$0x1], $0x80, $0x38;
	[tilespmem:$0x13F00] =	vst v63  }
0x84: {  	s19 =	ssub.s32 $0x1768, s12;
	s20 =	sadd.s32 $0x20, s14  }
0x85: {  	[hbm4b:s20+s2] =	stream.linear.scatter [tilespmem:s19], [sflag:$0x1], $0x80, $0x38;
	[tilespmem:$0x13F00] =	vst v63  }
0x86: {  	s21 =	ssub.s32 $0x2160, s12;
	s22 =	sadd.s32 $0x30, s14  }
0x87: {  	[hbm4b:s22+s2] =	stream.linear.scatter [tilespmem:s21], [sflag:$0x1], $0x80, $0x38;
	[tilespmem:$0x13F00] =	vst v63  }
0x88: {  	s23 =	ssub.s32 $0x2B58, s12;
	s24 =	sadd.s32 $0x40, s14  }
0x89: {  	[hbm4b:s24+s2] =	stream.linear.scatter [tilespmem:s23], [sflag:$0x1], $0x80, $0x38;
	[tilespmem:$0x13F00] =	vst v63  }
0x8a: {  	s25 =	ssub.s32 $0x3550, s12;
	s26 =	sadd.s32 $0x50, s14  }
0x8b: {  	[hbm4b:s26+s2] =	stream.linear.scatter [tilespmem:s25], [sflag:$0x1], $0x80, $0x38;
	[tilespmem:$0x13F00] =	vst v63  }
0x8c: {  	s28 =	ssub.s32 $0x3F48, s12;
	s29 =	sadd.s32 $0x60, s14  }
0x8d: {  	[hbm4b:s29+s2] =	stream.linear.scatter [tilespmem:s28], [sflag:$0x1], $0x80, $0x38;
	[tilespmem:$0x13F00] =	vst v63  }
0x8e: {  	s30 =	rddreg [dreg:$0x6];
	s31 =	ssub.s32 $0x4940, s12;
	s14 =	sadd.s32 $0x70, s14  }
0x8f: {  	[hbm4b:s14+s2] =	stream.linear.scatter [tilespmem:s31], [sflag:$0x1], $0x80, $0x38;
	[tilespmem:$0x13F00] =	vst v63  }
0x90: {  	s15 =	sadd.s32 s13, s30;
	s16 =	ssub.s32 $0x3F8, s12  }
0x91: {  	[hbm4b:s15+s2] =	stream.linear.scatter [tilespmem:s16], [sflag:$0x1], $0x80, $0x38;
	[tilespmem:$0x13F00] =	vst v63  }
0x92: {  	s17 =	ssub.s32 $0xDF0, s12;
	s18 =	sadd.s32 $0x10, s15  }
0x93: {  	[hbm4b:s18+s2] =	stream.linear.scatter [tilespmem:s17], [sflag:$0x1], $0x80, $0x38;
	[tilespmem:$0x13F00] =	vst v63  }
0x94: {  	s19 =	ssub.s32 $0x17E8, s12;
	s20 =	sadd.s32 $0x20, s15  }
0x95: {  	[hbm4b:s20+s2] =	stream.linear.scatter [tilespmem:s19], [sflag:$0x1], $0x80, $0x38;
	[tilespmem:$0x13F00] =	vst v63  }
0x96: {  	s21 =	ssub.s32 $0x21E0, s12;
	s22 =	sadd.s32 $0x30, s15  }
0x97: {  	[hbm4b:s22+s2] =	stream.linear.scatter [tilespmem:s21], [sflag:$0x1], $0x80, $0x38;
	[tilespmem:$0x13F00] =	vst v63  }
0x98: {  	s23 =	ssub.s32 $0x2BD8, s12;
	s24 =	sadd.s32 $0x40, s15  }
0x99: {  	[hbm4b:s24+s2] =	stream.linear.scatter [tilespmem:s23], [sflag:$0x1], $0x80, $0x38;
	[tilespmem:$0x13F00] =	vst v63  }
0x9a: {  	s25 =	ssub.s32 $0x35D0, s12;
	s26 =	sadd.s32 $0x50, s15  }
0x9b: {  	[hbm4b:s26+s2] =	stream.linear.scatter [tilespmem:s25], [sflag:$0x1], $0x80, $0x38;
	[tilespmem:$0x13F00] =	vst v63  }
0x9c: {  	s28 =	ssub.s32 $0x3FC8, s12;
	s29 =	sadd.s32 $0x60, s15  }
0x9d: {  	[hbm4b:s29+s2] =	stream.linear.scatter [tilespmem:s28], [sflag:$0x1], $0x80, $0x38;
	[tilespmem:$0x13F00] =	vst v63  }
0x9e: {  	s30 =	rddreg [dreg:$0x7];
	s31 =	ssub.s32 $0x49C0, s12;
	s15 =	sadd.s32 $0x70, s15  }
0x9f: {  	[hbm4b:s15+s2] =	stream.linear.scatter [tilespmem:s31], [sflag:$0x1], $0x80, $0x38;
	[tilespmem:$0x13F00] =	vst v63  }
0xa0: {  	s14 =	sadd.s32 s13, s30;
	s16 =	ssub.s32 $0x478, s12  }
0xa1: {  	[hbm4b:s14+s2] =	stream.linear.scatter [tilespmem:s16], [sflag:$0x1], $0x80, $0x38;
	[tilespmem:$0x13F00] =	vst v63  }
0xa2: {  	s17 =	ssub.s32 $0xE70, s12;
	s18 =	sadd.s32 $0x10, s14  }
0xa3: {  	[hbm4b:s18+s2] =	stream.linear.scatter [tilespmem:s17], [sflag:$0x1], $0x80, $0x38;
	[tilespmem:$0x13F00] =	vst v63  }
0xa4: {  	s19 =	ssub.s32 $0x1868, s12;
	s20 =	sadd.s32 $0x20, s14  }
0xa5: {  	[hbm4b:s20+s2] =	stream.linear.scatter [tilespmem:s19], [sflag:$0x1], $0x80, $0x38;
	[tilespmem:$0x13F00] =	vst v63  }
0xa6: {  	s21 =	ssub.s32 $0x2260, s12;
	s22 =	sadd.s32 $0x30, s14  }
0xa7: {  	[hbm4b:s22+s2] =	stream.linear.scatter [tilespmem:s21], [sflag:$0x1], $0x80, $0x38;
	[tilespmem:$0x13F00] =	vst v63  }
0xa8: {  	s23 =	ssub.s32 $0x2C58, s12;
	s24 =	sadd.s32 $0x40, s14  }
0xa9: {  	[hbm4b:s24+s2] =	stream.linear.scatter [tilespmem:s23], [sflag:$0x1], $0x80, $0x38;
	[tilespmem:$0x13F00] =	vst v63  }
0xaa: {  	s25 =	ssub.s32 $0x3650, s12;
	s26 =	sadd.s32 $0x50, s14  }
0xab: {  	[hbm4b:s26+s2] =	stream.linear.scatter [tilespmem:s25], [sflag:$0x1], $0x80, $0x38;
	[tilespmem:$0x13F00] =	vst v63  }
0xac: {  	s28 =	ssub.s32 $0x4048, s12;
	s29 =	sadd.s32 $0x60, s14  }
0xad: {  	[hbm4b:s29+s2] =	stream.linear.scatter [tilespmem:s28], [sflag:$0x1], $0x80, $0x38;
	[tilespmem:$0x13F00] =	vst v63  }
0xae: {  	s30 =	rddreg [dreg:$0x8];
	s31 =	ssub.s32 $0x4A40, s12;
	s14 =	sadd.s32 $0x70, s14  }
0xaf: {  	[hbm4b:s14+s2] =	stream.linear.scatter [tilespmem:s31], [sflag:$0x1], $0x80, $0x38;
	[tilespmem:$0x13F00] =	vst v63  }
0xb0: {  	s15 =	sadd.s32 s13, s30;
	s16 =	ssub.s32 $0x4F8, s12  }
0xb1: {  	[hbm4b:s15+s2] =	stream.linear.scatter [tilespmem:s16], [sflag:$0x1], $0x80, $0x38;
	[tilespmem:$0x13F00] =	vst v63  }
0xb2: {  	s17 =	ssub.s32 $0xEF0, s12;
	s18 =	sadd.s32 $0x10, s15  }
0xb3: {  	[hbm4b:s18+s2] =	stream.linear.scatter [tilespmem:s17], [sflag:$0x1], $0x80, $0x38;
	[tilespmem:$0x13F00] =	vst v63  }
0xb4: {  	s19 =	ssub.s32 $0x18E8, s12;
	s20 =	sadd.s32 $0x20, s15  }
0xb5: {  	[hbm4b:s20+s2] =	stream.linear.scatter [tilespmem:s19], [sflag:$0x1], $0x80, $0x38;
	[tilespmem:$0x13F00] =	vst v63  }
0xb6: {  	s21 =	ssub.s32 $0x22E0, s12;
	s22 =	sadd.s32 $0x30, s15  }
0xb7: {  	[hbm4b:s22+s2] =	stream.linear.scatter [tilespmem:s21], [sflag:$0x1], $0x80, $0x38;
	[tilespmem:$0x13F00] =	vst v63  }
0xb8: {  	s23 =	ssub.s32 $0x2CD8, s12;
	s24 =	sadd.s32 $0x40, s15  }
0xb9: {  	[hbm4b:s24+s2] =	stream.linear.scatter [tilespmem:s23], [sflag:$0x1], $0x80, $0x38;
	[tilespmem:$0x13F00] =	vst v63  }
0xba: {  	s25 =	ssub.s32 $0x36D0, s12;
	s26 =	sadd.s32 $0x50, s15  }
0xbb: {  	[hbm4b:s26+s2] =	stream.linear.scatter [tilespmem:s25], [sflag:$0x1], $0x80, $0x38;
	[tilespmem:$0x13F00] =	vst v63  }
0xbc: {  	s28 =	ssub.s32 $0x40C8, s12;
	s29 =	sadd.s32 $0x60, s15  }
0xbd: {  	[hbm4b:s29+s2] =	stream.linear.scatter [tilespmem:s28], [sflag:$0x1], $0x80, $0x38;
	[tilespmem:$0x13F00] =	vst v63  }
0xbe: {  	s30 =	rddreg [dreg:$0x9];
	s31 =	ssub.s32 $0x4AC0, s12;
	s15 =	sadd.s32 $0x70, s15  }
0xbf: {  	[hbm4b:s15+s2] =	stream.linear.scatter [tilespmem:s31], [sflag:$0x1], $0x80, $0x38;
	[tilespmem:$0x13F00] =	vst v63  }
0xc0: {  	s14 =	sadd.s32 s13, s30;
	s16 =	ssub.s32 $0x578, s12  }
0xc1: {  	[hbm4b:s14+s2] =	stream.linear.scatter [tilespmem:s16], [sflag:$0x1], $0x80, $0x38;
	[tilespmem:$0x13F00] =	vst v63  }
0xc2: {  	s17 =	ssub.s32 $0xF70, s12;
	s18 =	sadd.s32 $0x10, s14  }
0xc3: {  	[hbm4b:s18+s2] =	stream.linear.scatter [tilespmem:s17], [sflag:$0x1], $0x80, $0x38;
	[tilespmem:$0x13F00] =	vst v63  }
0xc4: {  	s19 =	ssub.s32 $0x1968, s12;
	s20 =	sadd.s32 $0x20, s14  }
0xc5: {  	[hbm4b:s20+s2] =	stream.linear.scatter [tilespmem:s19], [sflag:$0x1], $0x80, $0x38;
	[tilespmem:$0x13F00] =	vst v63  }
0xc6: {  	s21 =	ssub.s32 $0x2360, s12;
	s22 =	sadd.s32 $0x30, s14  }
0xc7: {  	[hbm4b:s22+s2] =	stream.linear.scatter [tilespmem:s21], [sflag:$0x1], $0x80, $0x38;
	[tilespmem:$0x13F00] =	vst v63  }
0xc8: {  	s23 =	ssub.s32 $0x2D58, s12;
	s24 =	sadd.s32 $0x40, s14  }
0xc9: {  	[hbm4b:s24+s2] =	stream.linear.scatter [tilespmem:s23], [sflag:$0x1], $0x80, $0x38;
	[tilespmem:$0x13F00] =	vst v63  }
0xca: {  	s25 =	ssub.s32 $0x3750, s12;
	s26 =	sadd.s32 $0x50, s14  }
0xcb: {  	[hbm4b:s26+s2] =	stream.linear.scatter [tilespmem:s25], [sflag:$0x1], $0x80, $0x38;
	[tilespmem:$0x13F00] =	vst v63  }
0xcc: {  	s28 =	ssub.s32 $0x4148, s12;
	s29 =	sadd.s32 $0x60, s14  }
0xcd: {  	[hbm4b:s29+s2] =	stream.linear.scatter [tilespmem:s28], [sflag:$0x1], $0x80, $0x38;
	[tilespmem:$0x13F00] =	vst v63  }
0xce: {  	s30 =	rddreg [dreg:$0xa];
	s31 =	ssub.s32 $0x4B40, s12;
	s14 =	sadd.s32 $0x70, s14  }
0xcf: {  	[hbm4b:s14+s2] =	stream.linear.scatter [tilespmem:s31], [sflag:$0x1], $0x80, $0x38;
	[tilespmem:$0x13F00] =	vst v63  }
0xd0: {  	s15 =	sadd.s32 s13, s30;
	s16 =	ssub.s32 $0x5F8, s12  }
0xd1: {  	[hbm4b:s15+s2] =	stream.linear.scatter [tilespmem:s16], [sflag:$0x1], $0x80, $0x38;
	[tilespmem:$0x13F00] =	vst v63  }
0xd2: {  	s17 =	ssub.s32 $0xFF0, s12;
	s18 =	sadd.s32 $0x10, s15  }
0xd3: {  	[hbm4b:s18+s2] =	stream.linear.scatter [tilespmem:s17], [sflag:$0x1], $0x80, $0x38;
	[tilespmem:$0x13F00] =	vst v63  }
0xd4: {  	s19 =	ssub.s32 $0x19E8, s12;
	s20 =	sadd.s32 $0x20, s15  }
0xd5: {  	[hbm4b:s20+s2] =	stream.linear.scatter [tilespmem:s19], [sflag:$0x1], $0x80, $0x38;
	[tilespmem:$0x13F00] =	vst v63  }
0xd6: {  	s21 =	ssub.s32 $0x23E0, s12;
	s22 =	sadd.s32 $0x30, s15  }
0xd7: {  	[hbm4b:s22+s2] =	stream.linear.scatter [tilespmem:s21], [sflag:$0x1], $0x80, $0x38;
	[tilespmem:$0x13F00] =	vst v63  }
0xd8: {  	s23 =	ssub.s32 $0x2DD8, s12;
	s24 =	sadd.s32 $0x40, s15  }
0xd9: {  	[hbm4b:s24+s2] =	stream.linear.scatter [tilespmem:s23], [sflag:$0x1], $0x80, $0x38;
	[tilespmem:$0x13F00] =	vst v63  }
0xda: {  	s25 =	ssub.s32 $0x37D0, s12;
	s26 =	sadd.s32 $0x50, s15  }
0xdb: {  	[hbm4b:s26+s2] =	stream.linear.scatter [tilespmem:s25], [sflag:$0x1], $0x80, $0x38;
	[tilespmem:$0x13F00] =	vst v63  }
0xdc: {  	s28 =	ssub.s32 $0x41C8, s12;
	s29 =	sadd.s32 $0x60, s15  }
0xdd: {  	[hbm4b:s29+s2] =	stream.linear.scatter [tilespmem:s28], [sflag:$0x1], $0x80, $0x38;
	[tilespmem:$0x13F00] =	vst v63  }
0xde: {  	s31 =	ssub.s32 $0x4BC0, s12;
	s15 =	sadd.s32 $0x70, s15;
	s30 =	rddreg [dreg:$0xb]  }
0xdf: {  	[hbm4b:s15+s2] =	stream.linear.scatter [tilespmem:s31], [sflag:$0x1], $0x80, $0x38;
	[tilespmem:$0x13F00] =	vst v63  }
0xe0: {  	s16 =	ssub.s32 $0x678, s12;
	s14 =	sadd.s32 s13, s30  }
0xe1: {  	[hbm4b:s14+s2] =	stream.linear.scatter [tilespmem:s16], [sflag:$0x1], $0x80, $0x38;
	[tilespmem:$0x13F00] =	vst v63  }
0xe2: {  	s17 =	ssub.s32 $0x1070, s12;
	s18 =	sadd.s32 $0x10, s14  }
0xe3: {  	[hbm4b:s18+s2] =	stream.linear.scatter [tilespmem:s17], [sflag:$0x1], $0x80, $0x38;
	[tilespmem:$0x13F00] =	vst v63  }
0xe4: {  	s19 =	ssub.s32 $0x1A68, s12;
	s20 =	sadd.s32 $0x20, s14  }
0xe5: {  	[hbm4b:s20+s2] =	stream.linear.scatter [tilespmem:s19], [sflag:$0x1], $0x80, $0x38;
	[tilespmem:$0x13F00] =	vst v63  }
0xe6: {  	s21 =	ssub.s32 $0x2460, s12;
	s22 =	sadd.s32 $0x30, s14  }
0xe7: {  	[hbm4b:s22+s2] =	stream.linear.scatter [tilespmem:s21], [sflag:$0x1], $0x80, $0x38;
	[tilespmem:$0x13F00] =	vst v63  }
0xe8: {  	s23 =	ssub.s32 $0x2E58, s12;
	s24 =	sadd.s32 $0x40, s14  }
0xe9: {  	[hbm4b:s24+s2] =	stream.linear.scatter [tilespmem:s23], [sflag:$0x1], $0x80, $0x38;
	[tilespmem:$0x13F00] =	vst v63  }
0xea: {  	s25 =	ssub.s32 $0x3850, s12;
	s26 =	sadd.s32 $0x50, s14  }
0xeb: {  	[hbm4b:s26+s2] =	stream.linear.scatter [tilespmem:s25], [sflag:$0x1], $0x80, $0x38;
	[tilespmem:$0x13F00] =	vst v63  }
0xec: {  	s28 =	ssub.s32 $0x4248, s12;
	s29 =	sadd.s32 $0x60, s14  }
0xed: {  	[hbm4b:s29+s2] =	stream.linear.scatter [tilespmem:s28], [sflag:$0x1], $0x80, $0x38;
	[tilespmem:$0x13F00] =	vst v63  }
0xee: {  	s30 =	rddreg [dreg:$0xc];
	s31 =	ssub.s32 $0x4C40, s12;
	s14 =	sadd.s32 $0x70, s14  }
0xef: {  	[hbm4b:s14+s2] =	stream.linear.scatter [tilespmem:s31], [sflag:$0x1], $0x80, $0x38;
	[tilespmem:$0x13F00] =	vst v63  }
0xf0: {  	s15 =	sadd.s32 s13, s30;
	s16 =	ssub.s32 $0x6F8, s12  }
0xf1: {  	[hbm4b:s15+s2] =	stream.linear.scatter [tilespmem:s16], [sflag:$0x1], $0x80, $0x38;
	[tilespmem:$0x13F00] =	vst v63  }
0xf2: {  	s17 =	ssub.s32 $0x10F0, s12;
	s18 =	sadd.s32 $0x10, s15  }
0xf3: {  	[hbm4b:s18+s2] =	stream.linear.scatter [tilespmem:s17], [sflag:$0x1], $0x80, $0x38;
	[tilespmem:$0x13F00] =	vst v63  }
0xf4: {  	s19 =	ssub.s32 $0x1AE8, s12;
	s20 =	sadd.s32 $0x20, s15  }
0xf5: {  	[hbm4b:s20+s2] =	stream.linear.scatter [tilespmem:s19], [sflag:$0x1], $0x80, $0x38;
	[tilespmem:$0x13F00] =	vst v63  }
0xf6: {  	s21 =	ssub.s32 $0x24E0, s12;
	s22 =	sadd.s32 $0x30, s15  }
0xf7: {  	[hbm4b:s22+s2] =	stream.linear.scatter [tilespmem:s21], [sflag:$0x1], $0x80, $0x38;
	[tilespmem:$0x13F00] =	vst v63  }
0xf8: {  	s23 =	ssub.s32 $0x2ED8, s12;
	s24 =	sadd.s32 $0x40, s15  }
0xf9: {  	[hbm4b:s24+s2] =	stream.linear.scatter [tilespmem:s23], [sflag:$0x1], $0x80, $0x38;
	[tilespmem:$0x13F00] =	vst v63  }
0xfa: {  	s25 =	ssub.s32 $0x38D0, s12;
	s26 =	sadd.s32 $0x50, s15  }
0xfb: {  	[hbm4b:s26+s2] =	stream.linear.scatter [tilespmem:s25], [sflag:$0x1], $0x80, $0x38;
	[tilespmem:$0x13F00] =	vst v63  }
0xfc: {  	s28 =	ssub.s32 $0x42C8, s12;
	s29 =	sadd.s32 $0x60, s15  }
0xfd: {  	[hbm4b:s29+s2] =	stream.linear.scatter [tilespmem:s28], [sflag:$0x1], $0x80, $0x38;
	[tilespmem:$0x13F00] =	vst v63  }
0xfe: {  	s30 =	rddreg [dreg:$0xd];
	s31 =	ssub.s32 $0x4CC0, s12;
	s15 =	sadd.s32 $0x70, s15  }
0xff: {  	[hbm4b:s15+s2] =	stream.linear.scatter [tilespmem:s31], [sflag:$0x1], $0x80, $0x38;
	[tilespmem:$0x13F00] =	vst v63  }
0x100: {  	s14 =	sadd.s32 s13, s30;
	s16 =	ssub.s32 $0x778, s12  }
0x101: {  	[hbm4b:s14+s2] =	stream.linear.scatter [tilespmem:s16], [sflag:$0x1], $0x80, $0x38;
	[tilespmem:$0x13F00] =	vst v63  }
0x102: {  	s17 =	ssub.s32 $0x1170, s12;
	s18 =	sadd.s32 $0x10, s14  }
0x103: {  	[hbm4b:s18+s2] =	stream.linear.scatter [tilespmem:s17], [sflag:$0x1], $0x80, $0x38;
	[tilespmem:$0x13F00] =	vst v63  }
0x104: {  	s19 =	ssub.s32 $0x1B68, s12;
	s20 =	sadd.s32 $0x20, s14  }
0x105: {  	[hbm4b:s20+s2] =	stream.linear.scatter [tilespmem:s19], [sflag:$0x1], $0x80, $0x38;
	[tilespmem:$0x13F00] =	vst v63  }
0x106: {  	s21 =	ssub.s32 $0x2560, s12;
	s22 =	sadd.s32 $0x30, s14  }
0x107: {  	[hbm4b:s22+s2] =	stream.linear.scatter [tilespmem:s21], [sflag:$0x1], $0x80, $0x38;
	[tilespmem:$0x13F00] =	vst v63  }
0x108: {  	s23 =	ssub.s32 $0x2F58, s12;
	s24 =	sadd.s32 $0x40, s14  }
0x109: {  	[hbm4b:s24+s2] =	stream.linear.scatter [tilespmem:s23], [sflag:$0x1], $0x80, $0x38;
	[tilespmem:$0x13F00] =	vst v63  }
0x10a: {  	s25 =	ssub.s32 $0x3950, s12;
	s26 =	sadd.s32 $0x50, s14  }
0x10b: {  	[hbm4b:s26+s2] =	stream.linear.scatter [tilespmem:s25], [sflag:$0x1], $0x80, $0x38;
	[tilespmem:$0x13F00] =	vst v63  }
0x10c: {  	s28 =	ssub.s32 $0x4348, s12;
	s29 =	sadd.s32 $0x60, s14  }
0x10d: {  	[hbm4b:s29+s2] =	stream.linear.scatter [tilespmem:s28], [sflag:$0x1], $0x80, $0x38;
	[tilespmem:$0x13F00] =	vst v63  }
0x10e: {  	s30 =	rddreg [dreg:$0xe];
	s31 =	ssub.s32 $0x4D40, s12;
	s14 =	sadd.s32 $0x70, s14  }
0x10f: {  	[hbm4b:s14+s2] =	stream.linear.scatter [tilespmem:s31], [sflag:$0x1], $0x80, $0x38;
	[tilespmem:$0x13F00] =	vst v63  }
0x110: {  	s15 =	sadd.s32 s13, s30;
	s16 =	ssub.s32 $0x7F8, s12  }
0x111: {  	[hbm4b:s15+s2] =	stream.linear.scatter [tilespmem:s16], [sflag:$0x1], $0x80, $0x38;
	[tilespmem:$0x13F00] =	vst v63  }
0x112: {  	s17 =	ssub.s32 $0x11F0, s12;
	s18 =	sadd.s32 $0x10, s15  }
0x113: {  	[hbm4b:s18+s2] =	stream.linear.scatter [tilespmem:s17], [sflag:$0x1], $0x80, $0x38;
	[tilespmem:$0x13F00] =	vst v63  }
0x114: {  	s19 =	ssub.s32 $0x1BE8, s12;
	s20 =	sadd.s32 $0x20, s15  }
0x115: {  	[hbm4b:s20+s2] =	stream.linear.scatter [tilespmem:s19], [sflag:$0x1], $0x80, $0x38;
	[tilespmem:$0x13F00] =	vst v63  }
0x116: {  	s21 =	ssub.s32 $0x25E0, s12;
	s22 =	sadd.s32 $0x30, s15  }
0x117: {  	[hbm4b:s22+s2] =	stream.linear.scatter [tilespmem:s21], [sflag:$0x1], $0x80, $0x38;
	[tilespmem:$0x13F00] =	vst v63  }
0x118: {  	s23 =	ssub.s32 $0x2FD8, s12;
	s24 =	sadd.s32 $0x40, s15  }
0x119: {  	[hbm4b:s24+s2] =	stream.linear.scatter [tilespmem:s23], [sflag:$0x1], $0x80, $0x38;
	[tilespmem:$0x13F00] =	vst v63  }
0x11a: {  	s25 =	ssub.s32 $0x39D0, s12;
	s26 =	sadd.s32 $0x50, s15  }
0x11b: {  	[hbm4b:s26+s2] =	stream.linear.scatter [tilespmem:s25], [sflag:$0x1], $0x80, $0x38;
	[tilespmem:$0x13F00] =	vst v63  }
0x11c: {  	s28 =	ssub.s32 $0x43C8, s12;
	s29 =	sadd.s32 $0x60, s15  }
0x11d: {  	[hbm4b:s29+s2] =	stream.linear.scatter [tilespmem:s28], [sflag:$0x1], $0x80, $0x38;
	[tilespmem:$0x13F00] =	vst v63  }
0x11e: {  	s30 =	rddreg [dreg:$0xf];
	s31 =	ssub.s32 $0x4DC0, s12;
	s15 =	sadd.s32 $0x70, s15  }
0x11f: {  	[hbm4b:s15+s2] =	stream.linear.scatter [tilespmem:s31], [sflag:$0x1], $0x80, $0x38;
	[tilespmem:$0x13F00] =	vst v63  }
0x120: {  	s14 =	sadd.s32 s13, s30;
	s16 =	ssub.s32 $0x878, s12  }
0x121: {  	[hbm4b:s14+s2] =	stream.linear.scatter [tilespmem:s16], [sflag:$0x1], $0x80, $0x38;
	[tilespmem:$0x13F00] =	vst v63  }
0x122: {  	s17 =	ssub.s32 $0x1270, s12;
	s18 =	sadd.s32 $0x10, s14  }
0x123: {  	[hbm4b:s18+s2] =	stream.linear.scatter [tilespmem:s17], [sflag:$0x1], $0x80, $0x38;
	[tilespmem:$0x13F00] =	vst v63  }
0x124: {  	s19 =	ssub.s32 $0x1C68, s12;
	s20 =	sadd.s32 $0x20, s14  }
0x125: {  	[hbm4b:s20+s2] =	stream.linear.scatter [tilespmem:s19], [sflag:$0x1], $0x80, $0x38;
	[tilespmem:$0x13F00] =	vst v63  }
0x126: {  	s21 =	ssub.s32 $0x2660, s12;
	s22 =	sadd.s32 $0x30, s14  }
0x127: {  	[hbm4b:s22+s2] =	stream.linear.scatter [tilespmem:s21], [sflag:$0x1], $0x80, $0x38;
	[tilespmem:$0x13F00] =	vst v63  }
0x128: {  	s23 =	ssub.s32 $0x3058, s12;
	s24 =	sadd.s32 $0x40, s14  }
0x129: {  	[hbm4b:s24+s2] =	stream.linear.scatter [tilespmem:s23], [sflag:$0x1], $0x80, $0x38;
	[tilespmem:$0x13F00] =	vst v63  }
0x12a: {  	s25 =	ssub.s32 $0x3A50, s12;
	s26 =	sadd.s32 $0x50, s14  }
0x12b: {  	[hbm4b:s26+s2] =	stream.linear.scatter [tilespmem:s25], [sflag:$0x1], $0x80, $0x38;
	[tilespmem:$0x13F00] =	vst v63  }
0x12c: {  	s28 =	ssub.s32 $0x4448, s12;
	s29 =	sadd.s32 $0x60, s14  }
0x12d: {  	[hbm4b:s29+s2] =	stream.linear.scatter [tilespmem:s28], [sflag:$0x1], $0x80, $0x38;
	[tilespmem:$0x13F00] =	vst v63  }
0x12e: {  	s30 =	rddreg [dreg:$0x10];
	s31 =	ssub.s32 $0x4E40, s12;
	s14 =	sadd.s32 $0x70, s14  }
0x12f: {  	[hbm4b:s14+s2] =	stream.linear.scatter [tilespmem:s31], [sflag:$0x1], $0x80, $0x38;
	[tilespmem:$0x13F00] =	vst v63  }
0x130: {  	s15 =	sadd.s32 s13, s30;
	s16 =	ssub.s32 $0x8F8, s12  }
0x131: {  	[hbm4b:s15+s2] =	stream.linear.scatter [tilespmem:s16], [sflag:$0x1], $0x80, $0x38;
	[tilespmem:$0x13F00] =	vst v63  }
0x132: {  	s17 =	ssub.s32 $0x12F0, s12;
	s18 =	sadd.s32 $0x10, s15  }
0x133: {  	[hbm4b:s18+s2] =	stream.linear.scatter [tilespmem:s17], [sflag:$0x1], $0x80, $0x38;
	[tilespmem:$0x13F00] =	vst v63  }
0x134: {  	s19 =	ssub.s32 $0x1CE8, s12;
	s20 =	sadd.s32 $0x20, s15  }
0x135: {  	[hbm4b:s20+s2] =	stream.linear.scatter [tilespmem:s19], [sflag:$0x1], $0x80, $0x38;
	[tilespmem:$0x13F00] =	vst v63  }
0x136: {  	s21 =	ssub.s32 $0x26E0, s12;
	s22 =	sadd.s32 $0x30, s15  }
0x137: {  	[hbm4b:s22+s2] =	stream.linear.scatter [tilespmem:s21], [sflag:$0x1], $0x80, $0x38;
	[tilespmem:$0x13F00] =	vst v63  }
0x138: {  	s23 =	ssub.s32 $0x30D8, s12;
	s24 =	sadd.s32 $0x40, s15  }
0x139: {  	[hbm4b:s24+s2] =	stream.linear.scatter [tilespmem:s23], [sflag:$0x1], $0x80, $0x38;
	[tilespmem:$0x13F00] =	vst v63  }
0x13a: {  	s25 =	ssub.s32 $0x3AD0, s12;
	s26 =	sadd.s32 $0x50, s15  }
0x13b: {  	[hbm4b:s26+s2] =	stream.linear.scatter [tilespmem:s25], [sflag:$0x1], $0x80, $0x38;
	[tilespmem:$0x13F00] =	vst v63  }
0x13c: {  	s28 =	ssub.s32 $0x44C8, s12;
	s29 =	sadd.s32 $0x60, s15  }
0x13d: {  	[hbm4b:s29+s2] =	stream.linear.scatter [tilespmem:s28], [sflag:$0x1], $0x80, $0x38;
	[tilespmem:$0x13F00] =	vst v63  }
0x13e: {  	s30 =	rddreg [dreg:$0x11];
	s31 =	ssub.s32 $0x4EC0, s12;
	s15 =	sadd.s32 $0x70, s15  }
0x13f: {  	[hbm4b:s15+s2] =	stream.linear.scatter [tilespmem:s31], [sflag:$0x1], $0x80, $0x38;
	[tilespmem:$0x13F00] =	vst v63  }
0x140: {  	s14 =	sadd.s32 s13, s30;
	s16 =	ssub.s32 $0x978, s12  }
0x141: {  	[hbm4b:s14+s2] =	stream.linear.scatter [tilespmem:s16], [sflag:$0x1], $0x80, $0x38;
	[tilespmem:$0x13F00] =	vst v63  }
0x142: {  	s17 =	ssub.s32 $0x1370, s12;
	s18 =	sadd.s32 $0x10, s14  }
0x143: {  	[hbm4b:s18+s2] =	stream.linear.scatter [tilespmem:s17], [sflag:$0x1], $0x80, $0x38;
	[tilespmem:$0x13F00] =	vst v63  }
0x144: {  	s19 =	ssub.s32 $0x1D68, s12;
	s20 =	sadd.s32 $0x20, s14  }
0x145: {  	[hbm4b:s20+s2] =	stream.linear.scatter [tilespmem:s19], [sflag:$0x1], $0x80, $0x38;
	[tilespmem:$0x13F00] =	vst v63  }
0x146: {  	s21 =	ssub.s32 $0x2760, s12;
	s22 =	sadd.s32 $0x30, s14  }
0x147: {  	[hbm4b:s22+s2] =	stream.linear.scatter [tilespmem:s21], [sflag:$0x1], $0x80, $0x38;
	[tilespmem:$0x13F00] =	vst v63  }
0x148: {  	s23 =	ssub.s32 $0x3158, s12;
	s24 =	sadd.s32 $0x40, s14  }
0x149: {  	[hbm4b:s24+s2] =	stream.linear.scatter [tilespmem:s23], [sflag:$0x1], $0x80, $0x38;
	[tilespmem:$0x13F00] =	vst v63  }
0x14a: {  	s25 =	ssub.s32 $0x3B50, s12;
	s26 =	sadd.s32 $0x50, s14  }
0x14b: {  	[hbm4b:s26+s2] =	stream.linear.scatter [tilespmem:s25], [sflag:$0x1], $0x80, $0x38;
	[tilespmem:$0x13F00] =	vst v63  }
0x14c: {  	s28 =	ssub.s32 $0x4548, s12;
	s29 =	sadd.s32 $0x60, s14  }
0x14d: {  	[hbm4b:s29+s2] =	stream.linear.scatter [tilespmem:s28], [sflag:$0x1], $0x80, $0x38;
	[tilespmem:$0x13F00] =	vst v63  }
0x14e: {  	s30 =	rddreg [dreg:$0x12];
	s31 =	ssub.s32 $0x4F40, s12;
	s14 =	sadd.s32 $0x70, s14  }
0x14f: {  	[hbm4b:s14+s2] =	stream.linear.scatter [tilespmem:s31], [sflag:$0x1], $0x80, $0x38;
	[tilespmem:$0x13F00] =	vst v63  }
0x150: {  	s16 =	ssub.s32 $0x51B8, s12;
	s14 =	sadd.s32 s13, s30  }
0x151: {  	[hbm4b:s14+s2] =	stream.linear.scatter [tilespmem:s16], [sflag:$0x1], $0x80, $0x38;
	[tilespmem:$0x13F00] =	vst v63  }
0x152: {  	s17 =	ssub.s32 $0x5BB0, s12;
	s18 =	sadd.s32 $0x10, s14  }
0x153: {  	[hbm4b:s18+s2] =	stream.linear.scatter [tilespmem:s17], [sflag:$0x1], $0x80, $0x38;
	[tilespmem:$0x13F00] =	vst v63  }
0x154: {  	s19 =	ssub.s32 $0x65A8, s12;
	s20 =	sadd.s32 $0x20, s14  }
0x155: {  	[hbm4b:s20+s2] =	stream.linear.scatter [tilespmem:s19], [sflag:$0x1], $0x80, $0x38;
	[tilespmem:$0x13F00] =	vst v63  }
0x156: {  	s21 =	ssub.s32 $0x6FA0, s12;
	s22 =	sadd.s32 $0x30, s14  }
0x157: {  	[hbm4b:s22+s2] =	stream.linear.scatter [tilespmem:s21], [sflag:$0x1], $0x80, $0x38;
	[tilespmem:$0x13F00] =	vst v63  }
0x158: {  	s23 =	ssub.s32 $0x7998, s12;
	s24 =	sadd.s32 $0x40, s14  }
0x159: {  	[hbm4b:s24+s2] =	stream.linear.scatter [tilespmem:s23], [sflag:$0x1], $0x80, $0x38;
	[tilespmem:$0x13F00] =	vst v63  }
0x15a: {  	s25 =	ssub.s32 $0x8390, s12;
	s26 =	sadd.s32 $0x50, s14  }
0x15b: {  	[hbm4b:s26+s2] =	stream.linear.scatter [tilespmem:s25], [sflag:$0x1], $0x80, $0x38;
	[tilespmem:$0x13F00] =	vst v63  }
0x15c: {  	s28 =	ssub.s32 $0x8D88, s12;
	s29 =	sadd.s32 $0x60, s14  }
0x15d: {  	[hbm4b:s29+s2] =	stream.linear.scatter [tilespmem:s28], [sflag:$0x1], $0x80, $0x38;
	[tilespmem:$0x13F00] =	vst v63  }
0x15e: {  	s30 =	rddreg [dreg:$0x13];
	s31 =	ssub.s32 $0x9780, s12;
	s14 =	sadd.s32 $0x70, s14  }
0x15f: {  	[hbm4b:s14+s2] =	stream.linear.scatter [tilespmem:s31], [sflag:$0x1], $0x80, $0x38;
	[tilespmem:$0x13F00] =	vst v63  }
0x160: {  	s16 =	ssub.s32 $0x5238, s12;
	s14 =	sadd.s32 s13, s30  }
0x161: {  	[hbm4b:s14+s2] =	stream.linear.scatter [tilespmem:s16], [sflag:$0x1], $0x80, $0x38;
	[tilespmem:$0x13F00] =	vst v63  }
0x162: {  	s17 =	ssub.s32 $0x5C30, s12;
	s18 =	sadd.s32 $0x10, s14  }
0x163: {  	[hbm4b:s18+s2] =	stream.linear.scatter [tilespmem:s17], [sflag:$0x1], $0x80, $0x38;
	[tilespmem:$0x13F00] =	vst v63  }
0x164: {  	s19 =	ssub.s32 $0x6628, s12;
	s20 =	sadd.s32 $0x20, s14  }
0x165: {  	[hbm4b:s20+s2] =	stream.linear.scatter [tilespmem:s19], [sflag:$0x1], $0x80, $0x38;
	[tilespmem:$0x13F00] =	vst v63  }
0x166: {  	s21 =	ssub.s32 $0x7020, s12;
	s22 =	sadd.s32 $0x30, s14  }
0x167: {  	[hbm4b:s22+s2] =	stream.linear.scatter [tilespmem:s21], [sflag:$0x1], $0x80, $0x38;
	[tilespmem:$0x13F00] =	vst v63  }
0x168: {  	s23 =	ssub.s32 $0x7A18, s12;
	s24 =	sadd.s32 $0x40, s14  }
0x169: {  	[hbm4b:s24+s2] =	stream.linear.scatter [tilespmem:s23], [sflag:$0x1], $0x80, $0x38;
	[tilespmem:$0x13F00] =	vst v63  }
0x16a: {  	s25 =	ssub.s32 $0x8410, s12;
	s26 =	sadd.s32 $0x50, s14  }
0x16b: {  	[hbm4b:s26+s2] =	stream.linear.scatter [tilespmem:s25], [sflag:$0x1], $0x80, $0x38;
	[tilespmem:$0x13F00] =	vst v63  }
0x16c: {  	s28 =	ssub.s32 $0x8E08, s12;
	s29 =	sadd.s32 $0x60, s14  }
0x16d: {  	[hbm4b:s29+s2] =	stream.linear.scatter [tilespmem:s28], [sflag:$0x1], $0x80, $0x38;
	[tilespmem:$0x13F00] =	vst v63  }
0x16e: {  	s30 =	rddreg [dreg:$0x14];
	s31 =	ssub.s32 $0x9800, s12;
	s14 =	sadd.s32 $0x70, s14  }
0x16f: {  	[hbm4b:s14+s2] =	stream.linear.scatter [tilespmem:s31], [sflag:$0x1], $0x80, $0x38;
	[tilespmem:$0x13F00] =	vst v63  }
0x170: {  	s16 =	ssub.s32 $0x52B8, s12;
	s14 =	sadd.s32 s13, s30  }
0x171: {  	[hbm4b:s14+s2] =	stream.linear.scatter [tilespmem:s16], [sflag:$0x1], $0x80, $0x38;
	[tilespmem:$0x13F00] =	vst v63  }
0x172: {  	s17 =	ssub.s32 $0x5CB0, s12;
	s18 =	sadd.s32 $0x10, s14  }
0x173: {  	[hbm4b:s18+s2] =	stream.linear.scatter [tilespmem:s17], [sflag:$0x1], $0x80, $0x38;
	[tilespmem:$0x13F00] =	vst v63  }
0x174: {  	s19 =	ssub.s32 $0x66A8, s12;
	s20 =	sadd.s32 $0x20, s14  }
0x175: {  	[hbm4b:s20+s2] =	stream.linear.scatter [tilespmem:s19], [sflag:$0x1], $0x80, $0x38;
	[tilespmem:$0x13F00] =	vst v63  }
0x176: {  	s21 =	ssub.s32 $0x70A0, s12;
	s22 =	sadd.s32 $0x30, s14  }
0x177: {  	[hbm4b:s22+s2] =	stream.linear.scatter [tilespmem:s21], [sflag:$0x1], $0x80, $0x38;
	[tilespmem:$0x13F00] =	vst v63  }
0x178: {  	s23 =	ssub.s32 $0x7A98, s12;
	s24 =	sadd.s32 $0x40, s14  }
0x179: {  	[hbm4b:s24+s2] =	stream.linear.scatter [tilespmem:s23], [sflag:$0x1], $0x80, $0x38;
	[tilespmem:$0x13F00] =	vst v63  }
0x17a: {  	s25 =	ssub.s32 $0x8490, s12;
	s26 =	sadd.s32 $0x50, s14  }
0x17b: {  	[hbm4b:s26+s2] =	stream.linear.scatter [tilespmem:s25], [sflag:$0x1], $0x80, $0x38;
	[tilespmem:$0x13F00] =	vst v63  }
0x17c: {  	s28 =	ssub.s32 $0x8E88, s12;
	s29 =	sadd.s32 $0x60, s14  }
0x17d: {  	[hbm4b:s29+s2] =	stream.linear.scatter [tilespmem:s28], [sflag:$0x1], $0x80, $0x38;
	[tilespmem:$0x13F00] =	vst v63  }
0x17e: {  	s30 =	rddreg [dreg:$0x15];
	s31 =	ssub.s32 $0x9880, s12;
	s14 =	sadd.s32 $0x70, s14  }
0x17f: {  	[hbm4b:s14+s2] =	stream.linear.scatter [tilespmem:s31], [sflag:$0x1], $0x80, $0x38;
	[tilespmem:$0x13F00] =	vst v63  }
0x180: {  	s16 =	ssub.s32 $0x5338, s12;
	s14 =	sadd.s32 s13, s30  }
0x181: {  	[hbm4b:s14+s2] =	stream.linear.scatter [tilespmem:s16], [sflag:$0x1], $0x80, $0x38;
	[tilespmem:$0x13F00] =	vst v63  }
0x182: {  	s17 =	ssub.s32 $0x5D30, s12;
	s18 =	sadd.s32 $0x10, s14  }
0x183: {  	[hbm4b:s18+s2] =	stream.linear.scatter [tilespmem:s17], [sflag:$0x1], $0x80, $0x38;
	[tilespmem:$0x13F00] =	vst v63  }
0x184: {  	s19 =	ssub.s32 $0x6728, s12;
	s20 =	sadd.s32 $0x20, s14  }
0x185: {  	[hbm4b:s20+s2] =	stream.linear.scatter [tilespmem:s19], [sflag:$0x1], $0x80, $0x38;
	[tilespmem:$0x13F00] =	vst v63  }
0x186: {  	s21 =	ssub.s32 $0x7120, s12;
	s22 =	sadd.s32 $0x30, s14  }
0x187: {  	[hbm4b:s22+s2] =	stream.linear.scatter [tilespmem:s21], [sflag:$0x1], $0x80, $0x38;
	[tilespmem:$0x13F00] =	vst v63  }
0x188: {  	s23 =	ssub.s32 $0x7B18, s12;
	s24 =	sadd.s32 $0x40, s14  }
0x189: {  	[hbm4b:s24+s2] =	stream.linear.scatter [tilespmem:s23], [sflag:$0x1], $0x80, $0x38;
	[tilespmem:$0x13F00] =	vst v63  }
0x18a: {  	s25 =	ssub.s32 $0x8510, s12;
	s26 =	sadd.s32 $0x50, s14  }
0x18b: {  	[hbm4b:s26+s2] =	stream.linear.scatter [tilespmem:s25], [sflag:$0x1], $0x80, $0x38;
	[tilespmem:$0x13F00] =	vst v63  }
0x18c: {  	s28 =	ssub.s32 $0x8F08, s12;
	s29 =	sadd.s32 $0x60, s14  }
0x18d: {  	[hbm4b:s29+s2] =	stream.linear.scatter [tilespmem:s28], [sflag:$0x1], $0x80, $0x38;
	[tilespmem:$0x13F00] =	vst v63  }
0x18e: {  	s30 =	rddreg [dreg:$0x16];
	s31 =	ssub.s32 $0x9900, s12;
	s14 =	sadd.s32 $0x70, s14  }
0x18f: {  	[hbm4b:s14+s2] =	stream.linear.scatter [tilespmem:s31], [sflag:$0x1], $0x80, $0x38;
	[tilespmem:$0x13F00] =	vst v63  }
0x190: {  	s16 =	ssub.s32 $0x53B8, s12;
	s14 =	sadd.s32 s13, s30  }
0x191: {  	[hbm4b:s14+s2] =	stream.linear.scatter [tilespmem:s16], [sflag:$0x1], $0x80, $0x38;
	[tilespmem:$0x13F00] =	vst v63  }
0x192: {  	s17 =	ssub.s32 $0x5DB0, s12;
	s18 =	sadd.s32 $0x10, s14  }
0x193: {  	[hbm4b:s18+s2] =	stream.linear.scatter [tilespmem:s17], [sflag:$0x1], $0x80, $0x38;
	[tilespmem:$0x13F00] =	vst v63  }
0x194: {  	s19 =	ssub.s32 $0x67A8, s12;
	s20 =	sadd.s32 $0x20, s14  }
0x195: {  	[hbm4b:s20+s2] =	stream.linear.scatter [tilespmem:s19], [sflag:$0x1], $0x80, $0x38;
	[tilespmem:$0x13F00] =	vst v63  }
0x196: {  	s21 =	ssub.s32 $0x71A0, s12;
	s22 =	sadd.s32 $0x30, s14  }
0x197: {  	[hbm4b:s22+s2] =	stream.linear.scatter [tilespmem:s21], [sflag:$0x1], $0x80, $0x38;
	[tilespmem:$0x13F00] =	vst v63  }
0x198: {  	s23 =	ssub.s32 $0x7B98, s12;
	s24 =	sadd.s32 $0x40, s14  }
0x199: {  	[hbm4b:s24+s2] =	stream.linear.scatter [tilespmem:s23], [sflag:$0x1], $0x80, $0x38;
	[tilespmem:$0x13F00] =	vst v63  }
0x19a: {  	s25 =	ssub.s32 $0x8590, s12;
	s26 =	sadd.s32 $0x50, s14  }
0x19b: {  	[hbm4b:s26+s2] =	stream.linear.scatter [tilespmem:s25], [sflag:$0x1], $0x80, $0x38;
	[tilespmem:$0x13F00] =	vst v63  }
0x19c: {  	s28 =	ssub.s32 $0x8F88, s12;
	s29 =	sadd.s32 $0x60, s14  }
0x19d: {  	[hbm4b:s29+s2] =	stream.linear.scatter [tilespmem:s28], [sflag:$0x1], $0x80, $0x38;
	[tilespmem:$0x13F00] =	vst v63  }
0x19e: {  	s30 =	rddreg [dreg:$0x17];
	s31 =	ssub.s32 $0x9980, s12;
	s14 =	sadd.s32 $0x70, s14  }
0x19f: {  	[hbm4b:s14+s2] =	stream.linear.scatter [tilespmem:s31], [sflag:$0x1], $0x80, $0x38;
	[tilespmem:$0x13F00] =	vst v63  }
0x1a0: {  	s16 =	ssub.s32 $0x5438, s12;
	s14 =	sadd.s32 s13, s30  }
0x1a1: {  	[hbm4b:s14+s2] =	stream.linear.scatter [tilespmem:s16], [sflag:$0x1], $0x80, $0x38;
	[tilespmem:$0x13F00] =	vst v63  }
0x1a2: {  	s17 =	ssub.s32 $0x5E30, s12;
	s18 =	sadd.s32 $0x10, s14  }
0x1a3: {  	[hbm4b:s18+s2] =	stream.linear.scatter [tilespmem:s17], [sflag:$0x1], $0x80, $0x38;
	[tilespmem:$0x13F00] =	vst v63  }
0x1a4: {  	s19 =	ssub.s32 $0x6828, s12;
	s20 =	sadd.s32 $0x20, s14  }
0x1a5: {  	[hbm4b:s20+s2] =	stream.linear.scatter [tilespmem:s19], [sflag:$0x1], $0x80, $0x38;
	[tilespmem:$0x13F00] =	vst v63  }
0x1a6: {  	s21 =	ssub.s32 $0x7220, s12;
	s22 =	sadd.s32 $0x30, s14  }
0x1a7: {  	[hbm4b:s22+s2] =	stream.linear.scatter [tilespmem:s21], [sflag:$0x1], $0x80, $0x38;
	[tilespmem:$0x13F00] =	vst v63  }
0x1a8: {  	s23 =	ssub.s32 $0x7C18, s12;
	s24 =	sadd.s32 $0x40, s14  }
0x1a9: {  	[hbm4b:s24+s2] =	stream.linear.scatter [tilespmem:s23], [sflag:$0x1], $0x80, $0x38;
	[tilespmem:$0x13F00] =	vst v63  }
0x1aa: {  	s25 =	ssub.s32 $0x8610, s12;
	s26 =	sadd.s32 $0x50, s14  }
0x1ab: {  	[hbm4b:s26+s2] =	stream.linear.scatter [tilespmem:s25], [sflag:$0x1], $0x80, $0x38;
	[tilespmem:$0x13F00] =	vst v63  }
0x1ac: {  	s28 =	ssub.s32 $0x9008, s12;
	s29 =	sadd.s32 $0x60, s14  }
0x1ad: {  	[hbm4b:s29+s2] =	stream.linear.scatter [tilespmem:s28], [sflag:$0x1], $0x80, $0x38;
	[tilespmem:$0x13F00] =	vst v63  }
0x1ae: {  	s30 =	rddreg [dreg:$0x18];
	s31 =	ssub.s32 $0x9A00, s12;
	s14 =	sadd.s32 $0x70, s14  }
0x1af: {  	[hbm4b:s14+s2] =	stream.linear.scatter [tilespmem:s31], [sflag:$0x1], $0x80, $0x38;
	[tilespmem:$0x13F00] =	vst v63  }
0x1b0: {  	s16 =	ssub.s32 $0x54B8, s12;
	s14 =	sadd.s32 s13, s30  }
0x1b1: {  	[hbm4b:s14+s2] =	stream.linear.scatter [tilespmem:s16], [sflag:$0x1], $0x80, $0x38;
	[tilespmem:$0x13F00] =	vst v63  }
0x1b2: {  	s17 =	ssub.s32 $0x5EB0, s12;
	s18 =	sadd.s32 $0x10, s14  }
0x1b3: {  	[hbm4b:s18+s2] =	stream.linear.scatter [tilespmem:s17], [sflag:$0x1], $0x80, $0x38;
	[tilespmem:$0x13F00] =	vst v63  }
0x1b4: {  	s19 =	ssub.s32 $0x68A8, s12;
	s20 =	sadd.s32 $0x20, s14  }
0x1b5: {  	[hbm4b:s20+s2] =	stream.linear.scatter [tilespmem:s19], [sflag:$0x1], $0x80, $0x38;
	[tilespmem:$0x13F00] =	vst v63  }
0x1b6: {  	s21 =	ssub.s32 $0x72A0, s12;
	s22 =	sadd.s32 $0x30, s14  }
0x1b7: {  	[hbm4b:s22+s2] =	stream.linear.scatter [tilespmem:s21], [sflag:$0x1], $0x80, $0x38;
	[tilespmem:$0x13F00] =	vst v63  }
0x1b8: {  	s23 =	ssub.s32 $0x7C98, s12;
	s24 =	sadd.s32 $0x40, s14  }
0x1b9: {  	[hbm4b:s24+s2] =	stream.linear.scatter [tilespmem:s23], [sflag:$0x1], $0x80, $0x38;
	[tilespmem:$0x13F00] =	vst v63  }
0x1ba: {  	s25 =	ssub.s32 $0x8690, s12;
	s26 =	sadd.s32 $0x50, s14  }
0x1bb: {  	[hbm4b:s26+s2] =	stream.linear.scatter [tilespmem:s25], [sflag:$0x1], $0x80, $0x38;
	[tilespmem:$0x13F00] =	vst v63  }
0x1bc: {  	s28 =	ssub.s32 $0x9088, s12;
	s29 =	sadd.s32 $0x60, s14  }
0x1bd: {  	[hbm4b:s29+s2] =	stream.linear.scatter [tilespmem:s28], [sflag:$0x1], $0x80, $0x38;
	[tilespmem:$0x13F00] =	vst v63  }
0x1be: {  	s30 =	rddreg [dreg:$0x19];
	s31 =	ssub.s32 $0x9A80, s12;
	s14 =	sadd.s32 $0x70, s14  }
0x1bf: {  	[hbm4b:s14+s2] =	stream.linear.scatter [tilespmem:s31], [sflag:$0x1], $0x80, $0x38;
	[tilespmem:$0x13F00] =	vst v63  }
0x1c0: {  	s16 =	ssub.s32 $0x5538, s12;
	s14 =	sadd.s32 s13, s30  }
0x1c1: {  	[hbm4b:s14+s2] =	stream.linear.scatter [tilespmem:s16], [sflag:$0x1], $0x80, $0x38;
	[tilespmem:$0x13F00] =	vst v63  }
0x1c2: {  	s17 =	ssub.s32 $0x5F30, s12;
	s18 =	sadd.s32 $0x10, s14  }
0x1c3: {  	[hbm4b:s18+s2] =	stream.linear.scatter [tilespmem:s17], [sflag:$0x1], $0x80, $0x38;
	[tilespmem:$0x13F00] =	vst v63  }
0x1c4: {  	s19 =	ssub.s32 $0x6928, s12;
	s20 =	sadd.s32 $0x20, s14  }
0x1c5: {  	[hbm4b:s20+s2] =	stream.linear.scatter [tilespmem:s19], [sflag:$0x1], $0x80, $0x38;
	[tilespmem:$0x13F00] =	vst v63  }
0x1c6: {  	s21 =	ssub.s32 $0x7320, s12;
	s22 =	sadd.s32 $0x30, s14  }
0x1c7: {  	[hbm4b:s22+s2] =	stream.linear.scatter [tilespmem:s21], [sflag:$0x1], $0x80, $0x38;
	[tilespmem:$0x13F00] =	vst v63  }
0x1c8: {  	s23 =	ssub.s32 $0x7D18, s12;
	s24 =	sadd.s32 $0x40, s14  }
0x1c9: {  	[hbm4b:s24+s2] =	stream.linear.scatter [tilespmem:s23], [sflag:$0x1], $0x80, $0x38;
	[tilespmem:$0x13F00] =	vst v63  }
0x1ca: {  	s25 =	ssub.s32 $0x8710, s12;
	s26 =	sadd.s32 $0x50, s14  }
0x1cb: {  	[hbm4b:s26+s2] =	stream.linear.scatter [tilespmem:s25], [sflag:$0x1], $0x80, $0x38;
	[tilespmem:$0x13F00] =	vst v63  }
0x1cc: {  	s28 =	ssub.s32 $0x9108, s12;
	s29 =	sadd.s32 $0x60, s14  }
0x1cd: {  	[hbm4b:s29+s2] =	stream.linear.scatter [tilespmem:s28], [sflag:$0x1], $0x80, $0x38;
	[tilespmem:$0x13F00] =	vst v63  }
0x1ce: {  	s30 =	rddreg [dreg:$0x1a];
	s31 =	ssub.s32 $0x9B00, s12;
	s14 =	sadd.s32 $0x70, s14  }
0x1cf: {  	[hbm4b:s14+s2] =	stream.linear.scatter [tilespmem:s31], [sflag:$0x1], $0x80, $0x38;
	[tilespmem:$0x13F00] =	vst v63  }
0x1d0: {  	s16 =	ssub.s32 $0x55B8, s12;
	s14 =	sadd.s32 s13, s30  }
0x1d1: {  	[hbm4b:s14+s2] =	stream.linear.scatter [tilespmem:s16], [sflag:$0x1], $0x80, $0x38;
	[tilespmem:$0x13F00] =	vst v63  }
0x1d2: {  	s17 =	ssub.s32 $0x5FB0, s12;
	s18 =	sadd.s32 $0x10, s14  }
0x1d3: {  	[hbm4b:s18+s2] =	stream.linear.scatter [tilespmem:s17], [sflag:$0x1], $0x80, $0x38;
	[tilespmem:$0x13F00] =	vst v63  }
0x1d4: {  	s19 =	ssub.s32 $0x69A8, s12;
	s20 =	sadd.s32 $0x20, s14  }
0x1d5: {  	[hbm4b:s20+s2] =	stream.linear.scatter [tilespmem:s19], [sflag:$0x1], $0x80, $0x38;
	[tilespmem:$0x13F00] =	vst v63  }
0x1d6: {  	s21 =	ssub.s32 $0x73A0, s12;
	s22 =	sadd.s32 $0x30, s14  }
0x1d7: {  	[hbm4b:s22+s2] =	stream.linear.scatter [tilespmem:s21], [sflag:$0x1], $0x80, $0x38;
	[tilespmem:$0x13F00] =	vst v63  }
0x1d8: {  	s23 =	ssub.s32 $0x7D98, s12;
	s24 =	sadd.s32 $0x40, s14  }
0x1d9: {  	[hbm4b:s24+s2] =	stream.linear.scatter [tilespmem:s23], [sflag:$0x1], $0x80, $0x38;
	[tilespmem:$0x13F00] =	vst v63  }
0x1da: {  	s25 =	ssub.s32 $0x8790, s12;
	s26 =	sadd.s32 $0x50, s14  }
0x1db: {  	[hbm4b:s26+s2] =	stream.linear.scatter [tilespmem:s25], [sflag:$0x1], $0x80, $0x38;
	[tilespmem:$0x13F00] =	vst v63  }
0x1dc: {  	s28 =	ssub.s32 $0x9188, s12;
	s29 =	sadd.s32 $0x60, s14  }
0x1dd: {  	[hbm4b:s29+s2] =	stream.linear.scatter [tilespmem:s28], [sflag:$0x1], $0x80, $0x38;
	[tilespmem:$0x13F00] =	vst v63  }
0x1de: {  	s30 =	rddreg [dreg:$0x1b];
	s31 =	ssub.s32 $0x9B80, s12;
	s14 =	sadd.s32 $0x70, s14  }
0x1df: {  	[hbm4b:s14+s2] =	stream.linear.scatter [tilespmem:s31], [sflag:$0x1], $0x80, $0x38;
	[tilespmem:$0x13F00] =	vst v63  }
0x1e0: {  	s16 =	ssub.s32 $0x5638, s12;
	s14 =	sadd.s32 s13, s30  }
0x1e1: {  	[hbm4b:s14+s2] =	stream.linear.scatter [tilespmem:s16], [sflag:$0x1], $0x80, $0x38;
	[tilespmem:$0x13F00] =	vst v63  }
0x1e2: {  	s17 =	ssub.s32 $0x6030, s12;
	s18 =	sadd.s32 $0x10, s14  }
0x1e3: {  	[hbm4b:s18+s2] =	stream.linear.scatter [tilespmem:s17], [sflag:$0x1], $0x80, $0x38;
	[tilespmem:$0x13F00] =	vst v63  }
0x1e4: {  	s19 =	ssub.s32 $0x6A28, s12;
	s20 =	sadd.s32 $0x20, s14  }
0x1e5: {  	[hbm4b:s20+s2] =	stream.linear.scatter [tilespmem:s19], [sflag:$0x1], $0x80, $0x38;
	[tilespmem:$0x13F00] =	vst v63  }
0x1e6: {  	s21 =	ssub.s32 $0x7420, s12;
	s22 =	sadd.s32 $0x30, s14  }
0x1e7: {  	[hbm4b:s22+s2] =	stream.linear.scatter [tilespmem:s21], [sflag:$0x1], $0x80, $0x38;
	[tilespmem:$0x13F00] =	vst v63  }
0x1e8: {  	s23 =	ssub.s32 $0x7E18, s12;
	s24 =	sadd.s32 $0x40, s14  }
0x1e9: {  	[hbm4b:s24+s2] =	stream.linear.scatter [tilespmem:s23], [sflag:$0x1], $0x80, $0x38;
	[tilespmem:$0x13F00] =	vst v63  }
0x1ea: {  	s25 =	ssub.s32 $0x8810, s12;
	s26 =	sadd.s32 $0x50, s14  }
0x1eb: {  	[hbm4b:s26+s2] =	stream.linear.scatter [tilespmem:s25], [sflag:$0x1], $0x80, $0x38;
	[tilespmem:$0x13F00] =	vst v63  }
0x1ec: {  	s28 =	ssub.s32 $0x9208, s12;
	s29 =	sadd.s32 $0x60, s14  }
0x1ed: {  	[hbm4b:s29+s2] =	stream.linear.scatter [tilespmem:s28], [sflag:$0x1], $0x80, $0x38;
	[tilespmem:$0x13F00] =	vst v63  }
0x1ee: {  	s30 =	rddreg [dreg:$0x1c];
	s31 =	ssub.s32 $0x9C00, s12;
	s14 =	sadd.s32 $0x70, s14  }
0x1ef: {  	[hbm4b:s14+s2] =	stream.linear.scatter [tilespmem:s31], [sflag:$0x1], $0x80, $0x38;
	[tilespmem:$0x13F00] =	vst v63  }
0x1f0: {  	s16 =	ssub.s32 $0x56B8, s12;
	s14 =	sadd.s32 s13, s30  }
0x1f1: {  	[hbm4b:s14+s2] =	stream.linear.scatter [tilespmem:s16], [sflag:$0x1], $0x80, $0x38;
	[tilespmem:$0x13F00] =	vst v63  }
0x1f2: {  	s17 =	ssub.s32 $0x60B0, s12;
	s18 =	sadd.s32 $0x10, s14  }
0x1f3: {  	[hbm4b:s18+s2] =	stream.linear.scatter [tilespmem:s17], [sflag:$0x1], $0x80, $0x38;
	[tilespmem:$0x13F00] =	vst v63  }
0x1f4: {  	s19 =	ssub.s32 $0x6AA8, s12;
	s20 =	sadd.s32 $0x20, s14  }
0x1f5: {  	[hbm4b:s20+s2] =	stream.linear.scatter [tilespmem:s19], [sflag:$0x1], $0x80, $0x38;
	[tilespmem:$0x13F00] =	vst v63  }
0x1f6: {  	s21 =	ssub.s32 $0x74A0, s12;
	s22 =	sadd.s32 $0x30, s14  }
0x1f7: {  	[hbm4b:s22+s2] =	stream.linear.scatter [tilespmem:s21], [sflag:$0x1], $0x80, $0x38;
	[tilespmem:$0x13F00] =	vst v63  }
0x1f8: {  	s23 =	ssub.s32 $0x7E98, s12;
	s24 =	sadd.s32 $0x40, s14  }
0x1f9: {  	[hbm4b:s24+s2] =	stream.linear.scatter [tilespmem:s23], [sflag:$0x1], $0x80, $0x38;
	[tilespmem:$0x13F00] =	vst v63  }
0x1fa: {  	s25 =	ssub.s32 $0x8890, s12;
	s26 =	sadd.s32 $0x50, s14  }
0x1fb: {  	[hbm4b:s26+s2] =	stream.linear.scatter [tilespmem:s25], [sflag:$0x1], $0x80, $0x38;
	[tilespmem:$0x13F00] =	vst v63  }
0x1fc: {  	s28 =	ssub.s32 $0x9288, s12;
	s29 =	sadd.s32 $0x60, s14  }
0x1fd: {  	[hbm4b:s29+s2] =	stream.linear.scatter [tilespmem:s28], [sflag:$0x1], $0x80, $0x38;
	[tilespmem:$0x13F00] =	vst v63  }
0x1fe: {  	s30 =	rddreg [dreg:$0x1d];
	s31 =	ssub.s32 $0x9C80, s12;
	s14 =	sadd.s32 $0x70, s14  }
0x1ff: {  	[hbm4b:s14+s2] =	stream.linear.scatter [tilespmem:s31], [sflag:$0x1], $0x80, $0x38;
	[tilespmem:$0x13F00] =	vst v63  }
0x200: {  	s16 =	ssub.s32 $0x5738, s12;
	s14 =	sadd.s32 s13, s30  }
0x201: {  	[hbm4b:s14+s2] =	stream.linear.scatter [tilespmem:s16], [sflag:$0x1], $0x80, $0x38;
	[tilespmem:$0x13F00] =	vst v63  }
0x202: {  	s17 =	ssub.s32 $0x6130, s12;
	s18 =	sadd.s32 $0x10, s14  }
0x203: {  	[hbm4b:s18+s2] =	stream.linear.scatter [tilespmem:s17], [sflag:$0x1], $0x80, $0x38;
	[tilespmem:$0x13F00] =	vst v63  }
0x204: {  	s19 =	ssub.s32 $0x6B28, s12;
	s20 =	sadd.s32 $0x20, s14  }
0x205: {  	[hbm4b:s20+s2] =	stream.linear.scatter [tilespmem:s19], [sflag:$0x1], $0x80, $0x38;
	[tilespmem:$0x13F00] =	vst v63  }
0x206: {  	s21 =	ssub.s32 $0x7520, s12;
	s22 =	sadd.s32 $0x30, s14  }
0x207: {  	[hbm4b:s22+s2] =	stream.linear.scatter [tilespmem:s21], [sflag:$0x1], $0x80, $0x38;
	[tilespmem:$0x13F00] =	vst v63  }
0x208: {  	s23 =	ssub.s32 $0x7F18, s12;
	s24 =	sadd.s32 $0x40, s14  }
0x209: {  	[hbm4b:s24+s2] =	stream.linear.scatter [tilespmem:s23], [sflag:$0x1], $0x80, $0x38;
	[tilespmem:$0x13F00] =	vst v63  }
0x20a: {  	s25 =	ssub.s32 $0x8910, s12;
	s26 =	sadd.s32 $0x50, s14  }
0x20b: {  	[hbm4b:s26+s2] =	stream.linear.scatter [tilespmem:s25], [sflag:$0x1], $0x80, $0x38;
	[tilespmem:$0x13F00] =	vst v63  }
0x20c: {  	s28 =	ssub.s32 $0x9308, s12;
	s29 =	sadd.s32 $0x60, s14  }
0x20d: {  	[hbm4b:s29+s2] =	stream.linear.scatter [tilespmem:s28], [sflag:$0x1], $0x80, $0x38;
	[tilespmem:$0x13F00] =	vst v63  }
0x20e: {  	s30 =	rddreg [dreg:$0x1e];
	s31 =	ssub.s32 $0x9D00, s12;
	s14 =	sadd.s32 $0x70, s14  }
0x20f: {  	[hbm4b:s14+s2] =	stream.linear.scatter [tilespmem:s31], [sflag:$0x1], $0x80, $0x38;
	[tilespmem:$0x13F00] =	vst v63  }
0x210: {  	s16 =	ssub.s32 $0x57B8, s12;
	s14 =	sadd.s32 s13, s30  }
0x211: {  	[hbm4b:s14+s2] =	stream.linear.scatter [tilespmem:s16], [sflag:$0x1], $0x80, $0x38;
	[tilespmem:$0x13F00] =	vst v63  }
0x212: {  	s17 =	ssub.s32 $0x61B0, s12;
	s18 =	sadd.s32 $0x10, s14  }
0x213: {  	[hbm4b:s18+s2] =	stream.linear.scatter [tilespmem:s17], [sflag:$0x1], $0x80, $0x38;
	[tilespmem:$0x13F00] =	vst v63  }
0x214: {  	s19 =	ssub.s32 $0x6BA8, s12;
	s20 =	sadd.s32 $0x20, s14  }
0x215: {  	[hbm4b:s20+s2] =	stream.linear.scatter [tilespmem:s19], [sflag:$0x1], $0x80, $0x38;
	[tilespmem:$0x13F00] =	vst v63  }
0x216: {  	s21 =	ssub.s32 $0x75A0, s12;
	s22 =	sadd.s32 $0x30, s14  }
0x217: {  	[hbm4b:s22+s2] =	stream.linear.scatter [tilespmem:s21], [sflag:$0x1], $0x80, $0x38;
	[tilespmem:$0x13F00] =	vst v63  }
0x218: {  	s23 =	ssub.s32 $0x7F98, s12;
	s24 =	sadd.s32 $0x40, s14  }
0x219: {  	[hbm4b:s24+s2] =	stream.linear.scatter [tilespmem:s23], [sflag:$0x1], $0x80, $0x38;
	[tilespmem:$0x13F00] =	vst v63  }
0x21a: {  	s25 =	ssub.s32 $0x8990, s12;
	s26 =	sadd.s32 $0x50, s14  }
0x21b: {  	[hbm4b:s26+s2] =	stream.linear.scatter [tilespmem:s25], [sflag:$0x1], $0x80, $0x38;
	[tilespmem:$0x13F00] =	vst v63  }
0x21c: {  	s28 =	ssub.s32 $0x9388, s12;
	s29 =	sadd.s32 $0x60, s14  }
0x21d: {  	[hbm4b:s29+s2] =	stream.linear.scatter [tilespmem:s28], [sflag:$0x1], $0x80, $0x38;
	[tilespmem:$0x13F00] =	vst v63  }
0x21e: {  	s30 =	rddreg [dreg:$0x1f];
	s31 =	ssub.s32 $0x9D80, s12;
	s14 =	sadd.s32 $0x70, s14  }
0x21f: {  	[hbm4b:s14+s2] =	stream.linear.scatter [tilespmem:s31], [sflag:$0x1], $0x80, $0x38;
	[tilespmem:$0x13F00] =	vst v63  }
0x220: {  	s16 =	ssub.s32 $0x5838, s12;
	s14 =	sadd.s32 s13, s30  }
0x221: {  	[hbm4b:s14+s2] =	stream.linear.scatter [tilespmem:s16], [sflag:$0x1], $0x80, $0x38;
	[tilespmem:$0x13F00] =	vst v63  }
0x222: {  	s17 =	ssub.s32 $0x6230, s12;
	s18 =	sadd.s32 $0x10, s14  }
0x223: {  	[hbm4b:s18+s2] =	stream.linear.scatter [tilespmem:s17], [sflag:$0x1], $0x80, $0x38;
	[tilespmem:$0x13F00] =	vst v63  }
0x224: {  	s19 =	ssub.s32 $0x6C28, s12;
	s20 =	sadd.s32 $0x20, s14  }
0x225: {  	[hbm4b:s20+s2] =	stream.linear.scatter [tilespmem:s19], [sflag:$0x1], $0x80, $0x38;
	[tilespmem:$0x13F00] =	vst v63  }
0x226: {  	s21 =	ssub.s32 $0x7620, s12;
	s22 =	sadd.s32 $0x30, s14  }
0x227: {  	[hbm4b:s22+s2] =	stream.linear.scatter [tilespmem:s21], [sflag:$0x1], $0x80, $0x38;
	[tilespmem:$0x13F00] =	vst v63  }
0x228: {  	s23 =	ssub.s32 $0x8018, s12;
	s24 =	sadd.s32 $0x40, s14  }
0x229: {  	[hbm4b:s24+s2] =	stream.linear.scatter [tilespmem:s23], [sflag:$0x1], $0x80, $0x38;
	[tilespmem:$0x13F00] =	vst v63  }
0x22a: {  	s25 =	ssub.s32 $0x8A10, s12;
	s26 =	sadd.s32 $0x50, s14  }
0x22b: {  	[hbm4b:s26+s2] =	stream.linear.scatter [tilespmem:s25], [sflag:$0x1], $0x80, $0x38;
	[tilespmem:$0x13F00] =	vst v63  }
0x22c: {  	s28 =	ssub.s32 $0x9408, s12;
	s30 =	sld [smem:$0x7DB];
	s29 =	sadd.s32 $0x60, s14  }
0x22d: {  	[hbm4b:s29+s2] =	stream.linear.scatter [tilespmem:s28], [sflag:$0x1], $0x80, $0x38;
	[tilespmem:$0x13F00] =	vst v63  }
0x22e: {  	s31 =	ssub.s32 $0x9E00, s12;
	s14 =	sadd.s32 $0x70, s14  }
0x22f: {  	[hbm4b:s14+s2] =	stream.linear.scatter [tilespmem:s31], [sflag:$0x1], $0x80, $0x38;
	[tilespmem:$0x13F00] =	vst v63  }
0x230: {  	s16 =	ssub.s32 $0x58B8, s12;
	s14 =	sadd.s32 s13, s30  }
0x231: {  	[hbm4b:s14+s2] =	stream.linear.scatter [tilespmem:s16], [sflag:$0x1], $0x80, $0x38;
	[tilespmem:$0x13F00] =	vst v63  }
0x232: {  	s17 =	ssub.s32 $0x62B0, s12;
	s18 =	sadd.s32 $0x10, s14  }
0x233: {  	[hbm4b:s18+s2] =	stream.linear.scatter [tilespmem:s17], [sflag:$0x1], $0x80, $0x38;
	[tilespmem:$0x13F00] =	vst v63  }
0x234: {  	s19 =	ssub.s32 $0x6CA8, s12;
	s20 =	sadd.s32 $0x20, s14  }
0x235: {  	[hbm4b:s20+s2] =	stream.linear.scatter [tilespmem:s19], [sflag:$0x1], $0x80, $0x38;
	[tilespmem:$0x13F00] =	vst v63  }
0x236: {  	s21 =	ssub.s32 $0x76A0, s12;
	s22 =	sadd.s32 $0x30, s14  }
0x237: {  	[hbm4b:s22+s2] =	stream.linear.scatter [tilespmem:s21], [sflag:$0x1], $0x80, $0x38;
	[tilespmem:$0x13F00] =	vst v63  }
0x238: {  	s23 =	ssub.s32 $0x8098, s12;
	s24 =	sadd.s32 $0x40, s14  }
0x239: {  	[hbm4b:s24+s2] =	stream.linear.scatter [tilespmem:s23], [sflag:$0x1], $0x80, $0x38;
	[tilespmem:$0x13F00] =	vst v63  }
0x23a: {  	s25 =	ssub.s32 $0x8A90, s12;
	s26 =	sadd.s32 $0x50, s14  }
0x23b: {  	[hbm4b:s26+s2] =	stream.linear.scatter [tilespmem:s25], [sflag:$0x1], $0x80, $0x38;
	[tilespmem:$0x13F00] =	vst v63  }
0x23c: {  	s28 =	ssub.s32 $0x9488, s12;
	s30 =	sld [smem:$0x7DC];
	s29 =	sadd.s32 $0x60, s14  }
0x23d: {  	[hbm4b:s29+s2] =	stream.linear.scatter [tilespmem:s28], [sflag:$0x1], $0x80, $0x38;
	[tilespmem:$0x13F00] =	vst v63  }
0x23e: {  	s31 =	ssub.s32 $0x9E80, s12;
	s14 =	sadd.s32 $0x70, s14  }
0x23f: {  	[hbm4b:s14+s2] =	stream.linear.scatter [tilespmem:s31], [sflag:$0x1], $0x80, $0x38;
	[tilespmem:$0x13F00] =	vst v63  }
0x240: {  	s16 =	ssub.s32 $0x5938, s12;
	s14 =	sadd.s32 s13, s30  }
0x241: {  	[hbm4b:s14+s2] =	stream.linear.scatter [tilespmem:s16], [sflag:$0x1], $0x80, $0x38;
	[tilespmem:$0x13F00] =	vst v63  }
0x242: {  	s17 =	ssub.s32 $0x6330, s12;
	s18 =	sadd.s32 $0x10, s14  }
0x243: {  	[hbm4b:s18+s2] =	stream.linear.scatter [tilespmem:s17], [sflag:$0x1], $0x80, $0x38;
	[tilespmem:$0x13F00] =	vst v63  }
0x244: {  	s19 =	ssub.s32 $0x6D28, s12;
	s20 =	sadd.s32 $0x20, s14  }
0x245: {  	[hbm4b:s20+s2] =	stream.linear.scatter [tilespmem:s19], [sflag:$0x1], $0x80, $0x38;
	[tilespmem:$0x13F00] =	vst v63  }
0x246: {  	s21 =	ssub.s32 $0x7720, s12;
	s22 =	sadd.s32 $0x30, s14  }
0x247: {  	[hbm4b:s22+s2] =	stream.linear.scatter [tilespmem:s21], [sflag:$0x1], $0x80, $0x38;
	[tilespmem:$0x13F00] =	vst v63  }
0x248: {  	s23 =	ssub.s32 $0x8118, s12;
	s24 =	sadd.s32 $0x40, s14  }
0x249: {  	[hbm4b:s24+s2] =	stream.linear.scatter [tilespmem:s23], [sflag:$0x1], $0x80, $0x38;
	[tilespmem:$0x13F00] =	vst v63  }
0x24a: {  	s25 =	ssub.s32 $0x8B10, s12;
	s26 =	sadd.s32 $0x50, s14  }
0x24b: {  	[hbm4b:s26+s2] =	stream.linear.scatter [tilespmem:s25], [sflag:$0x1], $0x80, $0x38;
	[tilespmem:$0x13F00] =	vst v63  }
0x24c: {  	s28 =	ssub.s32 $0x9508, s12;
	s30 =	sld [smem:$0x7DD];
	s29 =	sadd.s32 $0x60, s14  }
0x24d: {  	[hbm4b:s29+s2] =	stream.linear.scatter [tilespmem:s28], [sflag:$0x1], $0x80, $0x38;
	[tilespmem:$0x13F00] =	vst v63  }
0x24e: {  	s31 =	ssub.s32 $0x9F00, s12;
	s14 =	sadd.s32 $0x70, s14  }
0x24f: {  	[hbm4b:s14+s2] =	stream.linear.scatter [tilespmem:s31], [sflag:$0x1], $0x80, $0x38;
	[tilespmem:$0x13F00] =	vst v63  }
0x250: {  	s16 =	ssub.s32 $0xA178, s12;
	s14 =	sadd.s32 s13, s30  }
0x251: {  	[hbm4b:s14+s2] =	stream.linear.scatter [tilespmem:s16], [sflag:$0x1], $0x80, $0x38;
	[tilespmem:$0x13F00] =	vst v63  }
0x252: {  	s17 =	ssub.s32 $0xAB70, s12;
	s18 =	sadd.s32 $0x10, s14  }
0x253: {  	[hbm4b:s18+s2] =	stream.linear.scatter [tilespmem:s17], [sflag:$0x1], $0x80, $0x38;
	[tilespmem:$0x13F00] =	vst v63  }
0x254: {  	s19 =	ssub.s32 $0xB568, s12;
	s20 =	sadd.s32 $0x20, s14  }
0x255: {  	[hbm4b:s20+s2] =	stream.linear.scatter [tilespmem:s19], [sflag:$0x1], $0x80, $0x38;
	[tilespmem:$0x13F00] =	vst v63  }
0x256: {  	s21 =	ssub.s32 $0xBF60, s12;
	s22 =	sadd.s32 $0x30, s14  }
0x257: {  	[hbm4b:s22+s2] =	stream.linear.scatter [tilespmem:s21], [sflag:$0x1], $0x80, $0x38;
	[tilespmem:$0x13F00] =	vst v63  }
0x258: {  	s23 =	ssub.s32 $0xC958, s12;
	s24 =	sadd.s32 $0x40, s14  }
0x259: {  	[hbm4b:s24+s2] =	stream.linear.scatter [tilespmem:s23], [sflag:$0x1], $0x80, $0x38;
	[tilespmem:$0x13F00] =	vst v63  }
0x25a: {  	s25 =	ssub.s32 $0xD350, s12;
	s26 =	sadd.s32 $0x50, s14  }
0x25b: {  	[hbm4b:s26+s2] =	stream.linear.scatter [tilespmem:s25], [sflag:$0x1], $0x80, $0x38;
	[tilespmem:$0x13F00] =	vst v63  }
0x25c: {  	s28 =	ssub.s32 $0xDD48, s12;
	s30 =	sld [smem:$0x7DE];
	s29 =	sadd.s32 $0x60, s14  }
0x25d: {  	[hbm4b:s29+s2] =	stream.linear.scatter [tilespmem:s28], [sflag:$0x1], $0x80, $0x38;
	[tilespmem:$0x13F00] =	vst v63  }
0x25e: {  	s31 =	ssub.s32 $0xE740, s12;
	s14 =	sadd.s32 $0x70, s14  }
0x25f: {  	[hbm4b:s14+s2] =	stream.linear.scatter [tilespmem:s31], [sflag:$0x1], $0x80, $0x38;
	[tilespmem:$0x13F00] =	vst v63  }
0x260: {  	s16 =	ssub.s32 $0xA1F8, s12;
	s14 =	sadd.s32 s13, s30  }
0x261: {  	[hbm4b:s14+s2] =	stream.linear.scatter [tilespmem:s16], [sflag:$0x1], $0x80, $0x38;
	[tilespmem:$0x13F00] =	vst v63  }
0x262: {  	s17 =	ssub.s32 $0xABF0, s12;
	s18 =	sadd.s32 $0x10, s14  }
0x263: {  	[hbm4b:s18+s2] =	stream.linear.scatter [tilespmem:s17], [sflag:$0x1], $0x80, $0x38;
	[tilespmem:$0x13F00] =	vst v63  }
0x264: {  	s19 =	ssub.s32 $0xB5E8, s12;
	s20 =	sadd.s32 $0x20, s14  }
0x265: {  	[hbm4b:s20+s2] =	stream.linear.scatter [tilespmem:s19], [sflag:$0x1], $0x80, $0x38;
	[tilespmem:$0x13F00] =	vst v63  }
0x266: {  	s21 =	ssub.s32 $0xBFE0, s12;
	s22 =	sadd.s32 $0x30, s14  }
0x267: {  	[hbm4b:s22+s2] =	stream.linear.scatter [tilespmem:s21], [sflag:$0x1], $0x80, $0x38;
	[tilespmem:$0x13F00] =	vst v63  }
0x268: {  	s23 =	ssub.s32 $0xC9D8, s12;
	s24 =	sadd.s32 $0x40, s14  }
0x269: {  	[hbm4b:s24+s2] =	stream.linear.scatter [tilespmem:s23], [sflag:$0x1], $0x80, $0x38;
	[tilespmem:$0x13F00] =	vst v63  }
0x26a: {  	s25 =	ssub.s32 $0xD3D0, s12;
	s26 =	sadd.s32 $0x50, s14  }
0x26b: {  	[hbm4b:s26+s2] =	stream.linear.scatter [tilespmem:s25], [sflag:$0x1], $0x80, $0x38;
	[tilespmem:$0x13F00] =	vst v63  }
0x26c: {  	s28 =	ssub.s32 $0xDDC8, s12;
	s30 =	sld [smem:$0x7DF];
	s29 =	sadd.s32 $0x60, s14  }
0x26d: {  	[hbm4b:s29+s2] =	stream.linear.scatter [tilespmem:s28], [sflag:$0x1], $0x80, $0x38;
	[tilespmem:$0x13F00] =	vst v63  }
0x26e: {  	s31 =	ssub.s32 $0xE7C0, s12;
	s14 =	sadd.s32 $0x70, s14  }
0x26f: {  	[hbm4b:s14+s2] =	stream.linear.scatter [tilespmem:s31], [sflag:$0x1], $0x80, $0x38;
	[tilespmem:$0x13F00] =	vst v63  }
0x270: {  	s16 =	ssub.s32 $0xA278, s12;
	s14 =	sadd.s32 s13, s30  }
0x271: {  	[hbm4b:s14+s2] =	stream.linear.scatter [tilespmem:s16], [sflag:$0x1], $0x80, $0x38;
	[tilespmem:$0x13F00] =	vst v63  }
0x272: {  	s17 =	ssub.s32 $0xAC70, s12;
	s18 =	sadd.s32 $0x10, s14  }
0x273: {  	[hbm4b:s18+s2] =	stream.linear.scatter [tilespmem:s17], [sflag:$0x1], $0x80, $0x38;
	[tilespmem:$0x13F00] =	vst v63  }
0x274: {  	s19 =	ssub.s32 $0xB668, s12;
	s20 =	sadd.s32 $0x20, s14  }
0x275: {  	[hbm4b:s20+s2] =	stream.linear.scatter [tilespmem:s19], [sflag:$0x1], $0x80, $0x38;
	[tilespmem:$0x13F00] =	vst v63  }
0x276: {  	s21 =	ssub.s32 $0xC060, s12;
	s22 =	sadd.s32 $0x30, s14  }
0x277: {  	[hbm4b:s22+s2] =	stream.linear.scatter [tilespmem:s21], [sflag:$0x1], $0x80, $0x38;
	[tilespmem:$0x13F00] =	vst v63  }
0x278: {  	s23 =	ssub.s32 $0xCA58, s12;
	s24 =	sadd.s32 $0x40, s14  }
0x279: {  	[hbm4b:s24+s2] =	stream.linear.scatter [tilespmem:s23], [sflag:$0x1], $0x80, $0x38;
	[tilespmem:$0x13F00] =	vst v63  }
0x27a: {  	s25 =	ssub.s32 $0xD450, s12;
	s26 =	sadd.s32 $0x50, s14  }
0x27b: {  	[hbm4b:s26+s2] =	stream.linear.scatter [tilespmem:s25], [sflag:$0x1], $0x80, $0x38;
	[tilespmem:$0x13F00] =	vst v63  }
0x27c: {  	s28 =	ssub.s32 $0xDE48, s12;
	s30 =	sld [smem:$0x7E0];
	s29 =	sadd.s32 $0x60, s14  }
0x27d: {  	[hbm4b:s29+s2] =	stream.linear.scatter [tilespmem:s28], [sflag:$0x1], $0x80, $0x38;
	[tilespmem:$0x13F00] =	vst v63  }
0x27e: {  	s31 =	ssub.s32 $0xE840, s12;
	s14 =	sadd.s32 $0x70, s14  }
0x27f: {  	[hbm4b:s14+s2] =	stream.linear.scatter [tilespmem:s31], [sflag:$0x1], $0x80, $0x38;
	[tilespmem:$0x13F00] =	vst v63  }
0x280: {  	s16 =	ssub.s32 $0xA2F8, s12;
	s14 =	sadd.s32 s13, s30  }
0x281: {  	[hbm4b:s14+s2] =	stream.linear.scatter [tilespmem:s16], [sflag:$0x1], $0x80, $0x38;
	[tilespmem:$0x13F00] =	vst v63  }
0x282: {  	s17 =	ssub.s32 $0xACF0, s12;
	s18 =	sadd.s32 $0x10, s14  }
0x283: {  	[hbm4b:s18+s2] =	stream.linear.scatter [tilespmem:s17], [sflag:$0x1], $0x80, $0x38;
	[tilespmem:$0x13F00] =	vst v63  }
0x284: {  	s19 =	ssub.s32 $0xB6E8, s12;
	s20 =	sadd.s32 $0x20, s14  }
0x285: {  	[hbm4b:s20+s2] =	stream.linear.scatter [tilespmem:s19], [sflag:$0x1], $0x80, $0x38;
	[tilespmem:$0x13F00] =	vst v63  }
0x286: {  	s21 =	ssub.s32 $0xC0E0, s12;
	s22 =	sadd.s32 $0x30, s14  }
0x287: {  	[hbm4b:s22+s2] =	stream.linear.scatter [tilespmem:s21], [sflag:$0x1], $0x80, $0x38;
	[tilespmem:$0x13F00] =	vst v63  }
0x288: {  	s23 =	ssub.s32 $0xCAD8, s12;
	s24 =	sadd.s32 $0x40, s14  }
0x289: {  	[hbm4b:s24+s2] =	stream.linear.scatter [tilespmem:s23], [sflag:$0x1], $0x80, $0x38;
	[tilespmem:$0x13F00] =	vst v63  }
0x28a: {  	s25 =	ssub.s32 $0xD4D0, s12;
	s26 =	sadd.s32 $0x50, s14  }
0x28b: {  	[hbm4b:s26+s2] =	stream.linear.scatter [tilespmem:s25], [sflag:$0x1], $0x80, $0x38;
	[tilespmem:$0x13F00] =	vst v63  }
0x28c: {  	s28 =	ssub.s32 $0xDEC8, s12;
	s30 =	sld [smem:$0x7E1];
	s29 =	sadd.s32 $0x60, s14  }
0x28d: {  	[hbm4b:s29+s2] =	stream.linear.scatter [tilespmem:s28], [sflag:$0x1], $0x80, $0x38;
	[tilespmem:$0x13F00] =	vst v63  }
0x28e: {  	s31 =	ssub.s32 $0xE8C0, s12;
	s14 =	sadd.s32 $0x70, s14  }
0x28f: {  	[hbm4b:s14+s2] =	stream.linear.scatter [tilespmem:s31], [sflag:$0x1], $0x80, $0x38;
	[tilespmem:$0x13F00] =	vst v63  }
0x290: {  	s16 =	ssub.s32 $0xA378, s12;
	s14 =	sadd.s32 s13, s30  }
0x291: {  	[hbm4b:s14+s2] =	stream.linear.scatter [tilespmem:s16], [sflag:$0x1], $0x80, $0x38;
	[tilespmem:$0x13F00] =	vst v63  }
0x292: {  	s17 =	ssub.s32 $0xAD70, s12;
	s18 =	sadd.s32 $0x10, s14  }
0x293: {  	[hbm4b:s18+s2] =	stream.linear.scatter [tilespmem:s17], [sflag:$0x1], $0x80, $0x38;
	[tilespmem:$0x13F00] =	vst v63  }
0x294: {  	s19 =	ssub.s32 $0xB768, s12;
	s20 =	sadd.s32 $0x20, s14  }
0x295: {  	[hbm4b:s20+s2] =	stream.linear.scatter [tilespmem:s19], [sflag:$0x1], $0x80, $0x38;
	[tilespmem:$0x13F00] =	vst v63  }
0x296: {  	s21 =	ssub.s32 $0xC160, s12;
	s22 =	sadd.s32 $0x30, s14  }
0x297: {  	[hbm4b:s22+s2] =	stream.linear.scatter [tilespmem:s21], [sflag:$0x1], $0x80, $0x38;
	[tilespmem:$0x13F00] =	vst v63  }
0x298: {  	s23 =	ssub.s32 $0xCB58, s12;
	s24 =	sadd.s32 $0x40, s14  }
0x299: {  	[hbm4b:s24+s2] =	stream.linear.scatter [tilespmem:s23], [sflag:$0x1], $0x80, $0x38;
	[tilespmem:$0x13F00] =	vst v63  }
0x29a: {  	s25 =	ssub.s32 $0xD550, s12;
	s26 =	sadd.s32 $0x50, s14  }
0x29b: {  	[hbm4b:s26+s2] =	stream.linear.scatter [tilespmem:s25], [sflag:$0x1], $0x80, $0x38;
	[tilespmem:$0x13F00] =	vst v63  }
0x29c: {  	s28 =	ssub.s32 $0xDF48, s12;
	s30 =	sld [smem:$0x7E2];
	s29 =	sadd.s32 $0x60, s14  }
0x29d: {  	[hbm4b:s29+s2] =	stream.linear.scatter [tilespmem:s28], [sflag:$0x1], $0x80, $0x38;
	[tilespmem:$0x13F00] =	vst v63  }
0x29e: {  	s31 =	ssub.s32 $0xE940, s12;
	s14 =	sadd.s32 $0x70, s14  }
0x29f: {  	[hbm4b:s14+s2] =	stream.linear.scatter [tilespmem:s31], [sflag:$0x1], $0x80, $0x38;
	[tilespmem:$0x13F00] =	vst v63  }
0x2a0: {  	s16 =	ssub.s32 $0xA3F8, s12;
	s14 =	sadd.s32 s13, s30  }
0x2a1: {  	[hbm4b:s14+s2] =	stream.linear.scatter [tilespmem:s16], [sflag:$0x1], $0x80, $0x38;
	[tilespmem:$0x13F00] =	vst v63  }
0x2a2: {  	s17 =	ssub.s32 $0xADF0, s12;
	s18 =	sadd.s32 $0x10, s14  }
0x2a3: {  	[hbm4b:s18+s2] =	stream.linear.scatter [tilespmem:s17], [sflag:$0x1], $0x80, $0x38;
	[tilespmem:$0x13F00] =	vst v63  }
0x2a4: {  	s19 =	ssub.s32 $0xB7E8, s12;
	s20 =	sadd.s32 $0x20, s14  }
0x2a5: {  	[hbm4b:s20+s2] =	stream.linear.scatter [tilespmem:s19], [sflag:$0x1], $0x80, $0x38;
	[tilespmem:$0x13F00] =	vst v63  }
0x2a6: {  	s21 =	ssub.s32 $0xC1E0, s12;
	s22 =	sadd.s32 $0x30, s14  }
0x2a7: {  	[hbm4b:s22+s2] =	stream.linear.scatter [tilespmem:s21], [sflag:$0x1], $0x80, $0x38;
	[tilespmem:$0x13F00] =	vst v63  }
0x2a8: {  	s23 =	ssub.s32 $0xCBD8, s12;
	s24 =	sadd.s32 $0x40, s14  }
0x2a9: {  	[hbm4b:s24+s2] =	stream.linear.scatter [tilespmem:s23], [sflag:$0x1], $0x80, $0x38;
	[tilespmem:$0x13F00] =	vst v63  }
0x2aa: {  	s25 =	ssub.s32 $0xD5D0, s12;
	s26 =	sadd.s32 $0x50, s14  }
0x2ab: {  	[hbm4b:s26+s2] =	stream.linear.scatter [tilespmem:s25], [sflag:$0x1], $0x80, $0x38;
	[tilespmem:$0x13F00] =	vst v63  }
0x2ac: {  	s28 =	ssub.s32 $0xDFC8, s12;
	s30 =	sld [smem:$0x7E3];
	s29 =	sadd.s32 $0x60, s14  }
0x2ad: {  	[hbm4b:s29+s2] =	stream.linear.scatter [tilespmem:s28], [sflag:$0x1], $0x80, $0x38;
	[tilespmem:$0x13F00] =	vst v63  }
0x2ae: {  	s31 =	ssub.s32 $0xE9C0, s12;
	s14 =	sadd.s32 $0x70, s14  }
0x2af: {  	[hbm4b:s14+s2] =	stream.linear.scatter [tilespmem:s31], [sflag:$0x1], $0x80, $0x38;
	[tilespmem:$0x13F00] =	vst v63  }
0x2b0: {  	s16 =	ssub.s32 $0xA478, s12;
	s14 =	sadd.s32 s13, s30  }
0x2b1: {  	[hbm4b:s14+s2] =	stream.linear.scatter [tilespmem:s16], [sflag:$0x1], $0x80, $0x38;
	[tilespmem:$0x13F00] =	vst v63  }
0x2b2: {  	s17 =	ssub.s32 $0xAE70, s12;
	s18 =	sadd.s32 $0x10, s14  }
0x2b3: {  	[hbm4b:s18+s2] =	stream.linear.scatter [tilespmem:s17], [sflag:$0x1], $0x80, $0x38;
	[tilespmem:$0x13F00] =	vst v63  }
0x2b4: {  	s19 =	ssub.s32 $0xB868, s12;
	s20 =	sadd.s32 $0x20, s14  }
0x2b5: {  	[hbm4b:s20+s2] =	stream.linear.scatter [tilespmem:s19], [sflag:$0x1], $0x80, $0x38;
	[tilespmem:$0x13F00] =	vst v63  }
0x2b6: {  	s21 =	ssub.s32 $0xC260, s12;
	s22 =	sadd.s32 $0x30, s14  }
0x2b7: {  	[hbm4b:s22+s2] =	stream.linear.scatter [tilespmem:s21], [sflag:$0x1], $0x80, $0x38;
	[tilespmem:$0x13F00] =	vst v63  }
0x2b8: {  	s23 =	ssub.s32 $0xCC58, s12;
	s24 =	sadd.s32 $0x40, s14  }
0x2b9: {  	[hbm4b:s24+s2] =	stream.linear.scatter [tilespmem:s23], [sflag:$0x1], $0x80, $0x38;
	[tilespmem:$0x13F00] =	vst v63  }
0x2ba: {  	s25 =	ssub.s32 $0xD650, s12;
	s26 =	sadd.s32 $0x50, s14  }
0x2bb: {  	[hbm4b:s26+s2] =	stream.linear.scatter [tilespmem:s25], [sflag:$0x1], $0x80, $0x38;
	[tilespmem:$0x13F00] =	vst v63  }
0x2bc: {  	s28 =	ssub.s32 $0xE048, s12;
	s30 =	sld [smem:$0x7E4];
	s29 =	sadd.s32 $0x60, s14  }
0x2bd: {  	[hbm4b:s29+s2] =	stream.linear.scatter [tilespmem:s28], [sflag:$0x1], $0x80, $0x38;
	[tilespmem:$0x13F00] =	vst v63  }
0x2be: {  	s31 =	ssub.s32 $0xEA40, s12;
	s14 =	sadd.s32 $0x70, s14  }
0x2bf: {  	[hbm4b:s14+s2] =	stream.linear.scatter [tilespmem:s31], [sflag:$0x1], $0x80, $0x38;
	[tilespmem:$0x13F00] =	vst v63  }
0x2c0: {  	s16 =	ssub.s32 $0xA4F8, s12;
	s14 =	sadd.s32 s13, s30  }
0x2c1: {  	[hbm4b:s14+s2] =	stream.linear.scatter [tilespmem:s16], [sflag:$0x1], $0x80, $0x38;
	[tilespmem:$0x13F00] =	vst v63  }
0x2c2: {  	s17 =	ssub.s32 $0xAEF0, s12;
	s18 =	sadd.s32 $0x10, s14  }
0x2c3: {  	[hbm4b:s18+s2] =	stream.linear.scatter [tilespmem:s17], [sflag:$0x1], $0x80, $0x38;
	[tilespmem:$0x13F00] =	vst v63  }
0x2c4: {  	s19 =	ssub.s32 $0xB8E8, s12;
	s20 =	sadd.s32 $0x20, s14  }
0x2c5: {  	[hbm4b:s20+s2] =	stream.linear.scatter [tilespmem:s19], [sflag:$0x1], $0x80, $0x38;
	[tilespmem:$0x13F00] =	vst v63  }
0x2c6: {  	s21 =	ssub.s32 $0xC2E0, s12;
	s22 =	sadd.s32 $0x30, s14  }
0x2c7: {  	[hbm4b:s22+s2] =	stream.linear.scatter [tilespmem:s21], [sflag:$0x1], $0x80, $0x38;
	[tilespmem:$0x13F00] =	vst v63  }
0x2c8: {  	s23 =	ssub.s32 $0xCCD8, s12;
	s24 =	sadd.s32 $0x40, s14  }
0x2c9: {  	[hbm4b:s24+s2] =	stream.linear.scatter [tilespmem:s23], [sflag:$0x1], $0x80, $0x38;
	[tilespmem:$0x13F00] =	vst v63  }
0x2ca: {  	s25 =	ssub.s32 $0xD6D0, s12;
	s26 =	sadd.s32 $0x50, s14  }
0x2cb: {  	[hbm4b:s26+s2] =	stream.linear.scatter [tilespmem:s25], [sflag:$0x1], $0x80, $0x38;
	[tilespmem:$0x13F00] =	vst v63  }
0x2cc: {  	s28 =	ssub.s32 $0xE0C8, s12;
	s30 =	sld [smem:$0x7E5];
	s29 =	sadd.s32 $0x60, s14  }
0x2cd: {  	[hbm4b:s29+s2] =	stream.linear.scatter [tilespmem:s28], [sflag:$0x1], $0x80, $0x38;
	[tilespmem:$0x13F00] =	vst v63  }
0x2ce: {  	s31 =	ssub.s32 $0xEAC0, s12;
	s14 =	sadd.s32 $0x70, s14  }
0x2cf: {  	[hbm4b:s14+s2] =	stream.linear.scatter [tilespmem:s31], [sflag:$0x1], $0x80, $0x38;
	[tilespmem:$0x13F00] =	vst v63  }
0x2d0: {  	s16 =	ssub.s32 $0xA578, s12;
	s14 =	sadd.s32 s13, s30  }
0x2d1: {  	[hbm4b:s14+s2] =	stream.linear.scatter [tilespmem:s16], [sflag:$0x1], $0x80, $0x38;
	[tilespmem:$0x13F00] =	vst v63  }
0x2d2: {  	s17 =	ssub.s32 $0xAF70, s12;
	s18 =	sadd.s32 $0x10, s14  }
0x2d3: {  	[hbm4b:s18+s2] =	stream.linear.scatter [tilespmem:s17], [sflag:$0x1], $0x80, $0x38;
	[tilespmem:$0x13F00] =	vst v63  }
0x2d4: {  	s19 =	ssub.s32 $0xB968, s12;
	s20 =	sadd.s32 $0x20, s14  }
0x2d5: {  	[hbm4b:s20+s2] =	stream.linear.scatter [tilespmem:s19], [sflag:$0x1], $0x80, $0x38;
	[tilespmem:$0x13F00] =	vst v63  }
0x2d6: {  	s21 =	ssub.s32 $0xC360, s12;
	s22 =	sadd.s32 $0x30, s14  }
0x2d7: {  	[hbm4b:s22+s2] =	stream.linear.scatter [tilespmem:s21], [sflag:$0x1], $0x80, $0x38;
	[tilespmem:$0x13F00] =	vst v63  }
0x2d8: {  	s23 =	ssub.s32 $0xCD58, s12;
	s24 =	sadd.s32 $0x40, s14  }
0x2d9: {  	[hbm4b:s24+s2] =	stream.linear.scatter [tilespmem:s23], [sflag:$0x1], $0x80, $0x38;
	[tilespmem:$0x13F00] =	vst v63  }
0x2da: {  	s25 =	ssub.s32 $0xD750, s12;
	s26 =	sadd.s32 $0x50, s14  }
0x2db: {  	[hbm4b:s26+s2] =	stream.linear.scatter [tilespmem:s25], [sflag:$0x1], $0x80, $0x38;
	[tilespmem:$0x13F00] =	vst v63  }
0x2dc: {  	s28 =	ssub.s32 $0xE148, s12;
	s30 =	sld [smem:$0x7E6];
	s29 =	sadd.s32 $0x60, s14  }
0x2dd: {  	[hbm4b:s29+s2] =	stream.linear.scatter [tilespmem:s28], [sflag:$0x1], $0x80, $0x38;
	[tilespmem:$0x13F00] =	vst v63  }
0x2de: {  	s31 =	ssub.s32 $0xEB40, s12;
	s14 =	sadd.s32 $0x70, s14  }
0x2df: {  	[hbm4b:s14+s2] =	stream.linear.scatter [tilespmem:s31], [sflag:$0x1], $0x80, $0x38;
	[tilespmem:$0x13F00] =	vst v63  }
0x2e0: {  	s16 =	ssub.s32 $0xA5F8, s12;
	s14 =	sadd.s32 s13, s30  }
0x2e1: {  	[hbm4b:s14+s2] =	stream.linear.scatter [tilespmem:s16], [sflag:$0x1], $0x80, $0x38;
	[tilespmem:$0x13F00] =	vst v63  }
0x2e2: {  	s17 =	ssub.s32 $0xAFF0, s12;
	s18 =	sadd.s32 $0x10, s14  }
0x2e3: {  	[hbm4b:s18+s2] =	stream.linear.scatter [tilespmem:s17], [sflag:$0x1], $0x80, $0x38;
	[tilespmem:$0x13F00] =	vst v63  }
0x2e4: {  	s19 =	ssub.s32 $0xB9E8, s12;
	s20 =	sadd.s32 $0x20, s14  }
0x2e5: {  	[hbm4b:s20+s2] =	stream.linear.scatter [tilespmem:s19], [sflag:$0x1], $0x80, $0x38;
	[tilespmem:$0x13F00] =	vst v63  }
0x2e6: {  	s21 =	ssub.s32 $0xC3E0, s12;
	s22 =	sadd.s32 $0x30, s14  }
0x2e7: {  	[hbm4b:s22+s2] =	stream.linear.scatter [tilespmem:s21], [sflag:$0x1], $0x80, $0x38;
	[tilespmem:$0x13F00] =	vst v63  }
0x2e8: {  	s23 =	ssub.s32 $0xCDD8, s12;
	s24 =	sadd.s32 $0x40, s14  }
0x2e9: {  	[hbm4b:s24+s2] =	stream.linear.scatter [tilespmem:s23], [sflag:$0x1], $0x80, $0x38;
	[tilespmem:$0x13F00] =	vst v63  }
0x2ea: {  	s25 =	ssub.s32 $0xD7D0, s12;
	s26 =	sadd.s32 $0x50, s14  }
0x2eb: {  	[hbm4b:s26+s2] =	stream.linear.scatter [tilespmem:s25], [sflag:$0x1], $0x80, $0x38;
	[tilespmem:$0x13F00] =	vst v63  }
0x2ec: {  	s28 =	ssub.s32 $0xE1C8, s12;
	s30 =	sld [smem:$0x7E7];
	s29 =	sadd.s32 $0x60, s14  }
0x2ed: {  	[hbm4b:s29+s2] =	stream.linear.scatter [tilespmem:s28], [sflag:$0x1], $0x80, $0x38;
	[tilespmem:$0x13F00] =	vst v63  }
0x2ee: {  	s31 =	ssub.s32 $0xEBC0, s12;
	s14 =	sadd.s32 $0x70, s14  }
0x2ef: {  	[hbm4b:s14+s2] =	stream.linear.scatter [tilespmem:s31], [sflag:$0x1], $0x80, $0x38;
	[tilespmem:$0x13F00] =	vst v63  }
0x2f0: {  	s16 =	ssub.s32 $0xA678, s12;
	s14 =	sadd.s32 s13, s30  }
0x2f1: {  	[hbm4b:s14+s2] =	stream.linear.scatter [tilespmem:s16], [sflag:$0x1], $0x80, $0x38;
	[tilespmem:$0x13F00] =	vst v63  }
0x2f2: {  	s17 =	ssub.s32 $0xB070, s12;
	s18 =	sadd.s32 $0x10, s14  }
0x2f3: {  	[hbm4b:s18+s2] =	stream.linear.scatter [tilespmem:s17], [sflag:$0x1], $0x80, $0x38;
	[tilespmem:$0x13F00] =	vst v63  }
0x2f4: {  	s19 =	ssub.s32 $0xBA68, s12;
	s20 =	sadd.s32 $0x20, s14  }
0x2f5: {  	[hbm4b:s20+s2] =	stream.linear.scatter [tilespmem:s19], [sflag:$0x1], $0x80, $0x38;
	[tilespmem:$0x13F00] =	vst v63  }
0x2f6: {  	s21 =	ssub.s32 $0xC460, s12;
	s22 =	sadd.s32 $0x30, s14  }
0x2f7: {  	[hbm4b:s22+s2] =	stream.linear.scatter [tilespmem:s21], [sflag:$0x1], $0x80, $0x38;
	[tilespmem:$0x13F00] =	vst v63  }
0x2f8: {  	s23 =	ssub.s32 $0xCE58, s12;
	s24 =	sadd.s32 $0x40, s14  }
0x2f9: {  	[hbm4b:s24+s2] =	stream.linear.scatter [tilespmem:s23], [sflag:$0x1], $0x80, $0x38;
	[tilespmem:$0x13F00] =	vst v63  }
0x2fa: {  	s25 =	ssub.s32 $0xD850, s12;
	s26 =	sadd.s32 $0x50, s14  }
0x2fb: {  	[hbm4b:s26+s2] =	stream.linear.scatter [tilespmem:s25], [sflag:$0x1], $0x80, $0x38;
	[tilespmem:$0x13F00] =	vst v63  }
0x2fc: {  	s28 =	ssub.s32 $0xE248, s12;
	s30 =	sld [smem:$0x7E8];
	s29 =	sadd.s32 $0x60, s14  }
0x2fd: {  	[hbm4b:s29+s2] =	stream.linear.scatter [tilespmem:s28], [sflag:$0x1], $0x80, $0x38;
	[tilespmem:$0x13F00] =	vst v63  }
0x2fe: {  	s31 =	ssub.s32 $0xEC40, s12;
	s14 =	sadd.s32 $0x70, s14  }
0x2ff: {  	[hbm4b:s14+s2] =	stream.linear.scatter [tilespmem:s31], [sflag:$0x1], $0x80, $0x38;
	[tilespmem:$0x13F00] =	vst v63  }
0x300: {  	s16 =	ssub.s32 $0xA6F8, s12;
	s14 =	sadd.s32 s13, s30  }
0x301: {  	[hbm4b:s14+s2] =	stream.linear.scatter [tilespmem:s16], [sflag:$0x1], $0x80, $0x38;
	[tilespmem:$0x13F00] =	vst v63  }
0x302: {  	s17 =	ssub.s32 $0xB0F0, s12;
	s18 =	sadd.s32 $0x10, s14  }
0x303: {  	[hbm4b:s18+s2] =	stream.linear.scatter [tilespmem:s17], [sflag:$0x1], $0x80, $0x38;
	[tilespmem:$0x13F00] =	vst v63  }
0x304: {  	s19 =	ssub.s32 $0xBAE8, s12;
	s20 =	sadd.s32 $0x20, s14  }
0x305: {  	[hbm4b:s20+s2] =	stream.linear.scatter [tilespmem:s19], [sflag:$0x1], $0x80, $0x38;
	[tilespmem:$0x13F00] =	vst v63  }
0x306: {  	s21 =	ssub.s32 $0xC4E0, s12;
	s22 =	sadd.s32 $0x30, s14  }
0x307: {  	[hbm4b:s22+s2] =	stream.linear.scatter [tilespmem:s21], [sflag:$0x1], $0x80, $0x38;
	[tilespmem:$0x13F00] =	vst v63  }
0x308: {  	s23 =	ssub.s32 $0xCED8, s12;
	s24 =	sadd.s32 $0x40, s14  }
0x309: {  	[hbm4b:s24+s2] =	stream.linear.scatter [tilespmem:s23], [sflag:$0x1], $0x80, $0x38;
	[tilespmem:$0x13F00] =	vst v63  }
0x30a: {  	s25 =	ssub.s32 $0xD8D0, s12;
	s26 =	sadd.s32 $0x50, s14  }
0x30b: {  	[hbm4b:s26+s2] =	stream.linear.scatter [tilespmem:s25], [sflag:$0x1], $0x80, $0x38;
	[tilespmem:$0x13F00] =	vst v63  }
0x30c: {  	s28 =	ssub.s32 $0xE2C8, s12;
	s30 =	sld [smem:$0x7E9];
	s29 =	sadd.s32 $0x60, s14  }
0x30d: {  	[hbm4b:s29+s2] =	stream.linear.scatter [tilespmem:s28], [sflag:$0x1], $0x80, $0x38;
	[tilespmem:$0x13F00] =	vst v63  }
0x30e: {  	s31 =	ssub.s32 $0xECC0, s12;
	s14 =	sadd.s32 $0x70, s14  }
0x30f: {  	[hbm4b:s14+s2] =	stream.linear.scatter [tilespmem:s31], [sflag:$0x1], $0x80, $0x38;
	[tilespmem:$0x13F00] =	vst v63  }
0x310: {  	s16 =	ssub.s32 $0xA778, s12;
	s14 =	sadd.s32 s13, s30  }
0x311: {  	[hbm4b:s14+s2] =	stream.linear.scatter [tilespmem:s16], [sflag:$0x1], $0x80, $0x38;
	[tilespmem:$0x13F00] =	vst v63  }
0x312: {  	s17 =	ssub.s32 $0xB170, s12;
	s18 =	sadd.s32 $0x10, s14  }
0x313: {  	[hbm4b:s18+s2] =	stream.linear.scatter [tilespmem:s17], [sflag:$0x1], $0x80, $0x38;
	[tilespmem:$0x13F00] =	vst v63  }
0x314: {  	s19 =	ssub.s32 $0xBB68, s12;
	s20 =	sadd.s32 $0x20, s14  }
0x315: {  	[hbm4b:s20+s2] =	stream.linear.scatter [tilespmem:s19], [sflag:$0x1], $0x80, $0x38;
	[tilespmem:$0x13F00] =	vst v63  }
0x316: {  	s21 =	ssub.s32 $0xC560, s12;
	s22 =	sadd.s32 $0x30, s14  }
0x317: {  	[hbm4b:s22+s2] =	stream.linear.scatter [tilespmem:s21], [sflag:$0x1], $0x80, $0x38;
	[tilespmem:$0x13F00] =	vst v63  }
0x318: {  	s23 =	ssub.s32 $0xCF58, s12;
	s24 =	sadd.s32 $0x40, s14  }
0x319: {  	[hbm4b:s24+s2] =	stream.linear.scatter [tilespmem:s23], [sflag:$0x1], $0x80, $0x38;
	[tilespmem:$0x13F00] =	vst v63  }
0x31a: {  	s25 =	ssub.s32 $0xD950, s12;
	s26 =	sadd.s32 $0x50, s14  }
0x31b: {  	[hbm4b:s26+s2] =	stream.linear.scatter [tilespmem:s25], [sflag:$0x1], $0x80, $0x38;
	[tilespmem:$0x13F00] =	vst v63  }
0x31c: {  	s28 =	ssub.s32 $0xE348, s12;
	s30 =	sld [smem:$0x7EA];
	s29 =	sadd.s32 $0x60, s14  }
0x31d: {  	[hbm4b:s29+s2] =	stream.linear.scatter [tilespmem:s28], [sflag:$0x1], $0x80, $0x38;
	[tilespmem:$0x13F00] =	vst v63  }
0x31e: {  	s31 =	ssub.s32 $0xED40, s12;
	s14 =	sadd.s32 $0x70, s14  }
0x31f: {  	[hbm4b:s14+s2] =	stream.linear.scatter [tilespmem:s31], [sflag:$0x1], $0x80, $0x38;
	[tilespmem:$0x13F00] =	vst v63  }
0x320: {  	s16 =	ssub.s32 $0xA7F8, s12;
	s14 =	sadd.s32 s13, s30  }
0x321: {  	[hbm4b:s14+s2] =	stream.linear.scatter [tilespmem:s16], [sflag:$0x1], $0x80, $0x38;
	[tilespmem:$0x13F00] =	vst v63  }
0x322: {  	s17 =	ssub.s32 $0xB1F0, s12;
	s18 =	sadd.s32 $0x10, s14  }
0x323: {  	[hbm4b:s18+s2] =	stream.linear.scatter [tilespmem:s17], [sflag:$0x1], $0x80, $0x38;
	[tilespmem:$0x13F00] =	vst v63  }
0x324: {  	s19 =	ssub.s32 $0xBBE8, s12;
	s20 =	sadd.s32 $0x20, s14  }
0x325: {  	[hbm4b:s20+s2] =	stream.linear.scatter [tilespmem:s19], [sflag:$0x1], $0x80, $0x38;
	[tilespmem:$0x13F00] =	vst v63  }
0x326: {  	s21 =	ssub.s32 $0xC5E0, s12;
	s22 =	sadd.s32 $0x30, s14  }
0x327: {  	[hbm4b:s22+s2] =	stream.linear.scatter [tilespmem:s21], [sflag:$0x1], $0x80, $0x38;
	[tilespmem:$0x13F00] =	vst v63  }
0x328: {  	s23 =	ssub.s32 $0xCFD8, s12;
	s24 =	sadd.s32 $0x40, s14  }
0x329: {  	[hbm4b:s24+s2] =	stream.linear.scatter [tilespmem:s23], [sflag:$0x1], $0x80, $0x38;
	[tilespmem:$0x13F00] =	vst v63  }
0x32a: {  	s25 =	ssub.s32 $0xD9D0, s12;
	s26 =	sadd.s32 $0x50, s14  }
0x32b: {  	[hbm4b:s26+s2] =	stream.linear.scatter [tilespmem:s25], [sflag:$0x1], $0x80, $0x38;
	[tilespmem:$0x13F00] =	vst v63  }
0x32c: {  	s28 =	ssub.s32 $0xE3C8, s12;
	s30 =	sld [smem:$0x7EB];
	s29 =	sadd.s32 $0x60, s14  }
0x32d: {  	[hbm4b:s29+s2] =	stream.linear.scatter [tilespmem:s28], [sflag:$0x1], $0x80, $0x38;
	[tilespmem:$0x13F00] =	vst v63  }
0x32e: {  	s31 =	ssub.s32 $0xEDC0, s12;
	s14 =	sadd.s32 $0x70, s14  }
0x32f: {  	[hbm4b:s14+s2] =	stream.linear.scatter [tilespmem:s31], [sflag:$0x1], $0x80, $0x38;
	[tilespmem:$0x13F00] =	vst v63  }
0x330: {  	s16 =	ssub.s32 $0xA878, s12;
	s14 =	sadd.s32 s13, s30  }
0x331: {  	[hbm4b:s14+s2] =	stream.linear.scatter [tilespmem:s16], [sflag:$0x1], $0x80, $0x38;
	[tilespmem:$0x13F00] =	vst v63  }
0x332: {  	s17 =	ssub.s32 $0xB270, s12;
	s18 =	sadd.s32 $0x10, s14  }
0x333: {  	[hbm4b:s18+s2] =	stream.linear.scatter [tilespmem:s17], [sflag:$0x1], $0x80, $0x38;
	[tilespmem:$0x13F00] =	vst v63  }
0x334: {  	s19 =	ssub.s32 $0xBC68, s12;
	s20 =	sadd.s32 $0x20, s14  }
0x335: {  	[hbm4b:s20+s2] =	stream.linear.scatter [tilespmem:s19], [sflag:$0x1], $0x80, $0x38;
	[tilespmem:$0x13F00] =	vst v63  }
0x336: {  	s21 =	ssub.s32 $0xC660, s12;
	s22 =	sadd.s32 $0x30, s14  }
0x337: {  	[hbm4b:s22+s2] =	stream.linear.scatter [tilespmem:s21], [sflag:$0x1], $0x80, $0x38;
	[tilespmem:$0x13F00] =	vst v63  }
0x338: {  	s23 =	ssub.s32 $0xD058, s12;
	s24 =	sadd.s32 $0x40, s14  }
0x339: {  	[hbm4b:s24+s2] =	stream.linear.scatter [tilespmem:s23], [sflag:$0x1], $0x80, $0x38;
	[tilespmem:$0x13F00] =	vst v63  }
0x33a: {  	s25 =	ssub.s32 $0xDA50, s12;
	s26 =	sadd.s32 $0x50, s14  }
0x33b: {  	[hbm4b:s26+s2] =	stream.linear.scatter [tilespmem:s25], [sflag:$0x1], $0x80, $0x38;
	[tilespmem:$0x13F00] =	vst v63  }
0x33c: {  	s28 =	ssub.s32 $0xE448, s12;
	s30 =	sld [smem:$0x7EC];
	s29 =	sadd.s32 $0x60, s14  }
0x33d: {  	[hbm4b:s29+s2] =	stream.linear.scatter [tilespmem:s28], [sflag:$0x1], $0x80, $0x38;
	[tilespmem:$0x13F00] =	vst v63  }
0x33e: {  	s31 =	ssub.s32 $0xEE40, s12;
	s14 =	sadd.s32 $0x70, s14  }
0x33f: {  	[hbm4b:s14+s2] =	stream.linear.scatter [tilespmem:s31], [sflag:$0x1], $0x80, $0x38;
	[tilespmem:$0x13F00] =	vst v63  }
0x340: {  	s16 =	ssub.s32 $0xA8F8, s12;
	s14 =	sadd.s32 s13, s30  }
0x341: {  	[hbm4b:s14+s2] =	stream.linear.scatter [tilespmem:s16], [sflag:$0x1], $0x80, $0x38;
	[tilespmem:$0x13F00] =	vst v63  }
0x342: {  	s17 =	ssub.s32 $0xB2F0, s12;
	s18 =	sadd.s32 $0x10, s14  }
0x343: {  	[hbm4b:s18+s2] =	stream.linear.scatter [tilespmem:s17], [sflag:$0x1], $0x80, $0x38;
	[tilespmem:$0x13F00] =	vst v63  }
0x344: {  	s19 =	ssub.s32 $0xBCE8, s12;
	s20 =	sadd.s32 $0x20, s14  }
0x345: {  	[hbm4b:s20+s2] =	stream.linear.scatter [tilespmem:s19], [sflag:$0x1], $0x80, $0x38;
	[tilespmem:$0x13F00] =	vst v63  }
0x346: {  	s21 =	ssub.s32 $0xC6E0, s12;
	s22 =	sadd.s32 $0x30, s14  }
0x347: {  	[hbm4b:s22+s2] =	stream.linear.scatter [tilespmem:s21], [sflag:$0x1], $0x80, $0x38;
	[tilespmem:$0x13F00] =	vst v63  }
0x348: {  	s23 =	ssub.s32 $0xD0D8, s12;
	s24 =	sadd.s32 $0x40, s14  }
0x349: {  	[hbm4b:s24+s2] =	stream.linear.scatter [tilespmem:s23], [sflag:$0x1], $0x80, $0x38;
	[tilespmem:$0x13F00] =	vst v63  }
0x34a: {  	s25 =	ssub.s32 $0xDAD0, s12;
	s26 =	sadd.s32 $0x50, s14  }
0x34b: {  	[hbm4b:s26+s2] =	stream.linear.scatter [tilespmem:s25], [sflag:$0x1], $0x80, $0x38;
	[tilespmem:$0x13F00] =	vst v63  }
0x34c: {  	s28 =	ssub.s32 $0xE4C8, s12;
	s30 =	sld [smem:$0x7ED];
	s29 =	sadd.s32 $0x60, s14  }
0x34d: {  	[hbm4b:s29+s2] =	stream.linear.scatter [tilespmem:s28], [sflag:$0x1], $0x80, $0x38;
	[tilespmem:$0x13F00] =	vst v63  }
0x34e: {  	s31 =	ssub.s32 $0xEEC0, s12;
	s14 =	sadd.s32 $0x70, s14  }
0x34f: {  	[hbm4b:s14+s2] =	stream.linear.scatter [tilespmem:s31], [sflag:$0x1], $0x80, $0x38;
	[tilespmem:$0x13F00] =	vst v63  }
0x350: {  	s16 =	ssub.s32 $0xF138, s12;
	s14 =	sadd.s32 s13, s30  }
0x351: {  	[hbm4b:s14+s2] =	stream.linear.scatter [tilespmem:s16], [sflag:$0x1], $0x80, $0x38;
	[tilespmem:$0x13F00] =	vst v63  }
0x352: {  	s17 =	ssub.s32 $0xFB30, s12;
	s18 =	sadd.s32 $0x10, s14  }
0x353: {  	[hbm4b:s18+s2] =	stream.linear.scatter [tilespmem:s17], [sflag:$0x1], $0x80, $0x38;
	[tilespmem:$0x13F00] =	vst v63  }
0x354: {  	s19 =	ssub.s32 $0x10528, s12;
	s20 =	sadd.s32 $0x20, s14  }
0x355: {  	[hbm4b:s20+s2] =	stream.linear.scatter [tilespmem:s19], [sflag:$0x1], $0x80, $0x38;
	[tilespmem:$0x13F00] =	vst v63  }
0x356: {  	s21 =	ssub.s32 $0x10F20, s12;
	s22 =	sadd.s32 $0x30, s14  }
0x357: {  	[hbm4b:s22+s2] =	stream.linear.scatter [tilespmem:s21], [sflag:$0x1], $0x80, $0x38;
	[tilespmem:$0x13F00] =	vst v63  }
0x358: {  	s23 =	ssub.s32 $0x11918, s12;
	s24 =	sadd.s32 $0x40, s14  }
0x359: {  	[hbm4b:s24+s2] =	stream.linear.scatter [tilespmem:s23], [sflag:$0x1], $0x80, $0x38;
	[tilespmem:$0x13F00] =	vst v63  }
0x35a: {  	s25 =	ssub.s32 $0x12310, s12;
	s26 =	sadd.s32 $0x50, s14  }
0x35b: {  	[hbm4b:s26+s2] =	stream.linear.scatter [tilespmem:s25], [sflag:$0x1], $0x80, $0x38;
	[tilespmem:$0x13F00] =	vst v63  }
0x35c: {  	s28 =	ssub.s32 $0x12D08, s12;
	s30 =	sld [smem:$0x7EE];
	s29 =	sadd.s32 $0x60, s14  }
0x35d: {  	[hbm4b:s29+s2] =	stream.linear.scatter [tilespmem:s28], [sflag:$0x1], $0x80, $0x38;
	[tilespmem:$0x13F00] =	vst v63  }
0x35e: {  	s31 =	ssub.s32 $0x13700, s12;
	s14 =	sadd.s32 $0x70, s14  }
0x35f: {  	[hbm4b:s14+s2] =	stream.linear.scatter [tilespmem:s31], [sflag:$0x1], $0x80, $0x38;
	[tilespmem:$0x13F00] =	vst v63  }
0x360: {  	s16 =	ssub.s32 $0xF1B8, s12;
	s14 =	sadd.s32 s13, s30  }
0x361: {  	[hbm4b:s14+s2] =	stream.linear.scatter [tilespmem:s16], [sflag:$0x1], $0x80, $0x38;
	[tilespmem:$0x13F00] =	vst v63  }
0x362: {  	s17 =	ssub.s32 $0xFBB0, s12;
	s18 =	sadd.s32 $0x10, s14  }
0x363: {  	[hbm4b:s18+s2] =	stream.linear.scatter [tilespmem:s17], [sflag:$0x1], $0x80, $0x38;
	[tilespmem:$0x13F00] =	vst v63  }
0x364: {  	s19 =	ssub.s32 $0x105A8, s12;
	s20 =	sadd.s32 $0x20, s14  }
0x365: {  	[hbm4b:s20+s2] =	stream.linear.scatter [tilespmem:s19], [sflag:$0x1], $0x80, $0x38;
	[tilespmem:$0x13F00] =	vst v63  }
0x366: {  	s21 =	ssub.s32 $0x10FA0, s12;
	s22 =	sadd.s32 $0x30, s14  }
0x367: {  	[hbm4b:s22+s2] =	stream.linear.scatter [tilespmem:s21], [sflag:$0x1], $0x80, $0x38;
	[tilespmem:$0x13F00] =	vst v63  }
0x368: {  	s23 =	ssub.s32 $0x11998, s12;
	s24 =	sadd.s32 $0x40, s14  }
0x369: {  	[hbm4b:s24+s2] =	stream.linear.scatter [tilespmem:s23], [sflag:$0x1], $0x80, $0x38;
	[tilespmem:$0x13F00] =	vst v63  }
0x36a: {  	s25 =	ssub.s32 $0x12390, s12;
	s26 =	sadd.s32 $0x50, s14  }
0x36b: {  	[hbm4b:s26+s2] =	stream.linear.scatter [tilespmem:s25], [sflag:$0x1], $0x80, $0x38;
	[tilespmem:$0x13F00] =	vst v63  }
0x36c: {  	s28 =	ssub.s32 $0x12D88, s12;
	s30 =	sld [smem:$0x7EF];
	s29 =	sadd.s32 $0x60, s14  }
0x36d: {  	[hbm4b:s29+s2] =	stream.linear.scatter [tilespmem:s28], [sflag:$0x1], $0x80, $0x38;
	[tilespmem:$0x13F00] =	vst v63  }
0x36e: {  	s31 =	ssub.s32 $0x13780, s12;
	s14 =	sadd.s32 $0x70, s14  }
0x36f: {  	[hbm4b:s14+s2] =	stream.linear.scatter [tilespmem:s31], [sflag:$0x1], $0x80, $0x38;
	[tilespmem:$0x13F00] =	vst v63  }
0x370: {  	s16 =	ssub.s32 $0xF238, s12;
	s14 =	sadd.s32 s13, s30  }
0x371: {  	[hbm4b:s14+s2] =	stream.linear.scatter [tilespmem:s16], [sflag:$0x1], $0x80, $0x38;
	[tilespmem:$0x13F00] =	vst v63  }
0x372: {  	s17 =	ssub.s32 $0xFC30, s12;
	s18 =	sadd.s32 $0x10, s14  }
0x373: {  	[hbm4b:s18+s2] =	stream.linear.scatter [tilespmem:s17], [sflag:$0x1], $0x80, $0x38;
	[tilespmem:$0x13F00] =	vst v63  }
0x374: {  	s19 =	ssub.s32 $0x10628, s12;
	s20 =	sadd.s32 $0x20, s14  }
0x375: {  	[hbm4b:s20+s2] =	stream.linear.scatter [tilespmem:s19], [sflag:$0x1], $0x80, $0x38;
	[tilespmem:$0x13F00] =	vst v63  }
0x376: {  	s21 =	ssub.s32 $0x11020, s12;
	s22 =	sadd.s32 $0x30, s14  }
0x377: {  	[hbm4b:s22+s2] =	stream.linear.scatter [tilespmem:s21], [sflag:$0x1], $0x80, $0x38;
	[tilespmem:$0x13F00] =	vst v63  }
0x378: {  	s23 =	ssub.s32 $0x11A18, s12;
	s24 =	sadd.s32 $0x40, s14  }
0x379: {  	[hbm4b:s24+s2] =	stream.linear.scatter [tilespmem:s23], [sflag:$0x1], $0x80, $0x38;
	[tilespmem:$0x13F00] =	vst v63  }
0x37a: {  	s25 =	ssub.s32 $0x12410, s12;
	s26 =	sadd.s32 $0x50, s14  }
0x37b: {  	[hbm4b:s26+s2] =	stream.linear.scatter [tilespmem:s25], [sflag:$0x1], $0x80, $0x38;
	[tilespmem:$0x13F00] =	vst v63  }
0x37c: {  	s28 =	ssub.s32 $0x12E08, s12;
	s30 =	sld [smem:$0x7F0];
	s29 =	sadd.s32 $0x60, s14  }
0x37d: {  	[hbm4b:s29+s2] =	stream.linear.scatter [tilespmem:s28], [sflag:$0x1], $0x80, $0x38;
	[tilespmem:$0x13F00] =	vst v63  }
0x37e: {  	s31 =	ssub.s32 $0x13800, s12;
	s14 =	sadd.s32 $0x70, s14  }
0x37f: {  	[hbm4b:s14+s2] =	stream.linear.scatter [tilespmem:s31], [sflag:$0x1], $0x80, $0x38;
	[tilespmem:$0x13F00] =	vst v63  }
0x380: {  	s16 =	ssub.s32 $0xF2B8, s12;
	s14 =	sadd.s32 s13, s30  }
0x381: {  	[hbm4b:s14+s2] =	stream.linear.scatter [tilespmem:s16], [sflag:$0x1], $0x80, $0x38;
	[tilespmem:$0x13F00] =	vst v63  }
0x382: {  	s17 =	ssub.s32 $0xFCB0, s12;
	s18 =	sadd.s32 $0x10, s14  }
0x383: {  	[hbm4b:s18+s2] =	stream.linear.scatter [tilespmem:s17], [sflag:$0x1], $0x80, $0x38;
	[tilespmem:$0x13F00] =	vst v63  }
0x384: {  	s19 =	ssub.s32 $0x106A8, s12;
	s20 =	sadd.s32 $0x20, s14  }
0x385: {  	[hbm4b:s20+s2] =	stream.linear.scatter [tilespmem:s19], [sflag:$0x1], $0x80, $0x38;
	[tilespmem:$0x13F00] =	vst v63  }
0x386: {  	s21 =	ssub.s32 $0x110A0, s12;
	s22 =	sadd.s32 $0x30, s14  }
0x387: {  	[hbm4b:s22+s2] =	stream.linear.scatter [tilespmem:s21], [sflag:$0x1], $0x80, $0x38;
	[tilespmem:$0x13F00] =	vst v63  }
0x388: {  	s23 =	ssub.s32 $0x11A98, s12;
	s24 =	sadd.s32 $0x40, s14  }
0x389: {  	[hbm4b:s24+s2] =	stream.linear.scatter [tilespmem:s23], [sflag:$0x1], $0x80, $0x38;
	[tilespmem:$0x13F00] =	vst v63  }
0x38a: {  	s25 =	ssub.s32 $0x12490, s12;
	s26 =	sadd.s32 $0x50, s14  }
0x38b: {  	[hbm4b:s26+s2] =	stream.linear.scatter [tilespmem:s25], [sflag:$0x1], $0x80, $0x38;
	[tilespmem:$0x13F00] =	vst v63  }
0x38c: {  	s28 =	ssub.s32 $0x12E88, s12;
	s30 =	sld [smem:$0x7F1];
	s29 =	sadd.s32 $0x60, s14  }
0x38d: {  	[hbm4b:s29+s2] =	stream.linear.scatter [tilespmem:s28], [sflag:$0x1], $0x80, $0x38;
	[tilespmem:$0x13F00] =	vst v63  }
0x38e: {  	s31 =	ssub.s32 $0x13880, s12;
	s14 =	sadd.s32 $0x70, s14  }
0x38f: {  	[hbm4b:s14+s2] =	stream.linear.scatter [tilespmem:s31], [sflag:$0x1], $0x80, $0x38;
	[tilespmem:$0x13F00] =	vst v63  }
0x390: {  	s16 =	ssub.s32 $0xF338, s12;
	s14 =	sadd.s32 s13, s30  }
0x391: {  	[hbm4b:s14+s2] =	stream.linear.scatter [tilespmem:s16], [sflag:$0x1], $0x80, $0x38;
	[tilespmem:$0x13F00] =	vst v63  }
0x392: {  	s17 =	ssub.s32 $0xFD30, s12;
	s18 =	sadd.s32 $0x10, s14  }
0x393: {  	[hbm4b:s18+s2] =	stream.linear.scatter [tilespmem:s17], [sflag:$0x1], $0x80, $0x38;
	[tilespmem:$0x13F00] =	vst v63  }
0x394: {  	s19 =	ssub.s32 $0x10728, s12;
	s20 =	sadd.s32 $0x20, s14  }
0x395: {  	[hbm4b:s20+s2] =	stream.linear.scatter [tilespmem:s19], [sflag:$0x1], $0x80, $0x38;
	[tilespmem:$0x13F00] =	vst v63  }
0x396: {  	s21 =	ssub.s32 $0x11120, s12;
	s22 =	sadd.s32 $0x30, s14  }
0x397: {  	[hbm4b:s22+s2] =	stream.linear.scatter [tilespmem:s21], [sflag:$0x1], $0x80, $0x38;
	[tilespmem:$0x13F00] =	vst v63  }
0x398: {  	s23 =	ssub.s32 $0x11B18, s12;
	s24 =	sadd.s32 $0x40, s14  }
0x399: {  	[hbm4b:s24+s2] =	stream.linear.scatter [tilespmem:s23], [sflag:$0x1], $0x80, $0x38;
	[tilespmem:$0x13F00] =	vst v63  }
0x39a: {  	s25 =	ssub.s32 $0x12510, s12;
	s26 =	sadd.s32 $0x50, s14  }
0x39b: {  	[hbm4b:s26+s2] =	stream.linear.scatter [tilespmem:s25], [sflag:$0x1], $0x80, $0x38;
	[tilespmem:$0x13F00] =	vst v63  }
0x39c: {  	s28 =	ssub.s32 $0x12F08, s12;
	s30 =	sld [smem:$0x7F2];
	s29 =	sadd.s32 $0x60, s14  }
0x39d: {  	[hbm4b:s29+s2] =	stream.linear.scatter [tilespmem:s28], [sflag:$0x1], $0x80, $0x38;
	[tilespmem:$0x13F00] =	vst v63  }
0x39e: {  	s31 =	ssub.s32 $0x13900, s12;
	s14 =	sadd.s32 $0x70, s14  }
0x39f: {  	[hbm4b:s14+s2] =	stream.linear.scatter [tilespmem:s31], [sflag:$0x1], $0x80, $0x38;
	[tilespmem:$0x13F00] =	vst v63  }
0x3a0: {  	s16 =	ssub.s32 $0xF3B8, s12;
	s14 =	sadd.s32 s13, s30  }
0x3a1: {  	[hbm4b:s14+s2] =	stream.linear.scatter [tilespmem:s16], [sflag:$0x1], $0x80, $0x38;
	[tilespmem:$0x13F00] =	vst v63  }
0x3a2: {  	s17 =	ssub.s32 $0xFDB0, s12;
	s18 =	sadd.s32 $0x10, s14  }
0x3a3: {  	[hbm4b:s18+s2] =	stream.linear.scatter [tilespmem:s17], [sflag:$0x1], $0x80, $0x38;
	[tilespmem:$0x13F00] =	vst v63  }
0x3a4: {  	s19 =	ssub.s32 $0x107A8, s12;
	s20 =	sadd.s32 $0x20, s14  }
0x3a5: {  	[hbm4b:s20+s2] =	stream.linear.scatter [tilespmem:s19], [sflag:$0x1], $0x80, $0x38;
	[tilespmem:$0x13F00] =	vst v63  }
0x3a6: {  	s21 =	ssub.s32 $0x111A0, s12;
	s22 =	sadd.s32 $0x30, s14  }
0x3a7: {  	[hbm4b:s22+s2] =	stream.linear.scatter [tilespmem:s21], [sflag:$0x1], $0x80, $0x38;
	[tilespmem:$0x13F00] =	vst v63  }
0x3a8: {  	s23 =	ssub.s32 $0x11B98, s12;
	s24 =	sadd.s32 $0x40, s14  }
0x3a9: {  	[hbm4b:s24+s2] =	stream.linear.scatter [tilespmem:s23], [sflag:$0x1], $0x80, $0x38;
	[tilespmem:$0x13F00] =	vst v63  }
0x3aa: {  	s25 =	ssub.s32 $0x12590, s12;
	s26 =	sadd.s32 $0x50, s14  }
0x3ab: {  	[hbm4b:s26+s2] =	stream.linear.scatter [tilespmem:s25], [sflag:$0x1], $0x80, $0x38;
	[tilespmem:$0x13F00] =	vst v63  }
0x3ac: {  	s28 =	ssub.s32 $0x12F88, s12;
	s30 =	sld [smem:$0x7F3];
	s29 =	sadd.s32 $0x60, s14  }
0x3ad: {  	[hbm4b:s29+s2] =	stream.linear.scatter [tilespmem:s28], [sflag:$0x1], $0x80, $0x38;
	[tilespmem:$0x13F00] =	vst v63  }
0x3ae: {  	s31 =	ssub.s32 $0x13980, s12;
	s14 =	sadd.s32 $0x70, s14  }
0x3af: {  	[hbm4b:s14+s2] =	stream.linear.scatter [tilespmem:s31], [sflag:$0x1], $0x80, $0x38;
	[tilespmem:$0x13F00] =	vst v63  }
0x3b0: {  	s16 =	ssub.s32 $0xF438, s12;
	s14 =	sadd.s32 s13, s30  }
0x3b1: {  	[hbm4b:s14+s2] =	stream.linear.scatter [tilespmem:s16], [sflag:$0x1], $0x80, $0x38;
	[tilespmem:$0x13F00] =	vst v63  }
0x3b2: {  	s17 =	ssub.s32 $0xFE30, s12;
	s18 =	sadd.s32 $0x10, s14  }
0x3b3: {  	[hbm4b:s18+s2] =	stream.linear.scatter [tilespmem:s17], [sflag:$0x1], $0x80, $0x38;
	[tilespmem:$0x13F00] =	vst v63  }
0x3b4: {  	s19 =	ssub.s32 $0x10828, s12;
	s20 =	sadd.s32 $0x20, s14  }
0x3b5: {  	[hbm4b:s20+s2] =	stream.linear.scatter [tilespmem:s19], [sflag:$0x1], $0x80, $0x38;
	[tilespmem:$0x13F00] =	vst v63  }
0x3b6: {  	s21 =	ssub.s32 $0x11220, s12;
	s22 =	sadd.s32 $0x30, s14  }
0x3b7: {  	[hbm4b:s22+s2] =	stream.linear.scatter [tilespmem:s21], [sflag:$0x1], $0x80, $0x38;
	[tilespmem:$0x13F00] =	vst v63  }
0x3b8: {  	s23 =	ssub.s32 $0x11C18, s12;
	s24 =	sadd.s32 $0x40, s14  }
0x3b9: {  	[hbm4b:s24+s2] =	stream.linear.scatter [tilespmem:s23], [sflag:$0x1], $0x80, $0x38;
	[tilespmem:$0x13F00] =	vst v63  }
0x3ba: {  	s25 =	ssub.s32 $0x12610, s12;
	s26 =	sadd.s32 $0x50, s14  }
0x3bb: {  	[hbm4b:s26+s2] =	stream.linear.scatter [tilespmem:s25], [sflag:$0x1], $0x80, $0x38;
	[tilespmem:$0x13F00] =	vst v63  }
0x3bc: {  	s28 =	ssub.s32 $0x13008, s12;
	s30 =	sld [smem:$0x7F4];
	s29 =	sadd.s32 $0x60, s14  }
0x3bd: {  	[hbm4b:s29+s2] =	stream.linear.scatter [tilespmem:s28], [sflag:$0x1], $0x80, $0x38;
	[tilespmem:$0x13F00] =	vst v63  }
0x3be: {  	s31 =	ssub.s32 $0x13A00, s12;
	s14 =	sadd.s32 $0x70, s14  }
0x3bf: {  	[hbm4b:s14+s2] =	stream.linear.scatter [tilespmem:s31], [sflag:$0x1], $0x80, $0x38;
	[tilespmem:$0x13F00] =	vst v63  }
0x3c0: {  	s16 =	ssub.s32 $0xF4B8, s12;
	s14 =	sadd.s32 s13, s30  }
0x3c1: {  	[hbm4b:s14+s2] =	stream.linear.scatter [tilespmem:s16], [sflag:$0x1], $0x80, $0x38;
	[tilespmem:$0x13F00] =	vst v63  }
0x3c2: {  	s17 =	ssub.s32 $0xFEB0, s12;
	s18 =	sadd.s32 $0x10, s14  }
0x3c3: {  	[hbm4b:s18+s2] =	stream.linear.scatter [tilespmem:s17], [sflag:$0x1], $0x80, $0x38;
	[tilespmem:$0x13F00] =	vst v63  }
0x3c4: {  	s19 =	ssub.s32 $0x108A8, s12;
	s20 =	sadd.s32 $0x20, s14  }
0x3c5: {  	[hbm4b:s20+s2] =	stream.linear.scatter [tilespmem:s19], [sflag:$0x1], $0x80, $0x38;
	[tilespmem:$0x13F00] =	vst v63  }
0x3c6: {  	s21 =	ssub.s32 $0x112A0, s12;
	s22 =	sadd.s32 $0x30, s14  }
0x3c7: {  	[hbm4b:s22+s2] =	stream.linear.scatter [tilespmem:s21], [sflag:$0x1], $0x80, $0x38;
	[tilespmem:$0x13F00] =	vst v63  }
0x3c8: {  	s23 =	ssub.s32 $0x11C98, s12;
	s24 =	sadd.s32 $0x40, s14  }
0x3c9: {  	[hbm4b:s24+s2] =	stream.linear.scatter [tilespmem:s23], [sflag:$0x1], $0x80, $0x38;
	[tilespmem:$0x13F00] =	vst v63  }
0x3ca: {  	s25 =	ssub.s32 $0x12690, s12;
	s26 =	sadd.s32 $0x50, s14  }
0x3cb: {  	[hbm4b:s26+s2] =	stream.linear.scatter [tilespmem:s25], [sflag:$0x1], $0x80, $0x38;
	[tilespmem:$0x13F00] =	vst v63  }
0x3cc: {  	s28 =	ssub.s32 $0x13088, s12;
	s30 =	sld [smem:$0x7F5];
	s29 =	sadd.s32 $0x60, s14  }
0x3cd: {  	[hbm4b:s29+s2] =	stream.linear.scatter [tilespmem:s28], [sflag:$0x1], $0x80, $0x38;
	[tilespmem:$0x13F00] =	vst v63  }
0x3ce: {  	s31 =	ssub.s32 $0x13A80, s12;
	s14 =	sadd.s32 $0x70, s14  }
0x3cf: {  	[hbm4b:s14+s2] =	stream.linear.scatter [tilespmem:s31], [sflag:$0x1], $0x80, $0x38;
	[tilespmem:$0x13F00] =	vst v63  }
0x3d0: {  	s16 =	ssub.s32 $0xF538, s12;
	s14 =	sadd.s32 s13, s30  }
0x3d1: {  	[hbm4b:s14+s2] =	stream.linear.scatter [tilespmem:s16], [sflag:$0x1], $0x80, $0x38;
	[tilespmem:$0x13F00] =	vst v63  }
0x3d2: {  	s17 =	ssub.s32 $0xFF30, s12;
	s18 =	sadd.s32 $0x10, s14  }
0x3d3: {  	[hbm4b:s18+s2] =	stream.linear.scatter [tilespmem:s17], [sflag:$0x1], $0x80, $0x38;
	[tilespmem:$0x13F00] =	vst v63  }
0x3d4: {  	s19 =	ssub.s32 $0x10928, s12;
	s20 =	sadd.s32 $0x20, s14  }
0x3d5: {  	[hbm4b:s20+s2] =	stream.linear.scatter [tilespmem:s19], [sflag:$0x1], $0x80, $0x38;
	[tilespmem:$0x13F00] =	vst v63  }
0x3d6: {  	s21 =	ssub.s32 $0x11320, s12;
	s22 =	sadd.s32 $0x30, s14  }
0x3d7: {  	[hbm4b:s22+s2] =	stream.linear.scatter [tilespmem:s21], [sflag:$0x1], $0x80, $0x38;
	[tilespmem:$0x13F00] =	vst v63  }
0x3d8: {  	s23 =	ssub.s32 $0x11D18, s12;
	s24 =	sadd.s32 $0x40, s14  }
0x3d9: {  	[hbm4b:s24+s2] =	stream.linear.scatter [tilespmem:s23], [sflag:$0x1], $0x80, $0x38;
	[tilespmem:$0x13F00] =	vst v63  }
0x3da: {  	s25 =	ssub.s32 $0x12710, s12;
	s26 =	sadd.s32 $0x50, s14  }
0x3db: {  	[hbm4b:s26+s2] =	stream.linear.scatter [tilespmem:s25], [sflag:$0x1], $0x80, $0x38;
	[tilespmem:$0x13F00] =	vst v63  }
0x3dc: {  	s28 =	ssub.s32 $0x13108, s12;
	s30 =	sld [smem:$0x7F6];
	s29 =	sadd.s32 $0x60, s14  }
0x3dd: {  	[hbm4b:s29+s2] =	stream.linear.scatter [tilespmem:s28], [sflag:$0x1], $0x80, $0x38;
	[tilespmem:$0x13F00] =	vst v63  }
0x3de: {  	s31 =	ssub.s32 $0x13B00, s12;
	s14 =	sadd.s32 $0x70, s14  }
0x3df: {  	[hbm4b:s14+s2] =	stream.linear.scatter [tilespmem:s31], [sflag:$0x1], $0x80, $0x38;
	[tilespmem:$0x13F00] =	vst v63  }
0x3e0: {  	s16 =	ssub.s32 $0xF5B8, s12;
	s14 =	sadd.s32 s13, s30  }
0x3e1: {  	[hbm4b:s14+s2] =	stream.linear.scatter [tilespmem:s16], [sflag:$0x1], $0x80, $0x38;
	[tilespmem:$0x13F00] =	vst v63  }
0x3e2: {  	s17 =	ssub.s32 $0xFFB0, s12;
	s18 =	sadd.s32 $0x10, s14  }
0x3e3: {  	[hbm4b:s18+s2] =	stream.linear.scatter [tilespmem:s17], [sflag:$0x1], $0x80, $0x38;
	[tilespmem:$0x13F00] =	vst v63  }
0x3e4: {  	s19 =	ssub.s32 $0x109A8, s12;
	s20 =	sadd.s32 $0x20, s14  }
0x3e5: {  	[hbm4b:s20+s2] =	stream.linear.scatter [tilespmem:s19], [sflag:$0x1], $0x80, $0x38;
	[tilespmem:$0x13F00] =	vst v63  }
0x3e6: {  	s21 =	ssub.s32 $0x113A0, s12;
	s22 =	sadd.s32 $0x30, s14  }
0x3e7: {  	[hbm4b:s22+s2] =	stream.linear.scatter [tilespmem:s21], [sflag:$0x1], $0x80, $0x38;
	[tilespmem:$0x13F00] =	vst v63  }
0x3e8: {  	s23 =	ssub.s32 $0x11D98, s12;
	s24 =	sadd.s32 $0x40, s14  }
0x3e9: {  	[hbm4b:s24+s2] =	stream.linear.scatter [tilespmem:s23], [sflag:$0x1], $0x80, $0x38;
	[tilespmem:$0x13F00] =	vst v63  }
0x3ea: {  	s25 =	ssub.s32 $0x12790, s12;
	s26 =	sadd.s32 $0x50, s14  }
0x3eb: {  	[hbm4b:s26+s2] =	stream.linear.scatter [tilespmem:s25], [sflag:$0x1], $0x80, $0x38;
	[tilespmem:$0x13F00] =	vst v63  }
0x3ec: {  	s28 =	ssub.s32 $0x13188, s12;
	s30 =	sld [smem:$0x7F7];
	s29 =	sadd.s32 $0x60, s14  }
0x3ed: {  	[hbm4b:s29+s2] =	stream.linear.scatter [tilespmem:s28], [sflag:$0x1], $0x80, $0x38;
	[tilespmem:$0x13F00] =	vst v63  }
0x3ee: {  	s31 =	ssub.s32 $0x13B80, s12;
	s14 =	sadd.s32 $0x70, s14  }
0x3ef: {  	[hbm4b:s14+s2] =	stream.linear.scatter [tilespmem:s31], [sflag:$0x1], $0x80, $0x38;
	[tilespmem:$0x13F00] =	vst v63  }
0x3f0: {  	s16 =	ssub.s32 $0xF638, s12;
	s14 =	sadd.s32 s13, s30  }
0x3f1: {  	[hbm4b:s14+s2] =	stream.linear.scatter [tilespmem:s16], [sflag:$0x1], $0x80, $0x38;
	[tilespmem:$0x13F00] =	vst v63  }
0x3f2: {  	s17 =	ssub.s32 $0x10030, s12;
	s18 =	sadd.s32 $0x10, s14  }
0x3f3: {  	[hbm4b:s18+s2] =	stream.linear.scatter [tilespmem:s17], [sflag:$0x1], $0x80, $0x38;
	[tilespmem:$0x13F00] =	vst v63  }
0x3f4: {  	s19 =	ssub.s32 $0x10A28, s12;
	s20 =	sadd.s32 $0x20, s14  }
0x3f5: {  	[hbm4b:s20+s2] =	stream.linear.scatter [tilespmem:s19], [sflag:$0x1], $0x80, $0x38;
	[tilespmem:$0x13F00] =	vst v63  }
0x3f6: {  	s21 =	ssub.s32 $0x11420, s12;
	s22 =	sadd.s32 $0x30, s14  }
0x3f7: {  	[hbm4b:s22+s2] =	stream.linear.scatter [tilespmem:s21], [sflag:$0x1], $0x80, $0x38;
	[tilespmem:$0x13F00] =	vst v63  }
0x3f8: {  	s23 =	ssub.s32 $0x11E18, s12;
	s24 =	sadd.s32 $0x40, s14  }
0x3f9: {  	[hbm4b:s24+s2] =	stream.linear.scatter [tilespmem:s23], [sflag:$0x1], $0x80, $0x38;
	[tilespmem:$0x13F00] =	vst v63  }
0x3fa: {  	s25 =	ssub.s32 $0x12810, s12;
	s26 =	sadd.s32 $0x50, s14  }
0x3fb: {  	[hbm4b:s26+s2] =	stream.linear.scatter [tilespmem:s25], [sflag:$0x1], $0x80, $0x38;
	[tilespmem:$0x13F00] =	vst v63  }
0x3fc: {  	s28 =	ssub.s32 $0x13208, s12;
	s30 =	sld [smem:$0x7F8];
	s29 =	sadd.s32 $0x60, s14  }
0x3fd: {  	[hbm4b:s29+s2] =	stream.linear.scatter [tilespmem:s28], [sflag:$0x1], $0x80, $0x38;
	[tilespmem:$0x13F00] =	vst v63  }
0x3fe: {  	s31 =	ssub.s32 $0x13C00, s12;
	s14 =	sadd.s32 $0x70, s14  }
0x3ff: {  	[hbm4b:s14+s2] =	stream.linear.scatter [tilespmem:s31], [sflag:$0x1], $0x80, $0x38;
	[tilespmem:$0x13F00] =	vst v63  }
0x400: {  	s16 =	ssub.s32 $0xF6B8, s12;
	s14 =	sadd.s32 s13, s30  }
0x401: {  	[hbm4b:s14+s2] =	stream.linear.scatter [tilespmem:s16], [sflag:$0x1], $0x80, $0x38;
	[tilespmem:$0x13F00] =	vst v63  }
0x402: {  	s17 =	ssub.s32 $0x100B0, s12;
	s18 =	sadd.s32 $0x10, s14  }
0x403: {  	[hbm4b:s18+s2] =	stream.linear.scatter [tilespmem:s17], [sflag:$0x1], $0x80, $0x38;
	[tilespmem:$0x13F00] =	vst v63  }
0x404: {  	s19 =	ssub.s32 $0x10AA8, s12;
	s20 =	sadd.s32 $0x20, s14  }
0x405: {  	[hbm4b:s20+s2] =	stream.linear.scatter [tilespmem:s19], [sflag:$0x1], $0x80, $0x38;
	[tilespmem:$0x13F00] =	vst v63  }
0x406: {  	s21 =	ssub.s32 $0x114A0, s12;
	s22 =	sadd.s32 $0x30, s14  }
0x407: {  	[hbm4b:s22+s2] =	stream.linear.scatter [tilespmem:s21], [sflag:$0x1], $0x80, $0x38;
	[tilespmem:$0x13F00] =	vst v63  }
0x408: {  	s23 =	ssub.s32 $0x11E98, s12;
	s24 =	sadd.s32 $0x40, s14  }
0x409: {  	[hbm4b:s24+s2] =	stream.linear.scatter [tilespmem:s23], [sflag:$0x1], $0x80, $0x38;
	[tilespmem:$0x13F00] =	vst v63  }
0x40a: {  	s25 =	ssub.s32 $0x12890, s12;
	s26 =	sadd.s32 $0x50, s14  }
0x40b: {  	[hbm4b:s26+s2] =	stream.linear.scatter [tilespmem:s25], [sflag:$0x1], $0x80, $0x38;
	[tilespmem:$0x13F00] =	vst v63  }
0x40c: {  	s28 =	ssub.s32 $0x13288, s12;
	s30 =	sld [smem:$0x7F9];
	s29 =	sadd.s32 $0x60, s14  }
0x40d: {  	[hbm4b:s29+s2] =	stream.linear.scatter [tilespmem:s28], [sflag:$0x1], $0x80, $0x38;
	[tilespmem:$0x13F00] =	vst v63  }
0x40e: {  	s31 =	ssub.s32 $0x13C80, s12;
	s14 =	sadd.s32 $0x70, s14  }
0x40f: {  	[hbm4b:s14+s2] =	stream.linear.scatter [tilespmem:s31], [sflag:$0x1], $0x80, $0x38;
	[tilespmem:$0x13F00] =	vst v63  }
0x410: {  	s16 =	ssub.s32 $0xF738, s12;
	s14 =	sadd.s32 s13, s30  }
0x411: {  	[hbm4b:s14+s2] =	stream.linear.scatter [tilespmem:s16], [sflag:$0x1], $0x80, $0x38;
	[tilespmem:$0x13F00] =	vst v63  }
0x412: {  	s17 =	ssub.s32 $0x10130, s12;
	s18 =	sadd.s32 $0x10, s14  }
0x413: {  	[hbm4b:s18+s2] =	stream.linear.scatter [tilespmem:s17], [sflag:$0x1], $0x80, $0x38;
	[tilespmem:$0x13F00] =	vst v63  }
0x414: {  	s19 =	ssub.s32 $0x10B28, s12;
	s20 =	sadd.s32 $0x20, s14  }
0x415: {  	[hbm4b:s20+s2] =	stream.linear.scatter [tilespmem:s19], [sflag:$0x1], $0x80, $0x38;
	[tilespmem:$0x13F00] =	vst v63  }
0x416: {  	s21 =	ssub.s32 $0x11520, s12;
	s22 =	sadd.s32 $0x30, s14  }
0x417: {  	[hbm4b:s22+s2] =	stream.linear.scatter [tilespmem:s21], [sflag:$0x1], $0x80, $0x38;
	[tilespmem:$0x13F00] =	vst v63  }
0x418: {  	s23 =	ssub.s32 $0x11F18, s12;
	s24 =	sadd.s32 $0x40, s14  }
0x419: {  	[hbm4b:s24+s2] =	stream.linear.scatter [tilespmem:s23], [sflag:$0x1], $0x80, $0x38;
	[tilespmem:$0x13F00] =	vst v63  }
0x41a: {  	s25 =	ssub.s32 $0x12910, s12;
	s26 =	sadd.s32 $0x50, s14  }
0x41b: {  	[hbm4b:s26+s2] =	stream.linear.scatter [tilespmem:s25], [sflag:$0x1], $0x80, $0x38;
	[tilespmem:$0x13F00] =	vst v63  }
0x41c: {  	s28 =	ssub.s32 $0x13308, s12;
	s30 =	sld [smem:$0x7FA];
	s29 =	sadd.s32 $0x60, s14  }
0x41d: {  	[hbm4b:s29+s2] =	stream.linear.scatter [tilespmem:s28], [sflag:$0x1], $0x80, $0x38;
	[tilespmem:$0x13F00] =	vst v63  }
0x41e: {  	s31 =	ssub.s32 $0x13D00, s12;
	s14 =	sadd.s32 $0x70, s14  }
0x41f: {  	[hbm4b:s14+s2] =	stream.linear.scatter [tilespmem:s31], [sflag:$0x1], $0x80, $0x38;
	[tilespmem:$0x13F00] =	vst v63  }
0x420: {  	s17 =	ssub.s32 $0xF7B8, s12;
	s14 =	sadd.s32 s13, s30  }
0x421: {  	[hbm4b:s14+s2] =	stream.linear.scatter [tilespmem:s17], [sflag:$0x1], $0x80, $0x38;
	[tilespmem:$0x13F00] =	vst v63  }
0x422: {  	s18 =	ssub.s32 $0x101B0, s12;
	s19 =	sadd.s32 $0x10, s14  }
0x423: {  	[hbm4b:s19+s2] =	stream.linear.scatter [tilespmem:s18], [sflag:$0x1], $0x80, $0x38;
	[tilespmem:$0x13F00] =	vst v63  }
0x424: {  	s20 =	ssub.s32 $0x10BA8, s12;
	s21 =	sadd.s32 $0x20, s14  }
0x425: {  	[hbm4b:s21+s2] =	stream.linear.scatter [tilespmem:s20], [sflag:$0x1], $0x80, $0x38;
	[tilespmem:$0x13F00] =	vst v63  }
0x426: {  	s22 =	ssub.s32 $0x115A0, s12;
	s23 =	sadd.s32 $0x30, s14  }
0x427: {  	[hbm4b:s23+s2] =	stream.linear.scatter [tilespmem:s22], [sflag:$0x1], $0x80, $0x38;
	[tilespmem:$0x13F00] =	vst v63  }
0x428: {  	s24 =	ssub.s32 $0x11F98, s12;
	s25 =	sadd.s32 $0x40, s14  }
0x429: {  	[hbm4b:s25+s2] =	stream.linear.scatter [tilespmem:s24], [sflag:$0x1], $0x80, $0x38;
	[tilespmem:$0x13F00] =	vst v63  }
0x42a: {  	s26 =	ssub.s32 $0x12990, s12;
	s28 =	sadd.s32 $0x50, s14  }
0x42b: {  	[hbm4b:s28+s2] =	stream.linear.scatter [tilespmem:s26], [sflag:$0x1], $0x80, $0x38;
	[tilespmem:$0x13F00] =	vst v63  }
0x42c: {  	s29 =	ssub.s32 $0x13388, s12;
	s31 =	sld [smem:$0x7FB];
	s30 =	sadd.s32 $0x60, s14  }
0x42d: {  	[hbm4b:s30+s2] =	stream.linear.scatter [tilespmem:s29], [sflag:$0x1], $0x80, $0x38;
	[tilespmem:$0x13F00] =	vst v63  }
0x42e: {  	s17 =	ssub.s32 $0x13D80, s12;
	s14 =	sadd.s32 $0x70, s14  }
0x42f: {  	[hbm4b:s14+s2] =	stream.linear.scatter [tilespmem:s17], [sflag:$0x1], $0x80, $0x38;
	[tilespmem:$0x13F00] =	vst v63  }
0x430: {  	s18 =	ssub.s32 $0xF838, s12;
	s14 =	sadd.s32 s13, s31  }
0x431: {  	[hbm4b:s14+s2] =	stream.linear.scatter [tilespmem:s18], [sflag:$0x1], $0x80, $0x38;
	[tilespmem:$0x13F00] =	vst v63  }
0x432: {  	s19 =	ssub.s32 $0x10230, s12;
	s20 =	sadd.s32 $0x10, s14  }
0x433: {  	[hbm4b:s20+s2] =	stream.linear.scatter [tilespmem:s19], [sflag:$0x1], $0x80, $0x38;
	[tilespmem:$0x13F00] =	vst v63  }
0x434: {  	s21 =	ssub.s32 $0x10C28, s12;
	s22 =	sadd.s32 $0x20, s14  }
0x435: {  	[hbm4b:s22+s2] =	stream.linear.scatter [tilespmem:s21], [sflag:$0x1], $0x80, $0x38;
	[tilespmem:$0x13F00] =	vst v63  }
0x436: {  	s23 =	ssub.s32 $0x11620, s12;
	s24 =	sadd.s32 $0x30, s14  }
0x437: {  	[hbm4b:s24+s2] =	stream.linear.scatter [tilespmem:s23], [sflag:$0x1], $0x80, $0x38;
	[tilespmem:$0x13F00] =	vst v63  }
0x438: {  	s25 =	ssub.s32 $0x12018, s12;
	s26 =	sadd.s32 $0x40, s14  }
0x439: {  	[hbm4b:s26+s2] =	stream.linear.scatter [tilespmem:s25], [sflag:$0x1], $0x80, $0x38;
	[tilespmem:$0x13F00] =	vst v63  }
0x43a: {  	s28 =	ssub.s32 $0x12A10, s12;
	s29 =	sadd.s32 $0x50, s14  }
0x43b: {  	[hbm4b:s29+s2] =	stream.linear.scatter [tilespmem:s28], [sflag:$0x1], $0x80, $0x38;
	[tilespmem:$0x13F00] =	vst v63  }
0x43c: {  	s30 =	ssub.s32 $0x13408, s12;
	s17 =	sld [smem:$0x7FC];
	s31 =	sadd.s32 $0x60, s14  }
0x43d: {  	[hbm4b:s31+s2] =	stream.linear.scatter [tilespmem:s30], [sflag:$0x1], $0x80, $0x38;
	[tilespmem:$0x13F00] =	vst v63  }
0x43e: {  	s18 =	ssub.s32 $0x13E00, s12;
	s14 =	sadd.s32 $0x70, s14  }
0x43f: {  	[hbm4b:s14+s2] =	stream.linear.scatter [tilespmem:s18], [sflag:$0x1], $0x80, $0x38;
	[tilespmem:$0x13F00] =	vst v63  }
0x440: {  	s13 =	sadd.s32 s13, s17;
	s19 =	ssub.s32 $0xF8B8, s12  }
0x441: {  	[hbm4b:s13+s2] =	stream.linear.scatter [tilespmem:s19], [sflag:$0x1], $0x80, $0x38;
	[tilespmem:$0x13F00] =	vst v63  }
0x442: {  	s20 =	ssub.s32 $0x102B0, s12;
	s15 =	sadd.s32 $0x10, s13  }
0x443: {  	[hbm4b:s15+s2] =	stream.linear.scatter [tilespmem:s20], [sflag:$0x1], $0x80, $0x38;
	[tilespmem:$0x13F00] =	vst v63  }
0x444: {  	s21 =	ssub.s32 $0x10CA8, s12;
	s22 =	sadd.s32 $0x20, s13  }
0x445: {  	[hbm4b:s22+s2] =	stream.linear.scatter [tilespmem:s21], [sflag:$0x1], $0x80, $0x38;
	[tilespmem:$0x13F00] =	vst v63  }
0x446: {  	s23 =	ssub.s32 $0x116A0, s12;
	s24 =	sadd.s32 $0x30, s13  }
0x447: {  	[hbm4b:s24+s2] =	stream.linear.scatter [tilespmem:s23], [sflag:$0x1], $0x80, $0x38;
	[tilespmem:$0x13F00] =	vst v63  }
0x448: {  	s25 =	ssub.s32 $0x12098, s12;
	s26 =	sadd.s32 $0x40, s13  }
0x449: {  	[hbm4b:s26+s2] =	stream.linear.scatter [tilespmem:s25], [sflag:$0x1], $0x80, $0x38;
	[tilespmem:$0x13F00] =	vst v63  }
0x44a: {  	p0 =	sne.s32 s11, $0x3F;
	s28 =	ssub.s32 $0x12A90, s12;
	s29 =	sadd.s32 $0x50, s13  }
0x44b: {  	[hbm4b:s29+s2] =	stream.linear.scatter [tilespmem:s28], [sflag:$0x1], $0x80, $0x38;
	[tilespmem:$0x13F00] =	vst v63  }
.Ltmp0:
0x44c: {  	_ = 	snop;
	(pc) =	sbr.rel @p0 .LBB2_2-.Ltmp0, $4  }
0x44d: {  	s30 =	ssub.s32 $0x13488, s12;
	s31 =	sadd.s32 $0x60, s13  }
0x44e: {  	[hbm4b:s31+s2] =	stream.linear.scatter [tilespmem:s30], [sflag:$0x1], $0x80, $0x38;
	[tilespmem:$0x13F00] =	vst v63  }
0x44f: {  	s11 =	sadd.s32 $0x1, s11;
	s12 =	ssub.s32 $0x13E80, s12;
	s13 =	sadd.s32 $0x70, s13  }
0x450: {  	[hbm4b:s13+s2] =	stream.linear.scatter [tilespmem:s12], [sflag:$0x1], $0x80, $0x38;
	[tilespmem:$0x13F00] =	vst v63  }
0x451: {  	_ =	swait.ge [sflag:s9], $0x400  }
0x452: {  	[sflag:s9] =	ssyncset.done $0x0  }
0x453: {  	[sflag:s9] =	ssyncadd.s32 $0xFFFFFC00  }
0x454: {  	_ =	swait.ge [sflag:s9], $0x400  }
0x455: {  	[sflag:s9] =	ssyncset.done $0x0  }
0x456: {  	[sflag:s9] =	ssyncadd.s32 $0xFFFFFC00  }
0x457: {  	_ =	swait.ge [sflag:s9], $0x400  }
0x458: {  	[sflag:s9] =	ssyncset.done $0x0  }
0x459: {  	[sflag:s9] =	ssyncadd.s32 $0xFFFFFC00  }
0x45a: {  	_ =	swait.ge [sflag:s9], $0x400  }
0x45b: {  	[sflag:s9] =	ssyncset.done $0x0  }
0x45c: {  	[sflag:s9] =	ssyncadd.s32 $0xFFFFFC00  }
0x45d: {  	_ =	swait.ge [sflag:s9], $0x400  }
0x45e: {  	[sflag:s9] =	ssyncset.done $0x0  }
0x45f: {  	[sflag:s9] =	ssyncadd.s32 $0xFFFFFC00  }
0x460: {  	_ =	swait.ge [sflag:s9], $0x400  }
0x461: {  	[sflag:s9] =	ssyncset.done $0x0  }
0x462: {  	[sflag:s9] =	ssyncadd.s32 $0xFFFFFC00  }
0x463: {  	_ =	swait.ge [sflag:s9], $0x400  }
0x464: {  	[sflag:s9] =	ssyncset.done $0x0  }
0x465: {  	[sflag:s9] =	ssyncadd.s32 $0xFFFFFC00  }
0x466: {  	_ =	swait.ge [sflag:s9], $0x400  }
0x467: {  	[sflag:s9] =	ssyncset.done $0x0  }
0x468: {  	[sflag:s9] =	ssyncadd.s32 $0xFFFFFC00  }
0x469: {  	_ =	swait.ge [sflag:s9], $0x400  }
0x46a: {  	[sflag:s9] =	ssyncset.done $0x0  }
0x46b: {  	[sflag:s9] =	ssyncadd.s32 $0xFFFFFC00  }
0x46c: {  	_ =	swait.ge [sflag:s9], $0x400  }
0x46d: {  	[sflag:s9] =	ssyncset.done $0x0  }
0x46e: {  	[sflag:s9] =	ssyncadd.s32 $0xFFFFFC00  }
0x46f: {  	_ =	swait.ge [sflag:s9], $0x400  }
0x470: {  	[sflag:s9] =	ssyncset.done $0x0  }
0x471: {  	[sflag:s9] =	ssyncadd.s32 $0xFFFFFC00  }
0x472: {  	_ =	swait.ge [sflag:s9], $0x400  }
0x473: {  	[sflag:s9] =	ssyncset.done $0x0  }
0x474: {  	[sflag:s9] =	ssyncadd.s32 $0xFFFFFC00  }
0x475: {  	_ =	swait.ge [sflag:s9], $0x400  }
0x476: {  	[sflag:s9] =	ssyncset.done $0x0  }
0x477: {  	[sflag:s9] =	ssyncadd.s32 $0xFFFFFC00  }
0x478: {  	_ =	swait.ge [sflag:s9], $0x400  }
0x479: {  	[sflag:s9] =	ssyncset.done $0x0  }
0x47a: {  	[sflag:s9] =	ssyncadd.s32 $0xFFFFFC00  }
0x47b: {  	_ =	swait.ge [sflag:s9], $0x400  }
0x47c: {  	[sflag:s9] =	ssyncset.done $0x0  }
0x47d: {  	[sflag:s9] =	ssyncadd.s32 $0xFFFFFC00  }
0x47e: {  	_ =	swait.ge [sflag:s9], $0x400  }
0x47f: {  	[sflag:s9] =	ssyncset.done $0x0  }
0x480: {  	[sflag:s9] =	ssyncadd.s32 $0xFFFFFC00  }
0x481: {  	_ =	swait.ge [sflag:s9], $0x400  }
0x482: {  	[sflag:s9] =	ssyncset.done $0x0  }
0x483: {  	[sflag:s9] =	ssyncadd.s32 $0xFFFFFC00  }
0x484: {  	_ =	swait.ge [sflag:s9], $0x400  }
0x485: {  	[sflag:s9] =	ssyncset.done $0x0  }
0x486: {  	[sflag:s9] =	ssyncadd.s32 $0xFFFFFC00  }
0x487: {  	_ =	swait.ge [sflag:s9], $0x400  }
0x488: {  	[sflag:s9] =	ssyncset.done $0x0  }
0x489: {  	[sflag:s9] =	ssyncadd.s32 $0xFFFFFC00  }
0x48a: {  	_ =	swait.ge [sflag:s9], $0x400  }
0x48b: {  	[sflag:s9] =	ssyncset.done $0x0  }
0x48c: {  	[sflag:s9] =	ssyncadd.s32 $0xFFFFFC00  }
0x48d: {  	_ =	swait.ge [sflag:s9], $0x400  }
0x48e: {  	[sflag:s9] =	ssyncset.done $0x0  }
0x48f: {  	[sflag:s9] =	ssyncadd.s32 $0xFFFFFC00  }
0x490: {  	_ =	swait.ge [sflag:s9], $0x400  }
0x491: {  	[sflag:s9] =	ssyncset.done $0x0  }
0x492: {  	[sflag:s9] =	ssyncadd.s32 $0xFFFFFC00  }
0x493: {  	_ =	swait.ge [sflag:s9], $0x400  }
0x494: {  	[sflag:s9] =	ssyncset.done $0x0  }
0x495: {  	[sflag:s9] =	ssyncadd.s32 $0xFFFFFC00  }
0x496: {  	_ =	swait.ge [sflag:s9], $0x400  }
0x497: {  	[sflag:s9] =	ssyncset.done $0x0  }
0x498: {  	[sflag:s9] =	ssyncadd.s32 $0xFFFFFC00  }
0x499: {  	_ =	swait.ge [sflag:s9], $0x400  }
0x49a: {  	[sflag:s9] =	ssyncset.done $0x0  }
0x49b: {  	[sflag:s9] =	ssyncadd.s32 $0xFFFFFC00  }
0x49c: {  	_ =	swait.ge [sflag:s9], $0x400  }
0x49d: {  	[sflag:s9] =	ssyncset.done $0x0  }
0x49e: {  	[sflag:s9] =	ssyncadd.s32 $0xFFFFFC00  }
0x49f: {  	_ =	swait.ge [sflag:s9], $0x400  }
0x4a0: {  	[sflag:s9] =	ssyncset.done $0x0  }
0x4a1: {  	[sflag:s9] =	ssyncadd.s32 $0xFFFFFC00  }
0x4a2: {  	_ =	swait.ge [sflag:s9], $0x400  }
0x4a3: {  	[sflag:s9] =	ssyncset.done $0x0  }
0x4a4: {  	[sflag:s9] =	ssyncadd.s32 $0xFFFFFC00  }
0x4a5: {  	_ =	swait.ge [sflag:s9], $0x400  }
0x4a6: {  	[sflag:s9] =	ssyncset.done $0x0  }
0x4a7: {  	[sflag:s9] =	ssyncadd.s32 $0xFFFFFC00  }
0x4a8: {  	_ =	swait.ge [sflag:s9], $0x400  }
0x4a9: {  	[sflag:s9] =	ssyncset.done $0x0  }
0x4aa: {  	[sflag:s9] =	ssyncadd.s32 $0xFFFFFC00  }
0x4ab: {  	_ =	swait.ge [sflag:s9], $0x400  }
0x4ac: {  	[sflag:s9] =	ssyncset.done $0x0  }
0x4ad: {  	[sflag:s9] =	ssyncadd.s32 $0xFFFFFC00  }
0x4ae: {  	_ =	swait.ge [sflag:s9], $0x400  }
0x4af: {  	[sflag:s9] =	ssyncset.done $0x0  }
0x4b0: {  	[sflag:s9] =	ssyncadd.s32 $0xFFFFFC00  }
0x4b1: {  	_ =	swait.ge [sflag:s9], $0x400  }
0x4b2: {  	[sflag:s9] =	ssyncset.done $0x0  }
0x4b3: {  	[sflag:s9] =	ssyncadd.s32 $0xFFFFFC00  }
0x4b4: {  	_ =	swait.ge [sflag:s9], $0x400  }
0x4b5: {  	[sflag:s9] =	ssyncset.done $0x0  }
0x4b6: {  	[sflag:s9] =	ssyncadd.s32 $0xFFFFFC00  }
0x4b7: {  	_ =	swait.ge [sflag:s9], $0x400  }
0x4b8: {  	[sflag:s9] =	ssyncset.done $0x0  }
0x4b9: {  	[sflag:s9] =	ssyncadd.s32 $0xFFFFFC00  }
0x4ba: {  	_ =	swait.ge [sflag:s9], $0x400  }
0x4bb: {  	[sflag:s9] =	ssyncset.done $0x0  }
0x4bc: {  	[sflag:s9] =	ssyncadd.s32 $0xFFFFFC00  }
0x4bd: {  	_ =	swait.ge [sflag:s9], $0x400  }
0x4be: {  	[sflag:s9] =	ssyncset.done $0x0  }
0x4bf: {  	[sflag:s9] =	ssyncadd.s32 $0xFFFFFC00  }
0x4c0: {  	_ =	swait.ge [sflag:s9], $0x400  }
0x4c1: {  	[sflag:s9] =	ssyncset.done $0x0  }
0x4c2: {  	[sflag:s9] =	ssyncadd.s32 $0xFFFFFC00  }
0x4c3: {  	_ =	swait.ge [sflag:s9], $0x400  }
0x4c4: {  	[sflag:s9] =	ssyncset.done $0x0  }
0x4c5: {  	[sflag:s9] =	ssyncadd.s32 $0xFFFFFC00  }
0x4c6: {  	_ =	swait.ge [sflag:s9], $0x400  }
0x4c7: {  	[sflag:s9] =	ssyncset.done $0x0  }
0x4c8: {  	[sflag:s9] =	ssyncadd.s32 $0xFFFFFC00  }
0x4c9: {  	_ =	swait.ge [sflag:s9], $0x400  }
0x4ca: {  	[sflag:s9] =	ssyncset.done $0x0  }
0x4cb: {  	[sflag:s9] =	ssyncadd.s32 $0xFFFFFC00  }
0x4cc: {  	_ =	swait.ge [sflag:s9], $0x400  }
0x4cd: {  	[sflag:s9] =	ssyncset.done $0x0  }
0x4ce: {  	[sflag:s9] =	ssyncadd.s32 $0xFFFFFC00  }
0x4cf: {  	_ =	swait.ge [sflag:s9], $0x400  }
0x4d0: {  	[sflag:s9] =	ssyncset.done $0x0  }
0x4d1: {  	[sflag:s9] =	ssyncadd.s32 $0xFFFFFC00  }
0x4d2: {  	_ =	swait.ge [sflag:s9], $0x400  }
0x4d3: {  	[sflag:s9] =	ssyncset.done $0x0  }
0x4d4: {  	[sflag:s9] =	ssyncadd.s32 $0xFFFFFC00  }
0x4d5: {  	_ =	swait.ge [sflag:s9], $0x400  }
0x4d6: {  	[sflag:s9] =	ssyncset.done $0x0  }
0x4d7: {  	[sflag:s9] =	ssyncadd.s32 $0xFFFFFC00  }
0x4d8: {  	_ =	swait.ge [sflag:s9], $0x400  }
0x4d9: {  	[sflag:s9] =	ssyncset.done $0x0  }
0x4da: {  	[sflag:s9] =	ssyncadd.s32 $0xFFFFFC00  }
0x4db: {  	_ =	swait.ge [sflag:s9], $0x400  }
0x4dc: {  	[sflag:s9] =	ssyncset.done $0x0  }
0x4dd: {  	[sflag:s9] =	ssyncadd.s32 $0xFFFFFC00  }
0x4de: {  	_ =	swait.ge [sflag:s9], $0x400  }
0x4df: {  	[sflag:s9] =	ssyncset.done $0x0  }
0x4e0: {  	[sflag:s9] =	ssyncadd.s32 $0xFFFFFC00  }
0x4e1: {  	_ =	swait.ge [sflag:s9], $0x400  }
0x4e2: {  	[sflag:s9] =	ssyncset.done $0x0  }
0x4e3: {  	[sflag:s9] =	ssyncadd.s32 $0xFFFFFC00  }
0x4e4: {  	_ =	swait.ge [sflag:s9], $0x400  }
0x4e5: {  	[sflag:s9] =	ssyncset.done $0x0  }
0x4e6: {  	[sflag:s9] =	ssyncadd.s32 $0xFFFFFC00  }
0x4e7: {  	_ =	swait.ge [sflag:s9], $0x400  }
0x4e8: {  	[sflag:s9] =	ssyncset.done $0x0  }
0x4e9: {  	[sflag:s9] =	ssyncadd.s32 $0xFFFFFC00  }
0x4ea: {  	_ =	swait.ge [sflag:s9], $0x400  }
0x4eb: {  	[sflag:s9] =	ssyncset.done $0x0  }
0x4ec: {  	[sflag:s9] =	ssyncadd.s32 $0xFFFFFC00  }
0x4ed: {  	_ =	swait.ge [sflag:s9], $0x400  }
0x4ee: {  	[sflag:s9] =	ssyncset.done $0x0  }
0x4ef: {  	[sflag:s9] =	ssyncadd.s32 $0xFFFFFC00  }
0x4f0: {  	_ =	swait.ge [sflag:s9], $0x400  }
0x4f1: {  	[sflag:s9] =	ssyncset.done $0x0  }
0x4f2: {  	[sflag:s9] =	ssyncadd.s32 $0xFFFFFC00  }
0x4f3: {  	_ =	swait.ge [sflag:s9], $0x400  }
0x4f4: {  	[sflag:s9] =	ssyncset.done $0x0  }
0x4f5: {  	[sflag:s9] =	ssyncadd.s32 $0xFFFFFC00  }
0x4f6: {  	_ =	swait.ge [sflag:s9], $0x400  }
0x4f7: {  	[sflag:s9] =	ssyncset.done $0x0  }
0x4f8: {  	[sflag:s9] =	ssyncadd.s32 $0xFFFFFC00  }
0x4f9: {  	_ =	swait.ge [sflag:s9], $0x400  }
0x4fa: {  	[sflag:s9] =	ssyncset.done $0x0  }
0x4fb: {  	[sflag:s9] =	ssyncadd.s32 $0xFFFFFC00  }
0x4fc: {  	_ =	swait.ge [sflag:s9], $0x400  }
0x4fd: {  	[sflag:s9] =	ssyncset.done $0x0  }
0x4fe: {  	[sflag:s9] =	ssyncadd.s32 $0xFFFFFC00  }
0x4ff: {  	_ =	swait.ge [sflag:s9], $0x400  }
0x500: {  	[sflag:s9] =	ssyncset.done $0x0  }
0x501: {  	[sflag:s9] =	ssyncadd.s32 $0xFFFFFC00  }
0x502: {  	_ =	swait.ge [sflag:s9], $0x400  }
0x503: {  	[sflag:s9] =	ssyncset.done $0x0  }
0x504: {  	[sflag:s9] =	ssyncadd.s32 $0xFFFFFC00  }
0x505: {  	_ =	swait.ge [sflag:s9], $0x400  }
0x506: {  	[sflag:s9] =	ssyncset.done $0x0  }
0x507: {  	[sflag:s9] =	ssyncadd.s32 $0xFFFFFC00  }
0x508: {  	_ =	swait.ge [sflag:s9], $0x400  }
0x509: {  	[sflag:s9] =	ssyncset.done $0x0  }
0x50a: {  	[sflag:s9] =	ssyncadd.s32 $0xFFFFFC00  }
0x50b: {  	_ =	swait.ge [sflag:s9], $0x400  }
0x50c: {  	[sflag:s9] =	ssyncset.done $0x0  }
0x50d: {  	[sflag:s9] =	ssyncadd.s32 $0xFFFFFC00  }
0x50e: {  	_ =	swait.ge [sflag:s9], $0x400  }
0x50f: {  	s11 =	simm.s32 $0x3F;
	[sflag:s9] =	ssyncset.done $0x0  }
.LBB2_4:
0x510: {  	p0 =	sne.s32 s11, $0x1;
	s11 =	sadd.s32 $0xFFFFFFFF, s11;
	[sflag:s9] =	ssyncadd.s32 $0xFFFFFC00  }
0x511: {  	_ =	swait.ge [sflag:s9], $0x400  }
0x512: {  	[sflag:s9] =	ssyncset.done $0x0  }
0x513: {  	[sflag:s9] =	ssyncadd.s32 $0xFFFFFC00  }
0x514: {  	_ =	swait.ge [sflag:s9], $0x400  }
0x515: {  	[sflag:s9] =	ssyncset.done $0x0  }
0x516: {  	[sflag:s9] =	ssyncadd.s32 $0xFFFFFC00  }
0x517: {  	_ =	swait.ge [sflag:s9], $0x400  }
0x518: {  	[sflag:s9] =	ssyncset.done $0x0  }
0x519: {  	[sflag:s9] =	ssyncadd.s32 $0xFFFFFC00  }
0x51a: {  	_ =	swait.ge [sflag:s9], $0x400  }
0x51b: {  	[sflag:s9] =	ssyncset.done $0x0  }
0x51c: {  	[sflag:s9] =	ssyncadd.s32 $0xFFFFFC00  }
0x51d: {  	_ =	swait.ge [sflag:s9], $0x400  }
0x51e: {  	[sflag:s9] =	ssyncset.done $0x0  }
0x51f: {  	[sflag:s9] =	ssyncadd.s32 $0xFFFFFC00  }
0x520: {  	_ =	swait.ge [sflag:s9], $0x400  }
0x521: {  	[sflag:s9] =	ssyncset.done $0x0  }
0x522: {  	[sflag:s9] =	ssyncadd.s32 $0xFFFFFC00  }
0x523: {  	_ =	swait.ge [sflag:s9], $0x400  }
0x524: {  	[sflag:s9] =	ssyncset.done $0x0  }
0x525: {  	[sflag:s9] =	ssyncadd.s32 $0xFFFFFC00  }
0x526: {  	_ =	swait.ge [sflag:s9], $0x400  }
0x527: {  	[sflag:s9] =	ssyncset.done $0x0  }
0x528: {  	[sflag:s9] =	ssyncadd.s32 $0xFFFFFC00  }
0x529: {  	_ =	swait.ge [sflag:s9], $0x400  }
0x52a: {  	[sflag:s9] =	ssyncset.done $0x0  }
0x52b: {  	[sflag:s9] =	ssyncadd.s32 $0xFFFFFC00  }
0x52c: {  	_ =	swait.ge [sflag:s9], $0x400  }
0x52d: {  	[sflag:s9] =	ssyncset.done $0x0  }
0x52e: {  	[sflag:s9] =	ssyncadd.s32 $0xFFFFFC00  }
0x52f: {  	_ =	swait.ge [sflag:s9], $0x400  }
0x530: {  	[sflag:s9] =	ssyncset.done $0x0  }
0x531: {  	[sflag:s9] =	ssyncadd.s32 $0xFFFFFC00  }
0x532: {  	_ =	swait.ge [sflag:s9], $0x400  }
0x533: {  	[sflag:s9] =	ssyncset.done $0x0  }
0x534: {  	[sflag:s9] =	ssyncadd.s32 $0xFFFFFC00  }
0x535: {  	_ =	swait.ge [sflag:s9], $0x400  }
0x536: {  	[sflag:s9] =	ssyncset.done $0x0  }
0x537: {  	[sflag:s9] =	ssyncadd.s32 $0xFFFFFC00  }
0x538: {  	_ =	swait.ge [sflag:s9], $0x400  }
0x539: {  	[sflag:s9] =	ssyncset.done $0x0  }
0x53a: {  	[sflag:s9] =	ssyncadd.s32 $0xFFFFFC00  }
0x53b: {  	_ =	swait.ge [sflag:s9], $0x400  }
0x53c: {  	[sflag:s9] =	ssyncset.done $0x0  }
0x53d: {  	[sflag:s9] =	ssyncadd.s32 $0xFFFFFC00  }
0x53e: {  	_ =	swait.ge [sflag:s9], $0x400  }
0x53f: {  	[sflag:s9] =	ssyncset.done $0x0  }
0x540: {  	[sflag:s9] =	ssyncadd.s32 $0xFFFFFC00  }
0x541: {  	_ =	swait.ge [sflag:s9], $0x400  }
0x542: {  	[sflag:s9] =	ssyncset.done $0x0  }
0x543: {  	[sflag:s9] =	ssyncadd.s32 $0xFFFFFC00  }
0x544: {  	_ =	swait.ge [sflag:s9], $0x400  }
0x545: {  	[sflag:s9] =	ssyncset.done $0x0  }
0x546: {  	[sflag:s9] =	ssyncadd.s32 $0xFFFFFC00  }
0x547: {  	_ =	swait.ge [sflag:s9], $0x400  }
0x548: {  	[sflag:s9] =	ssyncset.done $0x0  }
0x549: {  	[sflag:s9] =	ssyncadd.s32 $0xFFFFFC00  }
0x54a: {  	_ =	swait.ge [sflag:s9], $0x400  }
0x54b: {  	[sflag:s9] =	ssyncset.done $0x0  }
0x54c: {  	[sflag:s9] =	ssyncadd.s32 $0xFFFFFC00  }
0x54d: {  	_ =	swait.ge [sflag:s9], $0x400  }
0x54e: {  	[sflag:s9] =	ssyncset.done $0x0  }
0x54f: {  	[sflag:s9] =	ssyncadd.s32 $0xFFFFFC00  }
0x550: {  	_ =	swait.ge [sflag:s9], $0x400  }
0x551: {  	[sflag:s9] =	ssyncset.done $0x0  }
0x552: {  	[sflag:s9] =	ssyncadd.s32 $0xFFFFFC00  }
0x553: {  	_ =	swait.ge [sflag:s9], $0x400  }
0x554: {  	[sflag:s9] =	ssyncset.done $0x0  }
0x555: {  	[sflag:s9] =	ssyncadd.s32 $0xFFFFFC00  }
0x556: {  	_ =	swait.ge [sflag:s9], $0x400  }
0x557: {  	[sflag:s9] =	ssyncset.done $0x0  }
0x558: {  	[sflag:s9] =	ssyncadd.s32 $0xFFFFFC00  }
0x559: {  	_ =	swait.ge [sflag:s9], $0x400  }
0x55a: {  	[sflag:s9] =	ssyncset.done $0x0  }
0x55b: {  	[sflag:s9] =	ssyncadd.s32 $0xFFFFFC00  }
0x55c: {  	_ =	swait.ge [sflag:s9], $0x400  }
0x55d: {  	[sflag:s9] =	ssyncset.done $0x0  }
0x55e: {  	[sflag:s9] =	ssyncadd.s32 $0xFFFFFC00  }
0x55f: {  	_ =	swait.ge [sflag:s9], $0x400  }
0x560: {  	[sflag:s9] =	ssyncset.done $0x0  }
0x561: {  	[sflag:s9] =	ssyncadd.s32 $0xFFFFFC00  }
0x562: {  	_ =	swait.ge [sflag:s9], $0x400  }
0x563: {  	[sflag:s9] =	ssyncset.done $0x0  }
0x564: {  	[sflag:s9] =	ssyncadd.s32 $0xFFFFFC00  }
0x565: {  	_ =	swait.ge [sflag:s9], $0x400  }
0x566: {  	[sflag:s9] =	ssyncset.done $0x0  }
0x567: {  	[sflag:s9] =	ssyncadd.s32 $0xFFFFFC00  }
0x568: {  	_ =	swait.ge [sflag:s9], $0x400  }
0x569: {  	[sflag:s9] =	ssyncset.done $0x0  }
0x56a: {  	[sflag:s9] =	ssyncadd.s32 $0xFFFFFC00  }
0x56b: {  	_ =	swait.ge [sflag:s9], $0x400  }
0x56c: {  	[sflag:s9] =	ssyncset.done $0x0  }
0x56d: {  	[sflag:s9] =	ssyncadd.s32 $0xFFFFFC00  }
0x56e: {  	_ =	swait.ge [sflag:s9], $0x400  }
0x56f: {  	[sflag:s9] =	ssyncset.done $0x0  }
0x570: {  	[sflag:s9] =	ssyncadd.s32 $0xFFFFFC00  }
0x571: {  	_ =	swait.ge [sflag:s9], $0x400  }
0x572: {  	[sflag:s9] =	ssyncset.done $0x0  }
0x573: {  	[sflag:s9] =	ssyncadd.s32 $0xFFFFFC00  }
0x574: {  	_ =	swait.ge [sflag:s9], $0x400  }
0x575: {  	[sflag:s9] =	ssyncset.done $0x0  }
0x576: {  	[sflag:s9] =	ssyncadd.s32 $0xFFFFFC00  }
0x577: {  	_ =	swait.ge [sflag:s9], $0x400  }
0x578: {  	[sflag:s9] =	ssyncset.done $0x0  }
0x579: {  	[sflag:s9] =	ssyncadd.s32 $0xFFFFFC00  }
0x57a: {  	_ =	swait.ge [sflag:s9], $0x400  }
0x57b: {  	[sflag:s9] =	ssyncset.done $0x0  }
0x57c: {  	[sflag:s9] =	ssyncadd.s32 $0xFFFFFC00  }
0x57d: {  	_ =	swait.ge [sflag:s9], $0x400  }
0x57e: {  	[sflag:s9] =	ssyncset.done $0x0  }
0x57f: {  	[sflag:s9] =	ssyncadd.s32 $0xFFFFFC00  }
0x580: {  	_ =	swait.ge [sflag:s9], $0x400  }
0x581: {  	[sflag:s9] =	ssyncset.done $0x0  }
0x582: {  	[sflag:s9] =	ssyncadd.s32 $0xFFFFFC00  }
0x583: {  	_ =	swait.ge [sflag:s9], $0x400  }
0x584: {  	[sflag:s9] =	ssyncset.done $0x0  }
0x585: {  	[sflag:s9] =	ssyncadd.s32 $0xFFFFFC00  }
0x586: {  	_ =	swait.ge [sflag:s9], $0x400  }
0x587: {  	[sflag:s9] =	ssyncset.done $0x0  }
0x588: {  	[sflag:s9] =	ssyncadd.s32 $0xFFFFFC00  }
0x589: {  	_ =	swait.ge [sflag:s9], $0x400  }
0x58a: {  	[sflag:s9] =	ssyncset.done $0x0  }
0x58b: {  	[sflag:s9] =	ssyncadd.s32 $0xFFFFFC00  }
0x58c: {  	_ =	swait.ge [sflag:s9], $0x400  }
0x58d: {  	[sflag:s9] =	ssyncset.done $0x0  }
0x58e: {  	[sflag:s9] =	ssyncadd.s32 $0xFFFFFC00  }
0x58f: {  	_ =	swait.ge [sflag:s9], $0x400  }
0x590: {  	[sflag:s9] =	ssyncset.done $0x0  }
0x591: {  	[sflag:s9] =	ssyncadd.s32 $0xFFFFFC00  }
0x592: {  	_ =	swait.ge [sflag:s9], $0x400  }
0x593: {  	[sflag:s9] =	ssyncset.done $0x0  }
0x594: {  	[sflag:s9] =	ssyncadd.s32 $0xFFFFFC00  }
0x595: {  	_ =	swait.ge [sflag:s9], $0x400  }
0x596: {  	[sflag:s9] =	ssyncset.done $0x0  }
0x597: {  	[sflag:s9] =	ssyncadd.s32 $0xFFFFFC00  }
0x598: {  	_ =	swait.ge [sflag:s9], $0x400  }
0x599: {  	[sflag:s9] =	ssyncset.done $0x0  }
0x59a: {  	[sflag:s9] =	ssyncadd.s32 $0xFFFFFC00  }
0x59b: {  	_ =	swait.ge [sflag:s9], $0x400  }
0x59c: {  	[sflag:s9] =	ssyncset.done $0x0  }
0x59d: {  	[sflag:s9] =	ssyncadd.s32 $0xFFFFFC00  }
0x59e: {  	_ =	swait.ge [sflag:s9], $0x400  }
0x59f: {  	[sflag:s9] =	ssyncset.done $0x0  }
0x5a0: {  	[sflag:s9] =	ssyncadd.s32 $0xFFFFFC00  }
0x5a1: {  	_ =	swait.ge [sflag:s9], $0x400  }
0x5a2: {  	[sflag:s9] =	ssyncset.done $0x0  }
0x5a3: {  	[sflag:s9] =	ssyncadd.s32 $0xFFFFFC00  }
0x5a4: {  	_ =	swait.ge [sflag:s9], $0x400  }
0x5a5: {  	[sflag:s9] =	ssyncset.done $0x0  }
0x5a6: {  	[sflag:s9] =	ssyncadd.s32 $0xFFFFFC00  }
0x5a7: {  	_ =	swait.ge [sflag:s9], $0x400  }
0x5a8: {  	[sflag:s9] =	ssyncset.done $0x0  }
0x5a9: {  	[sflag:s9] =	ssyncadd.s32 $0xFFFFFC00  }
0x5aa: {  	_ =	swait.ge [sflag:s9], $0x400  }
0x5ab: {  	[sflag:s9] =	ssyncset.done $0x0  }
0x5ac: {  	[sflag:s9] =	ssyncadd.s32 $0xFFFFFC00  }
0x5ad: {  	_ =	swait.ge [sflag:s9], $0x400  }
0x5ae: {  	[sflag:s9] =	ssyncset.done $0x0  }
0x5af: {  	[sflag:s9] =	ssyncadd.s32 $0xFFFFFC00  }
0x5b0: {  	_ =	swait.ge [sflag:s9], $0x400  }
0x5b1: {  	[sflag:s9] =	ssyncset.done $0x0  }
0x5b2: {  	[sflag:s9] =	ssyncadd.s32 $0xFFFFFC00  }
0x5b3: {  	_ =	swait.ge [sflag:s9], $0x400  }
0x5b4: {  	[sflag:s9] =	ssyncset.done $0x0  }
0x5b5: {  	[sflag:s9] =	ssyncadd.s32 $0xFFFFFC00  }
0x5b6: {  	_ =	swait.ge [sflag:s9], $0x400  }
0x5b7: {  	[sflag:s9] =	ssyncset.done $0x0  }
0x5b8: {  	[sflag:s9] =	ssyncadd.s32 $0xFFFFFC00  }
0x5b9: {  	_ =	swait.ge [sflag:s9], $0x400  }
0x5ba: {  	[sflag:s9] =	ssyncset.done $0x0  }
0x5bb: {  	[sflag:s9] =	ssyncadd.s32 $0xFFFFFC00  }
0x5bc: {  	_ =	swait.ge [sflag:s9], $0x400  }
0x5bd: {  	[sflag:s9] =	ssyncset.done $0x0  }
0x5be: {  	[sflag:s9] =	ssyncadd.s32 $0xFFFFFC00  }
0x5bf: {  	_ =	swait.ge [sflag:s9], $0x400  }
0x5c0: {  	[sflag:s9] =	ssyncset.done $0x0  }
0x5c1: {  	[sflag:s9] =	ssyncadd.s32 $0xFFFFFC00  }
0x5c2: {  	_ =	swait.ge [sflag:s9], $0x400  }
0x5c3: {  	[sflag:s9] =	ssyncset.done $0x0  }
0x5c4: {  	[sflag:s9] =	ssyncadd.s32 $0xFFFFFC00  }
0x5c5: {  	_ =	swait.ge [sflag:s9], $0x400  }
0x5c6: {  	[sflag:s9] =	ssyncset.done $0x0  }
0x5c7: {  	[sflag:s9] =	ssyncadd.s32 $0xFFFFFC00  }
0x5c8: {  	_ =	swait.ge [sflag:s9], $0x400  }
0x5c9: {  	[sflag:s9] =	ssyncset.done $0x0  }
0x5ca: {  	[sflag:s9] =	ssyncadd.s32 $0xFFFFFC00  }
.Ltmp1:
0x5cb: {  	_ =	swait.ge [sflag:s9], $0x400;
	(pc) =	sbr.rel @p0 .LBB2_4-.Ltmp1, $4  }
0x5cc: {  	[sflag:s9] =	ssyncset.done $0x0  }
0x5cd: {  	[sflag:s9] =	ssyncadd.s32 $0xFFFFFC00  }
0x5ce: {  	_ =	swait.ge [sflag:s9], $0x400  }
0x5cf: {  	[sflag:s9] =	ssyncset.done $0x0  }
0x5d0: {  	s10 =	sadd.s32 $0x1, s10  }
0x5d1: {  	p0 =	sne.s32 s10, s5  }
.Ltmp2:
0x5d2: {  	_ = 	snop;
	(pc) =	sbr.rel @p0 .LBB2_1-.Ltmp2, $2  }
0x5d3: {  	_ =	sdelay $0x2  }
0x5d4: {  	[sflag:s9] =	ssyncadd.s32 $0xFFFFFC00  }
0x5d5: {  	_ =	sfence.sel $0x180000  }
0x5d6: {  	[bflag:$0x0] =	sbarrier.arrive $0xFFFF  }
0x5d7: {  	p0 =	sne.s32 s3, $0x0;
	_ =	strace $0x90000047  }
0x5d8: {  	s0 =	sadd.s32 @!p0 $0x100000, s0;
	[bflag:$0x2] =	sbarrier.arrive $0xFFFF  }
0x5d9: {  	[sflag:s0] =	ssyncadd.tile.s32 @!p0 $0x1;
	_ =	shalt  }
.Lfunc_end2:
_tile_overlayer_lowered:
.L_overlay_start_2:
0x5da: {  	(tag) =	ssettag $0x2  }
0x5db: {  	s0 =	rddreg [dreg:$0x0];
	s2 =	stileid.u32  }
0x5dc: {  	s1 =	rddreg [dreg:$0x1];
	p0 =	sne.s32 s2, $0x0  }
0x5dd: {  	s3 =	rddreg [dreg:$0x2];
	[bflag:$0x3] =	sbarrier.arrive $0xFFFF;
	s2 =	simm.s32 @!p0 $0x1C02  }
0x5de: {  	[timem:s3], [sflag:s2] =	dma.local @!p0 [hbm:s0], s1  }
0x5df: {  	s0 =	simm.s32 @!p0 $0x2  }
0x5e0: {  	_ =	swait.ge @!p0 [sflag:s0], s1  }
0x5e1: {  	s1 =	ssub.s32 @!p0 $0x0, s1;
	[sflag:s0] =	ssyncset.done @!p0 $0x0  }
0x5e2: {  	[sflag:s0] =	ssyncadd.s32 @!p0 s1  }
0x5e3: {  	[bflag:$0x3] =	sbarrier.arrive $0xFFFF  }
0x5e4: {  	_ =	shalt  }

</sc_bundles>
